<compile_context>
chip_gen: v7x
topology: tpu7x:2x2x1
jax: 0.10.2.dev20260603
libtpu: 0.0.44.dev20260713+nightly
codegen_flags: <defaults>
</compile_context>

<pallas_src>
import functools

import jax
import jax.numpy as jnp
from jax import lax
from jax.experimental import pallas as pl
from jax.experimental.pallas import tpu as pltpu
from jax.experimental.pallas import tpu_sc as plsc

N_NODES = 10000
N_EDGES = 320000
N_GRAPHS = 64
HID = 128
GFD = 7
BN_EPS = 1e-5

NC = 2
NS = 16
NW = NC * NS
EPW = N_EDGES // NW
CHUNK = 80
NCH = EPW // CHUNK
NNP = 10240
RPT = NNP // NS

BLK = 1000
GRID = N_NODES // BLK

_MESH = plsc.VectorSubcoreMesh(core_axis_name="c", subcore_axis_name="s")



@functools.partial(
    pl.kernel,
    out_type=jax.ShapeDtypeStruct((NC * NNP, HID), jnp.float32),
    mesh=_MESH,
    scratch_types=[
        pltpu.VMEM((CHUNK,), jnp.int32),
        pltpu.VMEM((CHUNK,), jnp.int32),
        pltpu.VMEM((CHUNK, HID), jnp.float32),
        pltpu.VMEM_SHARED((NNP, HID), jnp.float32),
        pltpu.SemaphoreType.DMA,
        pltpu.SemaphoreType.DMA,
    ],
)
def _deg_sc(dst_hbm, ones_hbm, zeros_hbm, out_hbm,
            i0, i1, ones_v, acc_sh, m0, m1):
    c = lax.axis_index("c")
    s = lax.axis_index("s")
    wid = c * NS + s

    pltpu.sync_copy(zeros_hbm, ones_v)
    for t in range(RPT // CHUNK):
        pltpu.sync_copy(ones_v, acc_sh.at[pl.ds(s * RPT + t * CHUNK, CHUNK)])
    pltpu.sync_copy(ones_hbm, ones_v)
    plsc.subcore_barrier()

    iv = (i0, i1)
    ms = (m0, m1)

    def fetch(j, b):
        pltpu.async_copy(dst_hbm.at[pl.ds(wid * EPW + j * CHUNK, CHUNK)],
                         iv[b], ms[b])

    fetch(0, 0)

    def body(jj, _):
        for b in range(2):
            j = 2 * jj + b

            @pl.when(j < NCH)
            def _():
                @pl.when(j + 1 < NCH)
                def _():
                    fetch(j + 1, 1 - b)
                pltpu.make_async_copy(
                    dst_hbm.at[pl.ds(wid * EPW + j * CHUNK, CHUNK)],
                    iv[b], ms[b]).wait()
                pltpu.sync_copy(ones_v, acc_sh.at[iv[b]], add=True)
        return 0

    lax.fori_loop(0, (NCH + 1) // 2, body, 0, unroll=False)
    plsc.subcore_barrier()
    for t in range(RPT // CHUNK):
        pltpu.sync_copy(
            acc_sh.at[pl.ds(s * RPT + t * CHUNK, CHUNK)],
            out_hbm.at[pl.ds(c * NNP + s * RPT + t * CHUNK, CHUNK)])


@functools.partial(
    pl.kernel,
    out_type=jax.ShapeDtypeStruct((NC * NNP, HID), jnp.float32),
    mesh=_MESH,
    scratch_types=[
        pltpu.VMEM((CHUNK,), jnp.int32),
        pltpu.VMEM((CHUNK,), jnp.int32),
        pltpu.VMEM((CHUNK,), jnp.int32),
        pltpu.VMEM((CHUNK,), jnp.int32),
        pltpu.VMEM((CHUNK, HID), jnp.float32),
        pltpu.VMEM((CHUNK, HID), jnp.float32),
        pltpu.VMEM_SHARED((NNP, HID), jnp.float32),
        pltpu.SemaphoreType.DMA,
        pltpu.SemaphoreType.DMA,
        pltpu.SemaphoreType.DMA,
        pltpu.SemaphoreType.DMA,
    ],
)
def _agg_sc(u_hbm, src_hbm, dst_hbm, zeros_hbm, out_hbm,
            s0, s1, d0, d1, r0, r1, acc_sh, g0, g1, m0, m1):
    c = lax.axis_index("c")
    s = lax.axis_index("s")
    wid = c * NS + s

    pltpu.sync_copy(zeros_hbm, r0)
    for t in range(RPT // CHUNK):
        pltpu.sync_copy(
            r0, acc_sh.at[pl.ds(s * RPT + t * CHUNK, CHUNK)])
    plsc.subcore_barrier()

    sv = (s0, s1)
    dv = (d0, d1)
    rv = (r0, r1)
    gs = (g0, g1)
    ms = (m0, m1)

    def fetch_idx(j, b):
        base = wid * EPW + j * CHUNK
        pltpu.async_copy(src_hbm.at[pl.ds(base, CHUNK)], sv[b], ms[b])
        pltpu.async_copy(dst_hbm.at[pl.ds(base, CHUNK)], dv[b], ms[b])

    def wait_idx(j, b):
        base = wid * EPW + j * CHUNK
        pltpu.make_async_copy(src_hbm.at[pl.ds(base, CHUNK)], sv[b], ms[b]).wait()
        pltpu.make_async_copy(dst_hbm.at[pl.ds(base, CHUNK)], dv[b], ms[b]).wait()

    fetch_idx(0, 0)
    fetch_idx(1, 1)
    wait_idx(0, 0)
    pltpu.async_copy(u_hbm.at[sv[0]], rv[0], gs[0])

    def body(jj, _):
        for b in range(2):
            j = 2 * jj + b

            @pl.when(j < NCH)
            def _():
                @pl.when(j + 1 < NCH)
                def _():
                    wait_idx(j + 1, 1 - b)
                    pltpu.async_copy(u_hbm.at[sv[1 - b]], rv[1 - b], gs[1 - b])
                pltpu.make_async_copy(u_hbm.at[sv[b]], rv[b], gs[b]).wait()
                pltpu.sync_copy(rv[b], acc_sh.at[dv[b]], add=True)

                @pl.when(j + 2 < NCH)
                def _():
                    fetch_idx(j + 2, b)
        return 0

    lax.fori_loop(0, (NCH + 1) // 2, body, 0, unroll=False)

    plsc.subcore_barrier()
    for t in range(RPT // CHUNK):
        pltpu.sync_copy(
            acc_sh.at[pl.ds(s * RPT + t * CHUNK, CHUNK)],
            out_hbm.at[pl.ds(c * NNP + s * RPT + t * CHUNK, CHUNK)])



def _dinv_of(degp_ref):
    deg = degp_ref[0, :, 0:1] + degp_ref[1, :, 0:1] + 1.0
    return lax.rsqrt(deg)


def _row_spec():
    return pl.BlockSpec((BLK, HID), lambda i: (i, 0))


def _full(shape):
    nd = len(shape)
    return pl.BlockSpec(shape, lambda i: (0,) * nd)


_DEGP_SPEC = pl.BlockSpec((2, BLK, HID), lambda i: (0, i, 0))
_PARTS_SPEC = pl.BlockSpec((2, BLK, HID), lambda i: (0, i, 0))


def _tc_emb_body(x_ref, wemb_ref, bemb_ref, h0_ref):
    h0_ref[...] = jnp.maximum(
        jnp.dot(x_ref[...], wemb_ref[...], preferred_element_type=jnp.float32)
        + bemb_ref[...], 0.0)


def _tc1_body(h0_ref, wc0_ref, degp_ref, u1_ref):
    dinv = _dinv_of(degp_ref)
    u1_ref[...] = jnp.dot(
        h0_ref[...], wc0_ref[...], preferred_element_type=jnp.float32) * dinv


def _tc_mid_body(parts_ref, u_ref, hprev_ref, degp_ref, sc_ref, sh_ref,
                 wnext_ref, h_ref, unext_ref, *, residual):
    dinv = _dinv_of(degp_ref)
    agg = (parts_ref[0] + parts_ref[1] + u_ref[...]) * dinv
    h = jnp.maximum(agg * sc_ref[...] + sh_ref[...], 0.0)
    if residual:
        h = h + hprev_ref[...]
    h_ref[...] = h
    unext_ref[...] = jnp.dot(
        h, wnext_ref[...], preferred_element_type=jnp.float32) * dinv


def _tc_fin_body(parts_ref, u_ref, hprev_ref, degp_ref, sc_ref, sh_ref,
                 batch_ref, gf_ref, wg1_ref, bg1_ref, wg2_ref, bg2_ref,
                 wp1a_ref, wp1b_ref, bp1_ref, wp2_ref, bp2_ref,
                 wp3_ref, bp3_ref,
                 pooled_ref, cnts_ref, out_ref):
    i = pl.program_id(0)
    dinv = _dinv_of(degp_ref)
    agg = (parts_ref[0] + parts_ref[1] + u_ref[...]) * dinv
    h = jnp.maximum(agg * sc_ref[...] + sh_ref[...], 0.0) + hprev_ref[...]

    onehot = (batch_ref[...] ==
              lax.broadcasted_iota(jnp.int32, (BLK, N_GRAPHS), 1)
              ).astype(jnp.float32)

    @pl.when(i == 0)
    def _():
        pooled_ref[...] = jnp.zeros((N_GRAPHS, HID), jnp.float32)
        cnts_ref[...] = jnp.zeros((N_GRAPHS, HID), jnp.float32)
        out_ref[...] = jnp.zeros((N_GRAPHS, 1), jnp.float32)

    dn = (((0,), (0,)), ((), ()))
    pooled_ref[...] += lax.dot_general(
        onehot, h, dn, preferred_element_type=jnp.float32)
    cnts_ref[...] += lax.dot_general(
        onehot, jnp.ones((BLK, HID), jnp.float32), dn,
        preferred_element_type=jnp.float32)

    @pl.when(i == GRID - 1)
    def _():
        emb = pooled_ref[...] / jnp.maximum(cnts_ref[...], 1.0)
        g1 = jnp.maximum(
            jnp.dot(gf_ref[...], wg1_ref[...],
                    preferred_element_type=jnp.float32) + bg1_ref[...], 0.0)
        g2 = jnp.dot(g1, wg2_ref[...],
                     preferred_element_type=jnp.float32) + bg2_ref[...]
        o = jnp.maximum(
            jnp.dot(emb, wp1a_ref[...], preferred_element_type=jnp.float32)
            + jnp.dot(g2, wp1b_ref[...], preferred_element_type=jnp.float32)
            + bp1_ref[...], 0.0)
        o = jnp.maximum(
            jnp.dot(o, wp2_ref[...], preferred_element_type=jnp.float32)
            + bp2_ref[...], 0.0)
        out_ref[...] = jnp.dot(
            o, wp3_ref[...], preferred_element_type=jnp.float32) + bp3_ref[...]


def _tc_emb(x, wemb, bemb):
    return pl.pallas_call(
        _tc_emb_body,
        grid=(GRID,),
        in_specs=[_row_spec(), _full((HID, HID)), _full((1, HID))],
        out_specs=_row_spec(),
        out_shape=jax.ShapeDtypeStruct((N_NODES, HID), jnp.float32),
    )(x, wemb, bemb)


def _tc1(h0, wc0, degp):
    return pl.pallas_call(
        _tc1_body,
        grid=(GRID,),
        in_specs=[_row_spec(), _full((HID, HID)), _DEGP_SPEC],
        out_specs=_row_spec(),
        out_shape=jax.ShapeDtypeStruct((N_NODES, HID), jnp.float32),
    )(h0, wc0, degp)


def _tc_mid(parts, u, hprev, degp, scv, shv, wnext, residual):
    body = functools.partial(_tc_mid_body, residual=residual)
    return pl.pallas_call(
        body,
        grid=(GRID,),
        in_specs=[_PARTS_SPEC, _row_spec(), _row_spec(), _DEGP_SPEC,
                  _full((1, HID)), _full((1, HID)), _full((HID, HID))],
        out_specs=[_row_spec(), _row_spec()],
        out_shape=[jax.ShapeDtypeStruct((N_NODES, HID), jnp.float32),
                   jax.ShapeDtypeStruct((N_NODES, HID), jnp.float32)],
    )(parts, u, hprev, degp, scv, shv, wnext)


def _tc_fin(parts, u, hprev, degp, scv, shv, batch2, gfeat,
            wg1, bg1, wg2, bg2, wp1a, wp1b, bp1, wp2, bp2, wp3, bp3):
    h2 = HID // 2
    h4 = HID // 4
    return pl.pallas_call(
        _tc_fin_body,
        grid=(GRID,),
        in_specs=[_PARTS_SPEC, _row_spec(), _row_spec(), _DEGP_SPEC,
                  _full((1, HID)), _full((1, HID)),
                  pl.BlockSpec((BLK, 1), lambda i: (i, 0)),
                  _full((N_GRAPHS, GFD)),
                  _full((GFD, h2)), _full((1, h2)),
                  _full((h2, h4)), _full((1, h4)),
                  _full((HID, h2)), _full((h4, h2)), _full((1, h2)),
                  _full((h2, h4)), _full((1, h4)),
                  _full((h4, 1)), _full((1, 1))],
        out_specs=[_full((N_GRAPHS, HID)), _full((N_GRAPHS, HID)),
                   _full((N_GRAPHS, 1))],
        out_shape=[jax.ShapeDtypeStruct((N_GRAPHS, HID), jnp.float32),
                   jax.ShapeDtypeStruct((N_GRAPHS, HID), jnp.float32),
                   jax.ShapeDtypeStruct((N_GRAPHS, 1), jnp.float32)],
    )(parts, u, hprev, degp, scv, shv, batch2, gfeat,
      wg1, bg1, wg2, bg2, wp1a, wp1b, bp1, wp2, bp2, wp3, bp3)[2]



def kernel(x, edge_index, batch, graph_features, W_emb, b_emb, Wc, bc,
           bn_g, bn_b, Wg1, bg1, Wg2, bg2, Wp1, bp1, Wp2, bp2, Wp3, bp3):
    src1 = edge_index[0].astype(jnp.int32)
    dst1 = edge_index[1].astype(jnp.int32)
    batch2 = batch.astype(jnp.int32).reshape(N_NODES, 1)

    inv = 1.0 / jnp.sqrt(1.0 + BN_EPS)
    scv = (inv * bn_g).reshape(3, 1, HID)
    shv = (bc * inv * bn_g + bn_b).reshape(3, 1, HID)

    degp = _deg_sc(dst1, jnp.ones((CHUNK, HID), jnp.float32),
                   jnp.zeros((CHUNK, HID), jnp.float32)).reshape(2, NNP, HID)

    zrows = jnp.zeros((CHUNK, HID), jnp.float32)
    h0 = _tc_emb(x, W_emb, b_emb.reshape(1, HID))
    u1 = _tc1(h0, Wc[0], degp)
    p1 = _agg_sc(u1, src1, dst1, zrows).reshape(2, NNP, HID)
    h1, u2 = _tc_mid(p1, u1, u1, degp, scv[0], shv[0], Wc[1], residual=False)
    p2 = _agg_sc(u2, src1, dst1, zrows).reshape(2, NNP, HID)
    h2, u3 = _tc_mid(p2, u2, h1, degp, scv[1], shv[1], Wc[2], residual=True)
    p3 = _agg_sc(u3, src1, dst1, zrows).reshape(2, NNP, HID)

    return _tc_fin(p3, u3, h2, degp, scv[2], shv[2], batch2, graph_features,
                   Wg1, bg1.reshape(1, HID // 2), Wg2, bg2.reshape(1, HID // 4),
                   Wp1[:HID], Wp1[HID:], bp1.reshape(1, HID // 2),
                   Wp2, bp2.reshape(1, HID // 4), Wp3, bp3.reshape(1, 1))

# --- scband reference (transcript-rebuilt; emitter-appended) ---
"""Pipeline reference for scband-alpha-gcn-58978490909200 (READ-ONLY COPY).

The authoritative reference and input builder live on the scoring server;
editing this copy changes nothing except your own understanding.
"""

import jax, jax.numpy as jnp
import numpy as np

N_NODES = 10000
N_EDGES = 320000
N_GRAPHS = 64
HID = 128
GFD = 7
NUM_LAYERS = 3
BN_EPS = 1e-5


def setup_inputs(seed: int = 0) -> dict:
    key = jax.random.key(seed)
    ks = jax.random.split(key, 20)
    x = jax.random.normal(ks[0], (N_NODES, HID), dtype=jnp.float32)
    edge_index = jax.random.randint(ks[1], (2, N_EDGES), 0, N_NODES, dtype=jnp.int64)
    batch = jnp.sort(jax.random.randint(ks[2], (N_NODES,), 0, N_GRAPHS, dtype=jnp.int64))
    graph_features = jax.random.normal(ks[3], (N_GRAPHS, GFD), dtype=jnp.float32)
    s = 1.0 / np.sqrt(HID)
    W_emb = jax.random.normal(ks[4], (HID, HID), dtype=jnp.float32) * s
    b_emb = jnp.zeros((HID,), dtype=jnp.float32)
    Wc = jax.random.normal(ks[5], (NUM_LAYERS, HID, HID), dtype=jnp.float32) * s
    bc = jnp.zeros((NUM_LAYERS, HID), dtype=jnp.float32)
    bn_g = jnp.ones((NUM_LAYERS, HID), dtype=jnp.float32)
    bn_b = jnp.zeros((NUM_LAYERS, HID), dtype=jnp.float32)
    Wg1 = jax.random.normal(ks[6], (GFD, HID // 2), dtype=jnp.float32) * (1.0 / np.sqrt(GFD))
    bg1 = jnp.zeros((HID // 2,), dtype=jnp.float32)
    Wg2 = jax.random.normal(ks[7], (HID // 2, HID // 4), dtype=jnp.float32) * (1.0 / np.sqrt(HID // 2))
    bg2 = jnp.zeros((HID // 4,), dtype=jnp.float32)
    final_dim = HID + HID // 4
    Wp1 = jax.random.normal(ks[8], (final_dim, HID // 2), dtype=jnp.float32) * (1.0 / np.sqrt(final_dim))
    bp1 = jnp.zeros((HID // 2,), dtype=jnp.float32)
    Wp2 = jax.random.normal(ks[9], (HID // 2, HID // 4), dtype=jnp.float32) * (1.0 / np.sqrt(HID // 2))
    bp2 = jnp.zeros((HID // 4,), dtype=jnp.float32)
    Wp3 = jax.random.normal(ks[10], (HID // 4, 1), dtype=jnp.float32) * (1.0 / np.sqrt(HID // 4))
    bp3 = jnp.zeros((1,), dtype=jnp.float32)
    return {"x": x, "edge_index": edge_index, "batch": batch,
            "graph_features": graph_features, "W_emb": W_emb, "b_emb": b_emb,
            "Wc": Wc, "bc": bc, "bn_g": bn_g, "bn_b": bn_b,
            "Wg1": Wg1, "bg1": bg1, "Wg2": Wg2, "bg2": bg2,
            "Wp1": Wp1, "bp1": bp1, "Wp2": Wp2, "bp2": bp2,
            "Wp3": Wp3, "bp3": bp3}


def gcn_conv(x, W, b, src, dst, n):
    # PyG GCNConv: lin -> add self loops -> sym-normalized scatter-add -> +bias
    h = x @ W
    loop = jnp.arange(n, dtype=src.dtype)
    row = jnp.concatenate([src, loop])
    col = jnp.concatenate([dst, loop])
    deg = jax.ops.segment_sum(jnp.ones_like(col, dtype=h.dtype), col, num_segments=n)
    dinv = jnp.where(deg > 0, deg ** -0.5, 0.0)
    norm = dinv[row] * dinv[col]
    msg = h[row] * norm[:, None]
    out = jax.ops.segment_sum(msg, col, num_segments=n)
    return out + b


def reference(x, edge_index, batch, graph_features, W_emb, b_emb, Wc, bc, bn_g, bn_b,
              Wg1, bg1, Wg2, bg2, Wp1, bp1, Wp2, bp2, Wp3, bp3):
    n = x.shape[0]
    src, dst = edge_index[0], edge_index[1]
    h = jax.nn.relu(x @ W_emb + b_emb)
    inv = 1.0 / jnp.sqrt(1.0 + BN_EPS)  # eval-mode BN, running stats (0,1)
    for i in range(NUM_LAYERS):
        h_res = h
        h = gcn_conv(h, Wc[i], bc[i], src, dst, n)
        h = h * inv * bn_g[i] + bn_b[i]
        h = jax.nn.relu(h)
        if i > 0:
            h = h + h_res
        # dropout is identity in eval mode
    sums = jax.ops.segment_sum(h, batch, num_segments=N_GRAPHS)
    cnts = jax.ops.segment_sum(jnp.ones((n,), dtype=h.dtype), batch, num_segments=N_GRAPHS)
    graph_emb = sums / jnp.maximum(cnts, 1.0)[:, None]
    gf = jax.nn.relu(graph_features @ Wg1 + bg1)
    gf = gf @ Wg2 + bg2
    ge = jnp.concatenate([graph_emb, gf], axis=1)
    o = jax.nn.relu(ge @ Wp1 + bp1)
    o = jax.nn.relu(o @ Wp2 + bp2)
    out = o @ Wp3 + bp3
    return out

if __name__ == "__main__":
    import jax
    _d = setup_inputs()
    print(jax.jit(kernel)(*tuple(_d.values())))

</pallas_src>

<mosaic_0001>
#map = affine_map<(d0, d1) -> (0, 0)>
#map1 = affine_map<(d0, d1) -> (0)>
module attributes {stable_mosaic.version = 14 : i64} {
  func.func @_agg_sc(%arg0: i32, %arg1: i32, %arg2: memref<10000x128xf32, #tpu.memory_space<hbm>>, %arg3: memref<320000xi32, #tpu.memory_space<hbm>>, %arg4: memref<320000xi32, #tpu.memory_space<hbm>>, %arg5: memref<80x128xf32, #tpu.memory_space<hbm>>, %arg6: memref<20480x128xf32, #tpu.memory_space<hbm>>, %arg7: memref<80xi32, #tpu.memory_space<vmem>>, %arg8: memref<80xi32, #tpu.memory_space<vmem>>, %arg9: memref<80xi32, #tpu.memory_space<vmem>>, %arg10: memref<80xi32, #tpu.memory_space<vmem>>, %arg11: memref<80x128xf32, #tpu.memory_space<vmem>>, %arg12: memref<80x128xf32, #tpu.memory_space<vmem>>, %arg13: memref<10240x128xf32, #tpu.memory_space<vmem_shared>>, %arg14: memref<!tpu.dma_semaphore, #tpu.memory_space<semaphore_mem>>, %arg15: memref<!tpu.dma_semaphore, #tpu.memory_space<semaphore_mem>>, %arg16: memref<!tpu.dma_semaphore, #tpu.memory_space<semaphore_mem>>, %arg17: memref<!tpu.dma_semaphore, #tpu.memory_space<semaphore_mem>>) attributes {dimension_semantics = [#tpu.dimension_semantics<core_parallel>, #tpu.dimension_semantics<subcore_parallel>], iteration_bounds = array<i64: 2, 16>, scalar_prefetch = 0 : i64, scratch_operands = 11 : i64, tpu.core_type = #tpu.core_type<sc_vector_subcore>, window_params = [{transform_indices = #map}, {transform_indices = #map1}, {transform_indices = #map1}, {transform_indices = #map}, {transform_indices = #map}]} {
    %mul3A = arith.constant 16 : i32
    %mul3A_0 = arith.muli %arg0, %mul3A : i32
    %add3A = arith.addi %mul3A_0, %arg1 : i32
    "tpu.region"() ({
      %run_scoped3A = tpu.sem_alloc : memref<!tpu.dma_semaphore, #tpu.memory_space<semaphore_mem>>
      tpu.enqueue_dma source(%arg5 : memref<80x128xf32, #tpu.memory_space<hbm>>) target(%arg11 : memref<80x128xf32, #tpu.memory_space<vmem>>) target_semaphore(%run_scoped3A : memref<!tpu.dma_semaphore, #tpu.memory_space<semaphore_mem>>)
      tpu.wait_dma2 semaphore(%run_scoped3A : memref<!tpu.dma_semaphore, #tpu.memory_space<semaphore_mem>>) src(%arg5 : memref<80x128xf32, #tpu.memory_space<hbm>>) dst(%arg11 : memref<80x128xf32, #tpu.memory_space<vmem>>)
      tpu.yield
    }) : () -> ()
    %mul3A_1 = arith.constant 640 : i32
    %mul3A_2 = arith.muli %arg1, %mul3A_1 : i32
    %add3A_3 = arith.constant 0 : i32
    %add3A_4 = arith.addi %mul3A_2, %add3A_3 : i32
    "tpu.region"() ({
      %run_scoped3A = tpu.sem_alloc : memref<!tpu.dma_semaphore, #tpu.memory_space<semaphore_mem>>
      %dma_start3A_153 = arith.constant 0 : i32
      %dma_start3A_154 = tpu.memref_slice %arg13[%add3A_4, %dma_start3A_153] : memref<10240x128xf32, #tpu.memory_space<vmem_shared>> -> memref<80x128xf32, #tpu.memory_space<vmem_shared>>
      %dma_start3A_155 = arith.constant 0 : i32
      %dma_start3A_156 = tpu.memref_slice %arg13[%add3A_4, %dma_start3A_155] : memref<10240x128xf32, #tpu.memory_space<vmem_shared>> -> memref<80x128xf32, #tpu.memory_space<vmem_shared>>
      tpu.enqueue_dma source(%arg11 : memref<80x128xf32, #tpu.memory_space<vmem>>) target(%dma_start3A_156 : memref<80x128xf32, #tpu.memory_space<vmem_shared>>) target_semaphore(%run_scoped3A : memref<!tpu.dma_semaphore, #tpu.memory_space<semaphore_mem>>)
      %dma_wait3A_157 = arith.constant 0 : i32
      %dma_wait3A_158 = tpu.memref_slice %arg13[%add3A_4, %dma_wait3A_157] : memref<10240x128xf32, #tpu.memory_space<vmem_shared>> -> memref<80x128xf32, #tpu.memory_space<vmem_shared>>
      %dma_wait3A_159 = arith.constant 0 : i32
      %dma_wait3A_160 = tpu.memref_slice %arg13[%add3A_4, %dma_wait3A_159] : memref<10240x128xf32, #tpu.memory_space<vmem_shared>> -> memref<80x128xf32, #tpu.memory_space<vmem_shared>>
      tpu.wait_dma2 semaphore(%run_scoped3A : memref<!tpu.dma_semaphore, #tpu.memory_space<semaphore_mem>>) src(%arg11 : memref<80x128xf32, #tpu.memory_space<vmem>>) dst(%dma_wait3A_160 : memref<80x128xf32, #tpu.memory_space<vmem_shared>>)
      tpu.yield
    }) : () -> ()
    %mul3A_5 = arith.constant 640 : i32
    %mul3A_6 = arith.muli %arg1, %mul3A_5 : i32
    %add3A_7 = arith.constant 80 : i32
    %add3A_8 = arith.addi %mul3A_6, %add3A_7 : i32
    "tpu.region"() ({
      %run_scoped3A = tpu.sem_alloc : memref<!tpu.dma_semaphore, #tpu.memory_space<semaphore_mem>>
      %dma_start3A_153 = arith.constant 0 : i32
      %dma_start3A_154 = tpu.memref_slice %arg13[%add3A_8, %dma_start3A_153] : memref<10240x128xf32, #tpu.memory_space<vmem_shared>> -> memref<80x128xf32, #tpu.memory_space<vmem_shared>>
      %dma_start3A_155 = arith.constant 0 : i32
      %dma_start3A_156 = tpu.memref_slice %arg13[%add3A_8, %dma_start3A_155] : memref<10240x128xf32, #tpu.memory_space<vmem_shared>> -> memref<80x128xf32, #tpu.memory_space<vmem_shared>>
      tpu.enqueue_dma source(%arg11 : memref<80x128xf32, #tpu.memory_space<vmem>>) target(%dma_start3A_156 : memref<80x128xf32, #tpu.memory_space<vmem_shared>>) target_semaphore(%run_scoped3A : memref<!tpu.dma_semaphore, #tpu.memory_space<semaphore_mem>>)
      %dma_wait3A_157 = arith.constant 0 : i32
      %dma_wait3A_158 = tpu.memref_slice %arg13[%add3A_8, %dma_wait3A_157] : memref<10240x128xf32, #tpu.memory_space<vmem_shared>> -> memref<80x128xf32, #tpu.memory_space<vmem_shared>>
      %dma_wait3A_159 = arith.constant 0 : i32
      %dma_wait3A_160 = tpu.memref_slice %arg13[%add3A_8, %dma_wait3A_159] : memref<10240x128xf32, #tpu.memory_space<vmem_shared>> -> memref<80x128xf32, #tpu.memory_space<vmem_shared>>
      tpu.wait_dma2 semaphore(%run_scoped3A : memref<!tpu.dma_semaphore, #tpu.memory_space<semaphore_mem>>) src(%arg11 : memref<80x128xf32, #tpu.memory_space<vmem>>) dst(%dma_wait3A_160 : memref<80x128xf32, #tpu.memory_space<vmem_shared>>)
      tpu.yield
    }) : () -> ()
    %mul3A_9 = arith.constant 640 : i32
    %mul3A_10 = arith.muli %arg1, %mul3A_9 : i32
    %add3A_11 = arith.constant 160 : i32
    %add3A_12 = arith.addi %mul3A_10, %add3A_11 : i32
    "tpu.region"() ({
      %run_scoped3A = tpu.sem_alloc : memref<!tpu.dma_semaphore, #tpu.memory_space<semaphore_mem>>
      %dma_start3A_153 = arith.constant 0 : i32
      %dma_start3A_154 = tpu.memref_slice %arg13[%add3A_12, %dma_start3A_153] : memref<10240x128xf32, #tpu.memory_space<vmem_shared>> -> memref<80x128xf32, #tpu.memory_space<vmem_shared>>
      %dma_start3A_155 = arith.constant 0 : i32
      %dma_start3A_156 = tpu.memref_slice %arg13[%add3A_12, %dma_start3A_155] : memref<10240x128xf32, #tpu.memory_space<vmem_shared>> -> memref<80x128xf32, #tpu.memory_space<vmem_shared>>
      tpu.enqueue_dma source(%arg11 : memref<80x128xf32, #tpu.memory_space<vmem>>) target(%dma_start3A_156 : memref<80x128xf32, #tpu.memory_space<vmem_shared>>) target_semaphore(%run_scoped3A : memref<!tpu.dma_semaphore, #tpu.memory_space<semaphore_mem>>)
      %dma_wait3A_157 = arith.constant 0 : i32
      %dma_wait3A_158 = tpu.memref_slice %arg13[%add3A_12, %dma_wait3A_157] : memref<10240x128xf32, #tpu.memory_space<vmem_shared>> -> memref<80x128xf32, #tpu.memory_space<vmem_shared>>
      %dma_wait3A_159 = arith.constant 0 : i32
      %dma_wait3A_160 = tpu.memref_slice %arg13[%add3A_12, %dma_wait3A_159] : memref<10240x128xf32, #tpu.memory_space<vmem_shared>> -> memref<80x128xf32, #tpu.memory_space<vmem_shared>>
      tpu.wait_dma2 semaphore(%run_scoped3A : memref<!tpu.dma_semaphore, #tpu.memory_space<semaphore_mem>>) src(%arg11 : memref<80x128xf32, #tpu.memory_space<vmem>>) dst(%dma_wait3A_160 : memref<80x128xf32, #tpu.memory_space<vmem_shared>>)
      tpu.yield
    }) : () -> ()
    %mul3A_13 = arith.constant 640 : i32
    %mul3A_14 = arith.muli %arg1, %mul3A_13 : i32
    %add3A_15 = arith.constant 240 : i32
    %add3A_16 = arith.addi %mul3A_14, %add3A_15 : i32
    "tpu.region"() ({
      %run_scoped3A = tpu.sem_alloc : memref<!tpu.dma_semaphore, #tpu.memory_space<semaphore_mem>>
      %dma_start3A_153 = arith.constant 0 : i32
      %dma_start3A_154 = tpu.memref_slice %arg13[%add3A_16, %dma_start3A_153] : memref<10240x128xf32, #tpu.memory_space<vmem_shared>> -> memref<80x128xf32, #tpu.memory_space<vmem_shared>>
      %dma_start3A_155 = arith.constant 0 : i32
      %dma_start3A_156 = tpu.memref_slice %arg13[%add3A_16, %dma_start3A_155] : memref<10240x128xf32, #tpu.memory_space<vmem_shared>> -> memref<80x128xf32, #tpu.memory_space<vmem_shared>>
      tpu.enqueue_dma source(%arg11 : memref<80x128xf32, #tpu.memory_space<vmem>>) target(%dma_start3A_156 : memref<80x128xf32, #tpu.memory_space<vmem_shared>>) target_semaphore(%run_scoped3A : memref<!tpu.dma_semaphore, #tpu.memory_space<semaphore_mem>>)
      %dma_wait3A_157 = arith.constant 0 : i32
      %dma_wait3A_158 = tpu.memref_slice %arg13[%add3A_16, %dma_wait3A_157] : memref<10240x128xf32, #tpu.memory_space<vmem_shared>> -> memref<80x128xf32, #tpu.memory_space<vmem_shared>>
      %dma_wait3A_159 = arith.constant 0 : i32
      %dma_wait3A_160 = tpu.memref_slice %arg13[%add3A_16, %dma_wait3A_159] : memref<10240x128xf32, #tpu.memory_space<vmem_shared>> -> memref<80x128xf32, #tpu.memory_space<vmem_shared>>
      tpu.wait_dma2 semaphore(%run_scoped3A : memref<!tpu.dma_semaphore, #tpu.memory_space<semaphore_mem>>) src(%arg11 : memref<80x128xf32, #tpu.memory_space<vmem>>) dst(%dma_wait3A_160 : memref<80x128xf32, #tpu.memory_space<vmem_shared>>)
      tpu.yield
    }) : () -> ()
    %mul3A_17 = arith.constant 640 : i32
    %mul3A_18 = arith.muli %arg1, %mul3A_17 : i32
    %add3A_19 = arith.constant 320 : i32
    %add3A_20 = arith.addi %mul3A_18, %add3A_19 : i32
    "tpu.region"() ({
      %run_scoped3A = tpu.sem_alloc : memref<!tpu.dma_semaphore, #tpu.memory_space<semaphore_mem>>
      %dma_start3A_153 = arith.constant 0 : i32
      %dma_start3A_154 = tpu.memref_slice %arg13[%add3A_20, %dma_start3A_153] : memref<10240x128xf32, #tpu.memory_space<vmem_shared>> -> memref<80x128xf32, #tpu.memory_space<vmem_shared>>
      %dma_start3A_155 = arith.constant 0 : i32
      %dma_start3A_156 = tpu.memref_slice %arg13[%add3A_20, %dma_start3A_155] : memref<10240x128xf32, #tpu.memory_space<vmem_shared>> -> memref<80x128xf32, #tpu.memory_space<vmem_shared>>
      tpu.enqueue_dma source(%arg11 : memref<80x128xf32, #tpu.memory_space<vmem>>) target(%dma_start3A_156 : memref<80x128xf32, #tpu.memory_space<vmem_shared>>) target_semaphore(%run_scoped3A : memref<!tpu.dma_semaphore, #tpu.memory_space<semaphore_mem>>)
      %dma_wait3A_157 = arith.constant 0 : i32
      %dma_wait3A_158 = tpu.memref_slice %arg13[%add3A_20, %dma_wait3A_157] : memref<10240x128xf32, #tpu.memory_space<vmem_shared>> -> memref<80x128xf32, #tpu.memory_space<vmem_shared>>
      %dma_wait3A_159 = arith.constant 0 : i32
      %dma_wait3A_160 = tpu.memref_slice %arg13[%add3A_20, %dma_wait3A_159] : memref<10240x128xf32, #tpu.memory_space<vmem_shared>> -> memref<80x128xf32, #tpu.memory_space<vmem_shared>>
      tpu.wait_dma2 semaphore(%run_scoped3A : memref<!tpu.dma_semaphore, #tpu.memory_space<semaphore_mem>>) src(%arg11 : memref<80x128xf32, #tpu.memory_space<vmem>>) dst(%dma_wait3A_160 : memref<80x128xf32, #tpu.memory_space<vmem_shared>>)
      tpu.yield
    }) : () -> ()
    %mul3A_21 = arith.constant 640 : i32
    %mul3A_22 = arith.muli %arg1, %mul3A_21 : i32
    %add3A_23 = arith.constant 400 : i32
    %add3A_24 = arith.addi %mul3A_22, %add3A_23 : i32
    "tpu.region"() ({
      %run_scoped3A = tpu.sem_alloc : memref<!tpu.dma_semaphore, #tpu.memory_space<semaphore_mem>>
      %dma_start3A_153 = arith.constant 0 : i32
      %dma_start3A_154 = tpu.memref_slice %arg13[%add3A_24, %dma_start3A_153] : memref<10240x128xf32, #tpu.memory_space<vmem_shared>> -> memref<80x128xf32, #tpu.memory_space<vmem_shared>>
      %dma_start3A_155 = arith.constant 0 : i32
      %dma_start3A_156 = tpu.memref_slice %arg13[%add3A_24, %dma_start3A_155] : memref<10240x128xf32, #tpu.memory_space<vmem_shared>> -> memref<80x128xf32, #tpu.memory_space<vmem_shared>>
      tpu.enqueue_dma source(%arg11 : memref<80x128xf32, #tpu.memory_space<vmem>>) target(%dma_start3A_156 : memref<80x128xf32, #tpu.memory_space<vmem_shared>>) target_semaphore(%run_scoped3A : memref<!tpu.dma_semaphore, #tpu.memory_space<semaphore_mem>>)
      %dma_wait3A_157 = arith.constant 0 : i32
      %dma_wait3A_158 = tpu.memref_slice %arg13[%add3A_24, %dma_wait3A_157] : memref<10240x128xf32, #tpu.memory_space<vmem_shared>> -> memref<80x128xf32, #tpu.memory_space<vmem_shared>>
      %dma_wait3A_159 = arith.constant 0 : i32
      %dma_wait3A_160 = tpu.memref_slice %arg13[%add3A_24, %dma_wait3A_159] : memref<10240x128xf32, #tpu.memory_space<vmem_shared>> -> memref<80x128xf32, #tpu.memory_space<vmem_shared>>
      tpu.wait_dma2 semaphore(%run_scoped3A : memref<!tpu.dma_semaphore, #tpu.memory_space<semaphore_mem>>) src(%arg11 : memref<80x128xf32, #tpu.memory_space<vmem>>) dst(%dma_wait3A_160 : memref<80x128xf32, #tpu.memory_space<vmem_shared>>)
      tpu.yield
    }) : () -> ()
    %mul3A_25 = arith.constant 640 : i32
    %mul3A_26 = arith.muli %arg1, %mul3A_25 : i32
    %add3A_27 = arith.constant 480 : i32
    %add3A_28 = arith.addi %mul3A_26, %add3A_27 : i32
    "tpu.region"() ({
      %run_scoped3A = tpu.sem_alloc : memref<!tpu.dma_semaphore, #tpu.memory_space<semaphore_mem>>
      %dma_start3A_153 = arith.constant 0 : i32
      %dma_start3A_154 = tpu.memref_slice %arg13[%add3A_28, %dma_start3A_153] : memref<10240x128xf32, #tpu.memory_space<vmem_shared>> -> memref<80x128xf32, #tpu.memory_space<vmem_shared>>
      %dma_start3A_155 = arith.constant 0 : i32
      %dma_start3A_156 = tpu.memref_slice %arg13[%add3A_28, %dma_start3A_155] : memref<10240x128xf32, #tpu.memory_space<vmem_shared>> -> memref<80x128xf32, #tpu.memory_space<vmem_shared>>
      tpu.enqueue_dma source(%arg11 : memref<80x128xf32, #tpu.memory_space<vmem>>) target(%dma_start3A_156 : memref<80x128xf32, #tpu.memory_space<vmem_shared>>) target_semaphore(%run_scoped3A : memref<!tpu.dma_semaphore, #tpu.memory_space<semaphore_mem>>)
      %dma_wait3A_157 = arith.constant 0 : i32
      %dma_wait3A_158 = tpu.memref_slice %arg13[%add3A_28, %dma_wait3A_157] : memref<10240x128xf32, #tpu.memory_space<vmem_shared>> -> memref<80x128xf32, #tpu.memory_space<vmem_shared>>
      %dma_wait3A_159 = arith.constant 0 : i32
      %dma_wait3A_160 = tpu.memref_slice %arg13[%add3A_28, %dma_wait3A_159] : memref<10240x128xf32, #tpu.memory_space<vmem_shared>> -> memref<80x128xf32, #tpu.memory_space<vmem_shared>>
      tpu.wait_dma2 semaphore(%run_scoped3A : memref<!tpu.dma_semaphore, #tpu.memory_space<semaphore_mem>>) src(%arg11 : memref<80x128xf32, #tpu.memory_space<vmem>>) dst(%dma_wait3A_160 : memref<80x128xf32, #tpu.memory_space<vmem_shared>>)
      tpu.yield
    }) : () -> ()
    %mul3A_29 = arith.constant 640 : i32
    %mul3A_30 = arith.muli %arg1, %mul3A_29 : i32
    %add3A_31 = arith.constant 560 : i32
    %add3A_32 = arith.addi %mul3A_30, %add3A_31 : i32
    "tpu.region"() ({
      %run_scoped3A = tpu.sem_alloc : memref<!tpu.dma_semaphore, #tpu.memory_space<semaphore_mem>>
      %dma_start3A_153 = arith.constant 0 : i32
      %dma_start3A_154 = tpu.memref_slice %arg13[%add3A_32, %dma_start3A_153] : memref<10240x128xf32, #tpu.memory_space<vmem_shared>> -> memref<80x128xf32, #tpu.memory_space<vmem_shared>>
      %dma_start3A_155 = arith.constant 0 : i32
      %dma_start3A_156 = tpu.memref_slice %arg13[%add3A_32, %dma_start3A_155] : memref<10240x128xf32, #tpu.memory_space<vmem_shared>> -> memref<80x128xf32, #tpu.memory_space<vmem_shared>>
      tpu.enqueue_dma source(%arg11 : memref<80x128xf32, #tpu.memory_space<vmem>>) target(%dma_start3A_156 : memref<80x128xf32, #tpu.memory_space<vmem_shared>>) target_semaphore(%run_scoped3A : memref<!tpu.dma_semaphore, #tpu.memory_space<semaphore_mem>>)
      %dma_wait3A_157 = arith.constant 0 : i32
      %dma_wait3A_158 = tpu.memref_slice %arg13[%add3A_32, %dma_wait3A_157] : memref<10240x128xf32, #tpu.memory_space<vmem_shared>> -> memref<80x128xf32, #tpu.memory_space<vmem_shared>>
      %dma_wait3A_159 = arith.constant 0 : i32
      %dma_wait3A_160 = tpu.memref_slice %arg13[%add3A_32, %dma_wait3A_159] : memref<10240x128xf32, #tpu.memory_space<vmem_shared>> -> memref<80x128xf32, #tpu.memory_space<vmem_shared>>
      tpu.wait_dma2 semaphore(%run_scoped3A : memref<!tpu.dma_semaphore, #tpu.memory_space<semaphore_mem>>) src(%arg11 : memref<80x128xf32, #tpu.memory_space<vmem>>) dst(%dma_wait3A_160 : memref<80x128xf32, #tpu.memory_space<vmem_shared>>)
      tpu.yield
    }) : () -> ()
    %barrier3A = arith.constant 0 : index
    tpu.barrier barrier_id(%barrier3A)
    %mul3A_33 = arith.constant 10000 : i32
    %mul3A_34 = arith.muli %add3A, %mul3A_33 : i32
    %add3A_35 = arith.constant 0 : i32
    %add3A_36 = arith.addi %mul3A_34, %add3A_35 : i32
    %dma_start3A = tpu.memref_slice %arg3[%add3A_36] : memref<320000xi32, #tpu.memory_space<hbm>> -> memref<80xi32, #tpu.memory_space<hbm>>
    %dma_start3A_37 = tpu.memref_slice %arg3[%add3A_36] : memref<320000xi32, #tpu.memory_space<hbm>> -> memref<80xi32, #tpu.memory_space<hbm>>
    tpu.enqueue_dma source(%dma_start3A_37 : memref<80xi32, #tpu.memory_space<hbm>>) target(%arg7 : memref<80xi32, #tpu.memory_space<vmem>>) target_semaphore(%arg16 : memref<!tpu.dma_semaphore, #tpu.memory_space<semaphore_mem>>)
    %dma_start3A_38 = tpu.memref_slice %arg4[%add3A_36] : memref<320000xi32, #tpu.memory_space<hbm>> -> memref<80xi32, #tpu.memory_space<hbm>>
    %dma_start3A_39 = tpu.memref_slice %arg4[%add3A_36] : memref<320000xi32, #tpu.memory_space<hbm>> -> memref<80xi32, #tpu.memory_space<hbm>>
    tpu.enqueue_dma source(%dma_start3A_39 : memref<80xi32, #tpu.memory_space<hbm>>) target(%arg9 : memref<80xi32, #tpu.memory_space<vmem>>) target_semaphore(%arg16 : memref<!tpu.dma_semaphore, #tpu.memory_space<semaphore_mem>>)
    %mul3A_40 = arith.constant 10000 : i32
    %mul3A_41 = arith.muli %add3A, %mul3A_40 : i32
    %add3A_42 = arith.constant 80 : i32
    %add3A_43 = arith.addi %mul3A_41, %add3A_42 : i32
    %dma_start3A_44 = tpu.memref_slice %arg3[%add3A_43] : memref<320000xi32, #tpu.memory_space<hbm>> -> memref<80xi32, #tpu.memory_space<hbm>>
    %dma_start3A_45 = tpu.memref_slice %arg3[%add3A_43] : memref<320000xi32, #tpu.memory_space<hbm>> -> memref<80xi32, #tpu.memory_space<hbm>>
    tpu.enqueue_dma source(%dma_start3A_45 : memref<80xi32, #tpu.memory_space<hbm>>) target(%arg8 : memref<80xi32, #tpu.memory_space<vmem>>) target_semaphore(%arg17 : memref<!tpu.dma_semaphore, #tpu.memory_space<semaphore_mem>>)
    %dma_start3A_46 = tpu.memref_slice %arg4[%add3A_43] : memref<320000xi32, #tpu.memory_space<hbm>> -> memref<80xi32, #tpu.memory_space<hbm>>
    %dma_start3A_47 = tpu.memref_slice %arg4[%add3A_43] : memref<320000xi32, #tpu.memory_space<hbm>> -> memref<80xi32, #tpu.memory_space<hbm>>
    tpu.enqueue_dma source(%dma_start3A_47 : memref<80xi32, #tpu.memory_space<hbm>>) target(%arg10 : memref<80xi32, #tpu.memory_space<vmem>>) target_semaphore(%arg17 : memref<!tpu.dma_semaphore, #tpu.memory_space<semaphore_mem>>)
    %mul3A_48 = arith.constant 10000 : i32
    %mul3A_49 = arith.muli %add3A, %mul3A_48 : i32
    %add3A_50 = arith.constant 0 : i32
    %add3A_51 = arith.addi %mul3A_49, %add3A_50 : i32
    %dma_wait3A = tpu.memref_slice %arg3[%add3A_51] : memref<320000xi32, #tpu.memory_space<hbm>> -> memref<80xi32, #tpu.memory_space<hbm>>
    %dma_wait3A_52 = tpu.memref_slice %arg3[%add3A_51] : memref<320000xi32, #tpu.memory_space<hbm>> -> memref<80xi32, #tpu.memory_space<hbm>>
    tpu.wait_dma2 semaphore(%arg16 : memref<!tpu.dma_semaphore, #tpu.memory_space<semaphore_mem>>) src(%dma_wait3A_52 : memref<80xi32, #tpu.memory_space<hbm>>) dst(%arg7 : memref<80xi32, #tpu.memory_space<vmem>>)
    %dma_wait3A_53 = tpu.memref_slice %arg4[%add3A_51] : memref<320000xi32, #tpu.memory_space<hbm>> -> memref<80xi32, #tpu.memory_space<hbm>>
    %dma_wait3A_54 = tpu.memref_slice %arg4[%add3A_51] : memref<320000xi32, #tpu.memory_space<hbm>> -> memref<80xi32, #tpu.memory_space<hbm>>
    tpu.wait_dma2 semaphore(%arg16 : memref<!tpu.dma_semaphore, #tpu.memory_space<semaphore_mem>>) src(%dma_wait3A_54 : memref<80xi32, #tpu.memory_space<hbm>>) dst(%arg9 : memref<80xi32, #tpu.memory_space<vmem>>)
    %dma_start3A_55 = arith.constant 0 : i32
    %dma_start3A_56 = arith.constant 0 : i32
    %dma_start3A_57 = tpu.memref_slice %arg2[%dma_start3A_55, %dma_start3A_56] : memref<10000x128xf32, #tpu.memory_space<hbm>> -> memref<10000x128xf32, #tpu.memory_space<hbm>>
    tpu.enqueue_indirect_dma source(%dma_start3A_57 : memref<10000x128xf32, #tpu.memory_space<hbm>>) target(%arg11 : memref<80x128xf32, #tpu.memory_space<vmem>>) offsets(%arg7 : memref<80xi32, #tpu.memory_space<vmem>>) semaphore(%arg14 : memref<!tpu.dma_semaphore, #tpu.memory_space<semaphore_mem>>)
    %scan3A = arith.constant 0 : i32
    %scan3A_58 = arith.constant 0 : i32
    %scan3A_59 = arith.constant 63 : i32
    %scan3A_60 = arith.addi %scan3A_58, %scan3A_59 : i32
    %scan3A_61 = arith.constant 1 : i32
    %scan3A_62 = scf.for %scan3A_153 = %scan3A_58 to %scan3A_60 step %scan3A_61 iter_args(%scan3A_154 = %scan3A) -> (i32)  : i32 {
      %mul3A_155 = arith.constant 2 : i32
      %mul3A_156 = arith.muli %mul3A_155, %scan3A_153 : i32
      %add3A_157 = arith.constant 0 : i32
      %add3A_158 = arith.addi %mul3A_156, %add3A_157 : i32
      %lt3A = arith.constant 125 : i32
      %lt3A_159 = arith.cmpi slt, %add3A_158, %lt3A : i32
      %convert_element_type3A = arith.extui %lt3A_159 : i1 to i32
      %cond3A = arith.constant 0 : i32
      %cond3A_160 = arith.cmpi ne, %convert_element_type3A, %cond3A : i32
      scf.if %cond3A_160 {
        %add3A_171 = arith.constant 1 : i32
        %add3A_172 = arith.addi %add3A_158, %add3A_171 : i32
        %lt3A_173 = arith.constant 125 : i32
        %lt3A_174 = arith.cmpi slt, %add3A_172, %lt3A_173 : i32
        %convert_element_type3A_175 = arith.extui %lt3A_174 : i1 to i32
        %cond3A_176 = arith.constant 0 : i32
        %cond3A_177 = arith.cmpi ne, %convert_element_type3A_175, %cond3A_176 : i32
        scf.if %cond3A_177 {
          %add3A_188 = arith.constant 1 : i32
          %add3A_189 = arith.addi %add3A_158, %add3A_188 : i32
          %mul3A_190 = arith.constant 10000 : i32
          %mul3A_191 = arith.muli %add3A, %mul3A_190 : i32
          %mul3A_192 = arith.constant 80 : i32
          %mul3A_193 = arith.muli %add3A_189, %mul3A_192 : i32
          %add3A_194 = arith.addi %mul3A_191, %mul3A_193 : i32
          %dma_wait3A_195 = tpu.memref_slice %arg3[%add3A_194] : memref<320000xi32, #tpu.memory_space<hbm>> -> memref<80xi32, #tpu.memory_space<hbm>>
          %dma_wait3A_196 = tpu.memref_slice %arg3[%add3A_194] : memref<320000xi32, #tpu.memory_space<hbm>> -> memref<80xi32, #tpu.memory_space<hbm>>
          tpu.wait_dma2 semaphore(%arg17 : memref<!tpu.dma_semaphore, #tpu.memory_space<semaphore_mem>>) src(%dma_wait3A_196 : memref<80xi32, #tpu.memory_space<hbm>>) dst(%arg8 : memref<80xi32, #tpu.memory_space<vmem>>)
          %dma_wait3A_197 = tpu.memref_slice %arg4[%add3A_194] : memref<320000xi32, #tpu.memory_space<hbm>> -> memref<80xi32, #tpu.memory_space<hbm>>
          %dma_wait3A_198 = tpu.memref_slice %arg4[%add3A_194] : memref<320000xi32, #tpu.memory_space<hbm>> -> memref<80xi32, #tpu.memory_space<hbm>>
          tpu.wait_dma2 semaphore(%arg17 : memref<!tpu.dma_semaphore, #tpu.memory_space<semaphore_mem>>) src(%dma_wait3A_198 : memref<80xi32, #tpu.memory_space<hbm>>) dst(%arg10 : memref<80xi32, #tpu.memory_space<vmem>>)
          %dma_start3A_199 = arith.constant 0 : i32
          %dma_start3A_200 = arith.constant 0 : i32
          %dma_start3A_201 = tpu.memref_slice %arg2[%dma_start3A_199, %dma_start3A_200] : memref<10000x128xf32, #tpu.memory_space<hbm>> -> memref<10000x128xf32, #tpu.memory_space<hbm>>
          tpu.enqueue_indirect_dma source(%dma_start3A_201 : memref<10000x128xf32, #tpu.memory_space<hbm>>) target(%arg12 : memref<80x128xf32, #tpu.memory_space<vmem>>) offsets(%arg8 : memref<80xi32, #tpu.memory_space<vmem>>) semaphore(%arg15 : memref<!tpu.dma_semaphore, #tpu.memory_space<semaphore_mem>>)
        } else {
        }
        %dma_wait3A_178 = arith.constant 0 : i32
        %dma_wait3A_179 = arith.constant 0 : i32
        %dma_wait3A_180 = tpu.memref_slice %arg2[%dma_wait3A_178, %dma_wait3A_179] : memref<10000x128xf32, #tpu.memory_space<hbm>> -> memref<10000x128xf32, #tpu.memory_space<hbm>>
        tpu.wait_indirect_dma semaphore(%arg14 : memref<!tpu.dma_semaphore, #tpu.memory_space<semaphore_mem>>) src(%dma_wait3A_180 : memref<10000x128xf32, #tpu.memory_space<hbm>>) dst(%arg11 : memref<80x128xf32, #tpu.memory_space<vmem>>)
        "tpu.region"() ({
          %run_scoped3A = tpu.sem_alloc : memref<!tpu.dma_semaphore, #tpu.memory_space<semaphore_mem>>
          %dma_start3A_188 = arith.constant 0 : i32
          %dma_start3A_189 = arith.constant 0 : i32
          %dma_start3A_190 = tpu.memref_slice %arg13[%dma_start3A_188, %dma_start3A_189] : memref<10240x128xf32, #tpu.memory_space<vmem_shared>> -> memref<10240x128xf32, #tpu.memory_space<vmem_shared>>
          tpu.enqueue_indirect_dma source(%arg11 : memref<80x128xf32, #tpu.memory_space<vmem>>) target(%dma_start3A_190 : memref<10240x128xf32, #tpu.memory_space<vmem_shared>>) offsets(%arg9 : memref<80xi32, #tpu.memory_space<vmem>>) semaphore(%run_scoped3A : memref<!tpu.dma_semaphore, #tpu.memory_space<semaphore_mem>>) {add = true}
          %dma_wait3A_191 = arith.constant 0 : i32
          %dma_wait3A_192 = arith.constant 0 : i32
          %dma_wait3A_193 = tpu.memref_slice %arg13[%dma_wait3A_191, %dma_wait3A_192] : memref<10240x128xf32, #tpu.memory_space<vmem_shared>> -> memref<10240x128xf32, #tpu.memory_space<vmem_shared>>
          tpu.wait_indirect_dma semaphore(%run_scoped3A : memref<!tpu.dma_semaphore, #tpu.memory_space<semaphore_mem>>) src(%arg11 : memref<80x128xf32, #tpu.memory_space<vmem>>) dst(%dma_wait3A_193 : memref<10240x128xf32, #tpu.memory_space<vmem_shared>>)
          tpu.yield
        }) : () -> ()
        %add3A_181 = arith.constant 2 : i32
        %add3A_182 = arith.addi %add3A_158, %add3A_181 : i32
        %lt3A_183 = arith.constant 125 : i32
        %lt3A_184 = arith.cmpi slt, %add3A_182, %lt3A_183 : i32
        %convert_element_type3A_185 = arith.extui %lt3A_184 : i1 to i32
        %cond3A_186 = arith.constant 0 : i32
        %cond3A_187 = arith.cmpi ne, %convert_element_type3A_185, %cond3A_186 : i32
        scf.if %cond3A_187 {
          %add3A_188 = arith.constant 2 : i32
          %add3A_189 = arith.addi %add3A_158, %add3A_188 : i32
          %mul3A_190 = arith.constant 10000 : i32
          %mul3A_191 = arith.muli %add3A, %mul3A_190 : i32
          %mul3A_192 = arith.constant 80 : i32
          %mul3A_193 = arith.muli %add3A_189, %mul3A_192 : i32
          %add3A_194 = arith.addi %mul3A_191, %mul3A_193 : i32
          %dma_start3A_195 = tpu.memref_slice %arg3[%add3A_194] : memref<320000xi32, #tpu.memory_space<hbm>> -> memref<80xi32, #tpu.memory_space<hbm>>
          %dma_start3A_196 = tpu.memref_slice %arg3[%add3A_194] : memref<320000xi32, #tpu.memory_space<hbm>> -> memref<80xi32, #tpu.memory_space<hbm>>
          tpu.enqueue_dma source(%dma_start3A_196 : memref<80xi32, #tpu.memory_space<hbm>>) target(%arg7 : memref<80xi32, #tpu.memory_space<vmem>>) target_semaphore(%arg16 : memref<!tpu.dma_semaphore, #tpu.memory_space<semaphore_mem>>)
          %dma_start3A_197 = tpu.memref_slice %arg4[%add3A_194] : memref<320000xi32, #tpu.memory_space<hbm>> -> memref<80xi32, #tpu.memory_space<hbm>>
          %dma_start3A_198 = tpu.memref_slice %arg4[%add3A_194] : memref<320000xi32, #tpu.memory_space<hbm>> -> memref<80xi32, #tpu.memory_space<hbm>>
          tpu.enqueue_dma source(%dma_start3A_198 : memref<80xi32, #tpu.memory_space<hbm>>) target(%arg9 : memref<80xi32, #tpu.memory_space<vmem>>) target_semaphore(%arg16 : memref<!tpu.dma_semaphore, #tpu.memory_space<semaphore_mem>>)
        } else {
        }
      } else {
      }
      %mul3A_161 = arith.constant 2 : i32
      %mul3A_162 = arith.muli %mul3A_161, %scan3A_153 : i32
      %add3A_163 = arith.constant 1 : i32
      %add3A_164 = arith.addi %mul3A_162, %add3A_163 : i32
      %lt3A_165 = arith.constant 125 : i32
      %lt3A_166 = arith.cmpi slt, %add3A_164, %lt3A_165 : i32
      %convert_element_type3A_167 = arith.extui %lt3A_166 : i1 to i32
      %cond3A_168 = arith.constant 0 : i32
      %cond3A_169 = arith.cmpi ne, %convert_element_type3A_167, %cond3A_168 : i32
      scf.if %cond3A_169 {
        %add3A_171 = arith.constant 1 : i32
        %add3A_172 = arith.addi %add3A_164, %add3A_171 : i32
        %lt3A_173 = arith.constant 125 : i32
        %lt3A_174 = arith.cmpi slt, %add3A_172, %lt3A_173 : i32
        %convert_element_type3A_175 = arith.extui %lt3A_174 : i1 to i32
        %cond3A_176 = arith.constant 0 : i32
        %cond3A_177 = arith.cmpi ne, %convert_element_type3A_175, %cond3A_176 : i32
        scf.if %cond3A_177 {
          %add3A_188 = arith.constant 1 : i32
          %add3A_189 = arith.addi %add3A_164, %add3A_188 : i32
          %mul3A_190 = arith.constant 10000 : i32
          %mul3A_191 = arith.muli %add3A, %mul3A_190 : i32
          %mul3A_192 = arith.constant 80 : i32
          %mul3A_193 = arith.muli %add3A_189, %mul3A_192 : i32
          %add3A_194 = arith.addi %mul3A_191, %mul3A_193 : i32
          %dma_wait3A_195 = tpu.memref_slice %arg3[%add3A_194] : memref<320000xi32, #tpu.memory_space<hbm>> -> memref<80xi32, #tpu.memory_space<hbm>>
          %dma_wait3A_196 = tpu.memref_slice %arg3[%add3A_194] : memref<320000xi32, #tpu.memory_space<hbm>> -> memref<80xi32, #tpu.memory_space<hbm>>
          tpu.wait_dma2 semaphore(%arg16 : memref<!tpu.dma_semaphore, #tpu.memory_space<semaphore_mem>>) src(%dma_wait3A_196 : memref<80xi32, #tpu.memory_space<hbm>>) dst(%arg7 : memref<80xi32, #tpu.memory_space<vmem>>)
          %dma_wait3A_197 = tpu.memref_slice %arg4[%add3A_194] : memref<320000xi32, #tpu.memory_space<hbm>> -> memref<80xi32, #tpu.memory_space<hbm>>
          %dma_wait3A_198 = tpu.memref_slice %arg4[%add3A_194] : memref<320000xi32, #tpu.memory_space<hbm>> -> memref<80xi32, #tpu.memory_space<hbm>>
          tpu.wait_dma2 semaphore(%arg16 : memref<!tpu.dma_semaphore, #tpu.memory_space<semaphore_mem>>) src(%dma_wait3A_198 : memref<80xi32, #tpu.memory_space<hbm>>) dst(%arg9 : memref<80xi32, #tpu.memory_space<vmem>>)
          %dma_start3A_199 = arith.constant 0 : i32
          %dma_start3A_200 = arith.constant 0 : i32
          %dma_start3A_201 = tpu.memref_slice %arg2[%dma_start3A_199, %dma_start3A_200] : memref<10000x128xf32, #tpu.memory_space<hbm>> -> memref<10000x128xf32, #tpu.memory_space<hbm>>
          tpu.enqueue_indirect_dma source(%dma_start3A_201 : memref<10000x128xf32, #tpu.memory_space<hbm>>) target(%arg11 : memref<80x128xf32, #tpu.memory_space<vmem>>) offsets(%arg7 : memref<80xi32, #tpu.memory_space<vmem>>) semaphore(%arg14 : memref<!tpu.dma_semaphore, #tpu.memory_space<semaphore_mem>>)
        } else {
        }
        %dma_wait3A_178 = arith.constant 0 : i32
        %dma_wait3A_179 = arith.constant 0 : i32
        %dma_wait3A_180 = tpu.memref_slice %arg2[%dma_wait3A_178, %dma_wait3A_179] : memref<10000x128xf32, #tpu.memory_space<hbm>> -> memref<10000x128xf32, #tpu.memory_space<hbm>>
        tpu.wait_indirect_dma semaphore(%arg15 : memref<!tpu.dma_semaphore, #tpu.memory_space<semaphore_mem>>) src(%dma_wait3A_180 : memref<10000x128xf32, #tpu.memory_space<hbm>>) dst(%arg12 : memref<80x128xf32, #tpu.memory_space<vmem>>)
        "tpu.region"() ({
          %run_scoped3A = tpu.sem_alloc : memref<!tpu.dma_semaphore, #tpu.memory_space<semaphore_mem>>
          %dma_start3A_188 = arith.constant 0 : i32
          %dma_start3A_189 = arith.constant 0 : i32
          %dma_start3A_190 = tpu.memref_slice %arg13[%dma_start3A_188, %dma_start3A_189] : memref<10240x128xf32, #tpu.memory_space<vmem_shared>> -> memref<10240x128xf32, #tpu.memory_space<vmem_shared>>
          tpu.enqueue_indirect_dma source(%arg12 : memref<80x128xf32, #tpu.memory_space<vmem>>) target(%dma_start3A_190 : memref<10240x128xf32, #tpu.memory_space<vmem_shared>>) offsets(%arg10 : memref<80xi32, #tpu.memory_space<vmem>>) semaphore(%run_scoped3A : memref<!tpu.dma_semaphore, #tpu.memory_space<semaphore_mem>>) {add = true}
          %dma_wait3A_191 = arith.constant 0 : i32
          %dma_wait3A_192 = arith.constant 0 : i32
          %dma_wait3A_193 = tpu.memref_slice %arg13[%dma_wait3A_191, %dma_wait3A_192] : memref<10240x128xf32, #tpu.memory_space<vmem_shared>> -> memref<10240x128xf32, #tpu.memory_space<vmem_shared>>
          tpu.wait_indirect_dma semaphore(%run_scoped3A : memref<!tpu.dma_semaphore, #tpu.memory_space<semaphore_mem>>) src(%arg12 : memref<80x128xf32, #tpu.memory_space<vmem>>) dst(%dma_wait3A_193 : memref<10240x128xf32, #tpu.memory_space<vmem_shared>>)
          tpu.yield
        }) : () -> ()
        %add3A_181 = arith.constant 2 : i32
        %add3A_182 = arith.addi %add3A_164, %add3A_181 : i32
        %lt3A_183 = arith.constant 125 : i32
        %lt3A_184 = arith.cmpi slt, %add3A_182, %lt3A_183 : i32
        %convert_element_type3A_185 = arith.extui %lt3A_184 : i1 to i32
        %cond3A_186 = arith.constant 0 : i32
        %cond3A_187 = arith.cmpi ne, %convert_element_type3A_185, %cond3A_186 : i32
        scf.if %cond3A_187 {
          %add3A_188 = arith.constant 2 : i32
          %add3A_189 = arith.addi %add3A_164, %add3A_188 : i32
          %mul3A_190 = arith.constant 10000 : i32
          %mul3A_191 = arith.muli %add3A, %mul3A_190 : i32
          %mul3A_192 = arith.constant 80 : i32
          %mul3A_193 = arith.muli %add3A_189, %mul3A_192 : i32
          %add3A_194 = arith.addi %mul3A_191, %mul3A_193 : i32
          %dma_start3A_195 = tpu.memref_slice %arg3[%add3A_194] : memref<320000xi32, #tpu.memory_space<hbm>> -> memref<80xi32, #tpu.memory_space<hbm>>
          %dma_start3A_196 = tpu.memref_slice %arg3[%add3A_194] : memref<320000xi32, #tpu.memory_space<hbm>> -> memref<80xi32, #tpu.memory_space<hbm>>
          tpu.enqueue_dma source(%dma_start3A_196 : memref<80xi32, #tpu.memory_space<hbm>>) target(%arg8 : memref<80xi32, #tpu.memory_space<vmem>>) target_semaphore(%arg17 : memref<!tpu.dma_semaphore, #tpu.memory_space<semaphore_mem>>)
          %dma_start3A_197 = tpu.memref_slice %arg4[%add3A_194] : memref<320000xi32, #tpu.memory_space<hbm>> -> memref<80xi32, #tpu.memory_space<hbm>>
          %dma_start3A_198 = tpu.memref_slice %arg4[%add3A_194] : memref<320000xi32, #tpu.memory_space<hbm>> -> memref<80xi32, #tpu.memory_space<hbm>>
          tpu.enqueue_dma source(%dma_start3A_198 : memref<80xi32, #tpu.memory_space<hbm>>) target(%arg10 : memref<80xi32, #tpu.memory_space<vmem>>) target_semaphore(%arg17 : memref<!tpu.dma_semaphore, #tpu.memory_space<semaphore_mem>>)
        } else {
        }
      } else {
      }
      %scan3A_170 = arith.constant 0 : i32
      scf.yield %scan3A_170 : i32
    }
    %scan3A_63 = arith.constant 63 : i32
    %barrier3A_64 = arith.constant 0 : index
    tpu.barrier barrier_id(%barrier3A_64)
    %mul3A_65 = arith.constant 640 : i32
    %mul3A_66 = arith.muli %arg1, %mul3A_65 : i32
    %add3A_67 = arith.constant 0 : i32
    %add3A_68 = arith.addi %mul3A_66, %add3A_67 : i32
    %mul3A_69 = arith.constant 10240 : i32
    %mul3A_70 = arith.muli %arg0, %mul3A_69 : i32
    %mul3A_71 = arith.constant 640 : i32
    %mul3A_72 = arith.muli %arg1, %mul3A_71 : i32
    %add3A_73 = arith.addi %mul3A_70, %mul3A_72 : i32
    %add3A_74 = arith.constant 0 : i32
    %add3A_75 = arith.addi %add3A_73, %add3A_74 : i32
    "tpu.region"() ({
      %run_scoped3A = tpu.sem_alloc : memref<!tpu.dma_semaphore, #tpu.memory_space<semaphore_mem>>
      %dma_start3A_153 = arith.constant 0 : i32
      %dma_start3A_154 = tpu.memref_slice %arg6[%add3A_75, %dma_start3A_153] : memref<20480x128xf32, #tpu.memory_space<hbm>> -> memref<80x128xf32, #tpu.memory_space<hbm>>
      %dma_start3A_155 = arith.constant 0 : i32
      %dma_start3A_156 = tpu.memref_slice %arg13[%add3A_68, %dma_start3A_155] : memref<10240x128xf32, #tpu.memory_space<vmem_shared>> -> memref<80x128xf32, #tpu.memory_space<vmem_shared>>
      tpu.enqueue_dma source(%dma_start3A_156 : memref<80x128xf32, #tpu.memory_space<vmem_shared>>) target(%dma_start3A_154 : memref<80x128xf32, #tpu.memory_space<hbm>>) target_semaphore(%run_scoped3A : memref<!tpu.dma_semaphore, #tpu.memory_space<semaphore_mem>>)
      %dma_wait3A_157 = arith.constant 0 : i32
      %dma_wait3A_158 = tpu.memref_slice %arg6[%add3A_75, %dma_wait3A_157] : memref<20480x128xf32, #tpu.memory_space<hbm>> -> memref<80x128xf32, #tpu.memory_space<hbm>>
      %dma_wait3A_159 = arith.constant 0 : i32
      %dma_wait3A_160 = tpu.memref_slice %arg13[%add3A_68, %dma_wait3A_159] : memref<10240x128xf32, #tpu.memory_space<vmem_shared>> -> memref<80x128xf32, #tpu.memory_space<vmem_shared>>
      tpu.wait_dma2 semaphore(%run_scoped3A : memref<!tpu.dma_semaphore, #tpu.memory_space<semaphore_mem>>) src(%dma_wait3A_160 : memref<80x128xf32, #tpu.memory_space<vmem_shared>>) dst(%dma_wait3A_158 : memref<80x128xf32, #tpu.memory_space<hbm>>)
      tpu.yield
    }) : () -> ()
    %mul3A_76 = arith.constant 640 : i32
    %mul3A_77 = arith.muli %arg1, %mul3A_76 : i32
    %add3A_78 = arith.constant 80 : i32
    %add3A_79 = arith.addi %mul3A_77, %add3A_78 : i32
    %mul3A_80 = arith.constant 10240 : i32
    %mul3A_81 = arith.muli %arg0, %mul3A_80 : i32
    %mul3A_82 = arith.constant 640 : i32
    %mul3A_83 = arith.muli %arg1, %mul3A_82 : i32
    %add3A_84 = arith.addi %mul3A_81, %mul3A_83 : i32
    %add3A_85 = arith.constant 80 : i32
    %add3A_86 = arith.addi %add3A_84, %add3A_85 : i32
    "tpu.region"() ({
      %run_scoped3A = tpu.sem_alloc : memref<!tpu.dma_semaphore, #tpu.memory_space<semaphore_mem>>
      %dma_start3A_153 = arith.constant 0 : i32
      %dma_start3A_154 = tpu.memref_slice %arg6[%add3A_86, %dma_start3A_153] : memref<20480x128xf32, #tpu.memory_space<hbm>> -> memref<80x128xf32, #tpu.memory_space<hbm>>
      %dma_start3A_155 = arith.constant 0 : i32
      %dma_start3A_156 = tpu.memref_slice %arg13[%add3A_79, %dma_start3A_155] : memref<10240x128xf32, #tpu.memory_space<vmem_shared>> -> memref<80x128xf32, #tpu.memory_space<vmem_shared>>
      tpu.enqueue_dma source(%dma_start3A_156 : memref<80x128xf32, #tpu.memory_space<vmem_shared>>) target(%dma_start3A_154 : memref<80x128xf32, #tpu.memory_space<hbm>>) target_semaphore(%run_scoped3A : memref<!tpu.dma_semaphore, #tpu.memory_space<semaphore_mem>>)
      %dma_wait3A_157 = arith.constant 0 : i32
      %dma_wait3A_158 = tpu.memref_slice %arg6[%add3A_86, %dma_wait3A_157] : memref<20480x128xf32, #tpu.memory_space<hbm>> -> memref<80x128xf32, #tpu.memory_space<hbm>>
      %dma_wait3A_159 = arith.constant 0 : i32
      %dma_wait3A_160 = tpu.memref_slice %arg13[%add3A_79, %dma_wait3A_159] : memref<10240x128xf32, #tpu.memory_space<vmem_shared>> -> memref<80x128xf32, #tpu.memory_space<vmem_shared>>
      tpu.wait_dma2 semaphore(%run_scoped3A : memref<!tpu.dma_semaphore, #tpu.memory_space<semaphore_mem>>) src(%dma_wait3A_160 : memref<80x128xf32, #tpu.memory_space<vmem_shared>>) dst(%dma_wait3A_158 : memref<80x128xf32, #tpu.memory_space<hbm>>)
      tpu.yield
    }) : () -> ()
    %mul3A_87 = arith.constant 640 : i32
    %mul3A_88 = arith.muli %arg1, %mul3A_87 : i32
    %add3A_89 = arith.constant 160 : i32
    %add3A_90 = arith.addi %mul3A_88, %add3A_89 : i32
    %mul3A_91 = arith.constant 10240 : i32
    %mul3A_92 = arith.muli %arg0, %mul3A_91 : i32
    %mul3A_93 = arith.constant 640 : i32
    %mul3A_94 = arith.muli %arg1, %mul3A_93 : i32
    %add3A_95 = arith.addi %mul3A_92, %mul3A_94 : i32
    %add3A_96 = arith.constant 160 : i32
    %add3A_97 = arith.addi %add3A_95, %add3A_96 : i32
    "tpu.region"() ({
      %run_scoped3A = tpu.sem_alloc : memref<!tpu.dma_semaphore, #tpu.memory_space<semaphore_mem>>
      %dma_start3A_153 = arith.constant 0 : i32
      %dma_start3A_154 = tpu.memref_slice %arg6[%add3A_97, %dma_start3A_153] : memref<20480x128xf32, #tpu.memory_space<hbm>> -> memref<80x128xf32, #tpu.memory_space<hbm>>
      %dma_start3A_155 = arith.constant 0 : i32
      %dma_start3A_156 = tpu.memref_slice %arg13[%add3A_90, %dma_start3A_155] : memref<10240x128xf32, #tpu.memory_space<vmem_shared>> -> memref<80x128xf32, #tpu.memory_space<vmem_shared>>
      tpu.enqueue_dma source(%dma_start3A_156 : memref<80x128xf32, #tpu.memory_space<vmem_shared>>) target(%dma_start3A_154 : memref<80x128xf32, #tpu.memory_space<hbm>>) target_semaphore(%run_scoped3A : memref<!tpu.dma_semaphore, #tpu.memory_space<semaphore_mem>>)
      %dma_wait3A_157 = arith.constant 0 : i32
      %dma_wait3A_158 = tpu.memref_slice %arg6[%add3A_97, %dma_wait3A_157] : memref<20480x128xf32, #tpu.memory_space<hbm>> -> memref<80x128xf32, #tpu.memory_space<hbm>>
      %dma_wait3A_159 = arith.constant 0 : i32
      %dma_wait3A_160 = tpu.memref_slice %arg13[%add3A_90, %dma_wait3A_159] : memref<10240x128xf32, #tpu.memory_space<vmem_shared>> -> memref<80x128xf32, #tpu.memory_space<vmem_shared>>
      tpu.wait_dma2 semaphore(%run_scoped3A : memref<!tpu.dma_semaphore, #tpu.memory_space<semaphore_mem>>) src(%dma_wait3A_160 : memref<80x128xf32, #tpu.memory_space<vmem_shared>>) dst(%dma_wait3A_158 : memref<80x128xf32, #tpu.memory_space<hbm>>)
      tpu.yield
    }) : () -> ()
    %mul3A_98 = arith.constant 640 : i32
    %mul3A_99 = arith.muli %arg1, %mul3A_98 : i32
    %add3A_100 = arith.constant 240 : i32
    %add3A_101 = arith.addi %mul3A_99, %add3A_100 : i32
    %mul3A_102 = arith.constant 10240 : i32
    %mul3A_103 = arith.muli %arg0, %mul3A_102 : i32
    %mul3A_104 = arith.constant 640 : i32
    %mul3A_105 = arith.muli %arg1, %mul3A_104 : i32
    %add3A_106 = arith.addi %mul3A_103, %mul3A_105 : i32
    %add3A_107 = arith.constant 240 : i32
    %add3A_108 = arith.addi %add3A_106, %add3A_107 : i32
    "tpu.region"() ({
      %run_scoped3A = tpu.sem_alloc : memref<!tpu.dma_semaphore, #tpu.memory_space<semaphore_mem>>
      %dma_start3A_153 = arith.constant 0 : i32
      %dma_start3A_154 = tpu.memref_slice %arg6[%add3A_108, %dma_start3A_153] : memref<20480x128xf32, #tpu.memory_space<hbm>> -> memref<80x128xf32, #tpu.memory_space<hbm>>
      %dma_start3A_155 = arith.constant 0 : i32
      %dma_start3A_156 = tpu.memref_slice %arg13[%add3A_101, %dma_start3A_155] : memref<10240x128xf32, #tpu.memory_space<vmem_shared>> -> memref<80x128xf32, #tpu.memory_space<vmem_shared>>
      tpu.enqueue_dma source(%dma_start3A_156 : memref<80x128xf32, #tpu.memory_space<vmem_shared>>) target(%dma_start3A_154 : memref<80x128xf32, #tpu.memory_space<hbm>>) target_semaphore(%run_scoped3A : memref<!tpu.dma_semaphore, #tpu.memory_space<semaphore_mem>>)
      %dma_wait3A_157 = arith.constant 0 : i32
      %dma_wait3A_158 = tpu.memref_slice %arg6[%add3A_108, %dma_wait3A_157] : memref<20480x128xf32, #tpu.memory_space<hbm>> -> memref<80x128xf32, #tpu.memory_space<hbm>>
      %dma_wait3A_159 = arith.constant 0 : i32
      %dma_wait3A_160 = tpu.memref_slice %arg13[%add3A_101, %dma_wait3A_159] : memref<10240x128xf32, #tpu.memory_space<vmem_shared>> -> memref<80x128xf32, #tpu.memory_space<vmem_shared>>
      tpu.wait_dma2 semaphore(%run_scoped3A : memref<!tpu.dma_semaphore, #tpu.memory_space<semaphore_mem>>) src(%dma_wait3A_160 : memref<80x128xf32, #tpu.memory_space<vmem_shared>>) dst(%dma_wait3A_158 : memref<80x128xf32, #tpu.memory_space<hbm>>)
      tpu.yield
    }) : () -> ()
    %mul3A_109 = arith.constant 640 : i32
    %mul3A_110 = arith.muli %arg1, %mul3A_109 : i32
    %add3A_111 = arith.constant 320 : i32
    %add3A_112 = arith.addi %mul3A_110, %add3A_111 : i32
    %mul3A_113 = arith.constant 10240 : i32
    %mul3A_114 = arith.muli %arg0, %mul3A_113 : i32
    %mul3A_115 = arith.constant 640 : i32
    %mul3A_116 = arith.muli %arg1, %mul3A_115 : i32
    %add3A_117 = arith.addi %mul3A_114, %mul3A_116 : i32
    %add3A_118 = arith.constant 320 : i32
    %add3A_119 = arith.addi %add3A_117, %add3A_118 : i32
    "tpu.region"() ({
      %run_scoped3A = tpu.sem_alloc : memref<!tpu.dma_semaphore, #tpu.memory_space<semaphore_mem>>
      %dma_start3A_153 = arith.constant 0 : i32
      %dma_start3A_154 = tpu.memref_slice %arg6[%add3A_119, %dma_start3A_153] : memref<20480x128xf32, #tpu.memory_space<hbm>> -> memref<80x128xf32, #tpu.memory_space<hbm>>
      %dma_start3A_155 = arith.constant 0 : i32
      %dma_start3A_156 = tpu.memref_slice %arg13[%add3A_112, %dma_start3A_155] : memref<10240x128xf32, #tpu.memory_space<vmem_shared>> -> memref<80x128xf32, #tpu.memory_space<vmem_shared>>
      tpu.enqueue_dma source(%dma_start3A_156 : memref<80x128xf32, #tpu.memory_space<vmem_shared>>) target(%dma_start3A_154 : memref<80x128xf32, #tpu.memory_space<hbm>>) target_semaphore(%run_scoped3A : memref<!tpu.dma_semaphore, #tpu.memory_space<semaphore_mem>>)
      %dma_wait3A_157 = arith.constant 0 : i32
      %dma_wait3A_158 = tpu.memref_slice %arg6[%add3A_119, %dma_wait3A_157] : memref<20480x128xf32, #tpu.memory_space<hbm>> -> memref<80x128xf32, #tpu.memory_space<hbm>>
      %dma_wait3A_159 = arith.constant 0 : i32
      %dma_wait3A_160 = tpu.memref_slice %arg13[%add3A_112, %dma_wait3A_159] : memref<10240x128xf32, #tpu.memory_space<vmem_shared>> -> memref<80x128xf32, #tpu.memory_space<vmem_shared>>
      tpu.wait_dma2 semaphore(%run_scoped3A : memref<!tpu.dma_semaphore, #tpu.memory_space<semaphore_mem>>) src(%dma_wait3A_160 : memref<80x128xf32, #tpu.memory_space<vmem_shared>>) dst(%dma_wait3A_158 : memref<80x128xf32, #tpu.memory_space<hbm>>)
      tpu.yield
    }) : () -> ()
    %mul3A_120 = arith.constant 640 : i32
    %mul3A_121 = arith.muli %arg1, %mul3A_120 : i32
    %add3A_122 = arith.constant 400 : i32
    %add3A_123 = arith.addi %mul3A_121, %add3A_122 : i32
    %mul3A_124 = arith.constant 10240 : i32
    %mul3A_125 = arith.muli %arg0, %mul3A_124 : i32
    %mul3A_126 = arith.constant 640 : i32
    %mul3A_127 = arith.muli %arg1, %mul3A_126 : i32
    %add3A_128 = arith.addi %mul3A_125, %mul3A_127 : i32
    %add3A_129 = arith.constant 400 : i32
    %add3A_130 = arith.addi %add3A_128, %add3A_129 : i32
    "tpu.region"() ({
      %run_scoped3A = tpu.sem_alloc : memref<!tpu.dma_semaphore, #tpu.memory_space<semaphore_mem>>
      %dma_start3A_153 = arith.constant 0 : i32
      %dma_start3A_154 = tpu.memref_slice %arg6[%add3A_130, %dma_start3A_153] : memref<20480x128xf32, #tpu.memory_space<hbm>> -> memref<80x128xf32, #tpu.memory_space<hbm>>
      %dma_start3A_155 = arith.constant 0 : i32
      %dma_start3A_156 = tpu.memref_slice %arg13[%add3A_123, %dma_start3A_155] : memref<10240x128xf32, #tpu.memory_space<vmem_shared>> -> memref<80x128xf32, #tpu.memory_space<vmem_shared>>
      tpu.enqueue_dma source(%dma_start3A_156 : memref<80x128xf32, #tpu.memory_space<vmem_shared>>) target(%dma_start3A_154 : memref<80x128xf32, #tpu.memory_space<hbm>>) target_semaphore(%run_scoped3A : memref<!tpu.dma_semaphore, #tpu.memory_space<semaphore_mem>>)
      %dma_wait3A_157 = arith.constant 0 : i32
      %dma_wait3A_158 = tpu.memref_slice %arg6[%add3A_130, %dma_wait3A_157] : memref<20480x128xf32, #tpu.memory_space<hbm>> -> memref<80x128xf32, #tpu.memory_space<hbm>>
      %dma_wait3A_159 = arith.constant 0 : i32
      %dma_wait3A_160 = tpu.memref_slice %arg13[%add3A_123, %dma_wait3A_159] : memref<10240x128xf32, #tpu.memory_space<vmem_shared>> -> memref<80x128xf32, #tpu.memory_space<vmem_shared>>
      tpu.wait_dma2 semaphore(%run_scoped3A : memref<!tpu.dma_semaphore, #tpu.memory_space<semaphore_mem>>) src(%dma_wait3A_160 : memref<80x128xf32, #tpu.memory_space<vmem_shared>>) dst(%dma_wait3A_158 : memref<80x128xf32, #tpu.memory_space<hbm>>)
      tpu.yield
    }) : () -> ()
    %mul3A_131 = arith.constant 640 : i32
    %mul3A_132 = arith.muli %arg1, %mul3A_131 : i32
    %add3A_133 = arith.constant 480 : i32
    %add3A_134 = arith.addi %mul3A_132, %add3A_133 : i32
    %mul3A_135 = arith.constant 10240 : i32
    %mul3A_136 = arith.muli %arg0, %mul3A_135 : i32
    %mul3A_137 = arith.constant 640 : i32
    %mul3A_138 = arith.muli %arg1, %mul3A_137 : i32
    %add3A_139 = arith.addi %mul3A_136, %mul3A_138 : i32
    %add3A_140 = arith.constant 480 : i32
    %add3A_141 = arith.addi %add3A_139, %add3A_140 : i32
    "tpu.region"() ({
      %run_scoped3A = tpu.sem_alloc : memref<!tpu.dma_semaphore, #tpu.memory_space<semaphore_mem>>
      %dma_start3A_153 = arith.constant 0 : i32
      %dma_start3A_154 = tpu.memref_slice %arg6[%add3A_141, %dma_start3A_153] : memref<20480x128xf32, #tpu.memory_space<hbm>> -> memref<80x128xf32, #tpu.memory_space<hbm>>
      %dma_start3A_155 = arith.constant 0 : i32
      %dma_start3A_156 = tpu.memref_slice %arg13[%add3A_134, %dma_start3A_155] : memref<10240x128xf32, #tpu.memory_space<vmem_shared>> -> memref<80x128xf32, #tpu.memory_space<vmem_shared>>
      tpu.enqueue_dma source(%dma_start3A_156 : memref<80x128xf32, #tpu.memory_space<vmem_shared>>) target(%dma_start3A_154 : memref<80x128xf32, #tpu.memory_space<hbm>>) target_semaphore(%run_scoped3A : memref<!tpu.dma_semaphore, #tpu.memory_space<semaphore_mem>>)
      %dma_wait3A_157 = arith.constant 0 : i32
      %dma_wait3A_158 = tpu.memref_slice %arg6[%add3A_141, %dma_wait3A_157] : memref<20480x128xf32, #tpu.memory_space<hbm>> -> memref<80x128xf32, #tpu.memory_space<hbm>>
      %dma_wait3A_159 = arith.constant 0 : i32
      %dma_wait3A_160 = tpu.memref_slice %arg13[%add3A_134, %dma_wait3A_159] : memref<10240x128xf32, #tpu.memory_space<vmem_shared>> -> memref<80x128xf32, #tpu.memory_space<vmem_shared>>
      tpu.wait_dma2 semaphore(%run_scoped3A : memref<!tpu.dma_semaphore, #tpu.memory_space<semaphore_mem>>) src(%dma_wait3A_160 : memref<80x128xf32, #tpu.memory_space<vmem_shared>>) dst(%dma_wait3A_158 : memref<80x128xf32, #tpu.memory_space<hbm>>)
      tpu.yield
    }) : () -> ()
    %mul3A_142 = arith.constant 640 : i32
    %mul3A_143 = arith.muli %arg1, %mul3A_142 : i32
    %add3A_144 = arith.constant 560 : i32
    %add3A_145 = arith.addi %mul3A_143, %add3A_144 : i32
    %mul3A_146 = arith.constant 10240 : i32
    %mul3A_147 = arith.muli %arg0, %mul3A_146 : i32
    %mul3A_148 = arith.constant 640 : i32
    %mul3A_149 = arith.muli %arg1, %mul3A_148 : i32
    %add3A_150 = arith.addi %mul3A_147, %mul3A_149 : i32
    %add3A_151 = arith.constant 560 : i32
    %add3A_152 = arith.addi %add3A_150, %add3A_151 : i32
    "tpu.region"() ({
      %run_scoped3A = tpu.sem_alloc : memref<!tpu.dma_semaphore, #tpu.memory_space<semaphore_mem>>
      %dma_start3A_153 = arith.constant 0 : i32
      %dma_start3A_154 = tpu.memref_slice %arg6[%add3A_152, %dma_start3A_153] : memref<20480x128xf32, #tpu.memory_space<hbm>> -> memref<80x128xf32, #tpu.memory_space<hbm>>
      %dma_start3A_155 = arith.constant 0 : i32
      %dma_start3A_156 = tpu.memref_slice %arg13[%add3A_145, %dma_start3A_155] : memref<10240x128xf32, #tpu.memory_space<vmem_shared>> -> memref<80x128xf32, #tpu.memory_space<vmem_shared>>
      tpu.enqueue_dma source(%dma_start3A_156 : memref<80x128xf32, #tpu.memory_space<vmem_shared>>) target(%dma_start3A_154 : memref<80x128xf32, #tpu.memory_space<hbm>>) target_semaphore(%run_scoped3A : memref<!tpu.dma_semaphore, #tpu.memory_space<semaphore_mem>>)
      %dma_wait3A_157 = arith.constant 0 : i32
      %dma_wait3A_158 = tpu.memref_slice %arg6[%add3A_152, %dma_wait3A_157] : memref<20480x128xf32, #tpu.memory_space<hbm>> -> memref<80x128xf32, #tpu.memory_space<hbm>>
      %dma_wait3A_159 = arith.constant 0 : i32
      %dma_wait3A_160 = tpu.memref_slice %arg13[%add3A_145, %dma_wait3A_159] : memref<10240x128xf32, #tpu.memory_space<vmem_shared>> -> memref<80x128xf32, #tpu.memory_space<vmem_shared>>
      tpu.wait_dma2 semaphore(%run_scoped3A : memref<!tpu.dma_semaphore, #tpu.memory_space<semaphore_mem>>) src(%dma_wait3A_160 : memref<80x128xf32, #tpu.memory_space<vmem_shared>>) dst(%dma_wait3A_158 : memref<80x128xf32, #tpu.memory_space<hbm>>)
      tpu.yield
    }) : () -> ()
    return
  }
}

#map = affine_map<(d0, d1) -> (0)>
#map1 = affine_map<(d0, d1) -> (0, 0)>
module attributes {stable_mosaic.version = 14 : i64} {
  func.func @_deg_sc(%arg0: i32, %arg1: i32, %arg2: memref<320000xi32, #tpu.memory_space<hbm>>, %arg3: memref<80x128xf32, #tpu.memory_space<hbm>>, %arg4: memref<80x128xf32, #tpu.memory_space<hbm>>, %arg5: memref<20480x128xf32, #tpu.memory_space<hbm>>, %arg6: memref<80xi32, #tpu.memory_space<vmem>>, %arg7: memref<80xi32, #tpu.memory_space<vmem>>, %arg8: memref<80x128xf32, #tpu.memory_space<vmem>>, %arg9: memref<10240x128xf32, #tpu.memory_space<vmem_shared>>, %arg10: memref<!tpu.dma_semaphore, #tpu.memory_space<semaphore_mem>>, %arg11: memref<!tpu.dma_semaphore, #tpu.memory_space<semaphore_mem>>) attributes {dimension_semantics = [#tpu.dimension_semantics<core_parallel>, #tpu.dimension_semantics<subcore_parallel>], iteration_bounds = array<i64: 2, 16>, scalar_prefetch = 0 : i64, scratch_operands = 6 : i64, tpu.core_type = #tpu.core_type<sc_vector_subcore>, window_params = [{transform_indices = #map}, {transform_indices = #map1}, {transform_indices = #map1}, {transform_indices = #map1}]} {
    %mul3A = arith.constant 16 : i32
    %mul3A_0 = arith.muli %arg0, %mul3A : i32
    %add3A = arith.addi %mul3A_0, %arg1 : i32
    "tpu.region"() ({
      %run_scoped3A = tpu.sem_alloc : memref<!tpu.dma_semaphore, #tpu.memory_space<semaphore_mem>>
      tpu.enqueue_dma source(%arg4 : memref<80x128xf32, #tpu.memory_space<hbm>>) target(%arg8 : memref<80x128xf32, #tpu.memory_space<vmem>>) target_semaphore(%run_scoped3A : memref<!tpu.dma_semaphore, #tpu.memory_space<semaphore_mem>>)
      tpu.wait_dma2 semaphore(%run_scoped3A : memref<!tpu.dma_semaphore, #tpu.memory_space<semaphore_mem>>) src(%arg4 : memref<80x128xf32, #tpu.memory_space<hbm>>) dst(%arg8 : memref<80x128xf32, #tpu.memory_space<vmem>>)
      tpu.yield
    }) : () -> ()
    %mul3A_1 = arith.constant 640 : i32
    %mul3A_2 = arith.muli %arg1, %mul3A_1 : i32
    %add3A_3 = arith.constant 0 : i32
    %add3A_4 = arith.addi %mul3A_2, %add3A_3 : i32
    "tpu.region"() ({
      %run_scoped3A = tpu.sem_alloc : memref<!tpu.dma_semaphore, #tpu.memory_space<semaphore_mem>>
      %dma_start3A_133 = arith.constant 0 : i32
      %dma_start3A_134 = tpu.memref_slice %arg9[%add3A_4, %dma_start3A_133] : memref<10240x128xf32, #tpu.memory_space<vmem_shared>> -> memref<80x128xf32, #tpu.memory_space<vmem_shared>>
      %dma_start3A_135 = arith.constant 0 : i32
      %dma_start3A_136 = tpu.memref_slice %arg9[%add3A_4, %dma_start3A_135] : memref<10240x128xf32, #tpu.memory_space<vmem_shared>> -> memref<80x128xf32, #tpu.memory_space<vmem_shared>>
      tpu.enqueue_dma source(%arg8 : memref<80x128xf32, #tpu.memory_space<vmem>>) target(%dma_start3A_136 : memref<80x128xf32, #tpu.memory_space<vmem_shared>>) target_semaphore(%run_scoped3A : memref<!tpu.dma_semaphore, #tpu.memory_space<semaphore_mem>>)
      %dma_wait3A = arith.constant 0 : i32
      %dma_wait3A_137 = tpu.memref_slice %arg9[%add3A_4, %dma_wait3A] : memref<10240x128xf32, #tpu.memory_space<vmem_shared>> -> memref<80x128xf32, #tpu.memory_space<vmem_shared>>
      %dma_wait3A_138 = arith.constant 0 : i32
      %dma_wait3A_139 = tpu.memref_slice %arg9[%add3A_4, %dma_wait3A_138] : memref<10240x128xf32, #tpu.memory_space<vmem_shared>> -> memref<80x128xf32, #tpu.memory_space<vmem_shared>>
      tpu.wait_dma2 semaphore(%run_scoped3A : memref<!tpu.dma_semaphore, #tpu.memory_space<semaphore_mem>>) src(%arg8 : memref<80x128xf32, #tpu.memory_space<vmem>>) dst(%dma_wait3A_139 : memref<80x128xf32, #tpu.memory_space<vmem_shared>>)
      tpu.yield
    }) : () -> ()
    %mul3A_5 = arith.constant 640 : i32
    %mul3A_6 = arith.muli %arg1, %mul3A_5 : i32
    %add3A_7 = arith.constant 80 : i32
    %add3A_8 = arith.addi %mul3A_6, %add3A_7 : i32
    "tpu.region"() ({
      %run_scoped3A = tpu.sem_alloc : memref<!tpu.dma_semaphore, #tpu.memory_space<semaphore_mem>>
      %dma_start3A_133 = arith.constant 0 : i32
      %dma_start3A_134 = tpu.memref_slice %arg9[%add3A_8, %dma_start3A_133] : memref<10240x128xf32, #tpu.memory_space<vmem_shared>> -> memref<80x128xf32, #tpu.memory_space<vmem_shared>>
      %dma_start3A_135 = arith.constant 0 : i32
      %dma_start3A_136 = tpu.memref_slice %arg9[%add3A_8, %dma_start3A_135] : memref<10240x128xf32, #tpu.memory_space<vmem_shared>> -> memref<80x128xf32, #tpu.memory_space<vmem_shared>>
      tpu.enqueue_dma source(%arg8 : memref<80x128xf32, #tpu.memory_space<vmem>>) target(%dma_start3A_136 : memref<80x128xf32, #tpu.memory_space<vmem_shared>>) target_semaphore(%run_scoped3A : memref<!tpu.dma_semaphore, #tpu.memory_space<semaphore_mem>>)
      %dma_wait3A = arith.constant 0 : i32
      %dma_wait3A_137 = tpu.memref_slice %arg9[%add3A_8, %dma_wait3A] : memref<10240x128xf32, #tpu.memory_space<vmem_shared>> -> memref<80x128xf32, #tpu.memory_space<vmem_shared>>
      %dma_wait3A_138 = arith.constant 0 : i32
      %dma_wait3A_139 = tpu.memref_slice %arg9[%add3A_8, %dma_wait3A_138] : memref<10240x128xf32, #tpu.memory_space<vmem_shared>> -> memref<80x128xf32, #tpu.memory_space<vmem_shared>>
      tpu.wait_dma2 semaphore(%run_scoped3A : memref<!tpu.dma_semaphore, #tpu.memory_space<semaphore_mem>>) src(%arg8 : memref<80x128xf32, #tpu.memory_space<vmem>>) dst(%dma_wait3A_139 : memref<80x128xf32, #tpu.memory_space<vmem_shared>>)
      tpu.yield
    }) : () -> ()
    %mul3A_9 = arith.constant 640 : i32
    %mul3A_10 = arith.muli %arg1, %mul3A_9 : i32
    %add3A_11 = arith.constant 160 : i32
    %add3A_12 = arith.addi %mul3A_10, %add3A_11 : i32
    "tpu.region"() ({
      %run_scoped3A = tpu.sem_alloc : memref<!tpu.dma_semaphore, #tpu.memory_space<semaphore_mem>>
      %dma_start3A_133 = arith.constant 0 : i32
      %dma_start3A_134 = tpu.memref_slice %arg9[%add3A_12, %dma_start3A_133] : memref<10240x128xf32, #tpu.memory_space<vmem_shared>> -> memref<80x128xf32, #tpu.memory_space<vmem_shared>>
      %dma_start3A_135 = arith.constant 0 : i32
      %dma_start3A_136 = tpu.memref_slice %arg9[%add3A_12, %dma_start3A_135] : memref<10240x128xf32, #tpu.memory_space<vmem_shared>> -> memref<80x128xf32, #tpu.memory_space<vmem_shared>>
      tpu.enqueue_dma source(%arg8 : memref<80x128xf32, #tpu.memory_space<vmem>>) target(%dma_start3A_136 : memref<80x128xf32, #tpu.memory_space<vmem_shared>>) target_semaphore(%run_scoped3A : memref<!tpu.dma_semaphore, #tpu.memory_space<semaphore_mem>>)
      %dma_wait3A = arith.constant 0 : i32
      %dma_wait3A_137 = tpu.memref_slice %arg9[%add3A_12, %dma_wait3A] : memref<10240x128xf32, #tpu.memory_space<vmem_shared>> -> memref<80x128xf32, #tpu.memory_space<vmem_shared>>
      %dma_wait3A_138 = arith.constant 0 : i32
      %dma_wait3A_139 = tpu.memref_slice %arg9[%add3A_12, %dma_wait3A_138] : memref<10240x128xf32, #tpu.memory_space<vmem_shared>> -> memref<80x128xf32, #tpu.memory_space<vmem_shared>>
      tpu.wait_dma2 semaphore(%run_scoped3A : memref<!tpu.dma_semaphore, #tpu.memory_space<semaphore_mem>>) src(%arg8 : memref<80x128xf32, #tpu.memory_space<vmem>>) dst(%dma_wait3A_139 : memref<80x128xf32, #tpu.memory_space<vmem_shared>>)
      tpu.yield
    }) : () -> ()
    %mul3A_13 = arith.constant 640 : i32
    %mul3A_14 = arith.muli %arg1, %mul3A_13 : i32
    %add3A_15 = arith.constant 240 : i32
    %add3A_16 = arith.addi %mul3A_14, %add3A_15 : i32
    "tpu.region"() ({
      %run_scoped3A = tpu.sem_alloc : memref<!tpu.dma_semaphore, #tpu.memory_space<semaphore_mem>>
      %dma_start3A_133 = arith.constant 0 : i32
      %dma_start3A_134 = tpu.memref_slice %arg9[%add3A_16, %dma_start3A_133] : memref<10240x128xf32, #tpu.memory_space<vmem_shared>> -> memref<80x128xf32, #tpu.memory_space<vmem_shared>>
      %dma_start3A_135 = arith.constant 0 : i32
      %dma_start3A_136 = tpu.memref_slice %arg9[%add3A_16, %dma_start3A_135] : memref<10240x128xf32, #tpu.memory_space<vmem_shared>> -> memref<80x128xf32, #tpu.memory_space<vmem_shared>>
      tpu.enqueue_dma source(%arg8 : memref<80x128xf32, #tpu.memory_space<vmem>>) target(%dma_start3A_136 : memref<80x128xf32, #tpu.memory_space<vmem_shared>>) target_semaphore(%run_scoped3A : memref<!tpu.dma_semaphore, #tpu.memory_space<semaphore_mem>>)
      %dma_wait3A = arith.constant 0 : i32
      %dma_wait3A_137 = tpu.memref_slice %arg9[%add3A_16, %dma_wait3A] : memref<10240x128xf32, #tpu.memory_space<vmem_shared>> -> memref<80x128xf32, #tpu.memory_space<vmem_shared>>
      %dma_wait3A_138 = arith.constant 0 : i32
      %dma_wait3A_139 = tpu.memref_slice %arg9[%add3A_16, %dma_wait3A_138] : memref<10240x128xf32, #tpu.memory_space<vmem_shared>> -> memref<80x128xf32, #tpu.memory_space<vmem_shared>>
      tpu.wait_dma2 semaphore(%run_scoped3A : memref<!tpu.dma_semaphore, #tpu.memory_space<semaphore_mem>>) src(%arg8 : memref<80x128xf32, #tpu.memory_space<vmem>>) dst(%dma_wait3A_139 : memref<80x128xf32, #tpu.memory_space<vmem_shared>>)
      tpu.yield
    }) : () -> ()
    %mul3A_17 = arith.constant 640 : i32
    %mul3A_18 = arith.muli %arg1, %mul3A_17 : i32
    %add3A_19 = arith.constant 320 : i32
    %add3A_20 = arith.addi %mul3A_18, %add3A_19 : i32
    "tpu.region"() ({
      %run_scoped3A = tpu.sem_alloc : memref<!tpu.dma_semaphore, #tpu.memory_space<semaphore_mem>>
      %dma_start3A_133 = arith.constant 0 : i32
      %dma_start3A_134 = tpu.memref_slice %arg9[%add3A_20, %dma_start3A_133] : memref<10240x128xf32, #tpu.memory_space<vmem_shared>> -> memref<80x128xf32, #tpu.memory_space<vmem_shared>>
      %dma_start3A_135 = arith.constant 0 : i32
      %dma_start3A_136 = tpu.memref_slice %arg9[%add3A_20, %dma_start3A_135] : memref<10240x128xf32, #tpu.memory_space<vmem_shared>> -> memref<80x128xf32, #tpu.memory_space<vmem_shared>>
      tpu.enqueue_dma source(%arg8 : memref<80x128xf32, #tpu.memory_space<vmem>>) target(%dma_start3A_136 : memref<80x128xf32, #tpu.memory_space<vmem_shared>>) target_semaphore(%run_scoped3A : memref<!tpu.dma_semaphore, #tpu.memory_space<semaphore_mem>>)
      %dma_wait3A = arith.constant 0 : i32
      %dma_wait3A_137 = tpu.memref_slice %arg9[%add3A_20, %dma_wait3A] : memref<10240x128xf32, #tpu.memory_space<vmem_shared>> -> memref<80x128xf32, #tpu.memory_space<vmem_shared>>
      %dma_wait3A_138 = arith.constant 0 : i32
      %dma_wait3A_139 = tpu.memref_slice %arg9[%add3A_20, %dma_wait3A_138] : memref<10240x128xf32, #tpu.memory_space<vmem_shared>> -> memref<80x128xf32, #tpu.memory_space<vmem_shared>>
      tpu.wait_dma2 semaphore(%run_scoped3A : memref<!tpu.dma_semaphore, #tpu.memory_space<semaphore_mem>>) src(%arg8 : memref<80x128xf32, #tpu.memory_space<vmem>>) dst(%dma_wait3A_139 : memref<80x128xf32, #tpu.memory_space<vmem_shared>>)
      tpu.yield
    }) : () -> ()
    %mul3A_21 = arith.constant 640 : i32
    %mul3A_22 = arith.muli %arg1, %mul3A_21 : i32
    %add3A_23 = arith.constant 400 : i32
    %add3A_24 = arith.addi %mul3A_22, %add3A_23 : i32
    "tpu.region"() ({
      %run_scoped3A = tpu.sem_alloc : memref<!tpu.dma_semaphore, #tpu.memory_space<semaphore_mem>>
      %dma_start3A_133 = arith.constant 0 : i32
      %dma_start3A_134 = tpu.memref_slice %arg9[%add3A_24, %dma_start3A_133] : memref<10240x128xf32, #tpu.memory_space<vmem_shared>> -> memref<80x128xf32, #tpu.memory_space<vmem_shared>>
      %dma_start3A_135 = arith.constant 0 : i32
      %dma_start3A_136 = tpu.memref_slice %arg9[%add3A_24, %dma_start3A_135] : memref<10240x128xf32, #tpu.memory_space<vmem_shared>> -> memref<80x128xf32, #tpu.memory_space<vmem_shared>>
      tpu.enqueue_dma source(%arg8 : memref<80x128xf32, #tpu.memory_space<vmem>>) target(%dma_start3A_136 : memref<80x128xf32, #tpu.memory_space<vmem_shared>>) target_semaphore(%run_scoped3A : memref<!tpu.dma_semaphore, #tpu.memory_space<semaphore_mem>>)
      %dma_wait3A = arith.constant 0 : i32
      %dma_wait3A_137 = tpu.memref_slice %arg9[%add3A_24, %dma_wait3A] : memref<10240x128xf32, #tpu.memory_space<vmem_shared>> -> memref<80x128xf32, #tpu.memory_space<vmem_shared>>
      %dma_wait3A_138 = arith.constant 0 : i32
      %dma_wait3A_139 = tpu.memref_slice %arg9[%add3A_24, %dma_wait3A_138] : memref<10240x128xf32, #tpu.memory_space<vmem_shared>> -> memref<80x128xf32, #tpu.memory_space<vmem_shared>>
      tpu.wait_dma2 semaphore(%run_scoped3A : memref<!tpu.dma_semaphore, #tpu.memory_space<semaphore_mem>>) src(%arg8 : memref<80x128xf32, #tpu.memory_space<vmem>>) dst(%dma_wait3A_139 : memref<80x128xf32, #tpu.memory_space<vmem_shared>>)
      tpu.yield
    }) : () -> ()
    %mul3A_25 = arith.constant 640 : i32
    %mul3A_26 = arith.muli %arg1, %mul3A_25 : i32
    %add3A_27 = arith.constant 480 : i32
    %add3A_28 = arith.addi %mul3A_26, %add3A_27 : i32
    "tpu.region"() ({
      %run_scoped3A = tpu.sem_alloc : memref<!tpu.dma_semaphore, #tpu.memory_space<semaphore_mem>>
      %dma_start3A_133 = arith.constant 0 : i32
      %dma_start3A_134 = tpu.memref_slice %arg9[%add3A_28, %dma_start3A_133] : memref<10240x128xf32, #tpu.memory_space<vmem_shared>> -> memref<80x128xf32, #tpu.memory_space<vmem_shared>>
      %dma_start3A_135 = arith.constant 0 : i32
      %dma_start3A_136 = tpu.memref_slice %arg9[%add3A_28, %dma_start3A_135] : memref<10240x128xf32, #tpu.memory_space<vmem_shared>> -> memref<80x128xf32, #tpu.memory_space<vmem_shared>>
      tpu.enqueue_dma source(%arg8 : memref<80x128xf32, #tpu.memory_space<vmem>>) target(%dma_start3A_136 : memref<80x128xf32, #tpu.memory_space<vmem_shared>>) target_semaphore(%run_scoped3A : memref<!tpu.dma_semaphore, #tpu.memory_space<semaphore_mem>>)
      %dma_wait3A = arith.constant 0 : i32
      %dma_wait3A_137 = tpu.memref_slice %arg9[%add3A_28, %dma_wait3A] : memref<10240x128xf32, #tpu.memory_space<vmem_shared>> -> memref<80x128xf32, #tpu.memory_space<vmem_shared>>
      %dma_wait3A_138 = arith.constant 0 : i32
      %dma_wait3A_139 = tpu.memref_slice %arg9[%add3A_28, %dma_wait3A_138] : memref<10240x128xf32, #tpu.memory_space<vmem_shared>> -> memref<80x128xf32, #tpu.memory_space<vmem_shared>>
      tpu.wait_dma2 semaphore(%run_scoped3A : memref<!tpu.dma_semaphore, #tpu.memory_space<semaphore_mem>>) src(%arg8 : memref<80x128xf32, #tpu.memory_space<vmem>>) dst(%dma_wait3A_139 : memref<80x128xf32, #tpu.memory_space<vmem_shared>>)
      tpu.yield
    }) : () -> ()
    %mul3A_29 = arith.constant 640 : i32
    %mul3A_30 = arith.muli %arg1, %mul3A_29 : i32
    %add3A_31 = arith.constant 560 : i32
    %add3A_32 = arith.addi %mul3A_30, %add3A_31 : i32
    "tpu.region"() ({
      %run_scoped3A = tpu.sem_alloc : memref<!tpu.dma_semaphore, #tpu.memory_space<semaphore_mem>>
      %dma_start3A_133 = arith.constant 0 : i32
      %dma_start3A_134 = tpu.memref_slice %arg9[%add3A_32, %dma_start3A_133] : memref<10240x128xf32, #tpu.memory_space<vmem_shared>> -> memref<80x128xf32, #tpu.memory_space<vmem_shared>>
      %dma_start3A_135 = arith.constant 0 : i32
      %dma_start3A_136 = tpu.memref_slice %arg9[%add3A_32, %dma_start3A_135] : memref<10240x128xf32, #tpu.memory_space<vmem_shared>> -> memref<80x128xf32, #tpu.memory_space<vmem_shared>>
      tpu.enqueue_dma source(%arg8 : memref<80x128xf32, #tpu.memory_space<vmem>>) target(%dma_start3A_136 : memref<80x128xf32, #tpu.memory_space<vmem_shared>>) target_semaphore(%run_scoped3A : memref<!tpu.dma_semaphore, #tpu.memory_space<semaphore_mem>>)
      %dma_wait3A = arith.constant 0 : i32
      %dma_wait3A_137 = tpu.memref_slice %arg9[%add3A_32, %dma_wait3A] : memref<10240x128xf32, #tpu.memory_space<vmem_shared>> -> memref<80x128xf32, #tpu.memory_space<vmem_shared>>
      %dma_wait3A_138 = arith.constant 0 : i32
      %dma_wait3A_139 = tpu.memref_slice %arg9[%add3A_32, %dma_wait3A_138] : memref<10240x128xf32, #tpu.memory_space<vmem_shared>> -> memref<80x128xf32, #tpu.memory_space<vmem_shared>>
      tpu.wait_dma2 semaphore(%run_scoped3A : memref<!tpu.dma_semaphore, #tpu.memory_space<semaphore_mem>>) src(%arg8 : memref<80x128xf32, #tpu.memory_space<vmem>>) dst(%dma_wait3A_139 : memref<80x128xf32, #tpu.memory_space<vmem_shared>>)
      tpu.yield
    }) : () -> ()
    "tpu.region"() ({
      %run_scoped3A = tpu.sem_alloc : memref<!tpu.dma_semaphore, #tpu.memory_space<semaphore_mem>>
      tpu.enqueue_dma source(%arg3 : memref<80x128xf32, #tpu.memory_space<hbm>>) target(%arg8 : memref<80x128xf32, #tpu.memory_space<vmem>>) target_semaphore(%run_scoped3A : memref<!tpu.dma_semaphore, #tpu.memory_space<semaphore_mem>>)
      tpu.wait_dma2 semaphore(%run_scoped3A : memref<!tpu.dma_semaphore, #tpu.memory_space<semaphore_mem>>) src(%arg3 : memref<80x128xf32, #tpu.memory_space<hbm>>) dst(%arg8 : memref<80x128xf32, #tpu.memory_space<vmem>>)
      tpu.yield
    }) : () -> ()
    %barrier3A = arith.constant 0 : index
    tpu.barrier barrier_id(%barrier3A)
    %mul3A_33 = arith.constant 10000 : i32
    %mul3A_34 = arith.muli %add3A, %mul3A_33 : i32
    %add3A_35 = arith.constant 0 : i32
    %add3A_36 = arith.addi %mul3A_34, %add3A_35 : i32
    %dma_start3A = tpu.memref_slice %arg2[%add3A_36] : memref<320000xi32, #tpu.memory_space<hbm>> -> memref<80xi32, #tpu.memory_space<hbm>>
    %dma_start3A_37 = tpu.memref_slice %arg2[%add3A_36] : memref<320000xi32, #tpu.memory_space<hbm>> -> memref<80xi32, #tpu.memory_space<hbm>>
    tpu.enqueue_dma source(%dma_start3A_37 : memref<80xi32, #tpu.memory_space<hbm>>) target(%arg6 : memref<80xi32, #tpu.memory_space<vmem>>) target_semaphore(%arg10 : memref<!tpu.dma_semaphore, #tpu.memory_space<semaphore_mem>>)
    %scan3A = arith.constant 0 : i32
    %scan3A_38 = arith.constant 0 : i32
    %scan3A_39 = arith.constant 63 : i32
    %scan3A_40 = arith.addi %scan3A_38, %scan3A_39 : i32
    %scan3A_41 = arith.constant 1 : i32
    %scan3A_42 = scf.for %scan3A_133 = %scan3A_38 to %scan3A_40 step %scan3A_41 iter_args(%scan3A_134 = %scan3A) -> (i32)  : i32 {
      %mul3A_135 = arith.constant 2 : i32
      %mul3A_136 = arith.muli %mul3A_135, %scan3A_133 : i32
      %add3A_137 = arith.constant 0 : i32
      %add3A_138 = arith.addi %mul3A_136, %add3A_137 : i32
      %lt3A = arith.constant 125 : i32
      %lt3A_139 = arith.cmpi slt, %add3A_138, %lt3A : i32
      %convert_element_type3A = arith.extui %lt3A_139 : i1 to i32
      %cond3A = arith.constant 0 : i32
      %cond3A_140 = arith.cmpi ne, %convert_element_type3A, %cond3A : i32
      scf.if %cond3A_140 {
        %add3A_151 = arith.constant 1 : i32
        %add3A_152 = arith.addi %add3A_138, %add3A_151 : i32
        %lt3A_153 = arith.constant 125 : i32
        %lt3A_154 = arith.cmpi slt, %add3A_152, %lt3A_153 : i32
        %convert_element_type3A_155 = arith.extui %lt3A_154 : i1 to i32
        %cond3A_156 = arith.constant 0 : i32
        %cond3A_157 = arith.cmpi ne, %convert_element_type3A_155, %cond3A_156 : i32
        scf.if %cond3A_157 {
          %add3A_164 = arith.constant 1 : i32
          %add3A_165 = arith.addi %add3A_138, %add3A_164 : i32
          %mul3A_166 = arith.constant 10000 : i32
          %mul3A_167 = arith.muli %add3A, %mul3A_166 : i32
          %mul3A_168 = arith.constant 80 : i32
          %mul3A_169 = arith.muli %add3A_165, %mul3A_168 : i32
          %add3A_170 = arith.addi %mul3A_167, %mul3A_169 : i32
          %dma_start3A_171 = tpu.memref_slice %arg2[%add3A_170] : memref<320000xi32, #tpu.memory_space<hbm>> -> memref<80xi32, #tpu.memory_space<hbm>>
          %dma_start3A_172 = tpu.memref_slice %arg2[%add3A_170] : memref<320000xi32, #tpu.memory_space<hbm>> -> memref<80xi32, #tpu.memory_space<hbm>>
          tpu.enqueue_dma source(%dma_start3A_172 : memref<80xi32, #tpu.memory_space<hbm>>) target(%arg7 : memref<80xi32, #tpu.memory_space<vmem>>) target_semaphore(%arg11 : memref<!tpu.dma_semaphore, #tpu.memory_space<semaphore_mem>>)
        } else {
        }
        %mul3A_158 = arith.constant 10000 : i32
        %mul3A_159 = arith.muli %add3A, %mul3A_158 : i32
        %mul3A_160 = arith.constant 80 : i32
        %mul3A_161 = arith.muli %add3A_138, %mul3A_160 : i32
        %add3A_162 = arith.addi %mul3A_159, %mul3A_161 : i32
        %dma_wait3A = tpu.memref_slice %arg2[%add3A_162] : memref<320000xi32, #tpu.memory_space<hbm>> -> memref<80xi32, #tpu.memory_space<hbm>>
        %dma_wait3A_163 = tpu.memref_slice %arg2[%add3A_162] : memref<320000xi32, #tpu.memory_space<hbm>> -> memref<80xi32, #tpu.memory_space<hbm>>
        tpu.wait_dma2 semaphore(%arg10 : memref<!tpu.dma_semaphore, #tpu.memory_space<semaphore_mem>>) src(%dma_wait3A_163 : memref<80xi32, #tpu.memory_space<hbm>>) dst(%arg6 : memref<80xi32, #tpu.memory_space<vmem>>)
        "tpu.region"() ({
          %run_scoped3A = tpu.sem_alloc : memref<!tpu.dma_semaphore, #tpu.memory_space<semaphore_mem>>
          %dma_start3A_164 = arith.constant 0 : i32
          %dma_start3A_165 = arith.constant 0 : i32
          %dma_start3A_166 = tpu.memref_slice %arg9[%dma_start3A_164, %dma_start3A_165] : memref<10240x128xf32, #tpu.memory_space<vmem_shared>> -> memref<10240x128xf32, #tpu.memory_space<vmem_shared>>
          tpu.enqueue_indirect_dma source(%arg8 : memref<80x128xf32, #tpu.memory_space<vmem>>) target(%dma_start3A_166 : memref<10240x128xf32, #tpu.memory_space<vmem_shared>>) offsets(%arg6 : memref<80xi32, #tpu.memory_space<vmem>>) semaphore(%run_scoped3A : memref<!tpu.dma_semaphore, #tpu.memory_space<semaphore_mem>>) {add = true}
          %dma_wait3A_167 = arith.constant 0 : i32
          %dma_wait3A_168 = arith.constant 0 : i32
          %dma_wait3A_169 = tpu.memref_slice %arg9[%dma_wait3A_167, %dma_wait3A_168] : memref<10240x128xf32, #tpu.memory_space<vmem_shared>> -> memref<10240x128xf32, #tpu.memory_space<vmem_shared>>
          tpu.wait_indirect_dma semaphore(%run_scoped3A : memref<!tpu.dma_semaphore, #tpu.memory_space<semaphore_mem>>) src(%arg8 : memref<80x128xf32, #tpu.memory_space<vmem>>) dst(%dma_wait3A_169 : memref<10240x128xf32, #tpu.memory_space<vmem_shared>>)
          tpu.yield
        }) : () -> ()
      } else {
      }
      %mul3A_141 = arith.constant 2 : i32
      %mul3A_142 = arith.muli %mul3A_141, %scan3A_133 : i32
      %add3A_143 = arith.constant 1 : i32
      %add3A_144 = arith.addi %mul3A_142, %add3A_143 : i32
      %lt3A_145 = arith.constant 125 : i32
      %lt3A_146 = arith.cmpi slt, %add3A_144, %lt3A_145 : i32
      %convert_element_type3A_147 = arith.extui %lt3A_146 : i1 to i32
      %cond3A_148 = arith.constant 0 : i32
      %cond3A_149 = arith.cmpi ne, %convert_element_type3A_147, %cond3A_148 : i32
      scf.if %cond3A_149 {
        %add3A_151 = arith.constant 1 : i32
        %add3A_152 = arith.addi %add3A_144, %add3A_151 : i32
        %lt3A_153 = arith.constant 125 : i32
        %lt3A_154 = arith.cmpi slt, %add3A_152, %lt3A_153 : i32
        %convert_element_type3A_155 = arith.extui %lt3A_154 : i1 to i32
        %cond3A_156 = arith.constant 0 : i32
        %cond3A_157 = arith.cmpi ne, %convert_element_type3A_155, %cond3A_156 : i32
        scf.if %cond3A_157 {
          %add3A_164 = arith.constant 1 : i32
          %add3A_165 = arith.addi %add3A_144, %add3A_164 : i32
          %mul3A_166 = arith.constant 10000 : i32
          %mul3A_167 = arith.muli %add3A, %mul3A_166 : i32
          %mul3A_168 = arith.constant 80 : i32
          %mul3A_169 = arith.muli %add3A_165, %mul3A_168 : i32
          %add3A_170 = arith.addi %mul3A_167, %mul3A_169 : i32
          %dma_start3A_171 = tpu.memref_slice %arg2[%add3A_170] : memref<320000xi32, #tpu.memory_space<hbm>> -> memref<80xi32, #tpu.memory_space<hbm>>
          %dma_start3A_172 = tpu.memref_slice %arg2[%add3A_170] : memref<320000xi32, #tpu.memory_space<hbm>> -> memref<80xi32, #tpu.memory_space<hbm>>
          tpu.enqueue_dma source(%dma_start3A_172 : memref<80xi32, #tpu.memory_space<hbm>>) target(%arg6 : memref<80xi32, #tpu.memory_space<vmem>>) target_semaphore(%arg10 : memref<!tpu.dma_semaphore, #tpu.memory_space<semaphore_mem>>)
        } else {
        }
        %mul3A_158 = arith.constant 10000 : i32
        %mul3A_159 = arith.muli %add3A, %mul3A_158 : i32
        %mul3A_160 = arith.constant 80 : i32
        %mul3A_161 = arith.muli %add3A_144, %mul3A_160 : i32
        %add3A_162 = arith.addi %mul3A_159, %mul3A_161 : i32
        %dma_wait3A = tpu.memref_slice %arg2[%add3A_162] : memref<320000xi32, #tpu.memory_space<hbm>> -> memref<80xi32, #tpu.memory_space<hbm>>
        %dma_wait3A_163 = tpu.memref_slice %arg2[%add3A_162] : memref<320000xi32, #tpu.memory_space<hbm>> -> memref<80xi32, #tpu.memory_space<hbm>>
        tpu.wait_dma2 semaphore(%arg11 : memref<!tpu.dma_semaphore, #tpu.memory_space<semaphore_mem>>) src(%dma_wait3A_163 : memref<80xi32, #tpu.memory_space<hbm>>) dst(%arg7 : memref<80xi32, #tpu.memory_space<vmem>>)
        "tpu.region"() ({
          %run_scoped3A = tpu.sem_alloc : memref<!tpu.dma_semaphore, #tpu.memory_space<semaphore_mem>>
          %dma_start3A_164 = arith.constant 0 : i32
          %dma_start3A_165 = arith.constant 0 : i32
          %dma_start3A_166 = tpu.memref_slice %arg9[%dma_start3A_164, %dma_start3A_165] : memref<10240x128xf32, #tpu.memory_space<vmem_shared>> -> memref<10240x128xf32, #tpu.memory_space<vmem_shared>>
          tpu.enqueue_indirect_dma source(%arg8 : memref<80x128xf32, #tpu.memory_space<vmem>>) target(%dma_start3A_166 : memref<10240x128xf32, #tpu.memory_space<vmem_shared>>) offsets(%arg7 : memref<80xi32, #tpu.memory_space<vmem>>) semaphore(%run_scoped3A : memref<!tpu.dma_semaphore, #tpu.memory_space<semaphore_mem>>) {add = true}
          %dma_wait3A_167 = arith.constant 0 : i32
          %dma_wait3A_168 = arith.constant 0 : i32
          %dma_wait3A_169 = tpu.memref_slice %arg9[%dma_wait3A_167, %dma_wait3A_168] : memref<10240x128xf32, #tpu.memory_space<vmem_shared>> -> memref<10240x128xf32, #tpu.memory_space<vmem_shared>>
          tpu.wait_indirect_dma semaphore(%run_scoped3A : memref<!tpu.dma_semaphore, #tpu.memory_space<semaphore_mem>>) src(%arg8 : memref<80x128xf32, #tpu.memory_space<vmem>>) dst(%dma_wait3A_169 : memref<10240x128xf32, #tpu.memory_space<vmem_shared>>)
          tpu.yield
        }) : () -> ()
      } else {
      }
      %scan3A_150 = arith.constant 0 : i32
      scf.yield %scan3A_150 : i32
    }
    %scan3A_43 = arith.constant 63 : i32
    %barrier3A_44 = arith.constant 0 : index
    tpu.barrier barrier_id(%barrier3A_44)
    %mul3A_45 = arith.constant 640 : i32
    %mul3A_46 = arith.muli %arg1, %mul3A_45 : i32
    %add3A_47 = arith.constant 0 : i32
    %add3A_48 = arith.addi %mul3A_46, %add3A_47 : i32
    %mul3A_49 = arith.constant 10240 : i32
    %mul3A_50 = arith.muli %arg0, %mul3A_49 : i32
    %mul3A_51 = arith.constant 640 : i32
    %mul3A_52 = arith.muli %arg1, %mul3A_51 : i32
    %add3A_53 = arith.addi %mul3A_50, %mul3A_52 : i32
    %add3A_54 = arith.constant 0 : i32
    %add3A_55 = arith.addi %add3A_53, %add3A_54 : i32
    "tpu.region"() ({
      %run_scoped3A = tpu.sem_alloc : memref<!tpu.dma_semaphore, #tpu.memory_space<semaphore_mem>>
      %dma_start3A_133 = arith.constant 0 : i32
      %dma_start3A_134 = tpu.memref_slice %arg5[%add3A_55, %dma_start3A_133] : memref<20480x128xf32, #tpu.memory_space<hbm>> -> memref<80x128xf32, #tpu.memory_space<hbm>>
      %dma_start3A_135 = arith.constant 0 : i32
      %dma_start3A_136 = tpu.memref_slice %arg9[%add3A_48, %dma_start3A_135] : memref<10240x128xf32, #tpu.memory_space<vmem_shared>> -> memref<80x128xf32, #tpu.memory_space<vmem_shared>>
      tpu.enqueue_dma source(%dma_start3A_136 : memref<80x128xf32, #tpu.memory_space<vmem_shared>>) target(%dma_start3A_134 : memref<80x128xf32, #tpu.memory_space<hbm>>) target_semaphore(%run_scoped3A : memref<!tpu.dma_semaphore, #tpu.memory_space<semaphore_mem>>)
      %dma_wait3A = arith.constant 0 : i32
      %dma_wait3A_137 = tpu.memref_slice %arg5[%add3A_55, %dma_wait3A] : memref<20480x128xf32, #tpu.memory_space<hbm>> -> memref<80x128xf32, #tpu.memory_space<hbm>>
      %dma_wait3A_138 = arith.constant 0 : i32
      %dma_wait3A_139 = tpu.memref_slice %arg9[%add3A_48, %dma_wait3A_138] : memref<10240x128xf32, #tpu.memory_space<vmem_shared>> -> memref<80x128xf32, #tpu.memory_space<vmem_shared>>
      tpu.wait_dma2 semaphore(%run_scoped3A : memref<!tpu.dma_semaphore, #tpu.memory_space<semaphore_mem>>) src(%dma_wait3A_139 : memref<80x128xf32, #tpu.memory_space<vmem_shared>>) dst(%dma_wait3A_137 : memref<80x128xf32, #tpu.memory_space<hbm>>)
      tpu.yield
    }) : () -> ()
    %mul3A_56 = arith.constant 640 : i32
    %mul3A_57 = arith.muli %arg1, %mul3A_56 : i32
    %add3A_58 = arith.constant 80 : i32
    %add3A_59 = arith.addi %mul3A_57, %add3A_58 : i32
    %mul3A_60 = arith.constant 10240 : i32
    %mul3A_61 = arith.muli %arg0, %mul3A_60 : i32
    %mul3A_62 = arith.constant 640 : i32
    %mul3A_63 = arith.muli %arg1, %mul3A_62 : i32
    %add3A_64 = arith.addi %mul3A_61, %mul3A_63 : i32
    %add3A_65 = arith.constant 80 : i32
    %add3A_66 = arith.addi %add3A_64, %add3A_65 : i32
    "tpu.region"() ({
      %run_scoped3A = tpu.sem_alloc : memref<!tpu.dma_semaphore, #tpu.memory_space<semaphore_mem>>
      %dma_start3A_133 = arith.constant 0 : i32
      %dma_start3A_134 = tpu.memref_slice %arg5[%add3A_66, %dma_start3A_133] : memref<20480x128xf32, #tpu.memory_space<hbm>> -> memref<80x128xf32, #tpu.memory_space<hbm>>
      %dma_start3A_135 = arith.constant 0 : i32
      %dma_start3A_136 = tpu.memref_slice %arg9[%add3A_59, %dma_start3A_135] : memref<10240x128xf32, #tpu.memory_space<vmem_shared>> -> memref<80x128xf32, #tpu.memory_space<vmem_shared>>
      tpu.enqueue_dma source(%dma_start3A_136 : memref<80x128xf32, #tpu.memory_space<vmem_shared>>) target(%dma_start3A_134 : memref<80x128xf32, #tpu.memory_space<hbm>>) target_semaphore(%run_scoped3A : memref<!tpu.dma_semaphore, #tpu.memory_space<semaphore_mem>>)
      %dma_wait3A = arith.constant 0 : i32
      %dma_wait3A_137 = tpu.memref_slice %arg5[%add3A_66, %dma_wait3A] : memref<20480x128xf32, #tpu.memory_space<hbm>> -> memref<80x128xf32, #tpu.memory_space<hbm>>
      %dma_wait3A_138 = arith.constant 0 : i32
      %dma_wait3A_139 = tpu.memref_slice %arg9[%add3A_59, %dma_wait3A_138] : memref<10240x128xf32, #tpu.memory_space<vmem_shared>> -> memref<80x128xf32, #tpu.memory_space<vmem_shared>>
      tpu.wait_dma2 semaphore(%run_scoped3A : memref<!tpu.dma_semaphore, #tpu.memory_space<semaphore_mem>>) src(%dma_wait3A_139 : memref<80x128xf32, #tpu.memory_space<vmem_shared>>) dst(%dma_wait3A_137 : memref<80x128xf32, #tpu.memory_space<hbm>>)
      tpu.yield
    }) : () -> ()
    %mul3A_67 = arith.constant 640 : i32
    %mul3A_68 = arith.muli %arg1, %mul3A_67 : i32
    %add3A_69 = arith.constant 160 : i32
    %add3A_70 = arith.addi %mul3A_68, %add3A_69 : i32
    %mul3A_71 = arith.constant 10240 : i32
    %mul3A_72 = arith.muli %arg0, %mul3A_71 : i32
    %mul3A_73 = arith.constant 640 : i32
    %mul3A_74 = arith.muli %arg1, %mul3A_73 : i32
    %add3A_75 = arith.addi %mul3A_72, %mul3A_74 : i32
    %add3A_76 = arith.constant 160 : i32
    %add3A_77 = arith.addi %add3A_75, %add3A_76 : i32
    "tpu.region"() ({
      %run_scoped3A = tpu.sem_alloc : memref<!tpu.dma_semaphore, #tpu.memory_space<semaphore_mem>>
      %dma_start3A_133 = arith.constant 0 : i32
      %dma_start3A_134 = tpu.memref_slice %arg5[%add3A_77, %dma_start3A_133] : memref<20480x128xf32, #tpu.memory_space<hbm>> -> memref<80x128xf32, #tpu.memory_space<hbm>>
      %dma_start3A_135 = arith.constant 0 : i32
      %dma_start3A_136 = tpu.memref_slice %arg9[%add3A_70, %dma_start3A_135] : memref<10240x128xf32, #tpu.memory_space<vmem_shared>> -> memref<80x128xf32, #tpu.memory_space<vmem_shared>>
      tpu.enqueue_dma source(%dma_start3A_136 : memref<80x128xf32, #tpu.memory_space<vmem_shared>>) target(%dma_start3A_134 : memref<80x128xf32, #tpu.memory_space<hbm>>) target_semaphore(%run_scoped3A : memref<!tpu.dma_semaphore, #tpu.memory_space<semaphore_mem>>)
      %dma_wait3A = arith.constant 0 : i32
      %dma_wait3A_137 = tpu.memref_slice %arg5[%add3A_77, %dma_wait3A] : memref<20480x128xf32, #tpu.memory_space<hbm>> -> memref<80x128xf32, #tpu.memory_space<hbm>>
      %dma_wait3A_138 = arith.constant 0 : i32
      %dma_wait3A_139 = tpu.memref_slice %arg9[%add3A_70, %dma_wait3A_138] : memref<10240x128xf32, #tpu.memory_space<vmem_shared>> -> memref<80x128xf32, #tpu.memory_space<vmem_shared>>
      tpu.wait_dma2 semaphore(%run_scoped3A : memref<!tpu.dma_semaphore, #tpu.memory_space<semaphore_mem>>) src(%dma_wait3A_139 : memref<80x128xf32, #tpu.memory_space<vmem_shared>>) dst(%dma_wait3A_137 : memref<80x128xf32, #tpu.memory_space<hbm>>)
      tpu.yield
    }) : () -> ()
    %mul3A_78 = arith.constant 640 : i32
    %mul3A_79 = arith.muli %arg1, %mul3A_78 : i32
    %add3A_80 = arith.constant 240 : i32
    %add3A_81 = arith.addi %mul3A_79, %add3A_80 : i32
    %mul3A_82 = arith.constant 10240 : i32
    %mul3A_83 = arith.muli %arg0, %mul3A_82 : i32
    %mul3A_84 = arith.constant 640 : i32
    %mul3A_85 = arith.muli %arg1, %mul3A_84 : i32
    %add3A_86 = arith.addi %mul3A_83, %mul3A_85 : i32
    %add3A_87 = arith.constant 240 : i32
    %add3A_88 = arith.addi %add3A_86, %add3A_87 : i32
    "tpu.region"() ({
      %run_scoped3A = tpu.sem_alloc : memref<!tpu.dma_semaphore, #tpu.memory_space<semaphore_mem>>
      %dma_start3A_133 = arith.constant 0 : i32
      %dma_start3A_134 = tpu.memref_slice %arg5[%add3A_88, %dma_start3A_133] : memref<20480x128xf32, #tpu.memory_space<hbm>> -> memref<80x128xf32, #tpu.memory_space<hbm>>
      %dma_start3A_135 = arith.constant 0 : i32
      %dma_start3A_136 = tpu.memref_slice %arg9[%add3A_81, %dma_start3A_135] : memref<10240x128xf32, #tpu.memory_space<vmem_shared>> -> memref<80x128xf32, #tpu.memory_space<vmem_shared>>
      tpu.enqueue_dma source(%dma_start3A_136 : memref<80x128xf32, #tpu.memory_space<vmem_shared>>) target(%dma_start3A_134 : memref<80x128xf32, #tpu.memory_space<hbm>>) target_semaphore(%run_scoped3A : memref<!tpu.dma_semaphore, #tpu.memory_space<semaphore_mem>>)
      %dma_wait3A = arith.constant 0 : i32
      %dma_wait3A_137 = tpu.memref_slice %arg5[%add3A_88, %dma_wait3A] : memref<20480x128xf32, #tpu.memory_space<hbm>> -> memref<80x128xf32, #tpu.memory_space<hbm>>
      %dma_wait3A_138 = arith.constant 0 : i32
      %dma_wait3A_139 = tpu.memref_slice %arg9[%add3A_81, %dma_wait3A_138] : memref<10240x128xf32, #tpu.memory_space<vmem_shared>> -> memref<80x128xf32, #tpu.memory_space<vmem_shared>>
      tpu.wait_dma2 semaphore(%run_scoped3A : memref<!tpu.dma_semaphore, #tpu.memory_space<semaphore_mem>>) src(%dma_wait3A_139 : memref<80x128xf32, #tpu.memory_space<vmem_shared>>) dst(%dma_wait3A_137 : memref<80x128xf32, #tpu.memory_space<hbm>>)
      tpu.yield
    }) : () -> ()
    %mul3A_89 = arith.constant 640 : i32
    %mul3A_90 = arith.muli %arg1, %mul3A_89 : i32
    %add3A_91 = arith.constant 320 : i32
    %add3A_92 = arith.addi %mul3A_90, %add3A_91 : i32
    %mul3A_93 = arith.constant 10240 : i32
    %mul3A_94 = arith.muli %arg0, %mul3A_93 : i32
    %mul3A_95 = arith.constant 640 : i32
    %mul3A_96 = arith.muli %arg1, %mul3A_95 : i32
    %add3A_97 = arith.addi %mul3A_94, %mul3A_96 : i32
    %add3A_98 = arith.constant 320 : i32
    %add3A_99 = arith.addi %add3A_97, %add3A_98 : i32
    "tpu.region"() ({
      %run_scoped3A = tpu.sem_alloc : memref<!tpu.dma_semaphore, #tpu.memory_space<semaphore_mem>>
      %dma_start3A_133 = arith.constant 0 : i32
      %dma_start3A_134 = tpu.memref_slice %arg5[%add3A_99, %dma_start3A_133] : memref<20480x128xf32, #tpu.memory_space<hbm>> -> memref<80x128xf32, #tpu.memory_space<hbm>>
      %dma_start3A_135 = arith.constant 0 : i32
      %dma_start3A_136 = tpu.memref_slice %arg9[%add3A_92, %dma_start3A_135] : memref<10240x128xf32, #tpu.memory_space<vmem_shared>> -> memref<80x128xf32, #tpu.memory_space<vmem_shared>>
      tpu.enqueue_dma source(%dma_start3A_136 : memref<80x128xf32, #tpu.memory_space<vmem_shared>>) target(%dma_start3A_134 : memref<80x128xf32, #tpu.memory_space<hbm>>) target_semaphore(%run_scoped3A : memref<!tpu.dma_semaphore, #tpu.memory_space<semaphore_mem>>)
      %dma_wait3A = arith.constant 0 : i32
      %dma_wait3A_137 = tpu.memref_slice %arg5[%add3A_99, %dma_wait3A] : memref<20480x128xf32, #tpu.memory_space<hbm>> -> memref<80x128xf32, #tpu.memory_space<hbm>>
      %dma_wait3A_138 = arith.constant 0 : i32
      %dma_wait3A_139 = tpu.memref_slice %arg9[%add3A_92, %dma_wait3A_138] : memref<10240x128xf32, #tpu.memory_space<vmem_shared>> -> memref<80x128xf32, #tpu.memory_space<vmem_shared>>
      tpu.wait_dma2 semaphore(%run_scoped3A : memref<!tpu.dma_semaphore, #tpu.memory_space<semaphore_mem>>) src(%dma_wait3A_139 : memref<80x128xf32, #tpu.memory_space<vmem_shared>>) dst(%dma_wait3A_137 : memref<80x128xf32, #tpu.memory_space<hbm>>)
      tpu.yield
    }) : () -> ()
    %mul3A_100 = arith.constant 640 : i32
    %mul3A_101 = arith.muli %arg1, %mul3A_100 : i32
    %add3A_102 = arith.constant 400 : i32
    %add3A_103 = arith.addi %mul3A_101, %add3A_102 : i32
    %mul3A_104 = arith.constant 10240 : i32
    %mul3A_105 = arith.muli %arg0, %mul3A_104 : i32
    %mul3A_106 = arith.constant 640 : i32
    %mul3A_107 = arith.muli %arg1, %mul3A_106 : i32
    %add3A_108 = arith.addi %mul3A_105, %mul3A_107 : i32
    %add3A_109 = arith.constant 400 : i32
    %add3A_110 = arith.addi %add3A_108, %add3A_109 : i32
    "tpu.region"() ({
      %run_scoped3A = tpu.sem_alloc : memref<!tpu.dma_semaphore, #tpu.memory_space<semaphore_mem>>
      %dma_start3A_133 = arith.constant 0 : i32
      %dma_start3A_134 = tpu.memref_slice %arg5[%add3A_110, %dma_start3A_133] : memref<20480x128xf32, #tpu.memory_space<hbm>> -> memref<80x128xf32, #tpu.memory_space<hbm>>
      %dma_start3A_135 = arith.constant 0 : i32
      %dma_start3A_136 = tpu.memref_slice %arg9[%add3A_103, %dma_start3A_135] : memref<10240x128xf32, #tpu.memory_space<vmem_shared>> -> memref<80x128xf32, #tpu.memory_space<vmem_shared>>
      tpu.enqueue_dma source(%dma_start3A_136 : memref<80x128xf32, #tpu.memory_space<vmem_shared>>) target(%dma_start3A_134 : memref<80x128xf32, #tpu.memory_space<hbm>>) target_semaphore(%run_scoped3A : memref<!tpu.dma_semaphore, #tpu.memory_space<semaphore_mem>>)
      %dma_wait3A = arith.constant 0 : i32
      %dma_wait3A_137 = tpu.memref_slice %arg5[%add3A_110, %dma_wait3A] : memref<20480x128xf32, #tpu.memory_space<hbm>> -> memref<80x128xf32, #tpu.memory_space<hbm>>
      %dma_wait3A_138 = arith.constant 0 : i32
      %dma_wait3A_139 = tpu.memref_slice %arg9[%add3A_103, %dma_wait3A_138] : memref<10240x128xf32, #tpu.memory_space<vmem_shared>> -> memref<80x128xf32, #tpu.memory_space<vmem_shared>>
      tpu.wait_dma2 semaphore(%run_scoped3A : memref<!tpu.dma_semaphore, #tpu.memory_space<semaphore_mem>>) src(%dma_wait3A_139 : memref<80x128xf32, #tpu.memory_space<vmem_shared>>) dst(%dma_wait3A_137 : memref<80x128xf32, #tpu.memory_space<hbm>>)
      tpu.yield
    }) : () -> ()
    %mul3A_111 = arith.constant 640 : i32
    %mul3A_112 = arith.muli %arg1, %mul3A_111 : i32
    %add3A_113 = arith.constant 480 : i32
    %add3A_114 = arith.addi %mul3A_112, %add3A_113 : i32
    %mul3A_115 = arith.constant 10240 : i32
    %mul3A_116 = arith.muli %arg0, %mul3A_115 : i32
    %mul3A_117 = arith.constant 640 : i32
    %mul3A_118 = arith.muli %arg1, %mul3A_117 : i32
    %add3A_119 = arith.addi %mul3A_116, %mul3A_118 : i32
    %add3A_120 = arith.constant 480 : i32
    %add3A_121 = arith.addi %add3A_119, %add3A_120 : i32
    "tpu.region"() ({
      %run_scoped3A = tpu.sem_alloc : memref<!tpu.dma_semaphore, #tpu.memory_space<semaphore_mem>>
      %dma_start3A_133 = arith.constant 0 : i32
      %dma_start3A_134 = tpu.memref_slice %arg5[%add3A_121, %dma_start3A_133] : memref<20480x128xf32, #tpu.memory_space<hbm>> -> memref<80x128xf32, #tpu.memory_space<hbm>>
      %dma_start3A_135 = arith.constant 0 : i32
      %dma_start3A_136 = tpu.memref_slice %arg9[%add3A_114, %dma_start3A_135] : memref<10240x128xf32, #tpu.memory_space<vmem_shared>> -> memref<80x128xf32, #tpu.memory_space<vmem_shared>>
      tpu.enqueue_dma source(%dma_start3A_136 : memref<80x128xf32, #tpu.memory_space<vmem_shared>>) target(%dma_start3A_134 : memref<80x128xf32, #tpu.memory_space<hbm>>) target_semaphore(%run_scoped3A : memref<!tpu.dma_semaphore, #tpu.memory_space<semaphore_mem>>)
      %dma_wait3A = arith.constant 0 : i32
      %dma_wait3A_137 = tpu.memref_slice %arg5[%add3A_121, %dma_wait3A] : memref<20480x128xf32, #tpu.memory_space<hbm>> -> memref<80x128xf32, #tpu.memory_space<hbm>>
      %dma_wait3A_138 = arith.constant 0 : i32
      %dma_wait3A_139 = tpu.memref_slice %arg9[%add3A_114, %dma_wait3A_138] : memref<10240x128xf32, #tpu.memory_space<vmem_shared>> -> memref<80x128xf32, #tpu.memory_space<vmem_shared>>
      tpu.wait_dma2 semaphore(%run_scoped3A : memref<!tpu.dma_semaphore, #tpu.memory_space<semaphore_mem>>) src(%dma_wait3A_139 : memref<80x128xf32, #tpu.memory_space<vmem_shared>>) dst(%dma_wait3A_137 : memref<80x128xf32, #tpu.memory_space<hbm>>)
      tpu.yield
    }) : () -> ()
    %mul3A_122 = arith.constant 640 : i32
    %mul3A_123 = arith.muli %arg1, %mul3A_122 : i32
    %add3A_124 = arith.constant 560 : i32
    %add3A_125 = arith.addi %mul3A_123, %add3A_124 : i32
    %mul3A_126 = arith.constant 10240 : i32
    %mul3A_127 = arith.muli %arg0, %mul3A_126 : i32
    %mul3A_128 = arith.constant 640 : i32
    %mul3A_129 = arith.muli %arg1, %mul3A_128 : i32
    %add3A_130 = arith.addi %mul3A_127, %mul3A_129 : i32
    %add3A_131 = arith.constant 560 : i32
    %add3A_132 = arith.addi %add3A_130, %add3A_131 : i32
    "tpu.region"() ({
      %run_scoped3A = tpu.sem_alloc : memref<!tpu.dma_semaphore, #tpu.memory_space<semaphore_mem>>
      %dma_start3A_133 = arith.constant 0 : i32
      %dma_start3A_134 = tpu.memref_slice %arg5[%add3A_132, %dma_start3A_133] : memref<20480x128xf32, #tpu.memory_space<hbm>> -> memref<80x128xf32, #tpu.memory_space<hbm>>
      %dma_start3A_135 = arith.constant 0 : i32
      %dma_start3A_136 = tpu.memref_slice %arg9[%add3A_125, %dma_start3A_135] : memref<10240x128xf32, #tpu.memory_space<vmem_shared>> -> memref<80x128xf32, #tpu.memory_space<vmem_shared>>
      tpu.enqueue_dma source(%dma_start3A_136 : memref<80x128xf32, #tpu.memory_space<vmem_shared>>) target(%dma_start3A_134 : memref<80x128xf32, #tpu.memory_space<hbm>>) target_semaphore(%run_scoped3A : memref<!tpu.dma_semaphore, #tpu.memory_space<semaphore_mem>>)
      %dma_wait3A = arith.constant 0 : i32
      %dma_wait3A_137 = tpu.memref_slice %arg5[%add3A_132, %dma_wait3A] : memref<20480x128xf32, #tpu.memory_space<hbm>> -> memref<80x128xf32, #tpu.memory_space<hbm>>
      %dma_wait3A_138 = arith.constant 0 : i32
      %dma_wait3A_139 = tpu.memref_slice %arg9[%add3A_125, %dma_wait3A_138] : memref<10240x128xf32, #tpu.memory_space<vmem_shared>> -> memref<80x128xf32, #tpu.memory_space<vmem_shared>>
      tpu.wait_dma2 semaphore(%run_scoped3A : memref<!tpu.dma_semaphore, #tpu.memory_space<semaphore_mem>>) src(%dma_wait3A_139 : memref<80x128xf32, #tpu.memory_space<vmem_shared>>) dst(%dma_wait3A_137 : memref<80x128xf32, #tpu.memory_space<hbm>>)
      tpu.yield
    }) : () -> ()
    return
  }
}

#map = affine_map<(d0, d1) -> (0, 0)>
#map1 = affine_map<(d0, d1) -> (0)>
module attributes {stable_mosaic.version = 14 : i64} {
  func.func @_agg_sc(%arg0: i32, %arg1: i32, %arg2: memref<10000x128xf32, #tpu.memory_space<hbm>>, %arg3: memref<320000xi32, #tpu.memory_space<hbm>>, %arg4: memref<320000xi32, #tpu.memory_space<hbm>>, %arg5: memref<80x128xf32, #tpu.memory_space<hbm>>, %arg6: memref<20480x128xf32, #tpu.memory_space<hbm>>, %arg7: memref<80xi32, #tpu.memory_space<vmem>>, %arg8: memref<80xi32, #tpu.memory_space<vmem>>, %arg9: memref<80xi32, #tpu.memory_space<vmem>>, %arg10: memref<80xi32, #tpu.memory_space<vmem>>, %arg11: memref<80x128xf32, #tpu.memory_space<vmem>>, %arg12: memref<80x128xf32, #tpu.memory_space<vmem>>, %arg13: memref<10240x128xf32, #tpu.memory_space<vmem_shared>>, %arg14: memref<!tpu.dma_semaphore, #tpu.memory_space<semaphore_mem>>, %arg15: memref<!tpu.dma_semaphore, #tpu.memory_space<semaphore_mem>>, %arg16: memref<!tpu.dma_semaphore, #tpu.memory_space<semaphore_mem>>, %arg17: memref<!tpu.dma_semaphore, #tpu.memory_space<semaphore_mem>>) attributes {dimension_semantics = [#tpu.dimension_semantics<core_parallel>, #tpu.dimension_semantics<subcore_parallel>], iteration_bounds = array<i64: 2, 16>, scalar_prefetch = 0 : i64, scratch_operands = 11 : i64, tpu.core_type = #tpu.core_type<sc_vector_subcore>, window_params = [{transform_indices = #map}, {transform_indices = #map1}, {transform_indices = #map1}, {transform_indices = #map}, {transform_indices = #map}]} {
    %mul3A = arith.constant 16 : i32
    %mul3A_0 = arith.muli %arg0, %mul3A : i32
    %add3A = arith.addi %mul3A_0, %arg1 : i32
    "tpu.region"() ({
      %run_scoped3A = tpu.sem_alloc : memref<!tpu.dma_semaphore, #tpu.memory_space<semaphore_mem>>
      tpu.enqueue_dma source(%arg5 : memref<80x128xf32, #tpu.memory_space<hbm>>) target(%arg11 : memref<80x128xf32, #tpu.memory_space<vmem>>) target_semaphore(%run_scoped3A : memref<!tpu.dma_semaphore, #tpu.memory_space<semaphore_mem>>)
      tpu.wait_dma2 semaphore(%run_scoped3A : memref<!tpu.dma_semaphore, #tpu.memory_space<semaphore_mem>>) src(%arg5 : memref<80x128xf32, #tpu.memory_space<hbm>>) dst(%arg11 : memref<80x128xf32, #tpu.memory_space<vmem>>)
      tpu.yield
    }) : () -> ()
    %mul3A_1 = arith.constant 640 : i32
    %mul3A_2 = arith.muli %arg1, %mul3A_1 : i32
    %add3A_3 = arith.constant 0 : i32
    %add3A_4 = arith.addi %mul3A_2, %add3A_3 : i32
    "tpu.region"() ({
      %run_scoped3A = tpu.sem_alloc : memref<!tpu.dma_semaphore, #tpu.memory_space<semaphore_mem>>
      %dma_start3A_153 = arith.constant 0 : i32
      %dma_start3A_154 = tpu.memref_slice %arg13[%add3A_4, %dma_start3A_153] : memref<10240x128xf32, #tpu.memory_space<vmem_shared>> -> memref<80x128xf32, #tpu.memory_space<vmem_shared>>
      %dma_start3A_155 = arith.constant 0 : i32
      %dma_start3A_156 = tpu.memref_slice %arg13[%add3A_4, %dma_start3A_155] : memref<10240x128xf32, #tpu.memory_space<vmem_shared>> -> memref<80x128xf32, #tpu.memory_space<vmem_shared>>
      tpu.enqueue_dma source(%arg11 : memref<80x128xf32, #tpu.memory_space<vmem>>) target(%dma_start3A_156 : memref<80x128xf32, #tpu.memory_space<vmem_shared>>) target_semaphore(%run_scoped3A : memref<!tpu.dma_semaphore, #tpu.memory_space<semaphore_mem>>)
      %dma_wait3A_157 = arith.constant 0 : i32
      %dma_wait3A_158 = tpu.memref_slice %arg13[%add3A_4, %dma_wait3A_157] : memref<10240x128xf32, #tpu.memory_space<vmem_shared>> -> memref<80x128xf32, #tpu.memory_space<vmem_shared>>
      %dma_wait3A_159 = arith.constant 0 : i32
      %dma_wait3A_160 = tpu.memref_slice %arg13[%add3A_4, %dma_wait3A_159] : memref<10240x128xf32, #tpu.memory_space<vmem_shared>> -> memref<80x128xf32, #tpu.memory_space<vmem_shared>>
      tpu.wait_dma2 semaphore(%run_scoped3A : memref<!tpu.dma_semaphore, #tpu.memory_space<semaphore_mem>>) src(%arg11 : memref<80x128xf32, #tpu.memory_space<vmem>>) dst(%dma_wait3A_160 : memref<80x128xf32, #tpu.memory_space<vmem_shared>>)
      tpu.yield
    }) : () -> ()
    %mul3A_5 = arith.constant 640 : i32
    %mul3A_6 = arith.muli %arg1, %mul3A_5 : i32
    %add3A_7 = arith.constant 80 : i32
    %add3A_8 = arith.addi %mul3A_6, %add3A_7 : i32
    "tpu.region"() ({
      %run_scoped3A = tpu.sem_alloc : memref<!tpu.dma_semaphore, #tpu.memory_space<semaphore_mem>>
      %dma_start3A_153 = arith.constant 0 : i32
      %dma_start3A_154 = tpu.memref_slice %arg13[%add3A_8, %dma_start3A_153] : memref<10240x128xf32, #tpu.memory_space<vmem_shared>> -> memref<80x128xf32, #tpu.memory_space<vmem_shared>>
      %dma_start3A_155 = arith.constant 0 : i32
      %dma_start3A_156 = tpu.memref_slice %arg13[%add3A_8, %dma_start3A_155] : memref<10240x128xf32, #tpu.memory_space<vmem_shared>> -> memref<80x128xf32, #tpu.memory_space<vmem_shared>>
      tpu.enqueue_dma source(%arg11 : memref<80x128xf32, #tpu.memory_space<vmem>>) target(%dma_start3A_156 : memref<80x128xf32, #tpu.memory_space<vmem_shared>>) target_semaphore(%run_scoped3A : memref<!tpu.dma_semaphore, #tpu.memory_space<semaphore_mem>>)
      %dma_wait3A_157 = arith.constant 0 : i32
      %dma_wait3A_158 = tpu.memref_slice %arg13[%add3A_8, %dma_wait3A_157] : memref<10240x128xf32, #tpu.memory_space<vmem_shared>> -> memref<80x128xf32, #tpu.memory_space<vmem_shared>>
      %dma_wait3A_159 = arith.constant 0 : i32
      %dma_wait3A_160 = tpu.memref_slice %arg13[%add3A_8, %dma_wait3A_159] : memref<10240x128xf32, #tpu.memory_space<vmem_shared>> -> memref<80x128xf32, #tpu.memory_space<vmem_shared>>
      tpu.wait_dma2 semaphore(%run_scoped3A : memref<!tpu.dma_semaphore, #tpu.memory_space<semaphore_mem>>) src(%arg11 : memref<80x128xf32, #tpu.memory_space<vmem>>) dst(%dma_wait3A_160 : memref<80x128xf32, #tpu.memory_space<vmem_shared>>)
      tpu.yield
    }) : () -> ()
    %mul3A_9 = arith.constant 640 : i32
    %mul3A_10 = arith.muli %arg1, %mul3A_9 : i32
    %add3A_11 = arith.constant 160 : i32
    %add3A_12 = arith.addi %mul3A_10, %add3A_11 : i32
    "tpu.region"() ({
      %run_scoped3A = tpu.sem_alloc : memref<!tpu.dma_semaphore, #tpu.memory_space<semaphore_mem>>
      %dma_start3A_153 = arith.constant 0 : i32
      %dma_start3A_154 = tpu.memref_slice %arg13[%add3A_12, %dma_start3A_153] : memref<10240x128xf32, #tpu.memory_space<vmem_shared>> -> memref<80x128xf32, #tpu.memory_space<vmem_shared>>
      %dma_start3A_155 = arith.constant 0 : i32
      %dma_start3A_156 = tpu.memref_slice %arg13[%add3A_12, %dma_start3A_155] : memref<10240x128xf32, #tpu.memory_space<vmem_shared>> -> memref<80x128xf32, #tpu.memory_space<vmem_shared>>
      tpu.enqueue_dma source(%arg11 : memref<80x128xf32, #tpu.memory_space<vmem>>) target(%dma_start3A_156 : memref<80x128xf32, #tpu.memory_space<vmem_shared>>) target_semaphore(%run_scoped3A : memref<!tpu.dma_semaphore, #tpu.memory_space<semaphore_mem>>)
      %dma_wait3A_157 = arith.constant 0 : i32
      %dma_wait3A_158 = tpu.memref_slice %arg13[%add3A_12, %dma_wait3A_157] : memref<10240x128xf32, #tpu.memory_space<vmem_shared>> -> memref<80x128xf32, #tpu.memory_space<vmem_shared>>
      %dma_wait3A_159 = arith.constant 0 : i32
      %dma_wait3A_160 = tpu.memref_slice %arg13[%add3A_12, %dma_wait3A_159] : memref<10240x128xf32, #tpu.memory_space<vmem_shared>> -> memref<80x128xf32, #tpu.memory_space<vmem_shared>>
      tpu.wait_dma2 semaphore(%run_scoped3A : memref<!tpu.dma_semaphore, #tpu.memory_space<semaphore_mem>>) src(%arg11 : memref<80x128xf32, #tpu.memory_space<vmem>>) dst(%dma_wait3A_160 : memref<80x128xf32, #tpu.memory_space<vmem_shared>>)
      tpu.yield
    }) : () -> ()
    %mul3A_13 = arith.constant 640 : i32
    %mul3A_14 = arith.muli %arg1, %mul3A_13 : i32
    %add3A_15 = arith.constant 240 : i32
    %add3A_16 = arith.addi %mul3A_14, %add3A_15 : i32
    "tpu.region"() ({
      %run_scoped3A = tpu.sem_alloc : memref<!tpu.dma_semaphore, #tpu.memory_space<semaphore_mem>>
      %dma_start3A_153 = arith.constant 0 : i32
      %dma_start3A_154 = tpu.memref_slice %arg13[%add3A_16, %dma_start3A_153] : memref<10240x128xf32, #tpu.memory_space<vmem_shared>> -> memref<80x128xf32, #tpu.memory_space<vmem_shared>>
      %dma_start3A_155 = arith.constant 0 : i32
      %dma_start3A_156 = tpu.memref_slice %arg13[%add3A_16, %dma_start3A_155] : memref<10240x128xf32, #tpu.memory_space<vmem_shared>> -> memref<80x128xf32, #tpu.memory_space<vmem_shared>>
      tpu.enqueue_dma source(%arg11 : memref<80x128xf32, #tpu.memory_space<vmem>>) target(%dma_start3A_156 : memref<80x128xf32, #tpu.memory_space<vmem_shared>>) target_semaphore(%run_scoped3A : memref<!tpu.dma_semaphore, #tpu.memory_space<semaphore_mem>>)
      %dma_wait3A_157 = arith.constant 0 : i32
      %dma_wait3A_158 = tpu.memref_slice %arg13[%add3A_16, %dma_wait3A_157] : memref<10240x128xf32, #tpu.memory_space<vmem_shared>> -> memref<80x128xf32, #tpu.memory_space<vmem_shared>>
      %dma_wait3A_159 = arith.constant 0 : i32
      %dma_wait3A_160 = tpu.memref_slice %arg13[%add3A_16, %dma_wait3A_159] : memref<10240x128xf32, #tpu.memory_space<vmem_shared>> -> memref<80x128xf32, #tpu.memory_space<vmem_shared>>
      tpu.wait_dma2 semaphore(%run_scoped3A : memref<!tpu.dma_semaphore, #tpu.memory_space<semaphore_mem>>) src(%arg11 : memref<80x128xf32, #tpu.memory_space<vmem>>) dst(%dma_wait3A_160 : memref<80x128xf32, #tpu.memory_space<vmem_shared>>)
      tpu.yield
    }) : () -> ()
    %mul3A_17 = arith.constant 640 : i32
    %mul3A_18 = arith.muli %arg1, %mul3A_17 : i32
    %add3A_19 = arith.constant 320 : i32
    %add3A_20 = arith.addi %mul3A_18, %add3A_19 : i32
    "tpu.region"() ({
      %run_scoped3A = tpu.sem_alloc : memref<!tpu.dma_semaphore, #tpu.memory_space<semaphore_mem>>
      %dma_start3A_153 = arith.constant 0 : i32
      %dma_start3A_154 = tpu.memref_slice %arg13[%add3A_20, %dma_start3A_153] : memref<10240x128xf32, #tpu.memory_space<vmem_shared>> -> memref<80x128xf32, #tpu.memory_space<vmem_shared>>
      %dma_start3A_155 = arith.constant 0 : i32
      %dma_start3A_156 = tpu.memref_slice %arg13[%add3A_20, %dma_start3A_155] : memref<10240x128xf32, #tpu.memory_space<vmem_shared>> -> memref<80x128xf32, #tpu.memory_space<vmem_shared>>
      tpu.enqueue_dma source(%arg11 : memref<80x128xf32, #tpu.memory_space<vmem>>) target(%dma_start3A_156 : memref<80x128xf32, #tpu.memory_space<vmem_shared>>) target_semaphore(%run_scoped3A : memref<!tpu.dma_semaphore, #tpu.memory_space<semaphore_mem>>)
      %dma_wait3A_157 = arith.constant 0 : i32
      %dma_wait3A_158 = tpu.memref_slice %arg13[%add3A_20, %dma_wait3A_157] : memref<10240x128xf32, #tpu.memory_space<vmem_shared>> -> memref<80x128xf32, #tpu.memory_space<vmem_shared>>
      %dma_wait3A_159 = arith.constant 0 : i32
      %dma_wait3A_160 = tpu.memref_slice %arg13[%add3A_20, %dma_wait3A_159] : memref<10240x128xf32, #tpu.memory_space<vmem_shared>> -> memref<80x128xf32, #tpu.memory_space<vmem_shared>>
      tpu.wait_dma2 semaphore(%run_scoped3A : memref<!tpu.dma_semaphore, #tpu.memory_space<semaphore_mem>>) src(%arg11 : memref<80x128xf32, #tpu.memory_space<vmem>>) dst(%dma_wait3A_160 : memref<80x128xf32, #tpu.memory_space<vmem_shared>>)
      tpu.yield
    }) : () -> ()
    %mul3A_21 = arith.constant 640 : i32
    %mul3A_22 = arith.muli %arg1, %mul3A_21 : i32
    %add3A_23 = arith.constant 400 : i32
    %add3A_24 = arith.addi %mul3A_22, %add3A_23 : i32
    "tpu.region"() ({
      %run_scoped3A = tpu.sem_alloc : memref<!tpu.dma_semaphore, #tpu.memory_space<semaphore_mem>>
      %dma_start3A_153 = arith.constant 0 : i32
      %dma_start3A_154 = tpu.memref_slice %arg13[%add3A_24, %dma_start3A_153] : memref<10240x128xf32, #tpu.memory_space<vmem_shared>> -> memref<80x128xf32, #tpu.memory_space<vmem_shared>>
      %dma_start3A_155 = arith.constant 0 : i32
      %dma_start3A_156 = tpu.memref_slice %arg13[%add3A_24, %dma_start3A_155] : memref<10240x128xf32, #tpu.memory_space<vmem_shared>> -> memref<80x128xf32, #tpu.memory_space<vmem_shared>>
      tpu.enqueue_dma source(%arg11 : memref<80x128xf32, #tpu.memory_space<vmem>>) target(%dma_start3A_156 : memref<80x128xf32, #tpu.memory_space<vmem_shared>>) target_semaphore(%run_scoped3A : memref<!tpu.dma_semaphore, #tpu.memory_space<semaphore_mem>>)
      %dma_wait3A_157 = arith.constant 0 : i32
      %dma_wait3A_158 = tpu.memref_slice %arg13[%add3A_24, %dma_wait3A_157] : memref<10240x128xf32, #tpu.memory_space<vmem_shared>> -> memref<80x128xf32, #tpu.memory_space<vmem_shared>>
      %dma_wait3A_159 = arith.constant 0 : i32
      %dma_wait3A_160 = tpu.memref_slice %arg13[%add3A_24, %dma_wait3A_159] : memref<10240x128xf32, #tpu.memory_space<vmem_shared>> -> memref<80x128xf32, #tpu.memory_space<vmem_shared>>
      tpu.wait_dma2 semaphore(%run_scoped3A : memref<!tpu.dma_semaphore, #tpu.memory_space<semaphore_mem>>) src(%arg11 : memref<80x128xf32, #tpu.memory_space<vmem>>) dst(%dma_wait3A_160 : memref<80x128xf32, #tpu.memory_space<vmem_shared>>)
      tpu.yield
    }) : () -> ()
    %mul3A_25 = arith.constant 640 : i32
    %mul3A_26 = arith.muli %arg1, %mul3A_25 : i32
    %add3A_27 = arith.constant 480 : i32
    %add3A_28 = arith.addi %mul3A_26, %add3A_27 : i32
    "tpu.region"() ({
      %run_scoped3A = tpu.sem_alloc : memref<!tpu.dma_semaphore, #tpu.memory_space<semaphore_mem>>
      %dma_start3A_153 = arith.constant 0 : i32
      %dma_start3A_154 = tpu.memref_slice %arg13[%add3A_28, %dma_start3A_153] : memref<10240x128xf32, #tpu.memory_space<vmem_shared>> -> memref<80x128xf32, #tpu.memory_space<vmem_shared>>
      %dma_start3A_155 = arith.constant 0 : i32
      %dma_start3A_156 = tpu.memref_slice %arg13[%add3A_28, %dma_start3A_155] : memref<10240x128xf32, #tpu.memory_space<vmem_shared>> -> memref<80x128xf32, #tpu.memory_space<vmem_shared>>
      tpu.enqueue_dma source(%arg11 : memref<80x128xf32, #tpu.memory_space<vmem>>) target(%dma_start3A_156 : memref<80x128xf32, #tpu.memory_space<vmem_shared>>) target_semaphore(%run_scoped3A : memref<!tpu.dma_semaphore, #tpu.memory_space<semaphore_mem>>)
      %dma_wait3A_157 = arith.constant 0 : i32
      %dma_wait3A_158 = tpu.memref_slice %arg13[%add3A_28, %dma_wait3A_157] : memref<10240x128xf32, #tpu.memory_space<vmem_shared>> -> memref<80x128xf32, #tpu.memory_space<vmem_shared>>
      %dma_wait3A_159 = arith.constant 0 : i32
      %dma_wait3A_160 = tpu.memref_slice %arg13[%add3A_28, %dma_wait3A_159] : memref<10240x128xf32, #tpu.memory_space<vmem_shared>> -> memref<80x128xf32, #tpu.memory_space<vmem_shared>>
      tpu.wait_dma2 semaphore(%run_scoped3A : memref<!tpu.dma_semaphore, #tpu.memory_space<semaphore_mem>>) src(%arg11 : memref<80x128xf32, #tpu.memory_space<vmem>>) dst(%dma_wait3A_160 : memref<80x128xf32, #tpu.memory_space<vmem_shared>>)
      tpu.yield
    }) : () -> ()
    %mul3A_29 = arith.constant 640 : i32
    %mul3A_30 = arith.muli %arg1, %mul3A_29 : i32
    %add3A_31 = arith.constant 560 : i32
    %add3A_32 = arith.addi %mul3A_30, %add3A_31 : i32
    "tpu.region"() ({
      %run_scoped3A = tpu.sem_alloc : memref<!tpu.dma_semaphore, #tpu.memory_space<semaphore_mem>>
      %dma_start3A_153 = arith.constant 0 : i32
      %dma_start3A_154 = tpu.memref_slice %arg13[%add3A_32, %dma_start3A_153] : memref<10240x128xf32, #tpu.memory_space<vmem_shared>> -> memref<80x128xf32, #tpu.memory_space<vmem_shared>>
      %dma_start3A_155 = arith.constant 0 : i32
      %dma_start3A_156 = tpu.memref_slice %arg13[%add3A_32, %dma_start3A_155] : memref<10240x128xf32, #tpu.memory_space<vmem_shared>> -> memref<80x128xf32, #tpu.memory_space<vmem_shared>>
      tpu.enqueue_dma source(%arg11 : memref<80x128xf32, #tpu.memory_space<vmem>>) target(%dma_start3A_156 : memref<80x128xf32, #tpu.memory_space<vmem_shared>>) target_semaphore(%run_scoped3A : memref<!tpu.dma_semaphore, #tpu.memory_space<semaphore_mem>>)
      %dma_wait3A_157 = arith.constant 0 : i32
      %dma_wait3A_158 = tpu.memref_slice %arg13[%add3A_32, %dma_wait3A_157] : memref<10240x128xf32, #tpu.memory_space<vmem_shared>> -> memref<80x128xf32, #tpu.memory_space<vmem_shared>>
      %dma_wait3A_159 = arith.constant 0 : i32
      %dma_wait3A_160 = tpu.memref_slice %arg13[%add3A_32, %dma_wait3A_159] : memref<10240x128xf32, #tpu.memory_space<vmem_shared>> -> memref<80x128xf32, #tpu.memory_space<vmem_shared>>
      tpu.wait_dma2 semaphore(%run_scoped3A : memref<!tpu.dma_semaphore, #tpu.memory_space<semaphore_mem>>) src(%arg11 : memref<80x128xf32, #tpu.memory_space<vmem>>) dst(%dma_wait3A_160 : memref<80x128xf32, #tpu.memory_space<vmem_shared>>)
      tpu.yield
    }) : () -> ()
    %barrier3A = arith.constant 0 : index
    tpu.barrier barrier_id(%barrier3A)
    %mul3A_33 = arith.constant 10000 : i32
    %mul3A_34 = arith.muli %add3A, %mul3A_33 : i32
    %add3A_35 = arith.constant 0 : i32
    %add3A_36 = arith.addi %mul3A_34, %add3A_35 : i32
    %dma_start3A = tpu.memref_slice %arg3[%add3A_36] : memref<320000xi32, #tpu.memory_space<hbm>> -> memref<80xi32, #tpu.memory_space<hbm>>
    %dma_start3A_37 = tpu.memref_slice %arg3[%add3A_36] : memref<320000xi32, #tpu.memory_space<hbm>> -> memref<80xi32, #tpu.memory_space<hbm>>
    tpu.enqueue_dma source(%dma_start3A_37 : memref<80xi32, #tpu.memory_space<hbm>>) target(%arg7 : memref<80xi32, #tpu.memory_space<vmem>>) target_semaphore(%arg16 : memref<!tpu.dma_semaphore, #tpu.memory_space<semaphore_mem>>)
    %dma_start3A_38 = tpu.memref_slice %arg4[%add3A_36] : memref<320000xi32, #tpu.memory_space<hbm>> -> memref<80xi32, #tpu.memory_space<hbm>>
    %dma_start3A_39 = tpu.memref_slice %arg4[%add3A_36] : memref<320000xi32, #tpu.memory_space<hbm>> -> memref<80xi32, #tpu.memory_space<hbm>>
    tpu.enqueue_dma source(%dma_start3A_39 : memref<80xi32, #tpu.memory_space<hbm>>) target(%arg9 : memref<80xi32, #tpu.memory_space<vmem>>) target_semaphore(%arg16 : memref<!tpu.dma_semaphore, #tpu.memory_space<semaphore_mem>>)
    %mul3A_40 = arith.constant 10000 : i32
    %mul3A_41 = arith.muli %add3A, %mul3A_40 : i32
    %add3A_42 = arith.constant 80 : i32
    %add3A_43 = arith.addi %mul3A_41, %add3A_42 : i32
    %dma_start3A_44 = tpu.memref_slice %arg3[%add3A_43] : memref<320000xi32, #tpu.memory_space<hbm>> -> memref<80xi32, #tpu.memory_space<hbm>>
    %dma_start3A_45 = tpu.memref_slice %arg3[%add3A_43] : memref<320000xi32, #tpu.memory_space<hbm>> -> memref<80xi32, #tpu.memory_space<hbm>>
    tpu.enqueue_dma source(%dma_start3A_45 : memref<80xi32, #tpu.memory_space<hbm>>) target(%arg8 : memref<80xi32, #tpu.memory_space<vmem>>) target_semaphore(%arg17 : memref<!tpu.dma_semaphore, #tpu.memory_space<semaphore_mem>>)
    %dma_start3A_46 = tpu.memref_slice %arg4[%add3A_43] : memref<320000xi32, #tpu.memory_space<hbm>> -> memref<80xi32, #tpu.memory_space<hbm>>
    %dma_start3A_47 = tpu.memref_slice %arg4[%add3A_43] : memref<320000xi32, #tpu.memory_space<hbm>> -> memref<80xi32, #tpu.memory_space<hbm>>
    tpu.enqueue_dma source(%dma_start3A_47 : memref<80xi32, #tpu.memory_space<hbm>>) target(%arg10 : memref<80xi32, #tpu.memory_space<vmem>>) target_semaphore(%arg17 : memref<!tpu.dma_semaphore, #tpu.memory_space<semaphore_mem>>)
    %mul3A_48 = arith.constant 10000 : i32
    %mul3A_49 = arith.muli %add3A, %mul3A_48 : i32
    %add3A_50 = arith.constant 0 : i32
    %add3A_51 = arith.addi %mul3A_49, %add3A_50 : i32
    %dma_wait3A = tpu.memref_slice %arg3[%add3A_51] : memref<320000xi32, #tpu.memory_space<hbm>> -> memref<80xi32, #tpu.memory_space<hbm>>
    %dma_wait3A_52 = tpu.memref_slice %arg3[%add3A_51] : memref<320000xi32, #tpu.memory_space<hbm>> -> memref<80xi32, #tpu.memory_space<hbm>>
    tpu.wait_dma2 semaphore(%arg16 : memref<!tpu.dma_semaphore, #tpu.memory_space<semaphore_mem>>) src(%dma_wait3A_52 : memref<80xi32, #tpu.memory_space<hbm>>) dst(%arg7 : memref<80xi32, #tpu.memory_space<vmem>>)
    %dma_wait3A_53 = tpu.memref_slice %arg4[%add3A_51] : memref<320000xi32, #tpu.memory_space<hbm>> -> memref<80xi32, #tpu.memory_space<hbm>>
    %dma_wait3A_54 = tpu.memref_slice %arg4[%add3A_51] : memref<320000xi32, #tpu.memory_space<hbm>> -> memref<80xi32, #tpu.memory_space<hbm>>
    tpu.wait_dma2 semaphore(%arg16 : memref<!tpu.dma_semaphore, #tpu.memory_space<semaphore_mem>>) src(%dma_wait3A_54 : memref<80xi32, #tpu.memory_space<hbm>>) dst(%arg9 : memref<80xi32, #tpu.memory_space<vmem>>)
    %dma_start3A_55 = arith.constant 0 : i32
    %dma_start3A_56 = arith.constant 0 : i32
    %dma_start3A_57 = tpu.memref_slice %arg2[%dma_start3A_55, %dma_start3A_56] : memref<10000x128xf32, #tpu.memory_space<hbm>> -> memref<10000x128xf32, #tpu.memory_space<hbm>>
    tpu.enqueue_indirect_dma source(%dma_start3A_57 : memref<10000x128xf32, #tpu.memory_space<hbm>>) target(%arg11 : memref<80x128xf32, #tpu.memory_space<vmem>>) offsets(%arg7 : memref<80xi32, #tpu.memory_space<vmem>>) semaphore(%arg14 : memref<!tpu.dma_semaphore, #tpu.memory_space<semaphore_mem>>)
    %scan3A = arith.constant 0 : i32
    %scan3A_58 = arith.constant 0 : i32
    %scan3A_59 = arith.constant 63 : i32
    %scan3A_60 = arith.addi %scan3A_58, %scan3A_59 : i32
    %scan3A_61 = arith.constant 1 : i32
    %scan3A_62 = scf.for %scan3A_153 = %scan3A_58 to %scan3A_60 step %scan3A_61 iter_args(%scan3A_154 = %scan3A) -> (i32)  : i32 {
      %mul3A_155 = arith.constant 2 : i32
      %mul3A_156 = arith.muli %mul3A_155, %scan3A_153 : i32
      %add3A_157 = arith.constant 0 : i32
      %add3A_158 = arith.addi %mul3A_156, %add3A_157 : i32
      %lt3A = arith.constant 125 : i32
      %lt3A_159 = arith.cmpi slt, %add3A_158, %lt3A : i32
      %convert_element_type3A = arith.extui %lt3A_159 : i1 to i32
      %cond3A = arith.constant 0 : i32
      %cond3A_160 = arith.cmpi ne, %convert_element_type3A, %cond3A : i32
      scf.if %cond3A_160 {
        %add3A_171 = arith.constant 1 : i32
        %add3A_172 = arith.addi %add3A_158, %add3A_171 : i32
        %lt3A_173 = arith.constant 125 : i32
        %lt3A_174 = arith.cmpi slt, %add3A_172, %lt3A_173 : i32
        %convert_element_type3A_175 = arith.extui %lt3A_174 : i1 to i32
        %cond3A_176 = arith.constant 0 : i32
        %cond3A_177 = arith.cmpi ne, %convert_element_type3A_175, %cond3A_176 : i32
        scf.if %cond3A_177 {
          %add3A_188 = arith.constant 1 : i32
          %add3A_189 = arith.addi %add3A_158, %add3A_188 : i32
          %mul3A_190 = arith.constant 10000 : i32
          %mul3A_191 = arith.muli %add3A, %mul3A_190 : i32
          %mul3A_192 = arith.constant 80 : i32
          %mul3A_193 = arith.muli %add3A_189, %mul3A_192 : i32
          %add3A_194 = arith.addi %mul3A_191, %mul3A_193 : i32
          %dma_wait3A_195 = tpu.memref_slice %arg3[%add3A_194] : memref<320000xi32, #tpu.memory_space<hbm>> -> memref<80xi32, #tpu.memory_space<hbm>>
          %dma_wait3A_196 = tpu.memref_slice %arg3[%add3A_194] : memref<320000xi32, #tpu.memory_space<hbm>> -> memref<80xi32, #tpu.memory_space<hbm>>
          tpu.wait_dma2 semaphore(%arg17 : memref<!tpu.dma_semaphore, #tpu.memory_space<semaphore_mem>>) src(%dma_wait3A_196 : memref<80xi32, #tpu.memory_space<hbm>>) dst(%arg8 : memref<80xi32, #tpu.memory_space<vmem>>)
          %dma_wait3A_197 = tpu.memref_slice %arg4[%add3A_194] : memref<320000xi32, #tpu.memory_space<hbm>> -> memref<80xi32, #tpu.memory_space<hbm>>
          %dma_wait3A_198 = tpu.memref_slice %arg4[%add3A_194] : memref<320000xi32, #tpu.memory_space<hbm>> -> memref<80xi32, #tpu.memory_space<hbm>>
          tpu.wait_dma2 semaphore(%arg17 : memref<!tpu.dma_semaphore, #tpu.memory_space<semaphore_mem>>) src(%dma_wait3A_198 : memref<80xi32, #tpu.memory_space<hbm>>) dst(%arg10 : memref<80xi32, #tpu.memory_space<vmem>>)
          %dma_start3A_199 = arith.constant 0 : i32
          %dma_start3A_200 = arith.constant 0 : i32
          %dma_start3A_201 = tpu.memref_slice %arg2[%dma_start3A_199, %dma_start3A_200] : memref<10000x128xf32, #tpu.memory_space<hbm>> -> memref<10000x128xf32, #tpu.memory_space<hbm>>
          tpu.enqueue_indirect_dma source(%dma_start3A_201 : memref<10000x128xf32, #tpu.memory_space<hbm>>) target(%arg12 : memref<80x128xf32, #tpu.memory_space<vmem>>) offsets(%arg8 : memref<80xi32, #tpu.memory_space<vmem>>) semaphore(%arg15 : memref<!tpu.dma_semaphore, #tpu.memory_space<semaphore_mem>>)
        } else {
        }
        %dma_wait3A_178 = arith.constant 0 : i32
        %dma_wait3A_179 = arith.constant 0 : i32
        %dma_wait3A_180 = tpu.memref_slice %arg2[%dma_wait3A_178, %dma_wait3A_179] : memref<10000x128xf32, #tpu.memory_space<hbm>> -> memref<10000x128xf32, #tpu.memory_space<hbm>>
        tpu.wait_indirect_dma semaphore(%arg14 : memref<!tpu.dma_semaphore, #tpu.memory_space<semaphore_mem>>) src(%dma_wait3A_180 : memref<10000x128xf32, #tpu.memory_space<hbm>>) dst(%arg11 : memref<80x128xf32, #tpu.memory_space<vmem>>)
        "tpu.region"() ({
          %run_scoped3A = tpu.sem_alloc : memref<!tpu.dma_semaphore, #tpu.memory_space<semaphore_mem>>
          %dma_start3A_188 = arith.constant 0 : i32
          %dma_start3A_189 = arith.constant 0 : i32
          %dma_start3A_190 = tpu.memref_slice %arg13[%dma_start3A_188, %dma_start3A_189] : memref<10240x128xf32, #tpu.memory_space<vmem_shared>> -> memref<10240x128xf32, #tpu.memory_space<vmem_shared>>
          tpu.enqueue_indirect_dma source(%arg11 : memref<80x128xf32, #tpu.memory_space<vmem>>) target(%dma_start3A_190 : memref<10240x128xf32, #tpu.memory_space<vmem_shared>>) offsets(%arg9 : memref<80xi32, #tpu.memory_space<vmem>>) semaphore(%run_scoped3A : memref<!tpu.dma_semaphore, #tpu.memory_space<semaphore_mem>>) {add = true}
          %dma_wait3A_191 = arith.constant 0 : i32
          %dma_wait3A_192 = arith.constant 0 : i32
          %dma_wait3A_193 = tpu.memref_slice %arg13[%dma_wait3A_191, %dma_wait3A_192] : memref<10240x128xf32, #tpu.memory_space<vmem_shared>> -> memref<10240x128xf32, #tpu.memory_space<vmem_shared>>
          tpu.wait_indirect_dma semaphore(%run_scoped3A : memref<!tpu.dma_semaphore, #tpu.memory_space<semaphore_mem>>) src(%arg11 : memref<80x128xf32, #tpu.memory_space<vmem>>) dst(%dma_wait3A_193 : memref<10240x128xf32, #tpu.memory_space<vmem_shared>>)
          tpu.yield
        }) : () -> ()
        %add3A_181 = arith.constant 2 : i32
        %add3A_182 = arith.addi %add3A_158, %add3A_181 : i32
        %lt3A_183 = arith.constant 125 : i32
        %lt3A_184 = arith.cmpi slt, %add3A_182, %lt3A_183 : i32
        %convert_element_type3A_185 = arith.extui %lt3A_184 : i1 to i32
        %cond3A_186 = arith.constant 0 : i32
        %cond3A_187 = arith.cmpi ne, %convert_element_type3A_185, %cond3A_186 : i32
        scf.if %cond3A_187 {
          %add3A_188 = arith.constant 2 : i32
          %add3A_189 = arith.addi %add3A_158, %add3A_188 : i32
          %mul3A_190 = arith.constant 10000 : i32
          %mul3A_191 = arith.muli %add3A, %mul3A_190 : i32
          %mul3A_192 = arith.constant 80 : i32
          %mul3A_193 = arith.muli %add3A_189, %mul3A_192 : i32
          %add3A_194 = arith.addi %mul3A_191, %mul3A_193 : i32
          %dma_start3A_195 = tpu.memref_slice %arg3[%add3A_194] : memref<320000xi32, #tpu.memory_space<hbm>> -> memref<80xi32, #tpu.memory_space<hbm>>
          %dma_start3A_196 = tpu.memref_slice %arg3[%add3A_194] : memref<320000xi32, #tpu.memory_space<hbm>> -> memref<80xi32, #tpu.memory_space<hbm>>
          tpu.enqueue_dma source(%dma_start3A_196 : memref<80xi32, #tpu.memory_space<hbm>>) target(%arg7 : memref<80xi32, #tpu.memory_space<vmem>>) target_semaphore(%arg16 : memref<!tpu.dma_semaphore, #tpu.memory_space<semaphore_mem>>)
          %dma_start3A_197 = tpu.memref_slice %arg4[%add3A_194] : memref<320000xi32, #tpu.memory_space<hbm>> -> memref<80xi32, #tpu.memory_space<hbm>>
          %dma_start3A_198 = tpu.memref_slice %arg4[%add3A_194] : memref<320000xi32, #tpu.memory_space<hbm>> -> memref<80xi32, #tpu.memory_space<hbm>>
          tpu.enqueue_dma source(%dma_start3A_198 : memref<80xi32, #tpu.memory_space<hbm>>) target(%arg9 : memref<80xi32, #tpu.memory_space<vmem>>) target_semaphore(%arg16 : memref<!tpu.dma_semaphore, #tpu.memory_space<semaphore_mem>>)
        } else {
        }
      } else {
      }
      %mul3A_161 = arith.constant 2 : i32
      %mul3A_162 = arith.muli %mul3A_161, %scan3A_153 : i32
      %add3A_163 = arith.constant 1 : i32
      %add3A_164 = arith.addi %mul3A_162, %add3A_163 : i32
      %lt3A_165 = arith.constant 125 : i32
      %lt3A_166 = arith.cmpi slt, %add3A_164, %lt3A_165 : i32
      %convert_element_type3A_167 = arith.extui %lt3A_166 : i1 to i32
      %cond3A_168 = arith.constant 0 : i32
      %cond3A_169 = arith.cmpi ne, %convert_element_type3A_167, %cond3A_168 : i32
      scf.if %cond3A_169 {
        %add3A_171 = arith.constant 1 : i32
        %add3A_172 = arith.addi %add3A_164, %add3A_171 : i32
        %lt3A_173 = arith.constant 125 : i32
        %lt3A_174 = arith.cmpi slt, %add3A_172, %lt3A_173 : i32
        %convert_element_type3A_175 = arith.extui %lt3A_174 : i1 to i32
        %cond3A_176 = arith.constant 0 : i32
        %cond3A_177 = arith.cmpi ne, %convert_element_type3A_175, %cond3A_176 : i32
        scf.if %cond3A_177 {
          %add3A_188 = arith.constant 1 : i32
          %add3A_189 = arith.addi %add3A_164, %add3A_188 : i32
          %mul3A_190 = arith.constant 10000 : i32
          %mul3A_191 = arith.muli %add3A, %mul3A_190 : i32
          %mul3A_192 = arith.constant 80 : i32
          %mul3A_193 = arith.muli %add3A_189, %mul3A_192 : i32
          %add3A_194 = arith.addi %mul3A_191, %mul3A_193 : i32
          %dma_wait3A_195 = tpu.memref_slice %arg3[%add3A_194] : memref<320000xi32, #tpu.memory_space<hbm>> -> memref<80xi32, #tpu.memory_space<hbm>>
          %dma_wait3A_196 = tpu.memref_slice %arg3[%add3A_194] : memref<320000xi32, #tpu.memory_space<hbm>> -> memref<80xi32, #tpu.memory_space<hbm>>
          tpu.wait_dma2 semaphore(%arg16 : memref<!tpu.dma_semaphore, #tpu.memory_space<semaphore_mem>>) src(%dma_wait3A_196 : memref<80xi32, #tpu.memory_space<hbm>>) dst(%arg7 : memref<80xi32, #tpu.memory_space<vmem>>)
          %dma_wait3A_197 = tpu.memref_slice %arg4[%add3A_194] : memref<320000xi32, #tpu.memory_space<hbm>> -> memref<80xi32, #tpu.memory_space<hbm>>
          %dma_wait3A_198 = tpu.memref_slice %arg4[%add3A_194] : memref<320000xi32, #tpu.memory_space<hbm>> -> memref<80xi32, #tpu.memory_space<hbm>>
          tpu.wait_dma2 semaphore(%arg16 : memref<!tpu.dma_semaphore, #tpu.memory_space<semaphore_mem>>) src(%dma_wait3A_198 : memref<80xi32, #tpu.memory_space<hbm>>) dst(%arg9 : memref<80xi32, #tpu.memory_space<vmem>>)
          %dma_start3A_199 = arith.constant 0 : i32
          %dma_start3A_200 = arith.constant 0 : i32
          %dma_start3A_201 = tpu.memref_slice %arg2[%dma_start3A_199, %dma_start3A_200] : memref<10000x128xf32, #tpu.memory_space<hbm>> -> memref<10000x128xf32, #tpu.memory_space<hbm>>
          tpu.enqueue_indirect_dma source(%dma_start3A_201 : memref<10000x128xf32, #tpu.memory_space<hbm>>) target(%arg11 : memref<80x128xf32, #tpu.memory_space<vmem>>) offsets(%arg7 : memref<80xi32, #tpu.memory_space<vmem>>) semaphore(%arg14 : memref<!tpu.dma_semaphore, #tpu.memory_space<semaphore_mem>>)
        } else {
        }
        %dma_wait3A_178 = arith.constant 0 : i32
        %dma_wait3A_179 = arith.constant 0 : i32
        %dma_wait3A_180 = tpu.memref_slice %arg2[%dma_wait3A_178, %dma_wait3A_179] : memref<10000x128xf32, #tpu.memory_space<hbm>> -> memref<10000x128xf32, #tpu.memory_space<hbm>>
        tpu.wait_indirect_dma semaphore(%arg15 : memref<!tpu.dma_semaphore, #tpu.memory_space<semaphore_mem>>) src(%dma_wait3A_180 : memref<10000x128xf32, #tpu.memory_space<hbm>>) dst(%arg12 : memref<80x128xf32, #tpu.memory_space<vmem>>)
        "tpu.region"() ({
          %run_scoped3A = tpu.sem_alloc : memref<!tpu.dma_semaphore, #tpu.memory_space<semaphore_mem>>
          %dma_start3A_188 = arith.constant 0 : i32
          %dma_start3A_189 = arith.constant 0 : i32
          %dma_start3A_190 = tpu.memref_slice %arg13[%dma_start3A_188, %dma_start3A_189] : memref<10240x128xf32, #tpu.memory_space<vmem_shared>> -> memref<10240x128xf32, #tpu.memory_space<vmem_shared>>
          tpu.enqueue_indirect_dma source(%arg12 : memref<80x128xf32, #tpu.memory_space<vmem>>) target(%dma_start3A_190 : memref<10240x128xf32, #tpu.memory_space<vmem_shared>>) offsets(%arg10 : memref<80xi32, #tpu.memory_space<vmem>>) semaphore(%run_scoped3A : memref<!tpu.dma_semaphore, #tpu.memory_space<semaphore_mem>>) {add = true}
          %dma_wait3A_191 = arith.constant 0 : i32
          %dma_wait3A_192 = arith.constant 0 : i32
          %dma_wait3A_193 = tpu.memref_slice %arg13[%dma_wait3A_191, %dma_wait3A_192] : memref<10240x128xf32, #tpu.memory_space<vmem_shared>> -> memref<10240x128xf32, #tpu.memory_space<vmem_shared>>
          tpu.wait_indirect_dma semaphore(%run_scoped3A : memref<!tpu.dma_semaphore, #tpu.memory_space<semaphore_mem>>) src(%arg12 : memref<80x128xf32, #tpu.memory_space<vmem>>) dst(%dma_wait3A_193 : memref<10240x128xf32, #tpu.memory_space<vmem_shared>>)
          tpu.yield
        }) : () -> ()
        %add3A_181 = arith.constant 2 : i32
        %add3A_182 = arith.addi %add3A_164, %add3A_181 : i32
        %lt3A_183 = arith.constant 125 : i32
        %lt3A_184 = arith.cmpi slt, %add3A_182, %lt3A_183 : i32
        %convert_element_type3A_185 = arith.extui %lt3A_184 : i1 to i32
        %cond3A_186 = arith.constant 0 : i32
        %cond3A_187 = arith.cmpi ne, %convert_element_type3A_185, %cond3A_186 : i32
        scf.if %cond3A_187 {
          %add3A_188 = arith.constant 2 : i32
          %add3A_189 = arith.addi %add3A_164, %add3A_188 : i32
          %mul3A_190 = arith.constant 10000 : i32
          %mul3A_191 = arith.muli %add3A, %mul3A_190 : i32
          %mul3A_192 = arith.constant 80 : i32
          %mul3A_193 = arith.muli %add3A_189, %mul3A_192 : i32
          %add3A_194 = arith.addi %mul3A_191, %mul3A_193 : i32
          %dma_start3A_195 = tpu.memref_slice %arg3[%add3A_194] : memref<320000xi32, #tpu.memory_space<hbm>> -> memref<80xi32, #tpu.memory_space<hbm>>
          %dma_start3A_196 = tpu.memref_slice %arg3[%add3A_194] : memref<320000xi32, #tpu.memory_space<hbm>> -> memref<80xi32, #tpu.memory_space<hbm>>
          tpu.enqueue_dma source(%dma_start3A_196 : memref<80xi32, #tpu.memory_space<hbm>>) target(%arg8 : memref<80xi32, #tpu.memory_space<vmem>>) target_semaphore(%arg17 : memref<!tpu.dma_semaphore, #tpu.memory_space<semaphore_mem>>)
          %dma_start3A_197 = tpu.memref_slice %arg4[%add3A_194] : memref<320000xi32, #tpu.memory_space<hbm>> -> memref<80xi32, #tpu.memory_space<hbm>>
          %dma_start3A_198 = tpu.memref_slice %arg4[%add3A_194] : memref<320000xi32, #tpu.memory_space<hbm>> -> memref<80xi32, #tpu.memory_space<hbm>>
          tpu.enqueue_dma source(%dma_start3A_198 : memref<80xi32, #tpu.memory_space<hbm>>) target(%arg10 : memref<80xi32, #tpu.memory_space<vmem>>) target_semaphore(%arg17 : memref<!tpu.dma_semaphore, #tpu.memory_space<semaphore_mem>>)
        } else {
        }
      } else {
      }
      %scan3A_170 = arith.constant 0 : i32
      scf.yield %scan3A_170 : i32
    }
    %scan3A_63 = arith.constant 63 : i32
    %barrier3A_64 = arith.constant 0 : index
    tpu.barrier barrier_id(%barrier3A_64)
    %mul3A_65 = arith.constant 640 : i32
    %mul3A_66 = arith.muli %arg1, %mul3A_65 : i32
    %add3A_67 = arith.constant 0 : i32
    %add3A_68 = arith.addi %mul3A_66, %add3A_67 : i32
    %mul3A_69 = arith.constant 10240 : i32
    %mul3A_70 = arith.muli %arg0, %mul3A_69 : i32
    %mul3A_71 = arith.constant 640 : i32
    %mul3A_72 = arith.muli %arg1, %mul3A_71 : i32
    %add3A_73 = arith.addi %mul3A_70, %mul3A_72 : i32
    %add3A_74 = arith.constant 0 : i32
    %add3A_75 = arith.addi %add3A_73, %add3A_74 : i32
    "tpu.region"() ({
      %run_scoped3A = tpu.sem_alloc : memref<!tpu.dma_semaphore, #tpu.memory_space<semaphore_mem>>
      %dma_start3A_153 = arith.constant 0 : i32
      %dma_start3A_154 = tpu.memref_slice %arg6[%add3A_75, %dma_start3A_153] : memref<20480x128xf32, #tpu.memory_space<hbm>> -> memref<80x128xf32, #tpu.memory_space<hbm>>
      %dma_start3A_155 = arith.constant 0 : i32
      %dma_start3A_156 = tpu.memref_slice %arg13[%add3A_68, %dma_start3A_155] : memref<10240x128xf32, #tpu.memory_space<vmem_shared>> -> memref<80x128xf32, #tpu.memory_space<vmem_shared>>
      tpu.enqueue_dma source(%dma_start3A_156 : memref<80x128xf32, #tpu.memory_space<vmem_shared>>) target(%dma_start3A_154 : memref<80x128xf32, #tpu.memory_space<hbm>>) target_semaphore(%run_scoped3A : memref<!tpu.dma_semaphore, #tpu.memory_space<semaphore_mem>>)
      %dma_wait3A_157 = arith.constant 0 : i32
      %dma_wait3A_158 = tpu.memref_slice %arg6[%add3A_75, %dma_wait3A_157] : memref<20480x128xf32, #tpu.memory_space<hbm>> -> memref<80x128xf32, #tpu.memory_space<hbm>>
      %dma_wait3A_159 = arith.constant 0 : i32
      %dma_wait3A_160 = tpu.memref_slice %arg13[%add3A_68, %dma_wait3A_159] : memref<10240x128xf32, #tpu.memory_space<vmem_shared>> -> memref<80x128xf32, #tpu.memory_space<vmem_shared>>
      tpu.wait_dma2 semaphore(%run_scoped3A : memref<!tpu.dma_semaphore, #tpu.memory_space<semaphore_mem>>) src(%dma_wait3A_160 : memref<80x128xf32, #tpu.memory_space<vmem_shared>>) dst(%dma_wait3A_158 : memref<80x128xf32, #tpu.memory_space<hbm>>)
      tpu.yield
    }) : () -> ()
    %mul3A_76 = arith.constant 640 : i32
    %mul3A_77 = arith.muli %arg1, %mul3A_76 : i32
    %add3A_78 = arith.constant 80 : i32
    %add3A_79 = arith.addi %mul3A_77, %add3A_78 : i32
    %mul3A_80 = arith.constant 10240 : i32
    %mul3A_81 = arith.muli %arg0, %mul3A_80 : i32
    %mul3A_82 = arith.constant 640 : i32
    %mul3A_83 = arith.muli %arg1, %mul3A_82 : i32
    %add3A_84 = arith.addi %mul3A_81, %mul3A_83 : i32
    %add3A_85 = arith.constant 80 : i32
    %add3A_86 = arith.addi %add3A_84, %add3A_85 : i32
    "tpu.region"() ({
      %run_scoped3A = tpu.sem_alloc : memref<!tpu.dma_semaphore, #tpu.memory_space<semaphore_mem>>
      %dma_start3A_153 = arith.constant 0 : i32
      %dma_start3A_154 = tpu.memref_slice %arg6[%add3A_86, %dma_start3A_153] : memref<20480x128xf32, #tpu.memory_space<hbm>> -> memref<80x128xf32, #tpu.memory_space<hbm>>
      %dma_start3A_155 = arith.constant 0 : i32
      %dma_start3A_156 = tpu.memref_slice %arg13[%add3A_79, %dma_start3A_155] : memref<10240x128xf32, #tpu.memory_space<vmem_shared>> -> memref<80x128xf32, #tpu.memory_space<vmem_shared>>
      tpu.enqueue_dma source(%dma_start3A_156 : memref<80x128xf32, #tpu.memory_space<vmem_shared>>) target(%dma_start3A_154 : memref<80x128xf32, #tpu.memory_space<hbm>>) target_semaphore(%run_scoped3A : memref<!tpu.dma_semaphore, #tpu.memory_space<semaphore_mem>>)
      %dma_wait3A_157 = arith.constant 0 : i32
      %dma_wait3A_158 = tpu.memref_slice %arg6[%add3A_86, %dma_wait3A_157] : memref<20480x128xf32, #tpu.memory_space<hbm>> -> memref<80x128xf32, #tpu.memory_space<hbm>>
      %dma_wait3A_159 = arith.constant 0 : i32
      %dma_wait3A_160 = tpu.memref_slice %arg13[%add3A_79, %dma_wait3A_159] : memref<10240x128xf32, #tpu.memory_space<vmem_shared>> -> memref<80x128xf32, #tpu.memory_space<vmem_shared>>
      tpu.wait_dma2 semaphore(%run_scoped3A : memref<!tpu.dma_semaphore, #tpu.memory_space<semaphore_mem>>) src(%dma_wait3A_160 : memref<80x128xf32, #tpu.memory_space<vmem_shared>>) dst(%dma_wait3A_158 : memref<80x128xf32, #tpu.memory_space<hbm>>)
      tpu.yield
    }) : () -> ()
    %mul3A_87 = arith.constant 640 : i32
    %mul3A_88 = arith.muli %arg1, %mul3A_87 : i32
    %add3A_89 = arith.constant 160 : i32
    %add3A_90 = arith.addi %mul3A_88, %add3A_89 : i32
    %mul3A_91 = arith.constant 10240 : i32
    %mul3A_92 = arith.muli %arg0, %mul3A_91 : i32
    %mul3A_93 = arith.constant 640 : i32
    %mul3A_94 = arith.muli %arg1, %mul3A_93 : i32
    %add3A_95 = arith.addi %mul3A_92, %mul3A_94 : i32
    %add3A_96 = arith.constant 160 : i32
    %add3A_97 = arith.addi %add3A_95, %add3A_96 : i32
    "tpu.region"() ({
      %run_scoped3A = tpu.sem_alloc : memref<!tpu.dma_semaphore, #tpu.memory_space<semaphore_mem>>
      %dma_start3A_153 = arith.constant 0 : i32
      %dma_start3A_154 = tpu.memref_slice %arg6[%add3A_97, %dma_start3A_153] : memref<20480x128xf32, #tpu.memory_space<hbm>> -> memref<80x128xf32, #tpu.memory_space<hbm>>
      %dma_start3A_155 = arith.constant 0 : i32
      %dma_start3A_156 = tpu.memref_slice %arg13[%add3A_90, %dma_start3A_155] : memref<10240x128xf32, #tpu.memory_space<vmem_shared>> -> memref<80x128xf32, #tpu.memory_space<vmem_shared>>
      tpu.enqueue_dma source(%dma_start3A_156 : memref<80x128xf32, #tpu.memory_space<vmem_shared>>) target(%dma_start3A_154 : memref<80x128xf32, #tpu.memory_space<hbm>>) target_semaphore(%run_scoped3A : memref<!tpu.dma_semaphore, #tpu.memory_space<semaphore_mem>>)
      %dma_wait3A_157 = arith.constant 0 : i32
      %dma_wait3A_158 = tpu.memref_slice %arg6[%add3A_97, %dma_wait3A_157] : memref<20480x128xf32, #tpu.memory_space<hbm>> -> memref<80x128xf32, #tpu.memory_space<hbm>>
      %dma_wait3A_159 = arith.constant 0 : i32
      %dma_wait3A_160 = tpu.memref_slice %arg13[%add3A_90, %dma_wait3A_159] : memref<10240x128xf32, #tpu.memory_space<vmem_shared>> -> memref<80x128xf32, #tpu.memory_space<vmem_shared>>
      tpu.wait_dma2 semaphore(%run_scoped3A : memref<!tpu.dma_semaphore, #tpu.memory_space<semaphore_mem>>) src(%dma_wait3A_160 : memref<80x128xf32, #tpu.memory_space<vmem_shared>>) dst(%dma_wait3A_158 : memref<80x128xf32, #tpu.memory_space<hbm>>)
      tpu.yield
    }) : () -> ()
    %mul3A_98 = arith.constant 640 : i32
    %mul3A_99 = arith.muli %arg1, %mul3A_98 : i32
    %add3A_100 = arith.constant 240 : i32
    %add3A_101 = arith.addi %mul3A_99, %add3A_100 : i32
    %mul3A_102 = arith.constant 10240 : i32
    %mul3A_103 = arith.muli %arg0, %mul3A_102 : i32
    %mul3A_104 = arith.constant 640 : i32
    %mul3A_105 = arith.muli %arg1, %mul3A_104 : i32
    %add3A_106 = arith.addi %mul3A_103, %mul3A_105 : i32
    %add3A_107 = arith.constant 240 : i32
    %add3A_108 = arith.addi %add3A_106, %add3A_107 : i32
    "tpu.region"() ({
      %run_scoped3A = tpu.sem_alloc : memref<!tpu.dma_semaphore, #tpu.memory_space<semaphore_mem>>
      %dma_start3A_153 = arith.constant 0 : i32
      %dma_start3A_154 = tpu.memref_slice %arg6[%add3A_108, %dma_start3A_153] : memref<20480x128xf32, #tpu.memory_space<hbm>> -> memref<80x128xf32, #tpu.memory_space<hbm>>
      %dma_start3A_155 = arith.constant 0 : i32
      %dma_start3A_156 = tpu.memref_slice %arg13[%add3A_101, %dma_start3A_155] : memref<10240x128xf32, #tpu.memory_space<vmem_shared>> -> memref<80x128xf32, #tpu.memory_space<vmem_shared>>
      tpu.enqueue_dma source(%dma_start3A_156 : memref<80x128xf32, #tpu.memory_space<vmem_shared>>) target(%dma_start3A_154 : memref<80x128xf32, #tpu.memory_space<hbm>>) target_semaphore(%run_scoped3A : memref<!tpu.dma_semaphore, #tpu.memory_space<semaphore_mem>>)
      %dma_wait3A_157 = arith.constant 0 : i32
      %dma_wait3A_158 = tpu.memref_slice %arg6[%add3A_108, %dma_wait3A_157] : memref<20480x128xf32, #tpu.memory_space<hbm>> -> memref<80x128xf32, #tpu.memory_space<hbm>>
      %dma_wait3A_159 = arith.constant 0 : i32
      %dma_wait3A_160 = tpu.memref_slice %arg13[%add3A_101, %dma_wait3A_159] : memref<10240x128xf32, #tpu.memory_space<vmem_shared>> -> memref<80x128xf32, #tpu.memory_space<vmem_shared>>
      tpu.wait_dma2 semaphore(%run_scoped3A : memref<!tpu.dma_semaphore, #tpu.memory_space<semaphore_mem>>) src(%dma_wait3A_160 : memref<80x128xf32, #tpu.memory_space<vmem_shared>>) dst(%dma_wait3A_158 : memref<80x128xf32, #tpu.memory_space<hbm>>)
      tpu.yield
    }) : () -> ()
    %mul3A_109 = arith.constant 640 : i32
    %mul3A_110 = arith.muli %arg1, %mul3A_109 : i32
    %add3A_111 = arith.constant 320 : i32
    %add3A_112 = arith.addi %mul3A_110, %add3A_111 : i32
    %mul3A_113 = arith.constant 10240 : i32
    %mul3A_114 = arith.muli %arg0, %mul3A_113 : i32
    %mul3A_115 = arith.constant 640 : i32
    %mul3A_116 = arith.muli %arg1, %mul3A_115 : i32
    %add3A_117 = arith.addi %mul3A_114, %mul3A_116 : i32
    %add3A_118 = arith.constant 320 : i32
    %add3A_119 = arith.addi %add3A_117, %add3A_118 : i32
    "tpu.region"() ({
      %run_scoped3A = tpu.sem_alloc : memref<!tpu.dma_semaphore, #tpu.memory_space<semaphore_mem>>
      %dma_start3A_153 = arith.constant 0 : i32
      %dma_start3A_154 = tpu.memref_slice %arg6[%add3A_119, %dma_start3A_153] : memref<20480x128xf32, #tpu.memory_space<hbm>> -> memref<80x128xf32, #tpu.memory_space<hbm>>
      %dma_start3A_155 = arith.constant 0 : i32
      %dma_start3A_156 = tpu.memref_slice %arg13[%add3A_112, %dma_start3A_155] : memref<10240x128xf32, #tpu.memory_space<vmem_shared>> -> memref<80x128xf32, #tpu.memory_space<vmem_shared>>
      tpu.enqueue_dma source(%dma_start3A_156 : memref<80x128xf32, #tpu.memory_space<vmem_shared>>) target(%dma_start3A_154 : memref<80x128xf32, #tpu.memory_space<hbm>>) target_semaphore(%run_scoped3A : memref<!tpu.dma_semaphore, #tpu.memory_space<semaphore_mem>>)
      %dma_wait3A_157 = arith.constant 0 : i32
      %dma_wait3A_158 = tpu.memref_slice %arg6[%add3A_119, %dma_wait3A_157] : memref<20480x128xf32, #tpu.memory_space<hbm>> -> memref<80x128xf32, #tpu.memory_space<hbm>>
      %dma_wait3A_159 = arith.constant 0 : i32
      %dma_wait3A_160 = tpu.memref_slice %arg13[%add3A_112, %dma_wait3A_159] : memref<10240x128xf32, #tpu.memory_space<vmem_shared>> -> memref<80x128xf32, #tpu.memory_space<vmem_shared>>
      tpu.wait_dma2 semaphore(%run_scoped3A : memref<!tpu.dma_semaphore, #tpu.memory_space<semaphore_mem>>) src(%dma_wait3A_160 : memref<80x128xf32, #tpu.memory_space<vmem_shared>>) dst(%dma_wait3A_158 : memref<80x128xf32, #tpu.memory_space<hbm>>)
      tpu.yield
    }) : () -> ()
    %mul3A_120 = arith.constant 640 : i32
    %mul3A_121 = arith.muli %arg1, %mul3A_120 : i32
    %add3A_122 = arith.constant 400 : i32
    %add3A_123 = arith.addi %mul3A_121, %add3A_122 : i32
    %mul3A_124 = arith.constant 10240 : i32
    %mul3A_125 = arith.muli %arg0, %mul3A_124 : i32
    %mul3A_126 = arith.constant 640 : i32
    %mul3A_127 = arith.muli %arg1, %mul3A_126 : i32
    %add3A_128 = arith.addi %mul3A_125, %mul3A_127 : i32
    %add3A_129 = arith.constant 400 : i32
    %add3A_130 = arith.addi %add3A_128, %add3A_129 : i32
    "tpu.region"() ({
      %run_scoped3A = tpu.sem_alloc : memref<!tpu.dma_semaphore, #tpu.memory_space<semaphore_mem>>
      %dma_start3A_153 = arith.constant 0 : i32
      %dma_start3A_154 = tpu.memref_slice %arg6[%add3A_130, %dma_start3A_153] : memref<20480x128xf32, #tpu.memory_space<hbm>> -> memref<80x128xf32, #tpu.memory_space<hbm>>
      %dma_start3A_155 = arith.constant 0 : i32
      %dma_start3A_156 = tpu.memref_slice %arg13[%add3A_123, %dma_start3A_155] : memref<10240x128xf32, #tpu.memory_space<vmem_shared>> -> memref<80x128xf32, #tpu.memory_space<vmem_shared>>
      tpu.enqueue_dma source(%dma_start3A_156 : memref<80x128xf32, #tpu.memory_space<vmem_shared>>) target(%dma_start3A_154 : memref<80x128xf32, #tpu.memory_space<hbm>>) target_semaphore(%run_scoped3A : memref<!tpu.dma_semaphore, #tpu.memory_space<semaphore_mem>>)
      %dma_wait3A_157 = arith.constant 0 : i32
      %dma_wait3A_158 = tpu.memref_slice %arg6[%add3A_130, %dma_wait3A_157] : memref<20480x128xf32, #tpu.memory_space<hbm>> -> memref<80x128xf32, #tpu.memory_space<hbm>>
      %dma_wait3A_159 = arith.constant 0 : i32
      %dma_wait3A_160 = tpu.memref_slice %arg13[%add3A_123, %dma_wait3A_159] : memref<10240x128xf32, #tpu.memory_space<vmem_shared>> -> memref<80x128xf32, #tpu.memory_space<vmem_shared>>
      tpu.wait_dma2 semaphore(%run_scoped3A : memref<!tpu.dma_semaphore, #tpu.memory_space<semaphore_mem>>) src(%dma_wait3A_160 : memref<80x128xf32, #tpu.memory_space<vmem_shared>>) dst(%dma_wait3A_158 : memref<80x128xf32, #tpu.memory_space<hbm>>)
      tpu.yield
    }) : () -> ()
    %mul3A_131 = arith.constant 640 : i32
    %mul3A_132 = arith.muli %arg1, %mul3A_131 : i32
    %add3A_133 = arith.constant 480 : i32
    %add3A_134 = arith.addi %mul3A_132, %add3A_133 : i32
    %mul3A_135 = arith.constant 10240 : i32
    %mul3A_136 = arith.muli %arg0, %mul3A_135 : i32
    %mul3A_137 = arith.constant 640 : i32
    %mul3A_138 = arith.muli %arg1, %mul3A_137 : i32
    %add3A_139 = arith.addi %mul3A_136, %mul3A_138 : i32
    %add3A_140 = arith.constant 480 : i32
    %add3A_141 = arith.addi %add3A_139, %add3A_140 : i32
    "tpu.region"() ({
      %run_scoped3A = tpu.sem_alloc : memref<!tpu.dma_semaphore, #tpu.memory_space<semaphore_mem>>
      %dma_start3A_153 = arith.constant 0 : i32
      %dma_start3A_154 = tpu.memref_slice %arg6[%add3A_141, %dma_start3A_153] : memref<20480x128xf32, #tpu.memory_space<hbm>> -> memref<80x128xf32, #tpu.memory_space<hbm>>
      %dma_start3A_155 = arith.constant 0 : i32
      %dma_start3A_156 = tpu.memref_slice %arg13[%add3A_134, %dma_start3A_155] : memref<10240x128xf32, #tpu.memory_space<vmem_shared>> -> memref<80x128xf32, #tpu.memory_space<vmem_shared>>
      tpu.enqueue_dma source(%dma_start3A_156 : memref<80x128xf32, #tpu.memory_space<vmem_shared>>) target(%dma_start3A_154 : memref<80x128xf32, #tpu.memory_space<hbm>>) target_semaphore(%run_scoped3A : memref<!tpu.dma_semaphore, #tpu.memory_space<semaphore_mem>>)
      %dma_wait3A_157 = arith.constant 0 : i32
      %dma_wait3A_158 = tpu.memref_slice %arg6[%add3A_141, %dma_wait3A_157] : memref<20480x128xf32, #tpu.memory_space<hbm>> -> memref<80x128xf32, #tpu.memory_space<hbm>>
      %dma_wait3A_159 = arith.constant 0 : i32
      %dma_wait3A_160 = tpu.memref_slice %arg13[%add3A_134, %dma_wait3A_159] : memref<10240x128xf32, #tpu.memory_space<vmem_shared>> -> memref<80x128xf32, #tpu.memory_space<vmem_shared>>
      tpu.wait_dma2 semaphore(%run_scoped3A : memref<!tpu.dma_semaphore, #tpu.memory_space<semaphore_mem>>) src(%dma_wait3A_160 : memref<80x128xf32, #tpu.memory_space<vmem_shared>>) dst(%dma_wait3A_158 : memref<80x128xf32, #tpu.memory_space<hbm>>)
      tpu.yield
    }) : () -> ()
    %mul3A_142 = arith.constant 640 : i32
    %mul3A_143 = arith.muli %arg1, %mul3A_142 : i32
    %add3A_144 = arith.constant 560 : i32
    %add3A_145 = arith.addi %mul3A_143, %add3A_144 : i32
    %mul3A_146 = arith.constant 10240 : i32
    %mul3A_147 = arith.muli %arg0, %mul3A_146 : i32
    %mul3A_148 = arith.constant 640 : i32
    %mul3A_149 = arith.muli %arg1, %mul3A_148 : i32
    %add3A_150 = arith.addi %mul3A_147, %mul3A_149 : i32
    %add3A_151 = arith.constant 560 : i32
    %add3A_152 = arith.addi %add3A_150, %add3A_151 : i32
    "tpu.region"() ({
      %run_scoped3A = tpu.sem_alloc : memref<!tpu.dma_semaphore, #tpu.memory_space<semaphore_mem>>
      %dma_start3A_153 = arith.constant 0 : i32
      %dma_start3A_154 = tpu.memref_slice %arg6[%add3A_152, %dma_start3A_153] : memref<20480x128xf32, #tpu.memory_space<hbm>> -> memref<80x128xf32, #tpu.memory_space<hbm>>
      %dma_start3A_155 = arith.constant 0 : i32
      %dma_start3A_156 = tpu.memref_slice %arg13[%add3A_145, %dma_start3A_155] : memref<10240x128xf32, #tpu.memory_space<vmem_shared>> -> memref<80x128xf32, #tpu.memory_space<vmem_shared>>
      tpu.enqueue_dma source(%dma_start3A_156 : memref<80x128xf32, #tpu.memory_space<vmem_shared>>) target(%dma_start3A_154 : memref<80x128xf32, #tpu.memory_space<hbm>>) target_semaphore(%run_scoped3A : memref<!tpu.dma_semaphore, #tpu.memory_space<semaphore_mem>>)
      %dma_wait3A_157 = arith.constant 0 : i32
      %dma_wait3A_158 = tpu.memref_slice %arg6[%add3A_152, %dma_wait3A_157] : memref<20480x128xf32, #tpu.memory_space<hbm>> -> memref<80x128xf32, #tpu.memory_space<hbm>>
      %dma_wait3A_159 = arith.constant 0 : i32
      %dma_wait3A_160 = tpu.memref_slice %arg13[%add3A_145, %dma_wait3A_159] : memref<10240x128xf32, #tpu.memory_space<vmem_shared>> -> memref<80x128xf32, #tpu.memory_space<vmem_shared>>
      tpu.wait_dma2 semaphore(%run_scoped3A : memref<!tpu.dma_semaphore, #tpu.memory_space<semaphore_mem>>) src(%dma_wait3A_160 : memref<80x128xf32, #tpu.memory_space<vmem_shared>>) dst(%dma_wait3A_158 : memref<80x128xf32, #tpu.memory_space<hbm>>)
      tpu.yield
    }) : () -> ()
    return
  }
}

#map = affine_map<(d0, d1) -> (0, 0)>
#map1 = affine_map<(d0, d1) -> (0)>
module attributes {stable_mosaic.version = 14 : i64} {
  func.func @_agg_sc(%arg0: i32, %arg1: i32, %arg2: memref<10000x128xf32, #tpu.memory_space<hbm>>, %arg3: memref<320000xi32, #tpu.memory_space<hbm>>, %arg4: memref<320000xi32, #tpu.memory_space<hbm>>, %arg5: memref<80x128xf32, #tpu.memory_space<hbm>>, %arg6: memref<20480x128xf32, #tpu.memory_space<hbm>>, %arg7: memref<80xi32, #tpu.memory_space<vmem>>, %arg8: memref<80xi32, #tpu.memory_space<vmem>>, %arg9: memref<80xi32, #tpu.memory_space<vmem>>, %arg10: memref<80xi32, #tpu.memory_space<vmem>>, %arg11: memref<80x128xf32, #tpu.memory_space<vmem>>, %arg12: memref<80x128xf32, #tpu.memory_space<vmem>>, %arg13: memref<10240x128xf32, #tpu.memory_space<vmem_shared>>, %arg14: memref<!tpu.dma_semaphore, #tpu.memory_space<semaphore_mem>>, %arg15: memref<!tpu.dma_semaphore, #tpu.memory_space<semaphore_mem>>, %arg16: memref<!tpu.dma_semaphore, #tpu.memory_space<semaphore_mem>>, %arg17: memref<!tpu.dma_semaphore, #tpu.memory_space<semaphore_mem>>) attributes {dimension_semantics = [#tpu.dimension_semantics<core_parallel>, #tpu.dimension_semantics<subcore_parallel>], iteration_bounds = array<i64: 2, 16>, scalar_prefetch = 0 : i64, scratch_operands = 11 : i64, tpu.core_type = #tpu.core_type<sc_vector_subcore>, window_params = [{transform_indices = #map}, {transform_indices = #map1}, {transform_indices = #map1}, {transform_indices = #map}, {transform_indices = #map}]} {
    %mul3A = arith.constant 16 : i32
    %mul3A_0 = arith.muli %arg0, %mul3A : i32
    %add3A = arith.addi %mul3A_0, %arg1 : i32
    "tpu.region"() ({
      %run_scoped3A = tpu.sem_alloc : memref<!tpu.dma_semaphore, #tpu.memory_space<semaphore_mem>>
      tpu.enqueue_dma source(%arg5 : memref<80x128xf32, #tpu.memory_space<hbm>>) target(%arg11 : memref<80x128xf32, #tpu.memory_space<vmem>>) target_semaphore(%run_scoped3A : memref<!tpu.dma_semaphore, #tpu.memory_space<semaphore_mem>>)
      tpu.wait_dma2 semaphore(%run_scoped3A : memref<!tpu.dma_semaphore, #tpu.memory_space<semaphore_mem>>) src(%arg5 : memref<80x128xf32, #tpu.memory_space<hbm>>) dst(%arg11 : memref<80x128xf32, #tpu.memory_space<vmem>>)
      tpu.yield
    }) : () -> ()
    %mul3A_1 = arith.constant 640 : i32
    %mul3A_2 = arith.muli %arg1, %mul3A_1 : i32
    %add3A_3 = arith.constant 0 : i32
    %add3A_4 = arith.addi %mul3A_2, %add3A_3 : i32
    "tpu.region"() ({
      %run_scoped3A = tpu.sem_alloc : memref<!tpu.dma_semaphore, #tpu.memory_space<semaphore_mem>>
      %dma_start3A_153 = arith.constant 0 : i32
      %dma_start3A_154 = tpu.memref_slice %arg13[%add3A_4, %dma_start3A_153] : memref<10240x128xf32, #tpu.memory_space<vmem_shared>> -> memref<80x128xf32, #tpu.memory_space<vmem_shared>>
      %dma_start3A_155 = arith.constant 0 : i32
      %dma_start3A_156 = tpu.memref_slice %arg13[%add3A_4, %dma_start3A_155] : memref<10240x128xf32, #tpu.memory_space<vmem_shared>> -> memref<80x128xf32, #tpu.memory_space<vmem_shared>>
      tpu.enqueue_dma source(%arg11 : memref<80x128xf32, #tpu.memory_space<vmem>>) target(%dma_start3A_156 : memref<80x128xf32, #tpu.memory_space<vmem_shared>>) target_semaphore(%run_scoped3A : memref<!tpu.dma_semaphore, #tpu.memory_space<semaphore_mem>>)
      %dma_wait3A_157 = arith.constant 0 : i32
      %dma_wait3A_158 = tpu.memref_slice %arg13[%add3A_4, %dma_wait3A_157] : memref<10240x128xf32, #tpu.memory_space<vmem_shared>> -> memref<80x128xf32, #tpu.memory_space<vmem_shared>>
      %dma_wait3A_159 = arith.constant 0 : i32
      %dma_wait3A_160 = tpu.memref_slice %arg13[%add3A_4, %dma_wait3A_159] : memref<10240x128xf32, #tpu.memory_space<vmem_shared>> -> memref<80x128xf32, #tpu.memory_space<vmem_shared>>
      tpu.wait_dma2 semaphore(%run_scoped3A : memref<!tpu.dma_semaphore, #tpu.memory_space<semaphore_mem>>) src(%arg11 : memref<80x128xf32, #tpu.memory_space<vmem>>) dst(%dma_wait3A_160 : memref<80x128xf32, #tpu.memory_space<vmem_shared>>)
      tpu.yield
    }) : () -> ()
    %mul3A_5 = arith.constant 640 : i32
    %mul3A_6 = arith.muli %arg1, %mul3A_5 : i32
    %add3A_7 = arith.constant 80 : i32
    %add3A_8 = arith.addi %mul3A_6, %add3A_7 : i32
    "tpu.region"() ({
      %run_scoped3A = tpu.sem_alloc : memref<!tpu.dma_semaphore, #tpu.memory_space<semaphore_mem>>
      %dma_start3A_153 = arith.constant 0 : i32
      %dma_start3A_154 = tpu.memref_slice %arg13[%add3A_8, %dma_start3A_153] : memref<10240x128xf32, #tpu.memory_space<vmem_shared>> -> memref<80x128xf32, #tpu.memory_space<vmem_shared>>
      %dma_start3A_155 = arith.constant 0 : i32
      %dma_start3A_156 = tpu.memref_slice %arg13[%add3A_8, %dma_start3A_155] : memref<10240x128xf32, #tpu.memory_space<vmem_shared>> -> memref<80x128xf32, #tpu.memory_space<vmem_shared>>
      tpu.enqueue_dma source(%arg11 : memref<80x128xf32, #tpu.memory_space<vmem>>) target(%dma_start3A_156 : memref<80x128xf32, #tpu.memory_space<vmem_shared>>) target_semaphore(%run_scoped3A : memref<!tpu.dma_semaphore, #tpu.memory_space<semaphore_mem>>)
      %dma_wait3A_157 = arith.constant 0 : i32
      %dma_wait3A_158 = tpu.memref_slice %arg13[%add3A_8, %dma_wait3A_157] : memref<10240x128xf32, #tpu.memory_space<vmem_shared>> -> memref<80x128xf32, #tpu.memory_space<vmem_shared>>
      %dma_wait3A_159 = arith.constant 0 : i32
      %dma_wait3A_160 = tpu.memref_slice %arg13[%add3A_8, %dma_wait3A_159] : memref<10240x128xf32, #tpu.memory_space<vmem_shared>> -> memref<80x128xf32, #tpu.memory_space<vmem_shared>>
      tpu.wait_dma2 semaphore(%run_scoped3A : memref<!tpu.dma_semaphore, #tpu.memory_space<semaphore_mem>>) src(%arg11 : memref<80x128xf32, #tpu.memory_space<vmem>>) dst(%dma_wait3A_160 : memref<80x128xf32, #tpu.memory_space<vmem_shared>>)
      tpu.yield
    }) : () -> ()
    %mul3A_9 = arith.constant 640 : i32
    %mul3A_10 = arith.muli %arg1, %mul3A_9 : i32
    %add3A_11 = arith.constant 160 : i32
    %add3A_12 = arith.addi %mul3A_10, %add3A_11 : i32
    "tpu.region"() ({
      %run_scoped3A = tpu.sem_alloc : memref<!tpu.dma_semaphore, #tpu.memory_space<semaphore_mem>>
      %dma_start3A_153 = arith.constant 0 : i32
      %dma_start3A_154 = tpu.memref_slice %arg13[%add3A_12, %dma_start3A_153] : memref<10240x128xf32, #tpu.memory_space<vmem_shared>> -> memref<80x128xf32, #tpu.memory_space<vmem_shared>>
      %dma_start3A_155 = arith.constant 0 : i32
      %dma_start3A_156 = tpu.memref_slice %arg13[%add3A_12, %dma_start3A_155] : memref<10240x128xf32, #tpu.memory_space<vmem_shared>> -> memref<80x128xf32, #tpu.memory_space<vmem_shared>>
      tpu.enqueue_dma source(%arg11 : memref<80x128xf32, #tpu.memory_space<vmem>>) target(%dma_start3A_156 : memref<80x128xf32, #tpu.memory_space<vmem_shared>>) target_semaphore(%run_scoped3A : memref<!tpu.dma_semaphore, #tpu.memory_space<semaphore_mem>>)
      %dma_wait3A_157 = arith.constant 0 : i32
      %dma_wait3A_158 = tpu.memref_slice %arg13[%add3A_12, %dma_wait3A_157] : memref<10240x128xf32, #tpu.memory_space<vmem_shared>> -> memref<80x128xf32, #tpu.memory_space<vmem_shared>>
      %dma_wait3A_159 = arith.constant 0 : i32
      %dma_wait3A_160 = tpu.memref_slice %arg13[%add3A_12, %dma_wait3A_159] : memref<10240x128xf32, #tpu.memory_space<vmem_shared>> -> memref<80x128xf32, #tpu.memory_space<vmem_shared>>
      tpu.wait_dma2 semaphore(%run_scoped3A : memref<!tpu.dma_semaphore, #tpu.memory_space<semaphore_mem>>) src(%arg11 : memref<80x128xf32, #tpu.memory_space<vmem>>) dst(%dma_wait3A_160 : memref<80x128xf32, #tpu.memory_space<vmem_shared>>)
      tpu.yield
    }) : () -> ()
    %mul3A_13 = arith.constant 640 : i32
    %mul3A_14 = arith.muli %arg1, %mul3A_13 : i32
    %add3A_15 = arith.constant 240 : i32
    %add3A_16 = arith.addi %mul3A_14, %add3A_15 : i32
    "tpu.region"() ({
      %run_scoped3A = tpu.sem_alloc : memref<!tpu.dma_semaphore, #tpu.memory_space<semaphore_mem>>
      %dma_start3A_153 = arith.constant 0 : i32
      %dma_start3A_154 = tpu.memref_slice %arg13[%add3A_16, %dma_start3A_153] : memref<10240x128xf32, #tpu.memory_space<vmem_shared>> -> memref<80x128xf32, #tpu.memory_space<vmem_shared>>
      %dma_start3A_155 = arith.constant 0 : i32
      %dma_start3A_156 = tpu.memref_slice %arg13[%add3A_16, %dma_start3A_155] : memref<10240x128xf32, #tpu.memory_space<vmem_shared>> -> memref<80x128xf32, #tpu.memory_space<vmem_shared>>
      tpu.enqueue_dma source(%arg11 : memref<80x128xf32, #tpu.memory_space<vmem>>) target(%dma_start3A_156 : memref<80x128xf32, #tpu.memory_space<vmem_shared>>) target_semaphore(%run_scoped3A : memref<!tpu.dma_semaphore, #tpu.memory_space<semaphore_mem>>)
      %dma_wait3A_157 = arith.constant 0 : i32
      %dma_wait3A_158 = tpu.memref_slice %arg13[%add3A_16, %dma_wait3A_157] : memref<10240x128xf32, #tpu.memory_space<vmem_shared>> -> memref<80x128xf32, #tpu.memory_space<vmem_shared>>
      %dma_wait3A_159 = arith.constant 0 : i32
      %dma_wait3A_160 = tpu.memref_slice %arg13[%add3A_16, %dma_wait3A_159] : memref<10240x128xf32, #tpu.memory_space<vmem_shared>> -> memref<80x128xf32, #tpu.memory_space<vmem_shared>>
      tpu.wait_dma2 semaphore(%run_scoped3A : memref<!tpu.dma_semaphore, #tpu.memory_space<semaphore_mem>>) src(%arg11 : memref<80x128xf32, #tpu.memory_space<vmem>>) dst(%dma_wait3A_160 : memref<80x128xf32, #tpu.memory_space<vmem_shared>>)
      tpu.yield
    }) : () -> ()
    %mul3A_17 = arith.constant 640 : i32
    %mul3A_18 = arith.muli %arg1, %mul3A_17 : i32
    %add3A_19 = arith.constant 320 : i32
    %add3A_20 = arith.addi %mul3A_18, %add3A_19 : i32
    "tpu.region"() ({
      %run_scoped3A = tpu.sem_alloc : memref<!tpu.dma_semaphore, #tpu.memory_space<semaphore_mem>>
      %dma_start3A_153 = arith.constant 0 : i32
      %dma_start3A_154 = tpu.memref_slice %arg13[%add3A_20, %dma_start3A_153] : memref<10240x128xf32, #tpu.memory_space<vmem_shared>> -> memref<80x128xf32, #tpu.memory_space<vmem_shared>>
      %dma_start3A_155 = arith.constant 0 : i32
      %dma_start3A_156 = tpu.memref_slice %arg13[%add3A_20, %dma_start3A_155] : memref<10240x128xf32, #tpu.memory_space<vmem_shared>> -> memref<80x128xf32, #tpu.memory_space<vmem_shared>>
      tpu.enqueue_dma source(%arg11 : memref<80x128xf32, #tpu.memory_space<vmem>>) target(%dma_start3A_156 : memref<80x128xf32, #tpu.memory_space<vmem_shared>>) target_semaphore(%run_scoped3A : memref<!tpu.dma_semaphore, #tpu.memory_space<semaphore_mem>>)
      %dma_wait3A_157 = arith.constant 0 : i32
      %dma_wait3A_158 = tpu.memref_slice %arg13[%add3A_20, %dma_wait3A_157] : memref<10240x128xf32, #tpu.memory_space<vmem_shared>> -> memref<80x128xf32, #tpu.memory_space<vmem_shared>>
      %dma_wait3A_159 = arith.constant 0 : i32
      %dma_wait3A_160 = tpu.memref_slice %arg13[%add3A_20, %dma_wait3A_159] : memref<10240x128xf32, #tpu.memory_space<vmem_shared>> -> memref<80x128xf32, #tpu.memory_space<vmem_shared>>
      tpu.wait_dma2 semaphore(%run_scoped3A : memref<!tpu.dma_semaphore, #tpu.memory_space<semaphore_mem>>) src(%arg11 : memref<80x128xf32, #tpu.memory_space<vmem>>) dst(%dma_wait3A_160 : memref<80x128xf32, #tpu.memory_space<vmem_shared>>)
      tpu.yield
    }) : () -> ()
    %mul3A_21 = arith.constant 640 : i32
    %mul3A_22 = arith.muli %arg1, %mul3A_21 : i32
    %add3A_23 = arith.constant 400 : i32
    %add3A_24 = arith.addi %mul3A_22, %add3A_23 : i32
    "tpu.region"() ({
      %run_scoped3A = tpu.sem_alloc : memref<!tpu.dma_semaphore, #tpu.memory_space<semaphore_mem>>
      %dma_start3A_153 = arith.constant 0 : i32
      %dma_start3A_154 = tpu.memref_slice %arg13[%add3A_24, %dma_start3A_153] : memref<10240x128xf32, #tpu.memory_space<vmem_shared>> -> memref<80x128xf32, #tpu.memory_space<vmem_shared>>
      %dma_start3A_155 = arith.constant 0 : i32
      %dma_start3A_156 = tpu.memref_slice %arg13[%add3A_24, %dma_start3A_155] : memref<10240x128xf32, #tpu.memory_space<vmem_shared>> -> memref<80x128xf32, #tpu.memory_space<vmem_shared>>
      tpu.enqueue_dma source(%arg11 : memref<80x128xf32, #tpu.memory_space<vmem>>) target(%dma_start3A_156 : memref<80x128xf32, #tpu.memory_space<vmem_shared>>) target_semaphore(%run_scoped3A : memref<!tpu.dma_semaphore, #tpu.memory_space<semaphore_mem>>)
      %dma_wait3A_157 = arith.constant 0 : i32
      %dma_wait3A_158 = tpu.memref_slice %arg13[%add3A_24, %dma_wait3A_157] : memref<10240x128xf32, #tpu.memory_space<vmem_shared>> -> memref<80x128xf32, #tpu.memory_space<vmem_shared>>
      %dma_wait3A_159 = arith.constant 0 : i32
      %dma_wait3A_160 = tpu.memref_slice %arg13[%add3A_24, %dma_wait3A_159] : memref<10240x128xf32, #tpu.memory_space<vmem_shared>> -> memref<80x128xf32, #tpu.memory_space<vmem_shared>>
      tpu.wait_dma2 semaphore(%run_scoped3A : memref<!tpu.dma_semaphore, #tpu.memory_space<semaphore_mem>>) src(%arg11 : memref<80x128xf32, #tpu.memory_space<vmem>>) dst(%dma_wait3A_160 : memref<80x128xf32, #tpu.memory_space<vmem_shared>>)
      tpu.yield
    }) : () -> ()
    %mul3A_25 = arith.constant 640 : i32
    %mul3A_26 = arith.muli %arg1, %mul3A_25 : i32
    %add3A_27 = arith.constant 480 : i32
    %add3A_28 = arith.addi %mul3A_26, %add3A_27 : i32
    "tpu.region"() ({
      %run_scoped3A = tpu.sem_alloc : memref<!tpu.dma_semaphore, #tpu.memory_space<semaphore_mem>>
      %dma_start3A_153 = arith.constant 0 : i32
      %dma_start3A_154 = tpu.memref_slice %arg13[%add3A_28, %dma_start3A_153] : memref<10240x128xf32, #tpu.memory_space<vmem_shared>> -> memref<80x128xf32, #tpu.memory_space<vmem_shared>>
      %dma_start3A_155 = arith.constant 0 : i32
      %dma_start3A_156 = tpu.memref_slice %arg13[%add3A_28, %dma_start3A_155] : memref<10240x128xf32, #tpu.memory_space<vmem_shared>> -> memref<80x128xf32, #tpu.memory_space<vmem_shared>>
      tpu.enqueue_dma source(%arg11 : memref<80x128xf32, #tpu.memory_space<vmem>>) target(%dma_start3A_156 : memref<80x128xf32, #tpu.memory_space<vmem_shared>>) target_semaphore(%run_scoped3A : memref<!tpu.dma_semaphore, #tpu.memory_space<semaphore_mem>>)
      %dma_wait3A_157 = arith.constant 0 : i32
      %dma_wait3A_158 = tpu.memref_slice %arg13[%add3A_28, %dma_wait3A_157] : memref<10240x128xf32, #tpu.memory_space<vmem_shared>> -> memref<80x128xf32, #tpu.memory_space<vmem_shared>>
      %dma_wait3A_159 = arith.constant 0 : i32
      %dma_wait3A_160 = tpu.memref_slice %arg13[%add3A_28, %dma_wait3A_159] : memref<10240x128xf32, #tpu.memory_space<vmem_shared>> -> memref<80x128xf32, #tpu.memory_space<vmem_shared>>
      tpu.wait_dma2 semaphore(%run_scoped3A : memref<!tpu.dma_semaphore, #tpu.memory_space<semaphore_mem>>) src(%arg11 : memref<80x128xf32, #tpu.memory_space<vmem>>) dst(%dma_wait3A_160 : memref<80x128xf32, #tpu.memory_space<vmem_shared>>)
      tpu.yield
    }) : () -> ()
    %mul3A_29 = arith.constant 640 : i32
    %mul3A_30 = arith.muli %arg1, %mul3A_29 : i32
    %add3A_31 = arith.constant 560 : i32
    %add3A_32 = arith.addi %mul3A_30, %add3A_31 : i32
    "tpu.region"() ({
      %run_scoped3A = tpu.sem_alloc : memref<!tpu.dma_semaphore, #tpu.memory_space<semaphore_mem>>
      %dma_start3A_153 = arith.constant 0 : i32
      %dma_start3A_154 = tpu.memref_slice %arg13[%add3A_32, %dma_start3A_153] : memref<10240x128xf32, #tpu.memory_space<vmem_shared>> -> memref<80x128xf32, #tpu.memory_space<vmem_shared>>
      %dma_start3A_155 = arith.constant 0 : i32
      %dma_start3A_156 = tpu.memref_slice %arg13[%add3A_32, %dma_start3A_155] : memref<10240x128xf32, #tpu.memory_space<vmem_shared>> -> memref<80x128xf32, #tpu.memory_space<vmem_shared>>
      tpu.enqueue_dma source(%arg11 : memref<80x128xf32, #tpu.memory_space<vmem>>) target(%dma_start3A_156 : memref<80x128xf32, #tpu.memory_space<vmem_shared>>) target_semaphore(%run_scoped3A : memref<!tpu.dma_semaphore, #tpu.memory_space<semaphore_mem>>)
      %dma_wait3A_157 = arith.constant 0 : i32
      %dma_wait3A_158 = tpu.memref_slice %arg13[%add3A_32, %dma_wait3A_157] : memref<10240x128xf32, #tpu.memory_space<vmem_shared>> -> memref<80x128xf32, #tpu.memory_space<vmem_shared>>
      %dma_wait3A_159 = arith.constant 0 : i32
      %dma_wait3A_160 = tpu.memref_slice %arg13[%add3A_32, %dma_wait3A_159] : memref<10240x128xf32, #tpu.memory_space<vmem_shared>> -> memref<80x128xf32, #tpu.memory_space<vmem_shared>>
      tpu.wait_dma2 semaphore(%run_scoped3A : memref<!tpu.dma_semaphore, #tpu.memory_space<semaphore_mem>>) src(%arg11 : memref<80x128xf32, #tpu.memory_space<vmem>>) dst(%dma_wait3A_160 : memref<80x128xf32, #tpu.memory_space<vmem_shared>>)
      tpu.yield
    }) : () -> ()
    %barrier3A = arith.constant 0 : index
    tpu.barrier barrier_id(%barrier3A)
    %mul3A_33 = arith.constant 10000 : i32
    %mul3A_34 = arith.muli %add3A, %mul3A_33 : i32
    %add3A_35 = arith.constant 0 : i32
    %add3A_36 = arith.addi %mul3A_34, %add3A_35 : i32
    %dma_start3A = tpu.memref_slice %arg3[%add3A_36] : memref<320000xi32, #tpu.memory_space<hbm>> -> memref<80xi32, #tpu.memory_space<hbm>>
    %dma_start3A_37 = tpu.memref_slice %arg3[%add3A_36] : memref<320000xi32, #tpu.memory_space<hbm>> -> memref<80xi32, #tpu.memory_space<hbm>>
    tpu.enqueue_dma source(%dma_start3A_37 : memref<80xi32, #tpu.memory_space<hbm>>) target(%arg7 : memref<80xi32, #tpu.memory_space<vmem>>) target_semaphore(%arg16 : memref<!tpu.dma_semaphore, #tpu.memory_space<semaphore_mem>>)
    %dma_start3A_38 = tpu.memref_slice %arg4[%add3A_36] : memref<320000xi32, #tpu.memory_space<hbm>> -> memref<80xi32, #tpu.memory_space<hbm>>
    %dma_start3A_39 = tpu.memref_slice %arg4[%add3A_36] : memref<320000xi32, #tpu.memory_space<hbm>> -> memref<80xi32, #tpu.memory_space<hbm>>
    tpu.enqueue_dma source(%dma_start3A_39 : memref<80xi32, #tpu.memory_space<hbm>>) target(%arg9 : memref<80xi32, #tpu.memory_space<vmem>>) target_semaphore(%arg16 : memref<!tpu.dma_semaphore, #tpu.memory_space<semaphore_mem>>)
    %mul3A_40 = arith.constant 10000 : i32
    %mul3A_41 = arith.muli %add3A, %mul3A_40 : i32
    %add3A_42 = arith.constant 80 : i32
    %add3A_43 = arith.addi %mul3A_41, %add3A_42 : i32
    %dma_start3A_44 = tpu.memref_slice %arg3[%add3A_43] : memref<320000xi32, #tpu.memory_space<hbm>> -> memref<80xi32, #tpu.memory_space<hbm>>
    %dma_start3A_45 = tpu.memref_slice %arg3[%add3A_43] : memref<320000xi32, #tpu.memory_space<hbm>> -> memref<80xi32, #tpu.memory_space<hbm>>
    tpu.enqueue_dma source(%dma_start3A_45 : memref<80xi32, #tpu.memory_space<hbm>>) target(%arg8 : memref<80xi32, #tpu.memory_space<vmem>>) target_semaphore(%arg17 : memref<!tpu.dma_semaphore, #tpu.memory_space<semaphore_mem>>)
    %dma_start3A_46 = tpu.memref_slice %arg4[%add3A_43] : memref<320000xi32, #tpu.memory_space<hbm>> -> memref<80xi32, #tpu.memory_space<hbm>>
    %dma_start3A_47 = tpu.memref_slice %arg4[%add3A_43] : memref<320000xi32, #tpu.memory_space<hbm>> -> memref<80xi32, #tpu.memory_space<hbm>>
    tpu.enqueue_dma source(%dma_start3A_47 : memref<80xi32, #tpu.memory_space<hbm>>) target(%arg10 : memref<80xi32, #tpu.memory_space<vmem>>) target_semaphore(%arg17 : memref<!tpu.dma_semaphore, #tpu.memory_space<semaphore_mem>>)
    %mul3A_48 = arith.constant 10000 : i32
    %mul3A_49 = arith.muli %add3A, %mul3A_48 : i32
    %add3A_50 = arith.constant 0 : i32
    %add3A_51 = arith.addi %mul3A_49, %add3A_50 : i32
    %dma_wait3A = tpu.memref_slice %arg3[%add3A_51] : memref<320000xi32, #tpu.memory_space<hbm>> -> memref<80xi32, #tpu.memory_space<hbm>>
    %dma_wait3A_52 = tpu.memref_slice %arg3[%add3A_51] : memref<320000xi32, #tpu.memory_space<hbm>> -> memref<80xi32, #tpu.memory_space<hbm>>
    tpu.wait_dma2 semaphore(%arg16 : memref<!tpu.dma_semaphore, #tpu.memory_space<semaphore_mem>>) src(%dma_wait3A_52 : memref<80xi32, #tpu.memory_space<hbm>>) dst(%arg7 : memref<80xi32, #tpu.memory_space<vmem>>)
    %dma_wait3A_53 = tpu.memref_slice %arg4[%add3A_51] : memref<320000xi32, #tpu.memory_space<hbm>> -> memref<80xi32, #tpu.memory_space<hbm>>
    %dma_wait3A_54 = tpu.memref_slice %arg4[%add3A_51] : memref<320000xi32, #tpu.memory_space<hbm>> -> memref<80xi32, #tpu.memory_space<hbm>>
    tpu.wait_dma2 semaphore(%arg16 : memref<!tpu.dma_semaphore, #tpu.memory_space<semaphore_mem>>) src(%dma_wait3A_54 : memref<80xi32, #tpu.memory_space<hbm>>) dst(%arg9 : memref<80xi32, #tpu.memory_space<vmem>>)
    %dma_start3A_55 = arith.constant 0 : i32
    %dma_start3A_56 = arith.constant 0 : i32
    %dma_start3A_57 = tpu.memref_slice %arg2[%dma_start3A_55, %dma_start3A_56] : memref<10000x128xf32, #tpu.memory_space<hbm>> -> memref<10000x128xf32, #tpu.memory_space<hbm>>
    tpu.enqueue_indirect_dma source(%dma_start3A_57 : memref<10000x128xf32, #tpu.memory_space<hbm>>) target(%arg11 : memref<80x128xf32, #tpu.memory_space<vmem>>) offsets(%arg7 : memref<80xi32, #tpu.memory_space<vmem>>) semaphore(%arg14 : memref<!tpu.dma_semaphore, #tpu.memory_space<semaphore_mem>>)
    %scan3A = arith.constant 0 : i32
    %scan3A_58 = arith.constant 0 : i32
    %scan3A_59 = arith.constant 63 : i32
    %scan3A_60 = arith.addi %scan3A_58, %scan3A_59 : i32
    %scan3A_61 = arith.constant 1 : i32
    %scan3A_62 = scf.for %scan3A_153 = %scan3A_58 to %scan3A_60 step %scan3A_61 iter_args(%scan3A_154 = %scan3A) -> (i32)  : i32 {
      %mul3A_155 = arith.constant 2 : i32
      %mul3A_156 = arith.muli %mul3A_155, %scan3A_153 : i32
      %add3A_157 = arith.constant 0 : i32
      %add3A_158 = arith.addi %mul3A_156, %add3A_157 : i32
      %lt3A = arith.constant 125 : i32
      %lt3A_159 = arith.cmpi slt, %add3A_158, %lt3A : i32
      %convert_element_type3A = arith.extui %lt3A_159 : i1 to i32
      %cond3A = arith.constant 0 : i32
      %cond3A_160 = arith.cmpi ne, %convert_element_type3A, %cond3A : i32
      scf.if %cond3A_160 {
        %add3A_171 = arith.constant 1 : i32
        %add3A_172 = arith.addi %add3A_158, %add3A_171 : i32
        %lt3A_173 = arith.constant 125 : i32
        %lt3A_174 = arith.cmpi slt, %add3A_172, %lt3A_173 : i32
        %convert_element_type3A_175 = arith.extui %lt3A_174 : i1 to i32
        %cond3A_176 = arith.constant 0 : i32
        %cond3A_177 = arith.cmpi ne, %convert_element_type3A_175, %cond3A_176 : i32
        scf.if %cond3A_177 {
          %add3A_188 = arith.constant 1 : i32
          %add3A_189 = arith.addi %add3A_158, %add3A_188 : i32
          %mul3A_190 = arith.constant 10000 : i32
          %mul3A_191 = arith.muli %add3A, %mul3A_190 : i32
          %mul3A_192 = arith.constant 80 : i32
          %mul3A_193 = arith.muli %add3A_189, %mul3A_192 : i32
          %add3A_194 = arith.addi %mul3A_191, %mul3A_193 : i32
          %dma_wait3A_195 = tpu.memref_slice %arg3[%add3A_194] : memref<320000xi32, #tpu.memory_space<hbm>> -> memref<80xi32, #tpu.memory_space<hbm>>
          %dma_wait3A_196 = tpu.memref_slice %arg3[%add3A_194] : memref<320000xi32, #tpu.memory_space<hbm>> -> memref<80xi32, #tpu.memory_space<hbm>>
          tpu.wait_dma2 semaphore(%arg17 : memref<!tpu.dma_semaphore, #tpu.memory_space<semaphore_mem>>) src(%dma_wait3A_196 : memref<80xi32, #tpu.memory_space<hbm>>) dst(%arg8 : memref<80xi32, #tpu.memory_space<vmem>>)
          %dma_wait3A_197 = tpu.memref_slice %arg4[%add3A_194] : memref<320000xi32, #tpu.memory_space<hbm>> -> memref<80xi32, #tpu.memory_space<hbm>>
          %dma_wait3A_198 = tpu.memref_slice %arg4[%add3A_194] : memref<320000xi32, #tpu.memory_space<hbm>> -> memref<80xi32, #tpu.memory_space<hbm>>
          tpu.wait_dma2 semaphore(%arg17 : memref<!tpu.dma_semaphore, #tpu.memory_space<semaphore_mem>>) src(%dma_wait3A_198 : memref<80xi32, #tpu.memory_space<hbm>>) dst(%arg10 : memref<80xi32, #tpu.memory_space<vmem>>)
          %dma_start3A_199 = arith.constant 0 : i32
          %dma_start3A_200 = arith.constant 0 : i32
          %dma_start3A_201 = tpu.memref_slice %arg2[%dma_start3A_199, %dma_start3A_200] : memref<10000x128xf32, #tpu.memory_space<hbm>> -> memref<10000x128xf32, #tpu.memory_space<hbm>>
          tpu.enqueue_indirect_dma source(%dma_start3A_201 : memref<10000x128xf32, #tpu.memory_space<hbm>>) target(%arg12 : memref<80x128xf32, #tpu.memory_space<vmem>>) offsets(%arg8 : memref<80xi32, #tpu.memory_space<vmem>>) semaphore(%arg15 : memref<!tpu.dma_semaphore, #tpu.memory_space<semaphore_mem>>)
        } else {
        }
        %dma_wait3A_178 = arith.constant 0 : i32
        %dma_wait3A_179 = arith.constant 0 : i32
        %dma_wait3A_180 = tpu.memref_slice %arg2[%dma_wait3A_178, %dma_wait3A_179] : memref<10000x128xf32, #tpu.memory_space<hbm>> -> memref<10000x128xf32, #tpu.memory_space<hbm>>
        tpu.wait_indirect_dma semaphore(%arg14 : memref<!tpu.dma_semaphore, #tpu.memory_space<semaphore_mem>>) src(%dma_wait3A_180 : memref<10000x128xf32, #tpu.memory_space<hbm>>) dst(%arg11 : memref<80x128xf32, #tpu.memory_space<vmem>>)
        "tpu.region"() ({
          %run_scoped3A = tpu.sem_alloc : memref<!tpu.dma_semaphore, #tpu.memory_space<semaphore_mem>>
          %dma_start3A_188 = arith.constant 0 : i32
          %dma_start3A_189 = arith.constant 0 : i32
          %dma_start3A_190 = tpu.memref_slice %arg13[%dma_start3A_188, %dma_start3A_189] : memref<10240x128xf32, #tpu.memory_space<vmem_shared>> -> memref<10240x128xf32, #tpu.memory_space<vmem_shared>>
          tpu.enqueue_indirect_dma source(%arg11 : memref<80x128xf32, #tpu.memory_space<vmem>>) target(%dma_start3A_190 : memref<10240x128xf32, #tpu.memory_space<vmem_shared>>) offsets(%arg9 : memref<80xi32, #tpu.memory_space<vmem>>) semaphore(%run_scoped3A : memref<!tpu.dma_semaphore, #tpu.memory_space<semaphore_mem>>) {add = true}
          %dma_wait3A_191 = arith.constant 0 : i32
          %dma_wait3A_192 = arith.constant 0 : i32
          %dma_wait3A_193 = tpu.memref_slice %arg13[%dma_wait3A_191, %dma_wait3A_192] : memref<10240x128xf32, #tpu.memory_space<vmem_shared>> -> memref<10240x128xf32, #tpu.memory_space<vmem_shared>>
          tpu.wait_indirect_dma semaphore(%run_scoped3A : memref<!tpu.dma_semaphore, #tpu.memory_space<semaphore_mem>>) src(%arg11 : memref<80x128xf32, #tpu.memory_space<vmem>>) dst(%dma_wait3A_193 : memref<10240x128xf32, #tpu.memory_space<vmem_shared>>)
          tpu.yield
        }) : () -> ()
        %add3A_181 = arith.constant 2 : i32
        %add3A_182 = arith.addi %add3A_158, %add3A_181 : i32
        %lt3A_183 = arith.constant 125 : i32
        %lt3A_184 = arith.cmpi slt, %add3A_182, %lt3A_183 : i32
        %convert_element_type3A_185 = arith.extui %lt3A_184 : i1 to i32
        %cond3A_186 = arith.constant 0 : i32
        %cond3A_187 = arith.cmpi ne, %convert_element_type3A_185, %cond3A_186 : i32
        scf.if %cond3A_187 {
          %add3A_188 = arith.constant 2 : i32
          %add3A_189 = arith.addi %add3A_158, %add3A_188 : i32
          %mul3A_190 = arith.constant 10000 : i32
          %mul3A_191 = arith.muli %add3A, %mul3A_190 : i32
          %mul3A_192 = arith.constant 80 : i32
          %mul3A_193 = arith.muli %add3A_189, %mul3A_192 : i32
          %add3A_194 = arith.addi %mul3A_191, %mul3A_193 : i32
          %dma_start3A_195 = tpu.memref_slice %arg3[%add3A_194] : memref<320000xi32, #tpu.memory_space<hbm>> -> memref<80xi32, #tpu.memory_space<hbm>>
          %dma_start3A_196 = tpu.memref_slice %arg3[%add3A_194] : memref<320000xi32, #tpu.memory_space<hbm>> -> memref<80xi32, #tpu.memory_space<hbm>>
          tpu.enqueue_dma source(%dma_start3A_196 : memref<80xi32, #tpu.memory_space<hbm>>) target(%arg7 : memref<80xi32, #tpu.memory_space<vmem>>) target_semaphore(%arg16 : memref<!tpu.dma_semaphore, #tpu.memory_space<semaphore_mem>>)
          %dma_start3A_197 = tpu.memref_slice %arg4[%add3A_194] : memref<320000xi32, #tpu.memory_space<hbm>> -> memref<80xi32, #tpu.memory_space<hbm>>
          %dma_start3A_198 = tpu.memref_slice %arg4[%add3A_194] : memref<320000xi32, #tpu.memory_space<hbm>> -> memref<80xi32, #tpu.memory_space<hbm>>
          tpu.enqueue_dma source(%dma_start3A_198 : memref<80xi32, #tpu.memory_space<hbm>>) target(%arg9 : memref<80xi32, #tpu.memory_space<vmem>>) target_semaphore(%arg16 : memref<!tpu.dma_semaphore, #tpu.memory_space<semaphore_mem>>)
        } else {
        }
      } else {
      }
      %mul3A_161 = arith.constant 2 : i32
      %mul3A_162 = arith.muli %mul3A_161, %scan3A_153 : i32
      %add3A_163 = arith.constant 1 : i32
      %add3A_164 = arith.addi %mul3A_162, %add3A_163 : i32
      %lt3A_165 = arith.constant 125 : i32
      %lt3A_166 = arith.cmpi slt, %add3A_164, %lt3A_165 : i32
      %convert_element_type3A_167 = arith.extui %lt3A_166 : i1 to i32
      %cond3A_168 = arith.constant 0 : i32
      %cond3A_169 = arith.cmpi ne, %convert_element_type3A_167, %cond3A_168 : i32
      scf.if %cond3A_169 {
        %add3A_171 = arith.constant 1 : i32
        %add3A_172 = arith.addi %add3A_164, %add3A_171 : i32
        %lt3A_173 = arith.constant 125 : i32
        %lt3A_174 = arith.cmpi slt, %add3A_172, %lt3A_173 : i32
        %convert_element_type3A_175 = arith.extui %lt3A_174 : i1 to i32
        %cond3A_176 = arith.constant 0 : i32
        %cond3A_177 = arith.cmpi ne, %convert_element_type3A_175, %cond3A_176 : i32
        scf.if %cond3A_177 {
          %add3A_188 = arith.constant 1 : i32
          %add3A_189 = arith.addi %add3A_164, %add3A_188 : i32
          %mul3A_190 = arith.constant 10000 : i32
          %mul3A_191 = arith.muli %add3A, %mul3A_190 : i32
          %mul3A_192 = arith.constant 80 : i32
          %mul3A_193 = arith.muli %add3A_189, %mul3A_192 : i32
          %add3A_194 = arith.addi %mul3A_191, %mul3A_193 : i32
          %dma_wait3A_195 = tpu.memref_slice %arg3[%add3A_194] : memref<320000xi32, #tpu.memory_space<hbm>> -> memref<80xi32, #tpu.memory_space<hbm>>
          %dma_wait3A_196 = tpu.memref_slice %arg3[%add3A_194] : memref<320000xi32, #tpu.memory_space<hbm>> -> memref<80xi32, #tpu.memory_space<hbm>>
          tpu.wait_dma2 semaphore(%arg16 : memref<!tpu.dma_semaphore, #tpu.memory_space<semaphore_mem>>) src(%dma_wait3A_196 : memref<80xi32, #tpu.memory_space<hbm>>) dst(%arg7 : memref<80xi32, #tpu.memory_space<vmem>>)
          %dma_wait3A_197 = tpu.memref_slice %arg4[%add3A_194] : memref<320000xi32, #tpu.memory_space<hbm>> -> memref<80xi32, #tpu.memory_space<hbm>>
          %dma_wait3A_198 = tpu.memref_slice %arg4[%add3A_194] : memref<320000xi32, #tpu.memory_space<hbm>> -> memref<80xi32, #tpu.memory_space<hbm>>
          tpu.wait_dma2 semaphore(%arg16 : memref<!tpu.dma_semaphore, #tpu.memory_space<semaphore_mem>>) src(%dma_wait3A_198 : memref<80xi32, #tpu.memory_space<hbm>>) dst(%arg9 : memref<80xi32, #tpu.memory_space<vmem>>)
          %dma_start3A_199 = arith.constant 0 : i32
          %dma_start3A_200 = arith.constant 0 : i32
          %dma_start3A_201 = tpu.memref_slice %arg2[%dma_start3A_199, %dma_start3A_200] : memref<10000x128xf32, #tpu.memory_space<hbm>> -> memref<10000x128xf32, #tpu.memory_space<hbm>>
          tpu.enqueue_indirect_dma source(%dma_start3A_201 : memref<10000x128xf32, #tpu.memory_space<hbm>>) target(%arg11 : memref<80x128xf32, #tpu.memory_space<vmem>>) offsets(%arg7 : memref<80xi32, #tpu.memory_space<vmem>>) semaphore(%arg14 : memref<!tpu.dma_semaphore, #tpu.memory_space<semaphore_mem>>)
        } else {
        }
        %dma_wait3A_178 = arith.constant 0 : i32
        %dma_wait3A_179 = arith.constant 0 : i32
        %dma_wait3A_180 = tpu.memref_slice %arg2[%dma_wait3A_178, %dma_wait3A_179] : memref<10000x128xf32, #tpu.memory_space<hbm>> -> memref<10000x128xf32, #tpu.memory_space<hbm>>
        tpu.wait_indirect_dma semaphore(%arg15 : memref<!tpu.dma_semaphore, #tpu.memory_space<semaphore_mem>>) src(%dma_wait3A_180 : memref<10000x128xf32, #tpu.memory_space<hbm>>) dst(%arg12 : memref<80x128xf32, #tpu.memory_space<vmem>>)
        "tpu.region"() ({
          %run_scoped3A = tpu.sem_alloc : memref<!tpu.dma_semaphore, #tpu.memory_space<semaphore_mem>>
          %dma_start3A_188 = arith.constant 0 : i32
          %dma_start3A_189 = arith.constant 0 : i32
          %dma_start3A_190 = tpu.memref_slice %arg13[%dma_start3A_188, %dma_start3A_189] : memref<10240x128xf32, #tpu.memory_space<vmem_shared>> -> memref<10240x128xf32, #tpu.memory_space<vmem_shared>>
          tpu.enqueue_indirect_dma source(%arg12 : memref<80x128xf32, #tpu.memory_space<vmem>>) target(%dma_start3A_190 : memref<10240x128xf32, #tpu.memory_space<vmem_shared>>) offsets(%arg10 : memref<80xi32, #tpu.memory_space<vmem>>) semaphore(%run_scoped3A : memref<!tpu.dma_semaphore, #tpu.memory_space<semaphore_mem>>) {add = true}
          %dma_wait3A_191 = arith.constant 0 : i32
          %dma_wait3A_192 = arith.constant 0 : i32
          %dma_wait3A_193 = tpu.memref_slice %arg13[%dma_wait3A_191, %dma_wait3A_192] : memref<10240x128xf32, #tpu.memory_space<vmem_shared>> -> memref<10240x128xf32, #tpu.memory_space<vmem_shared>>
          tpu.wait_indirect_dma semaphore(%run_scoped3A : memref<!tpu.dma_semaphore, #tpu.memory_space<semaphore_mem>>) src(%arg12 : memref<80x128xf32, #tpu.memory_space<vmem>>) dst(%dma_wait3A_193 : memref<10240x128xf32, #tpu.memory_space<vmem_shared>>)
          tpu.yield
        }) : () -> ()
        %add3A_181 = arith.constant 2 : i32
        %add3A_182 = arith.addi %add3A_164, %add3A_181 : i32
        %lt3A_183 = arith.constant 125 : i32
        %lt3A_184 = arith.cmpi slt, %add3A_182, %lt3A_183 : i32
        %convert_element_type3A_185 = arith.extui %lt3A_184 : i1 to i32
        %cond3A_186 = arith.constant 0 : i32
        %cond3A_187 = arith.cmpi ne, %convert_element_type3A_185, %cond3A_186 : i32
        scf.if %cond3A_187 {
          %add3A_188 = arith.constant 2 : i32
          %add3A_189 = arith.addi %add3A_164, %add3A_188 : i32
          %mul3A_190 = arith.constant 10000 : i32
          %mul3A_191 = arith.muli %add3A, %mul3A_190 : i32
          %mul3A_192 = arith.constant 80 : i32
          %mul3A_193 = arith.muli %add3A_189, %mul3A_192 : i32
          %add3A_194 = arith.addi %mul3A_191, %mul3A_193 : i32
          %dma_start3A_195 = tpu.memref_slice %arg3[%add3A_194] : memref<320000xi32, #tpu.memory_space<hbm>> -> memref<80xi32, #tpu.memory_space<hbm>>
          %dma_start3A_196 = tpu.memref_slice %arg3[%add3A_194] : memref<320000xi32, #tpu.memory_space<hbm>> -> memref<80xi32, #tpu.memory_space<hbm>>
          tpu.enqueue_dma source(%dma_start3A_196 : memref<80xi32, #tpu.memory_space<hbm>>) target(%arg8 : memref<80xi32, #tpu.memory_space<vmem>>) target_semaphore(%arg17 : memref<!tpu.dma_semaphore, #tpu.memory_space<semaphore_mem>>)
          %dma_start3A_197 = tpu.memref_slice %arg4[%add3A_194] : memref<320000xi32, #tpu.memory_space<hbm>> -> memref<80xi32, #tpu.memory_space<hbm>>
          %dma_start3A_198 = tpu.memref_slice %arg4[%add3A_194] : memref<320000xi32, #tpu.memory_space<hbm>> -> memref<80xi32, #tpu.memory_space<hbm>>
          tpu.enqueue_dma source(%dma_start3A_198 : memref<80xi32, #tpu.memory_space<hbm>>) target(%arg10 : memref<80xi32, #tpu.memory_space<vmem>>) target_semaphore(%arg17 : memref<!tpu.dma_semaphore, #tpu.memory_space<semaphore_mem>>)
        } else {
        }
      } else {
      }
      %scan3A_170 = arith.constant 0 : i32
      scf.yield %scan3A_170 : i32
    }
    %scan3A_63 = arith.constant 63 : i32
    %barrier3A_64 = arith.constant 0 : index
    tpu.barrier barrier_id(%barrier3A_64)
    %mul3A_65 = arith.constant 640 : i32
    %mul3A_66 = arith.muli %arg1, %mul3A_65 : i32
    %add3A_67 = arith.constant 0 : i32
    %add3A_68 = arith.addi %mul3A_66, %add3A_67 : i32
    %mul3A_69 = arith.constant 10240 : i32
    %mul3A_70 = arith.muli %arg0, %mul3A_69 : i32
    %mul3A_71 = arith.constant 640 : i32
    %mul3A_72 = arith.muli %arg1, %mul3A_71 : i32
    %add3A_73 = arith.addi %mul3A_70, %mul3A_72 : i32
    %add3A_74 = arith.constant 0 : i32
    %add3A_75 = arith.addi %add3A_73, %add3A_74 : i32
    "tpu.region"() ({
      %run_scoped3A = tpu.sem_alloc : memref<!tpu.dma_semaphore, #tpu.memory_space<semaphore_mem>>
      %dma_start3A_153 = arith.constant 0 : i32
      %dma_start3A_154 = tpu.memref_slice %arg6[%add3A_75, %dma_start3A_153] : memref<20480x128xf32, #tpu.memory_space<hbm>> -> memref<80x128xf32, #tpu.memory_space<hbm>>
      %dma_start3A_155 = arith.constant 0 : i32
      %dma_start3A_156 = tpu.memref_slice %arg13[%add3A_68, %dma_start3A_155] : memref<10240x128xf32, #tpu.memory_space<vmem_shared>> -> memref<80x128xf32, #tpu.memory_space<vmem_shared>>
      tpu.enqueue_dma source(%dma_start3A_156 : memref<80x128xf32, #tpu.memory_space<vmem_shared>>) target(%dma_start3A_154 : memref<80x128xf32, #tpu.memory_space<hbm>>) target_semaphore(%run_scoped3A : memref<!tpu.dma_semaphore, #tpu.memory_space<semaphore_mem>>)
      %dma_wait3A_157 = arith.constant 0 : i32
      %dma_wait3A_158 = tpu.memref_slice %arg6[%add3A_75, %dma_wait3A_157] : memref<20480x128xf32, #tpu.memory_space<hbm>> -> memref<80x128xf32, #tpu.memory_space<hbm>>
      %dma_wait3A_159 = arith.constant 0 : i32
      %dma_wait3A_160 = tpu.memref_slice %arg13[%add3A_68, %dma_wait3A_159] : memref<10240x128xf32, #tpu.memory_space<vmem_shared>> -> memref<80x128xf32, #tpu.memory_space<vmem_shared>>
      tpu.wait_dma2 semaphore(%run_scoped3A : memref<!tpu.dma_semaphore, #tpu.memory_space<semaphore_mem>>) src(%dma_wait3A_160 : memref<80x128xf32, #tpu.memory_space<vmem_shared>>) dst(%dma_wait3A_158 : memref<80x128xf32, #tpu.memory_space<hbm>>)
      tpu.yield
    }) : () -> ()
    %mul3A_76 = arith.constant 640 : i32
    %mul3A_77 = arith.muli %arg1, %mul3A_76 : i32
    %add3A_78 = arith.constant 80 : i32
    %add3A_79 = arith.addi %mul3A_77, %add3A_78 : i32
    %mul3A_80 = arith.constant 10240 : i32
    %mul3A_81 = arith.muli %arg0, %mul3A_80 : i32
    %mul3A_82 = arith.constant 640 : i32
    %mul3A_83 = arith.muli %arg1, %mul3A_82 : i32
    %add3A_84 = arith.addi %mul3A_81, %mul3A_83 : i32
    %add3A_85 = arith.constant 80 : i32
    %add3A_86 = arith.addi %add3A_84, %add3A_85 : i32
    "tpu.region"() ({
      %run_scoped3A = tpu.sem_alloc : memref<!tpu.dma_semaphore, #tpu.memory_space<semaphore_mem>>
      %dma_start3A_153 = arith.constant 0 : i32
      %dma_start3A_154 = tpu.memref_slice %arg6[%add3A_86, %dma_start3A_153] : memref<20480x128xf32, #tpu.memory_space<hbm>> -> memref<80x128xf32, #tpu.memory_space<hbm>>
      %dma_start3A_155 = arith.constant 0 : i32
      %dma_start3A_156 = tpu.memref_slice %arg13[%add3A_79, %dma_start3A_155] : memref<10240x128xf32, #tpu.memory_space<vmem_shared>> -> memref<80x128xf32, #tpu.memory_space<vmem_shared>>
      tpu.enqueue_dma source(%dma_start3A_156 : memref<80x128xf32, #tpu.memory_space<vmem_shared>>) target(%dma_start3A_154 : memref<80x128xf32, #tpu.memory_space<hbm>>) target_semaphore(%run_scoped3A : memref<!tpu.dma_semaphore, #tpu.memory_space<semaphore_mem>>)
      %dma_wait3A_157 = arith.constant 0 : i32
      %dma_wait3A_158 = tpu.memref_slice %arg6[%add3A_86, %dma_wait3A_157] : memref<20480x128xf32, #tpu.memory_space<hbm>> -> memref<80x128xf32, #tpu.memory_space<hbm>>
      %dma_wait3A_159 = arith.constant 0 : i32
      %dma_wait3A_160 = tpu.memref_slice %arg13[%add3A_79, %dma_wait3A_159] : memref<10240x128xf32, #tpu.memory_space<vmem_shared>> -> memref<80x128xf32, #tpu.memory_space<vmem_shared>>
      tpu.wait_dma2 semaphore(%run_scoped3A : memref<!tpu.dma_semaphore, #tpu.memory_space<semaphore_mem>>) src(%dma_wait3A_160 : memref<80x128xf32, #tpu.memory_space<vmem_shared>>) dst(%dma_wait3A_158 : memref<80x128xf32, #tpu.memory_space<hbm>>)
      tpu.yield
    }) : () -> ()
    %mul3A_87 = arith.constant 640 : i32
    %mul3A_88 = arith.muli %arg1, %mul3A_87 : i32
    %add3A_89 = arith.constant 160 : i32
    %add3A_90 = arith.addi %mul3A_88, %add3A_89 : i32
    %mul3A_91 = arith.constant 10240 : i32
    %mul3A_92 = arith.muli %arg0, %mul3A_91 : i32
    %mul3A_93 = arith.constant 640 : i32
    %mul3A_94 = arith.muli %arg1, %mul3A_93 : i32
    %add3A_95 = arith.addi %mul3A_92, %mul3A_94 : i32
    %add3A_96 = arith.constant 160 : i32
    %add3A_97 = arith.addi %add3A_95, %add3A_96 : i32
    "tpu.region"() ({
      %run_scoped3A = tpu.sem_alloc : memref<!tpu.dma_semaphore, #tpu.memory_space<semaphore_mem>>
      %dma_start3A_153 = arith.constant 0 : i32
      %dma_start3A_154 = tpu.memref_slice %arg6[%add3A_97, %dma_start3A_153] : memref<20480x128xf32, #tpu.memory_space<hbm>> -> memref<80x128xf32, #tpu.memory_space<hbm>>
      %dma_start3A_155 = arith.constant 0 : i32
      %dma_start3A_156 = tpu.memref_slice %arg13[%add3A_90, %dma_start3A_155] : memref<10240x128xf32, #tpu.memory_space<vmem_shared>> -> memref<80x128xf32, #tpu.memory_space<vmem_shared>>
      tpu.enqueue_dma source(%dma_start3A_156 : memref<80x128xf32, #tpu.memory_space<vmem_shared>>) target(%dma_start3A_154 : memref<80x128xf32, #tpu.memory_space<hbm>>) target_semaphore(%run_scoped3A : memref<!tpu.dma_semaphore, #tpu.memory_space<semaphore_mem>>)
      %dma_wait3A_157 = arith.constant 0 : i32
      %dma_wait3A_158 = tpu.memref_slice %arg6[%add3A_97, %dma_wait3A_157] : memref<20480x128xf32, #tpu.memory_space<hbm>> -> memref<80x128xf32, #tpu.memory_space<hbm>>
      %dma_wait3A_159 = arith.constant 0 : i32
      %dma_wait3A_160 = tpu.memref_slice %arg13[%add3A_90, %dma_wait3A_159] : memref<10240x128xf32, #tpu.memory_space<vmem_shared>> -> memref<80x128xf32, #tpu.memory_space<vmem_shared>>
      tpu.wait_dma2 semaphore(%run_scoped3A : memref<!tpu.dma_semaphore, #tpu.memory_space<semaphore_mem>>) src(%dma_wait3A_160 : memref<80x128xf32, #tpu.memory_space<vmem_shared>>) dst(%dma_wait3A_158 : memref<80x128xf32, #tpu.memory_space<hbm>>)
      tpu.yield
    }) : () -> ()
    %mul3A_98 = arith.constant 640 : i32
    %mul3A_99 = arith.muli %arg1, %mul3A_98 : i32
    %add3A_100 = arith.constant 240 : i32
    %add3A_101 = arith.addi %mul3A_99, %add3A_100 : i32
    %mul3A_102 = arith.constant 10240 : i32
    %mul3A_103 = arith.muli %arg0, %mul3A_102 : i32
    %mul3A_104 = arith.constant 640 : i32
    %mul3A_105 = arith.muli %arg1, %mul3A_104 : i32
    %add3A_106 = arith.addi %mul3A_103, %mul3A_105 : i32
    %add3A_107 = arith.constant 240 : i32
    %add3A_108 = arith.addi %add3A_106, %add3A_107 : i32
    "tpu.region"() ({
      %run_scoped3A = tpu.sem_alloc : memref<!tpu.dma_semaphore, #tpu.memory_space<semaphore_mem>>
      %dma_start3A_153 = arith.constant 0 : i32
      %dma_start3A_154 = tpu.memref_slice %arg6[%add3A_108, %dma_start3A_153] : memref<20480x128xf32, #tpu.memory_space<hbm>> -> memref<80x128xf32, #tpu.memory_space<hbm>>
      %dma_start3A_155 = arith.constant 0 : i32
      %dma_start3A_156 = tpu.memref_slice %arg13[%add3A_101, %dma_start3A_155] : memref<10240x128xf32, #tpu.memory_space<vmem_shared>> -> memref<80x128xf32, #tpu.memory_space<vmem_shared>>
      tpu.enqueue_dma source(%dma_start3A_156 : memref<80x128xf32, #tpu.memory_space<vmem_shared>>) target(%dma_start3A_154 : memref<80x128xf32, #tpu.memory_space<hbm>>) target_semaphore(%run_scoped3A : memref<!tpu.dma_semaphore, #tpu.memory_space<semaphore_mem>>)
      %dma_wait3A_157 = arith.constant 0 : i32
      %dma_wait3A_158 = tpu.memref_slice %arg6[%add3A_108, %dma_wait3A_157] : memref<20480x128xf32, #tpu.memory_space<hbm>> -> memref<80x128xf32, #tpu.memory_space<hbm>>
      %dma_wait3A_159 = arith.constant 0 : i32
      %dma_wait3A_160 = tpu.memref_slice %arg13[%add3A_101, %dma_wait3A_159] : memref<10240x128xf32, #tpu.memory_space<vmem_shared>> -> memref<80x128xf32, #tpu.memory_space<vmem_shared>>
      tpu.wait_dma2 semaphore(%run_scoped3A : memref<!tpu.dma_semaphore, #tpu.memory_space<semaphore_mem>>) src(%dma_wait3A_160 : memref<80x128xf32, #tpu.memory_space<vmem_shared>>) dst(%dma_wait3A_158 : memref<80x128xf32, #tpu.memory_space<hbm>>)
      tpu.yield
    }) : () -> ()
    %mul3A_109 = arith.constant 640 : i32
    %mul3A_110 = arith.muli %arg1, %mul3A_109 : i32
    %add3A_111 = arith.constant 320 : i32
    %add3A_112 = arith.addi %mul3A_110, %add3A_111 : i32
    %mul3A_113 = arith.constant 10240 : i32
    %mul3A_114 = arith.muli %arg0, %mul3A_113 : i32
    %mul3A_115 = arith.constant 640 : i32
    %mul3A_116 = arith.muli %arg1, %mul3A_115 : i32
    %add3A_117 = arith.addi %mul3A_114, %mul3A_116 : i32
    %add3A_118 = arith.constant 320 : i32
    %add3A_119 = arith.addi %add3A_117, %add3A_118 : i32
    "tpu.region"() ({
      %run_scoped3A = tpu.sem_alloc : memref<!tpu.dma_semaphore, #tpu.memory_space<semaphore_mem>>
      %dma_start3A_153 = arith.constant 0 : i32
      %dma_start3A_154 = tpu.memref_slice %arg6[%add3A_119, %dma_start3A_153] : memref<20480x128xf32, #tpu.memory_space<hbm>> -> memref<80x128xf32, #tpu.memory_space<hbm>>
      %dma_start3A_155 = arith.constant 0 : i32
      %dma_start3A_156 = tpu.memref_slice %arg13[%add3A_112, %dma_start3A_155] : memref<10240x128xf32, #tpu.memory_space<vmem_shared>> -> memref<80x128xf32, #tpu.memory_space<vmem_shared>>
      tpu.enqueue_dma source(%dma_start3A_156 : memref<80x128xf32, #tpu.memory_space<vmem_shared>>) target(%dma_start3A_154 : memref<80x128xf32, #tpu.memory_space<hbm>>) target_semaphore(%run_scoped3A : memref<!tpu.dma_semaphore, #tpu.memory_space<semaphore_mem>>)
      %dma_wait3A_157 = arith.constant 0 : i32
      %dma_wait3A_158 = tpu.memref_slice %arg6[%add3A_119, %dma_wait3A_157] : memref<20480x128xf32, #tpu.memory_space<hbm>> -> memref<80x128xf32, #tpu.memory_space<hbm>>
      %dma_wait3A_159 = arith.constant 0 : i32
      %dma_wait3A_160 = tpu.memref_slice %arg13[%add3A_112, %dma_wait3A_159] : memref<10240x128xf32, #tpu.memory_space<vmem_shared>> -> memref<80x128xf32, #tpu.memory_space<vmem_shared>>
      tpu.wait_dma2 semaphore(%run_scoped3A : memref<!tpu.dma_semaphore, #tpu.memory_space<semaphore_mem>>) src(%dma_wait3A_160 : memref<80x128xf32, #tpu.memory_space<vmem_shared>>) dst(%dma_wait3A_158 : memref<80x128xf32, #tpu.memory_space<hbm>>)
      tpu.yield
    }) : () -> ()
    %mul3A_120 = arith.constant 640 : i32
    %mul3A_121 = arith.muli %arg1, %mul3A_120 : i32
    %add3A_122 = arith.constant 400 : i32
    %add3A_123 = arith.addi %mul3A_121, %add3A_122 : i32
    %mul3A_124 = arith.constant 10240 : i32
    %mul3A_125 = arith.muli %arg0, %mul3A_124 : i32
    %mul3A_126 = arith.constant 640 : i32
    %mul3A_127 = arith.muli %arg1, %mul3A_126 : i32
    %add3A_128 = arith.addi %mul3A_125, %mul3A_127 : i32
    %add3A_129 = arith.constant 400 : i32
    %add3A_130 = arith.addi %add3A_128, %add3A_129 : i32
    "tpu.region"() ({
      %run_scoped3A = tpu.sem_alloc : memref<!tpu.dma_semaphore, #tpu.memory_space<semaphore_mem>>
      %dma_start3A_153 = arith.constant 0 : i32
      %dma_start3A_154 = tpu.memref_slice %arg6[%add3A_130, %dma_start3A_153] : memref<20480x128xf32, #tpu.memory_space<hbm>> -> memref<80x128xf32, #tpu.memory_space<hbm>>
      %dma_start3A_155 = arith.constant 0 : i32
      %dma_start3A_156 = tpu.memref_slice %arg13[%add3A_123, %dma_start3A_155] : memref<10240x128xf32, #tpu.memory_space<vmem_shared>> -> memref<80x128xf32, #tpu.memory_space<vmem_shared>>
      tpu.enqueue_dma source(%dma_start3A_156 : memref<80x128xf32, #tpu.memory_space<vmem_shared>>) target(%dma_start3A_154 : memref<80x128xf32, #tpu.memory_space<hbm>>) target_semaphore(%run_scoped3A : memref<!tpu.dma_semaphore, #tpu.memory_space<semaphore_mem>>)
      %dma_wait3A_157 = arith.constant 0 : i32
      %dma_wait3A_158 = tpu.memref_slice %arg6[%add3A_130, %dma_wait3A_157] : memref<20480x128xf32, #tpu.memory_space<hbm>> -> memref<80x128xf32, #tpu.memory_space<hbm>>
      %dma_wait3A_159 = arith.constant 0 : i32
      %dma_wait3A_160 = tpu.memref_slice %arg13[%add3A_123, %dma_wait3A_159] : memref<10240x128xf32, #tpu.memory_space<vmem_shared>> -> memref<80x128xf32, #tpu.memory_space<vmem_shared>>
      tpu.wait_dma2 semaphore(%run_scoped3A : memref<!tpu.dma_semaphore, #tpu.memory_space<semaphore_mem>>) src(%dma_wait3A_160 : memref<80x128xf32, #tpu.memory_space<vmem_shared>>) dst(%dma_wait3A_158 : memref<80x128xf32, #tpu.memory_space<hbm>>)
      tpu.yield
    }) : () -> ()
    %mul3A_131 = arith.constant 640 : i32
    %mul3A_132 = arith.muli %arg1, %mul3A_131 : i32
    %add3A_133 = arith.constant 480 : i32
    %add3A_134 = arith.addi %mul3A_132, %add3A_133 : i32
    %mul3A_135 = arith.constant 10240 : i32
    %mul3A_136 = arith.muli %arg0, %mul3A_135 : i32
    %mul3A_137 = arith.constant 640 : i32
    %mul3A_138 = arith.muli %arg1, %mul3A_137 : i32
    %add3A_139 = arith.addi %mul3A_136, %mul3A_138 : i32
    %add3A_140 = arith.constant 480 : i32
    %add3A_141 = arith.addi %add3A_139, %add3A_140 : i32
    "tpu.region"() ({
      %run_scoped3A = tpu.sem_alloc : memref<!tpu.dma_semaphore, #tpu.memory_space<semaphore_mem>>
      %dma_start3A_153 = arith.constant 0 : i32
      %dma_start3A_154 = tpu.memref_slice %arg6[%add3A_141, %dma_start3A_153] : memref<20480x128xf32, #tpu.memory_space<hbm>> -> memref<80x128xf32, #tpu.memory_space<hbm>>
      %dma_start3A_155 = arith.constant 0 : i32
      %dma_start3A_156 = tpu.memref_slice %arg13[%add3A_134, %dma_start3A_155] : memref<10240x128xf32, #tpu.memory_space<vmem_shared>> -> memref<80x128xf32, #tpu.memory_space<vmem_shared>>
      tpu.enqueue_dma source(%dma_start3A_156 : memref<80x128xf32, #tpu.memory_space<vmem_shared>>) target(%dma_start3A_154 : memref<80x128xf32, #tpu.memory_space<hbm>>) target_semaphore(%run_scoped3A : memref<!tpu.dma_semaphore, #tpu.memory_space<semaphore_mem>>)
      %dma_wait3A_157 = arith.constant 0 : i32
      %dma_wait3A_158 = tpu.memref_slice %arg6[%add3A_141, %dma_wait3A_157] : memref<20480x128xf32, #tpu.memory_space<hbm>> -> memref<80x128xf32, #tpu.memory_space<hbm>>
      %dma_wait3A_159 = arith.constant 0 : i32
      %dma_wait3A_160 = tpu.memref_slice %arg13[%add3A_134, %dma_wait3A_159] : memref<10240x128xf32, #tpu.memory_space<vmem_shared>> -> memref<80x128xf32, #tpu.memory_space<vmem_shared>>
      tpu.wait_dma2 semaphore(%run_scoped3A : memref<!tpu.dma_semaphore, #tpu.memory_space<semaphore_mem>>) src(%dma_wait3A_160 : memref<80x128xf32, #tpu.memory_space<vmem_shared>>) dst(%dma_wait3A_158 : memref<80x128xf32, #tpu.memory_space<hbm>>)
      tpu.yield
    }) : () -> ()
    %mul3A_142 = arith.constant 640 : i32
    %mul3A_143 = arith.muli %arg1, %mul3A_142 : i32
    %add3A_144 = arith.constant 560 : i32
    %add3A_145 = arith.addi %mul3A_143, %add3A_144 : i32
    %mul3A_146 = arith.constant 10240 : i32
    %mul3A_147 = arith.muli %arg0, %mul3A_146 : i32
    %mul3A_148 = arith.constant 640 : i32
    %mul3A_149 = arith.muli %arg1, %mul3A_148 : i32
    %add3A_150 = arith.addi %mul3A_147, %mul3A_149 : i32
    %add3A_151 = arith.constant 560 : i32
    %add3A_152 = arith.addi %add3A_150, %add3A_151 : i32
    "tpu.region"() ({
      %run_scoped3A = tpu.sem_alloc : memref<!tpu.dma_semaphore, #tpu.memory_space<semaphore_mem>>
      %dma_start3A_153 = arith.constant 0 : i32
      %dma_start3A_154 = tpu.memref_slice %arg6[%add3A_152, %dma_start3A_153] : memref<20480x128xf32, #tpu.memory_space<hbm>> -> memref<80x128xf32, #tpu.memory_space<hbm>>
      %dma_start3A_155 = arith.constant 0 : i32
      %dma_start3A_156 = tpu.memref_slice %arg13[%add3A_145, %dma_start3A_155] : memref<10240x128xf32, #tpu.memory_space<vmem_shared>> -> memref<80x128xf32, #tpu.memory_space<vmem_shared>>
      tpu.enqueue_dma source(%dma_start3A_156 : memref<80x128xf32, #tpu.memory_space<vmem_shared>>) target(%dma_start3A_154 : memref<80x128xf32, #tpu.memory_space<hbm>>) target_semaphore(%run_scoped3A : memref<!tpu.dma_semaphore, #tpu.memory_space<semaphore_mem>>)
      %dma_wait3A_157 = arith.constant 0 : i32
      %dma_wait3A_158 = tpu.memref_slice %arg6[%add3A_152, %dma_wait3A_157] : memref<20480x128xf32, #tpu.memory_space<hbm>> -> memref<80x128xf32, #tpu.memory_space<hbm>>
      %dma_wait3A_159 = arith.constant 0 : i32
      %dma_wait3A_160 = tpu.memref_slice %arg13[%add3A_145, %dma_wait3A_159] : memref<10240x128xf32, #tpu.memory_space<vmem_shared>> -> memref<80x128xf32, #tpu.memory_space<vmem_shared>>
      tpu.wait_dma2 semaphore(%run_scoped3A : memref<!tpu.dma_semaphore, #tpu.memory_space<semaphore_mem>>) src(%dma_wait3A_160 : memref<80x128xf32, #tpu.memory_space<vmem_shared>>) dst(%dma_wait3A_158 : memref<80x128xf32, #tpu.memory_space<hbm>>)
      tpu.yield
    }) : () -> ()
    return
  }
}

module attributes {stable_mosaic.version = 14 : i64} {
  func.func @_tc_emb_body(%arg0: i32, %arg1: memref<1000x128xf32, #tpu.memory_space<vmem>>, %arg2: memref<128x128xf32, #tpu.memory_space<vmem>>, %arg3: memref<1x128xf32, #tpu.memory_space<vmem>>, %arg4: memref<1000x128xf32, #tpu.memory_space<vmem>>) attributes {dimension_semantics = [#tpu.dimension_semantics<arbitrary>], iteration_bounds = array<i64: 10>, scalar_prefetch = 0 : i64, scratch_operands = 0 : i64, tpu.core_type = #tpu.core_type<tc>, window_params = [{transform_indices = @transform_0, window_bounds = array<i64: 1000, 128>}, {pipeline_mode = #tpu.pipeline_mode<synchronous>, transform_indices = @transform_1, window_bounds = array<i64: 128, 128>}, {pipeline_mode = #tpu.pipeline_mode<synchronous>, transform_indices = @transform_2, window_bounds = array<i64: 1, 128>}, {transform_indices = @transform_3, window_bounds = array<i64: 1000, 128>}]} {
    %get3A = arith.constant 0 : index
    %get3A_0 = arith.constant 0 : index
    %get3A_1 = vector.load %arg1[%get3A, %get3A_0] : memref<1000x128xf32, #tpu.memory_space<vmem>>, vector<1000x128xf32>
    %get3A_2 = arith.constant 0 : index
    %get3A_3 = arith.constant 0 : index
    %get3A_4 = vector.load %arg2[%get3A_2, %get3A_3] : memref<128x128xf32, #tpu.memory_space<vmem>>, vector<128x128xf32>
    %dot_general3A = arith.constant dense<0.000000e+00> : vector<1000x128xf32>
    %dot_general3A_5 = tpu.matmul %get3A_1, %get3A_4, %dot_general3A {dimension_numbers = #tpu.dot_dimension_numbers<[1], [0], [0], [1], [0, 0, 1, 1], [], []>, transpose_lhs_hint = false} : vector<1000x128xf32>, vector<128x128xf32>, vector<1000x128xf32> -> vector<1000x128xf32>
    %get3A_6 = arith.constant 0 : index
    %get3A_7 = arith.constant 0 : index
    %get3A_8 = vector.load %arg3[%get3A_6, %get3A_7] : memref<1x128xf32, #tpu.memory_space<vmem>>, vector<1x128xf32>
    %add3A = vector.broadcast %get3A_8 : vector<1x128xf32> to vector<1000x128xf32>
    %add3A_9 = arith.addf %dot_general3A_5, %add3A : vector<1000x128xf32>
    %max3A = arith.constant 0.000000e+00 : f32
    %max3A_10 = vector.broadcast %max3A : f32 to vector<1000x128xf32>
    %max3A_11 = arith.maximumf %add3A_9, %max3A_10 : vector<1000x128xf32>
    %swap3A = arith.constant 0 : index
    %swap3A_12 = arith.constant 0 : index
    %swap3A_13 = vector.load %arg4[%swap3A, %swap3A_12] : memref<1000x128xf32, #tpu.memory_space<vmem>>, vector<1000x128xf32>
    tpu.vector_store %arg4[%swap3A, %swap3A_12], %max3A_11 {strides = array<i32>} : memref<1000x128xf32, #tpu.memory_space<vmem>>, vector<1000x128xf32>,
    return
  }
  func.func @transform_0(%arg0: i32) -> (i32, i32) {
    %c0_i32 = arith.constant 0 : i32
    %c0_i32_0 = arith.constant 0 : i32
    return %arg0, %c0_i32 : i32, i32
  }
  func.func @transform_1(%arg0: i32) -> (i32, i32) {
    %c0_i32 = arith.constant 0 : i32
    %c0_i32_0 = arith.constant 0 : i32
    %c0_i32_1 = arith.constant 0 : i32
    return %c0_i32, %c0_i32_0 : i32, i32
  }
  func.func @transform_2(%arg0: i32) -> (i32, i32) {
    %c0_i32 = arith.constant 0 : i32
    %c0_i32_0 = arith.constant 0 : i32
    %c0_i32_1 = arith.constant 0 : i32
    return %c0_i32, %c0_i32_0 : i32, i32
  }
  func.func @transform_3(%arg0: i32) -> (i32, i32) {
    %c0_i32 = arith.constant 0 : i32
    %c0_i32_0 = arith.constant 0 : i32
    return %arg0, %c0_i32 : i32, i32
  }
}

module attributes {stable_mosaic.version = 14 : i64} {
  func.func @_tc1_body(%arg0: i32, %arg1: memref<1000x128xf32, #tpu.memory_space<vmem>>, %arg2: memref<128x128xf32, #tpu.memory_space<vmem>>, %arg3: memref<2x1000x128xf32, #tpu.memory_space<vmem>>, %arg4: memref<1000x128xf32, #tpu.memory_space<vmem>>) attributes {dimension_semantics = [#tpu.dimension_semantics<arbitrary>], iteration_bounds = array<i64: 10>, scalar_prefetch = 0 : i64, scratch_operands = 0 : i64, tpu.core_type = #tpu.core_type<tc>, window_params = [{transform_indices = @transform_0, window_bounds = array<i64: 1000, 128>}, {pipeline_mode = #tpu.pipeline_mode<synchronous>, transform_indices = @transform_1, window_bounds = array<i64: 128, 128>}, {transform_indices = @transform_2, window_bounds = array<i64: 2, 1000, 128>}, {transform_indices = @transform_3, window_bounds = array<i64: 1000, 128>}]} {
    %get3A = arith.constant 0 : index
    %get3A_0 = arith.constant 0 : index
    %get3A_1 = arith.constant 0 : index
    %get3A_2 = vector.load %arg3[%get3A, %get3A_0, %get3A_1] : memref<2x1000x128xf32, #tpu.memory_space<vmem>>, vector<1x1000x1xf32>
    %get3A_3 = vector.shape_cast %get3A_2 : vector<1x1000x1xf32> to vector<1000x1xf32>
    %get3A_4 = arith.constant 1 : index
    %get3A_5 = arith.constant 0 : index
    %get3A_6 = arith.constant 0 : index
    %get3A_7 = vector.load %arg3[%get3A_4, %get3A_5, %get3A_6] : memref<2x1000x128xf32, #tpu.memory_space<vmem>>, vector<1x1000x1xf32>
    %get3A_8 = vector.shape_cast %get3A_7 : vector<1x1000x1xf32> to vector<1000x1xf32>
    %add3A = arith.addf %get3A_3, %get3A_8 : vector<1000x1xf32>
    %add3A_9 = arith.constant 1.000000e+00 : f32
    %add3A_10 = vector.broadcast %add3A_9 : f32 to vector<1000x1xf32>
    %add3A_11 = arith.addf %add3A, %add3A_10 : vector<1000x1xf32>
    %rsqrt3A = math.rsqrt %add3A_11 : vector<1000x1xf32>
    %get3A_12 = arith.constant 0 : index
    %get3A_13 = arith.constant 0 : index
    %get3A_14 = vector.load %arg1[%get3A_12, %get3A_13] : memref<1000x128xf32, #tpu.memory_space<vmem>>, vector<1000x128xf32>
    %get3A_15 = arith.constant 0 : index
    %get3A_16 = arith.constant 0 : index
    %get3A_17 = vector.load %arg2[%get3A_15, %get3A_16] : memref<128x128xf32, #tpu.memory_space<vmem>>, vector<128x128xf32>
    %dot_general3A = arith.constant dense<0.000000e+00> : vector<1000x128xf32>
    %dot_general3A_18 = tpu.matmul %get3A_14, %get3A_17, %dot_general3A {dimension_numbers = #tpu.dot_dimension_numbers<[1], [0], [0], [1], [0, 0, 1, 1], [], []>, transpose_lhs_hint = false} : vector<1000x128xf32>, vector<128x128xf32>, vector<1000x128xf32> -> vector<1000x128xf32>
    %mul3A = vector.broadcast %rsqrt3A : vector<1000x1xf32> to vector<1000x128xf32>
    %mul3A_19 = arith.mulf %dot_general3A_18, %mul3A : vector<1000x128xf32>
    %swap3A = arith.constant 0 : index
    %swap3A_20 = arith.constant 0 : index
    %swap3A_21 = vector.load %arg4[%swap3A, %swap3A_20] : memref<1000x128xf32, #tpu.memory_space<vmem>>, vector<1000x128xf32>
    tpu.vector_store %arg4[%swap3A, %swap3A_20], %mul3A_19 {strides = array<i32>} : memref<1000x128xf32, #tpu.memory_space<vmem>>, vector<1000x128xf32>,
    return
  }
  func.func @transform_0(%arg0: i32) -> (i32, i32) {
    %c0_i32 = arith.constant 0 : i32
    %c0_i32_0 = arith.constant 0 : i32
    return %arg0, %c0_i32 : i32, i32
  }
  func.func @transform_1(%arg0: i32) -> (i32, i32) {
    %c0_i32 = arith.constant 0 : i32
    %c0_i32_0 = arith.constant 0 : i32
    %c0_i32_1 = arith.constant 0 : i32
    return %c0_i32, %c0_i32_0 : i32, i32
  }
  func.func @transform_2(%arg0: i32) -> (i32, i32, i32) {
    %c0_i32 = arith.constant 0 : i32
    %c0_i32_0 = arith.constant 0 : i32
    %c0_i32_1 = arith.constant 0 : i32
    return %c0_i32, %arg0, %c0_i32_0 : i32, i32, i32
  }
  func.func @transform_3(%arg0: i32) -> (i32, i32) {
    %c0_i32 = arith.constant 0 : i32
    %c0_i32_0 = arith.constant 0 : i32
    return %arg0, %c0_i32 : i32, i32
  }
}

module attributes {stable_mosaic.version = 14 : i64} {
  func.func @_tc_mid_body(%arg0: i32, %arg1: memref<2x1000x128xf32, #tpu.memory_space<vmem>>, %arg2: memref<1000x128xf32, #tpu.memory_space<vmem>>, %arg3: memref<1000x128xf32, #tpu.memory_space<vmem>>, %arg4: memref<2x1000x128xf32, #tpu.memory_space<vmem>>, %arg5: memref<1x128xf32, #tpu.memory_space<vmem>>, %arg6: memref<1x128xf32, #tpu.memory_space<vmem>>, %arg7: memref<128x128xf32, #tpu.memory_space<vmem>>, %arg8: memref<1000x128xf32, #tpu.memory_space<vmem>>, %arg9: memref<1000x128xf32, #tpu.memory_space<vmem>>) attributes {dimension_semantics = [#tpu.dimension_semantics<arbitrary>], iteration_bounds = array<i64: 10>, scalar_prefetch = 0 : i64, scratch_operands = 0 : i64, tpu.core_type = #tpu.core_type<tc>, window_params = [{transform_indices = @transform_0, window_bounds = array<i64: 2, 1000, 128>}, {transform_indices = @transform_1, window_bounds = array<i64: 1000, 128>}, {transform_indices = @transform_2, window_bounds = array<i64: 1000, 128>}, {transform_indices = @transform_3, window_bounds = array<i64: 2, 1000, 128>}, {pipeline_mode = #tpu.pipeline_mode<synchronous>, transform_indices = @transform_4, window_bounds = array<i64: 1, 128>}, {pipeline_mode = #tpu.pipeline_mode<synchronous>, transform_indices = @transform_5, window_bounds = array<i64: 1, 128>}, {pipeline_mode = #tpu.pipeline_mode<synchronous>, transform_indices = @transform_6, window_bounds = array<i64: 128, 128>}, {transform_indices = @transform_7, window_bounds = array<i64: 1000, 128>}, {transform_indices = @transform_8, window_bounds = array<i64: 1000, 128>}]} {
    %get3A = arith.constant 0 : index
    %get3A_0 = arith.constant 0 : index
    %get3A_1 = arith.constant 0 : index
    %get3A_2 = vector.load %arg4[%get3A, %get3A_0, %get3A_1] : memref<2x1000x128xf32, #tpu.memory_space<vmem>>, vector<1x1000x1xf32>
    %get3A_3 = vector.shape_cast %get3A_2 : vector<1x1000x1xf32> to vector<1000x1xf32>
    %get3A_4 = arith.constant 1 : index
    %get3A_5 = arith.constant 0 : index
    %get3A_6 = arith.constant 0 : index
    %get3A_7 = vector.load %arg4[%get3A_4, %get3A_5, %get3A_6] : memref<2x1000x128xf32, #tpu.memory_space<vmem>>, vector<1x1000x1xf32>
    %get3A_8 = vector.shape_cast %get3A_7 : vector<1x1000x1xf32> to vector<1000x1xf32>
    %add3A = arith.addf %get3A_3, %get3A_8 : vector<1000x1xf32>
    %add3A_9 = arith.constant 1.000000e+00 : f32
    %add3A_10 = vector.broadcast %add3A_9 : f32 to vector<1000x1xf32>
    %add3A_11 = arith.addf %add3A, %add3A_10 : vector<1000x1xf32>
    %rsqrt3A = math.rsqrt %add3A_11 : vector<1000x1xf32>
    %get3A_12 = arith.constant 0 : index
    %get3A_13 = arith.constant 0 : index
    %get3A_14 = arith.constant 0 : index
    %get3A_15 = vector.load %arg1[%get3A_12, %get3A_13, %get3A_14] : memref<2x1000x128xf32, #tpu.memory_space<vmem>>, vector<1x1000x128xf32>
    %get3A_16 = vector.shape_cast %get3A_15 : vector<1x1000x128xf32> to vector<1000x128xf32>
    %get3A_17 = arith.constant 1 : index
    %get3A_18 = arith.constant 0 : index
    %get3A_19 = arith.constant 0 : index
    %get3A_20 = vector.load %arg1[%get3A_17, %get3A_18, %get3A_19] : memref<2x1000x128xf32, #tpu.memory_space<vmem>>, vector<1x1000x128xf32>
    %get3A_21 = vector.shape_cast %get3A_20 : vector<1x1000x128xf32> to vector<1000x128xf32>
    %add3A_22 = arith.addf %get3A_16, %get3A_21 : vector<1000x128xf32>
    %get3A_23 = arith.constant 0 : index
    %get3A_24 = arith.constant 0 : index
    %get3A_25 = vector.load %arg2[%get3A_23, %get3A_24] : memref<1000x128xf32, #tpu.memory_space<vmem>>, vector<1000x128xf32>
    %add3A_26 = arith.addf %add3A_22, %get3A_25 : vector<1000x128xf32>
    %mul3A = vector.broadcast %rsqrt3A : vector<1000x1xf32> to vector<1000x128xf32>
    %mul3A_27 = arith.mulf %add3A_26, %mul3A : vector<1000x128xf32>
    %get3A_28 = arith.constant 0 : index
    %get3A_29 = arith.constant 0 : index
    %get3A_30 = vector.load %arg5[%get3A_28, %get3A_29] : memref<1x128xf32, #tpu.memory_space<vmem>>, vector<1x128xf32>
    %mul3A_31 = vector.broadcast %get3A_30 : vector<1x128xf32> to vector<1000x128xf32>
    %mul3A_32 = arith.mulf %mul3A_27, %mul3A_31 : vector<1000x128xf32>
    %get3A_33 = arith.constant 0 : index
    %get3A_34 = arith.constant 0 : index
    %get3A_35 = vector.load %arg6[%get3A_33, %get3A_34] : memref<1x128xf32, #tpu.memory_space<vmem>>, vector<1x128xf32>
    %add3A_36 = vector.broadcast %get3A_35 : vector<1x128xf32> to vector<1000x128xf32>
    %add3A_37 = arith.addf %mul3A_32, %add3A_36 : vector<1000x128xf32>
    %max3A = arith.constant 0.000000e+00 : f32
    %max3A_38 = vector.broadcast %max3A : f32 to vector<1000x128xf32>
    %max3A_39 = arith.maximumf %add3A_37, %max3A_38 : vector<1000x128xf32>
    %swap3A = arith.constant 0 : index
    %swap3A_40 = arith.constant 0 : index
    %swap3A_41 = vector.load %arg8[%swap3A, %swap3A_40] : memref<1000x128xf32, #tpu.memory_space<vmem>>, vector<1000x128xf32>
    tpu.vector_store %arg8[%swap3A, %swap3A_40], %max3A_39 {strides = array<i32>} : memref<1000x128xf32, #tpu.memory_space<vmem>>, vector<1000x128xf32>,
    %get3A_42 = arith.constant 0 : index
    %get3A_43 = arith.constant 0 : index
    %get3A_44 = vector.load %arg7[%get3A_42, %get3A_43] : memref<128x128xf32, #tpu.memory_space<vmem>>, vector<128x128xf32>
    %dot_general3A = arith.constant dense<0.000000e+00> : vector<1000x128xf32>
    %dot_general3A_45 = tpu.matmul %max3A_39, %get3A_44, %dot_general3A {dimension_numbers = #tpu.dot_dimension_numbers<[1], [0], [0], [1], [0, 0, 1, 1], [], []>, transpose_lhs_hint = false} : vector<1000x128xf32>, vector<128x128xf32>, vector<1000x128xf32> -> vector<1000x128xf32>
    %mul3A_46 = vector.broadcast %rsqrt3A : vector<1000x1xf32> to vector<1000x128xf32>
    %mul3A_47 = arith.mulf %dot_general3A_45, %mul3A_46 : vector<1000x128xf32>
    %swap3A_48 = arith.constant 0 : index
    %swap3A_49 = arith.constant 0 : index
    %swap3A_50 = vector.load %arg9[%swap3A_48, %swap3A_49] : memref<1000x128xf32, #tpu.memory_space<vmem>>, vector<1000x128xf32>
    tpu.vector_store %arg9[%swap3A_48, %swap3A_49], %mul3A_47 {strides = array<i32>} : memref<1000x128xf32, #tpu.memory_space<vmem>>, vector<1000x128xf32>,
    return
  }
  func.func @transform_0(%arg0: i32) -> (i32, i32, i32) {
    %c0_i32 = arith.constant 0 : i32
    %c0_i32_0 = arith.constant 0 : i32
    %c0_i32_1 = arith.constant 0 : i32
    return %c0_i32, %arg0, %c0_i32_0 : i32, i32, i32
  }
  func.func @transform_1(%arg0: i32) -> (i32, i32) {
    %c0_i32 = arith.constant 0 : i32
    %c0_i32_0 = arith.constant 0 : i32
    return %arg0, %c0_i32 : i32, i32
  }
  func.func @transform_2(%arg0: i32) -> (i32, i32) {
    %c0_i32 = arith.constant 0 : i32
    %c0_i32_0 = arith.constant 0 : i32
    return %arg0, %c0_i32 : i32, i32
  }
  func.func @transform_3(%arg0: i32) -> (i32, i32, i32) {
    %c0_i32 = arith.constant 0 : i32
    %c0_i32_0 = arith.constant 0 : i32
    %c0_i32_1 = arith.constant 0 : i32
    return %c0_i32, %arg0, %c0_i32_0 : i32, i32, i32
  }
  func.func @transform_4(%arg0: i32) -> (i32, i32) {
    %c0_i32 = arith.constant 0 : i32
    %c0_i32_0 = arith.constant 0 : i32
    %c0_i32_1 = arith.constant 0 : i32
    return %c0_i32, %c0_i32_0 : i32, i32
  }
  func.func @transform_5(%arg0: i32) -> (i32, i32) {
    %c0_i32 = arith.constant 0 : i32
    %c0_i32_0 = arith.constant 0 : i32
    %c0_i32_1 = arith.constant 0 : i32
    return %c0_i32, %c0_i32_0 : i32, i32
  }
  func.func @transform_6(%arg0: i32) -> (i32, i32) {
    %c0_i32 = arith.constant 0 : i32
    %c0_i32_0 = arith.constant 0 : i32
    %c0_i32_1 = arith.constant 0 : i32
    return %c0_i32, %c0_i32_0 : i32, i32
  }
  func.func @transform_7(%arg0: i32) -> (i32, i32) {
    %c0_i32 = arith.constant 0 : i32
    %c0_i32_0 = arith.constant 0 : i32
    return %arg0, %c0_i32 : i32, i32
  }
  func.func @transform_8(%arg0: i32) -> (i32, i32) {
    %c0_i32 = arith.constant 0 : i32
    %c0_i32_0 = arith.constant 0 : i32
    return %arg0, %c0_i32 : i32, i32
  }
}

module attributes {stable_mosaic.version = 14 : i64} {
  func.func @_tc_mid_body(%arg0: i32, %arg1: memref<2x1000x128xf32, #tpu.memory_space<vmem>>, %arg2: memref<1000x128xf32, #tpu.memory_space<vmem>>, %arg3: memref<1000x128xf32, #tpu.memory_space<vmem>>, %arg4: memref<2x1000x128xf32, #tpu.memory_space<vmem>>, %arg5: memref<1x128xf32, #tpu.memory_space<vmem>>, %arg6: memref<1x128xf32, #tpu.memory_space<vmem>>, %arg7: memref<128x128xf32, #tpu.memory_space<vmem>>, %arg8: memref<1000x128xf32, #tpu.memory_space<vmem>>, %arg9: memref<1000x128xf32, #tpu.memory_space<vmem>>) attributes {dimension_semantics = [#tpu.dimension_semantics<arbitrary>], iteration_bounds = array<i64: 10>, scalar_prefetch = 0 : i64, scratch_operands = 0 : i64, tpu.core_type = #tpu.core_type<tc>, window_params = [{transform_indices = @transform_0, window_bounds = array<i64: 2, 1000, 128>}, {transform_indices = @transform_1, window_bounds = array<i64: 1000, 128>}, {transform_indices = @transform_2, window_bounds = array<i64: 1000, 128>}, {transform_indices = @transform_3, window_bounds = array<i64: 2, 1000, 128>}, {pipeline_mode = #tpu.pipeline_mode<synchronous>, transform_indices = @transform_4, window_bounds = array<i64: 1, 128>}, {pipeline_mode = #tpu.pipeline_mode<synchronous>, transform_indices = @transform_5, window_bounds = array<i64: 1, 128>}, {pipeline_mode = #tpu.pipeline_mode<synchronous>, transform_indices = @transform_6, window_bounds = array<i64: 128, 128>}, {transform_indices = @transform_7, window_bounds = array<i64: 1000, 128>}, {transform_indices = @transform_8, window_bounds = array<i64: 1000, 128>}]} {
    %get3A = arith.constant 0 : index
    %get3A_0 = arith.constant 0 : index
    %get3A_1 = arith.constant 0 : index
    %get3A_2 = vector.load %arg4[%get3A, %get3A_0, %get3A_1] : memref<2x1000x128xf32, #tpu.memory_space<vmem>>, vector<1x1000x1xf32>
    %get3A_3 = vector.shape_cast %get3A_2 : vector<1x1000x1xf32> to vector<1000x1xf32>
    %get3A_4 = arith.constant 1 : index
    %get3A_5 = arith.constant 0 : index
    %get3A_6 = arith.constant 0 : index
    %get3A_7 = vector.load %arg4[%get3A_4, %get3A_5, %get3A_6] : memref<2x1000x128xf32, #tpu.memory_space<vmem>>, vector<1x1000x1xf32>
    %get3A_8 = vector.shape_cast %get3A_7 : vector<1x1000x1xf32> to vector<1000x1xf32>
    %add3A = arith.addf %get3A_3, %get3A_8 : vector<1000x1xf32>
    %add3A_9 = arith.constant 1.000000e+00 : f32
    %add3A_10 = vector.broadcast %add3A_9 : f32 to vector<1000x1xf32>
    %add3A_11 = arith.addf %add3A, %add3A_10 : vector<1000x1xf32>
    %rsqrt3A = math.rsqrt %add3A_11 : vector<1000x1xf32>
    %get3A_12 = arith.constant 0 : index
    %get3A_13 = arith.constant 0 : index
    %get3A_14 = arith.constant 0 : index
    %get3A_15 = vector.load %arg1[%get3A_12, %get3A_13, %get3A_14] : memref<2x1000x128xf32, #tpu.memory_space<vmem>>, vector<1x1000x128xf32>
    %get3A_16 = vector.shape_cast %get3A_15 : vector<1x1000x128xf32> to vector<1000x128xf32>
    %get3A_17 = arith.constant 1 : index
    %get3A_18 = arith.constant 0 : index
    %get3A_19 = arith.constant 0 : index
    %get3A_20 = vector.load %arg1[%get3A_17, %get3A_18, %get3A_19] : memref<2x1000x128xf32, #tpu.memory_space<vmem>>, vector<1x1000x128xf32>
    %get3A_21 = vector.shape_cast %get3A_20 : vector<1x1000x128xf32> to vector<1000x128xf32>
    %add3A_22 = arith.addf %get3A_16, %get3A_21 : vector<1000x128xf32>
    %get3A_23 = arith.constant 0 : index
    %get3A_24 = arith.constant 0 : index
    %get3A_25 = vector.load %arg2[%get3A_23, %get3A_24] : memref<1000x128xf32, #tpu.memory_space<vmem>>, vector<1000x128xf32>
    %add3A_26 = arith.addf %add3A_22, %get3A_25 : vector<1000x128xf32>
    %mul3A = vector.broadcast %rsqrt3A : vector<1000x1xf32> to vector<1000x128xf32>
    %mul3A_27 = arith.mulf %add3A_26, %mul3A : vector<1000x128xf32>
    %get3A_28 = arith.constant 0 : index
    %get3A_29 = arith.constant 0 : index
    %get3A_30 = vector.load %arg5[%get3A_28, %get3A_29] : memref<1x128xf32, #tpu.memory_space<vmem>>, vector<1x128xf32>
    %mul3A_31 = vector.broadcast %get3A_30 : vector<1x128xf32> to vector<1000x128xf32>
    %mul3A_32 = arith.mulf %mul3A_27, %mul3A_31 : vector<1000x128xf32>
    %get3A_33 = arith.constant 0 : index
    %get3A_34 = arith.constant 0 : index
    %get3A_35 = vector.load %arg6[%get3A_33, %get3A_34] : memref<1x128xf32, #tpu.memory_space<vmem>>, vector<1x128xf32>
    %add3A_36 = vector.broadcast %get3A_35 : vector<1x128xf32> to vector<1000x128xf32>
    %add3A_37 = arith.addf %mul3A_32, %add3A_36 : vector<1000x128xf32>
    %max3A = arith.constant 0.000000e+00 : f32
    %max3A_38 = vector.broadcast %max3A : f32 to vector<1000x128xf32>
    %max3A_39 = arith.maximumf %add3A_37, %max3A_38 : vector<1000x128xf32>
    %get3A_40 = arith.constant 0 : index
    %get3A_41 = arith.constant 0 : index
    %get3A_42 = vector.load %arg3[%get3A_40, %get3A_41] : memref<1000x128xf32, #tpu.memory_space<vmem>>, vector<1000x128xf32>
    %add3A_43 = arith.addf %max3A_39, %get3A_42 : vector<1000x128xf32>
    %swap3A = arith.constant 0 : index
    %swap3A_44 = arith.constant 0 : index
    %swap3A_45 = vector.load %arg8[%swap3A, %swap3A_44] : memref<1000x128xf32, #tpu.memory_space<vmem>>, vector<1000x128xf32>
    tpu.vector_store %arg8[%swap3A, %swap3A_44], %add3A_43 {strides = array<i32>} : memref<1000x128xf32, #tpu.memory_space<vmem>>, vector<1000x128xf32>,
    %get3A_46 = arith.constant 0 : index
    %get3A_47 = arith.constant 0 : index
    %get3A_48 = vector.load %arg7[%get3A_46, %get3A_47] : memref<128x128xf32, #tpu.memory_space<vmem>>, vector<128x128xf32>
    %dot_general3A = arith.constant dense<0.000000e+00> : vector<1000x128xf32>
    %dot_general3A_49 = tpu.matmul %add3A_43, %get3A_48, %dot_general3A {dimension_numbers = #tpu.dot_dimension_numbers<[1], [0], [0], [1], [0, 0, 1, 1], [], []>, transpose_lhs_hint = false} : vector<1000x128xf32>, vector<128x128xf32>, vector<1000x128xf32> -> vector<1000x128xf32>
    %mul3A_50 = vector.broadcast %rsqrt3A : vector<1000x1xf32> to vector<1000x128xf32>
    %mul3A_51 = arith.mulf %dot_general3A_49, %mul3A_50 : vector<1000x128xf32>
    %swap3A_52 = arith.constant 0 : index
    %swap3A_53 = arith.constant 0 : index
    %swap3A_54 = vector.load %arg9[%swap3A_52, %swap3A_53] : memref<1000x128xf32, #tpu.memory_space<vmem>>, vector<1000x128xf32>
    tpu.vector_store %arg9[%swap3A_52, %swap3A_53], %mul3A_51 {strides = array<i32>} : memref<1000x128xf32, #tpu.memory_space<vmem>>, vector<1000x128xf32>,
    return
  }
  func.func @transform_0(%arg0: i32) -> (i32, i32, i32) {
    %c0_i32 = arith.constant 0 : i32
    %c0_i32_0 = arith.constant 0 : i32
    %c0_i32_1 = arith.constant 0 : i32
    return %c0_i32, %arg0, %c0_i32_0 : i32, i32, i32
  }
  func.func @transform_1(%arg0: i32) -> (i32, i32) {
    %c0_i32 = arith.constant 0 : i32
    %c0_i32_0 = arith.constant 0 : i32
    return %arg0, %c0_i32 : i32, i32
  }
  func.func @transform_2(%arg0: i32) -> (i32, i32) {
    %c0_i32 = arith.constant 0 : i32
    %c0_i32_0 = arith.constant 0 : i32
    return %arg0, %c0_i32 : i32, i32
  }
  func.func @transform_3(%arg0: i32) -> (i32, i32, i32) {
    %c0_i32 = arith.constant 0 : i32
    %c0_i32_0 = arith.constant 0 : i32
    %c0_i32_1 = arith.constant 0 : i32
    return %c0_i32, %arg0, %c0_i32_0 : i32, i32, i32
  }
  func.func @transform_4(%arg0: i32) -> (i32, i32) {
    %c0_i32 = arith.constant 0 : i32
    %c0_i32_0 = arith.constant 0 : i32
    %c0_i32_1 = arith.constant 0 : i32
    return %c0_i32, %c0_i32_0 : i32, i32
  }
  func.func @transform_5(%arg0: i32) -> (i32, i32) {
    %c0_i32 = arith.constant 0 : i32
    %c0_i32_0 = arith.constant 0 : i32
    %c0_i32_1 = arith.constant 0 : i32
    return %c0_i32, %c0_i32_0 : i32, i32
  }
  func.func @transform_6(%arg0: i32) -> (i32, i32) {
    %c0_i32 = arith.constant 0 : i32
    %c0_i32_0 = arith.constant 0 : i32
    %c0_i32_1 = arith.constant 0 : i32
    return %c0_i32, %c0_i32_0 : i32, i32
  }
  func.func @transform_7(%arg0: i32) -> (i32, i32) {
    %c0_i32 = arith.constant 0 : i32
    %c0_i32_0 = arith.constant 0 : i32
    return %arg0, %c0_i32 : i32, i32
  }
  func.func @transform_8(%arg0: i32) -> (i32, i32) {
    %c0_i32 = arith.constant 0 : i32
    %c0_i32_0 = arith.constant 0 : i32
    return %arg0, %c0_i32 : i32, i32
  }
}

module attributes {stable_mosaic.version = 14 : i64} {
  func.func @_tc_fin_body(%arg0: i32, %arg1: memref<2x1000x128xf32, #tpu.memory_space<vmem>>, %arg2: memref<1000x128xf32, #tpu.memory_space<vmem>>, %arg3: memref<1000x128xf32, #tpu.memory_space<vmem>>, %arg4: memref<2x1000x128xf32, #tpu.memory_space<vmem>>, %arg5: memref<1x128xf32, #tpu.memory_space<vmem>>, %arg6: memref<1x128xf32, #tpu.memory_space<vmem>>, %arg7: memref<1000x1xi32, #tpu.memory_space<vmem>>, %arg8: memref<64x7xf32, #tpu.memory_space<vmem>>, %arg9: memref<7x64xf32, #tpu.memory_space<vmem>>, %arg10: memref<1x64xf32, #tpu.memory_space<vmem>>, %arg11: memref<64x32xf32, #tpu.memory_space<vmem>>, %arg12: memref<1x32xf32, #tpu.memory_space<vmem>>, %arg13: memref<128x64xf32, #tpu.memory_space<vmem>>, %arg14: memref<32x64xf32, #tpu.memory_space<vmem>>, %arg15: memref<1x64xf32, #tpu.memory_space<vmem>>, %arg16: memref<64x32xf32, #tpu.memory_space<vmem>>, %arg17: memref<1x32xf32, #tpu.memory_space<vmem>>, %arg18: memref<32x1xf32, #tpu.memory_space<vmem>>, %arg19: memref<1x1xf32, #tpu.memory_space<vmem>>, %arg20: memref<64x128xf32, #tpu.memory_space<vmem>>, %arg21: memref<64x128xf32, #tpu.memory_space<vmem>>, %arg22: memref<64x1xf32, #tpu.memory_space<vmem>>) attributes {dimension_semantics = [#tpu.dimension_semantics<arbitrary>], iteration_bounds = array<i64: 10>, scalar_prefetch = 0 : i64, scratch_operands = 0 : i64, tpu.core_type = #tpu.core_type<tc>, window_params = [{transform_indices = @transform_0, window_bounds = array<i64: 2, 1000, 128>}, {transform_indices = @transform_1, window_bounds = array<i64: 1000, 128>}, {transform_indices = @transform_2, window_bounds = array<i64: 1000, 128>}, {transform_indices = @transform_3, window_bounds = array<i64: 2, 1000, 128>}, {pipeline_mode = #tpu.pipeline_mode<synchronous>, transform_indices = @transform_4, window_bounds = array<i64: 1, 128>}, {pipeline_mode = #tpu.pipeline_mode<synchronous>, transform_indices = @transform_5, window_bounds = array<i64: 1, 128>}, {transform_indices = @transform_6, window_bounds = array<i64: 1000, 1>}, {pipeline_mode = #tpu.pipeline_mode<synchronous>, transform_indices = @transform_7, window_bounds = array<i64: 64, 7>}, {pipeline_mode = #tpu.pipeline_mode<synchronous>, transform_indices = @transform_8, window_bounds = array<i64: 7, 64>}, {pipeline_mode = #tpu.pipeline_mode<synchronous>, transform_indices = @transform_9, window_bounds = array<i64: 1, 64>}, {pipeline_mode = #tpu.pipeline_mode<synchronous>, transform_indices = @transform_10, window_bounds = array<i64: 64, 32>}, {pipeline_mode = #tpu.pipeline_mode<synchronous>, transform_indices = @transform_11, window_bounds = array<i64: 1, 32>}, {pipeline_mode = #tpu.pipeline_mode<synchronous>, transform_indices = @transform_12, window_bounds = array<i64: 128, 64>}, {pipeline_mode = #tpu.pipeline_mode<synchronous>, transform_indices = @transform_13, window_bounds = array<i64: 32, 64>}, {pipeline_mode = #tpu.pipeline_mode<synchronous>, transform_indices = @transform_14, window_bounds = array<i64: 1, 64>}, {pipeline_mode = #tpu.pipeline_mode<synchronous>, transform_indices = @transform_15, window_bounds = array<i64: 64, 32>}, {pipeline_mode = #tpu.pipeline_mode<synchronous>, transform_indices = @transform_16, window_bounds = array<i64: 1, 32>}, {pipeline_mode = #tpu.pipeline_mode<synchronous>, transform_indices = @transform_17, window_bounds = array<i64: 32, 1>}, {pipeline_mode = #tpu.pipeline_mode<synchronous>, transform_indices = @transform_18, window_bounds = array<i64: 1, 1>}, {pipeline_mode = #tpu.pipeline_mode<synchronous>, transform_indices = @transform_19, window_bounds = array<i64: 64, 128>}, {pipeline_mode = #tpu.pipeline_mode<synchronous>, transform_indices = @transform_20, window_bounds = array<i64: 64, 128>}, {pipeline_mode = #tpu.pipeline_mode<synchronous>, transform_indices = @transform_21, window_bounds = array<i64: 64, 1>}]} {
    %get3A = arith.constant 0 : index
    %get3A_0 = arith.constant 0 : index
    %get3A_1 = arith.constant 0 : index
    %get3A_2 = vector.load %arg4[%get3A, %get3A_0, %get3A_1] : memref<2x1000x128xf32, #tpu.memory_space<vmem>>, vector<1x1000x1xf32>
    %get3A_3 = vector.shape_cast %get3A_2 : vector<1x1000x1xf32> to vector<1000x1xf32>
    %get3A_4 = arith.constant 1 : index
    %get3A_5 = arith.constant 0 : index
    %get3A_6 = arith.constant 0 : index
    %get3A_7 = vector.load %arg4[%get3A_4, %get3A_5, %get3A_6] : memref<2x1000x128xf32, #tpu.memory_space<vmem>>, vector<1x1000x1xf32>
    %get3A_8 = vector.shape_cast %get3A_7 : vector<1x1000x1xf32> to vector<1000x1xf32>
    %add3A = arith.addf %get3A_3, %get3A_8 : vector<1000x1xf32>
    %add3A_9 = arith.constant 1.000000e+00 : f32
    %add3A_10 = vector.broadcast %add3A_9 : f32 to vector<1000x1xf32>
    %add3A_11 = arith.addf %add3A, %add3A_10 : vector<1000x1xf32>
    %rsqrt3A = math.rsqrt %add3A_11 : vector<1000x1xf32>
    %get3A_12 = arith.constant 0 : index
    %get3A_13 = arith.constant 0 : index
    %get3A_14 = arith.constant 0 : index
    %get3A_15 = vector.load %arg1[%get3A_12, %get3A_13, %get3A_14] : memref<2x1000x128xf32, #tpu.memory_space<vmem>>, vector<1x1000x128xf32>
    %get3A_16 = vector.shape_cast %get3A_15 : vector<1x1000x128xf32> to vector<1000x128xf32>
    %get3A_17 = arith.constant 1 : index
    %get3A_18 = arith.constant 0 : index
    %get3A_19 = arith.constant 0 : index
    %get3A_20 = vector.load %arg1[%get3A_17, %get3A_18, %get3A_19] : memref<2x1000x128xf32, #tpu.memory_space<vmem>>, vector<1x1000x128xf32>
    %get3A_21 = vector.shape_cast %get3A_20 : vector<1x1000x128xf32> to vector<1000x128xf32>
    %add3A_22 = arith.addf %get3A_16, %get3A_21 : vector<1000x128xf32>
    %get3A_23 = arith.constant 0 : index
    %get3A_24 = arith.constant 0 : index
    %get3A_25 = vector.load %arg2[%get3A_23, %get3A_24] : memref<1000x128xf32, #tpu.memory_space<vmem>>, vector<1000x128xf32>
    %add3A_26 = arith.addf %add3A_22, %get3A_25 : vector<1000x128xf32>
    %mul3A = vector.broadcast %rsqrt3A : vector<1000x1xf32> to vector<1000x128xf32>
    %mul3A_27 = arith.mulf %add3A_26, %mul3A : vector<1000x128xf32>
    %get3A_28 = arith.constant 0 : index
    %get3A_29 = arith.constant 0 : index
    %get3A_30 = vector.load %arg5[%get3A_28, %get3A_29] : memref<1x128xf32, #tpu.memory_space<vmem>>, vector<1x128xf32>
    %mul3A_31 = vector.broadcast %get3A_30 : vector<1x128xf32> to vector<1000x128xf32>
    %mul3A_32 = arith.mulf %mul3A_27, %mul3A_31 : vector<1000x128xf32>
    %get3A_33 = arith.constant 0 : index
    %get3A_34 = arith.constant 0 : index
    %get3A_35 = vector.load %arg6[%get3A_33, %get3A_34] : memref<1x128xf32, #tpu.memory_space<vmem>>, vector<1x128xf32>
    %add3A_36 = vector.broadcast %get3A_35 : vector<1x128xf32> to vector<1000x128xf32>
    %add3A_37 = arith.addf %mul3A_32, %add3A_36 : vector<1000x128xf32>
    %max3A = arith.constant 0.000000e+00 : f32
    %max3A_38 = vector.broadcast %max3A : f32 to vector<1000x128xf32>
    %max3A_39 = arith.maximumf %add3A_37, %max3A_38 : vector<1000x128xf32>
    %get3A_40 = arith.constant 0 : index
    %get3A_41 = arith.constant 0 : index
    %get3A_42 = vector.load %arg3[%get3A_40, %get3A_41] : memref<1000x128xf32, #tpu.memory_space<vmem>>, vector<1000x128xf32>
    %add3A_43 = arith.addf %max3A_39, %get3A_42 : vector<1000x128xf32>
    %get3A_44 = arith.constant 0 : index
    %get3A_45 = arith.constant 0 : index
    %get3A_46 = vector.load %arg7[%get3A_44, %get3A_45] : memref<1000x1xi32, #tpu.memory_space<vmem>>, vector<1000x1xi32>
    %iota3A = tpu.iota {dimensions = array<i32: 1>} : vector<1000x64xi32>
    %eq3A = vector.broadcast %get3A_46 : vector<1000x1xi32> to vector<1000x64xi32>
    %eq3A_47 = arith.cmpi eq, %eq3A, %iota3A : vector<1000x64xi32>
    %convert_element_type3A = arith.extui %eq3A_47 : vector<1000x64xi1> to vector<1000x64xi32>
    %convert_element_type3A_48 = arith.sitofp %convert_element_type3A : vector<1000x64xi32> to vector<1000x64xf32>
    %eq3A_49 = arith.constant 0 : i32
    %eq3A_50 = arith.cmpi eq, %arg0, %eq3A_49 : i32
    %convert_element_type3A_51 = arith.extui %eq3A_50 : i1 to i32
    %cond3A = arith.constant 0 : i32
    %cond3A_52 = arith.cmpi ne, %convert_element_type3A_51, %cond3A : i32
    scf.if %cond3A_52 {
      %broadcast_in_dim3A_75 = arith.constant 0.000000e+00 : f32
      %broadcast_in_dim3A_76 = vector.broadcast %broadcast_in_dim3A_75 : f32 to vector<64x128xf32>
      %swap3A_77 = arith.constant 0 : index
      %swap3A_78 = arith.constant 0 : index
      %swap3A_79 = vector.load %arg20[%swap3A_77, %swap3A_78] : memref<64x128xf32, #tpu.memory_space<vmem>>, vector<64x128xf32>
      tpu.vector_store %arg20[%swap3A_77, %swap3A_78], %broadcast_in_dim3A_76 {strides = array<i32>} : memref<64x128xf32, #tpu.memory_space<vmem>>, vector<64x128xf32>,
      %broadcast_in_dim3A_80 = arith.constant 0.000000e+00 : f32
      %broadcast_in_dim3A_81 = vector.broadcast %broadcast_in_dim3A_80 : f32 to vector<64x128xf32>
      %swap3A_82 = arith.constant 0 : index
      %swap3A_83 = arith.constant 0 : index
      %swap3A_84 = vector.load %arg21[%swap3A_82, %swap3A_83] : memref<64x128xf32, #tpu.memory_space<vmem>>, vector<64x128xf32>
      tpu.vector_store %arg21[%swap3A_82, %swap3A_83], %broadcast_in_dim3A_81 {strides = array<i32>} : memref<64x128xf32, #tpu.memory_space<vmem>>, vector<64x128xf32>,
      %broadcast_in_dim3A_85 = arith.constant 0.000000e+00 : f32
      %broadcast_in_dim3A_86 = vector.broadcast %broadcast_in_dim3A_85 : f32 to vector<64x1xf32>
      %swap3A_87 = arith.constant 0 : index
      %swap3A_88 = arith.constant 0 : index
      %swap3A_89 = vector.load %arg22[%swap3A_87, %swap3A_88] : memref<64x1xf32, #tpu.memory_space<vmem>>, vector<64x1xf32>
      tpu.vector_store %arg22[%swap3A_87, %swap3A_88], %broadcast_in_dim3A_86 {strides = array<i32>} : memref<64x1xf32, #tpu.memory_space<vmem>>, vector<64x1xf32>,
    } else {
    }
    %get3A_53 = arith.constant 0 : index
    %get3A_54 = arith.constant 0 : index
    %get3A_55 = vector.load %arg20[%get3A_53, %get3A_54] : memref<64x128xf32, #tpu.memory_space<vmem>>, vector<64x128xf32>
    %dot_general3A = arith.constant dense<0.000000e+00> : vector<64x128xf32>
    %dot_general3A_56 = tpu.matmul %convert_element_type3A_48, %add3A_43, %dot_general3A {dimension_numbers = #tpu.dot_dimension_numbers<[0], [0], [1], [1], [0, 1, 1, 1], [], []>, transpose_lhs_hint = false} : vector<1000x64xf32>, vector<1000x128xf32>, vector<64x128xf32> -> vector<64x128xf32>
    %add3A_57 = arith.addf %get3A_55, %dot_general3A_56 : vector<64x128xf32>
    %swap3A = arith.constant 0 : index
    %swap3A_58 = arith.constant 0 : index
    %swap3A_59 = vector.load %arg20[%swap3A, %swap3A_58] : memref<64x128xf32, #tpu.memory_space<vmem>>, vector<64x128xf32>
    tpu.vector_store %arg20[%swap3A, %swap3A_58], %add3A_57 {strides = array<i32>} : memref<64x128xf32, #tpu.memory_space<vmem>>, vector<64x128xf32>,
    %get3A_60 = arith.constant 0 : index
    %get3A_61 = arith.constant 0 : index
    %get3A_62 = vector.load %arg21[%get3A_60, %get3A_61] : memref<64x128xf32, #tpu.memory_space<vmem>>, vector<64x128xf32>
    %broadcast_in_dim3A = arith.constant 1.000000e+00 : f32
    %broadcast_in_dim3A_63 = vector.broadcast %broadcast_in_dim3A : f32 to vector<1000x128xf32>
    %dot_general3A_64 = arith.constant dense<0.000000e+00> : vector<64x128xf32>
    %dot_general3A_65 = tpu.matmul %convert_element_type3A_48, %broadcast_in_dim3A_63, %dot_general3A_64 {dimension_numbers = #tpu.dot_dimension_numbers<[0], [0], [1], [1], [0, 1, 1, 1], [], []>, transpose_lhs_hint = false} : vector<1000x64xf32>, vector<1000x128xf32>, vector<64x128xf32> -> vector<64x128xf32>
    %add3A_66 = arith.addf %get3A_62, %dot_general3A_65 : vector<64x128xf32>
    %swap3A_67 = arith.constant 0 : index
    %swap3A_68 = arith.constant 0 : index
    %swap3A_69 = vector.load %arg21[%swap3A_67, %swap3A_68] : memref<64x128xf32, #tpu.memory_space<vmem>>, vector<64x128xf32>
    tpu.vector_store %arg21[%swap3A_67, %swap3A_68], %add3A_66 {strides = array<i32>} : memref<64x128xf32, #tpu.memory_space<vmem>>, vector<64x128xf32>,
    %eq3A_70 = arith.constant 9 : i32
    %eq3A_71 = arith.cmpi eq, %arg0, %eq3A_70 : i32
    %convert_element_type3A_72 = arith.extui %eq3A_71 : i1 to i32
    %cond3A_73 = arith.constant 0 : i32
    %cond3A_74 = arith.cmpi ne, %convert_element_type3A_72, %cond3A_73 : i32
    scf.if %cond3A_74 {
      %get3A_75 = arith.constant 0 : index
      %get3A_76 = arith.constant 0 : index
      %get3A_77 = vector.load %arg20[%get3A_75, %get3A_76] : memref<64x128xf32, #tpu.memory_space<vmem>>, vector<64x128xf32>
      %get3A_78 = arith.constant 0 : index
      %get3A_79 = arith.constant 0 : index
      %get3A_80 = vector.load %arg21[%get3A_78, %get3A_79] : memref<64x128xf32, #tpu.memory_space<vmem>>, vector<64x128xf32>
      %max3A_81 = arith.constant 1.000000e+00 : f32
      %max3A_82 = vector.broadcast %max3A_81 : f32 to vector<64x128xf32>
      %max3A_83 = arith.maximumf %get3A_80, %max3A_82 : vector<64x128xf32>
      %div3A = arith.divf %get3A_77, %max3A_83 : vector<64x128xf32>
      %get3A_84 = arith.constant 0 : index
      %get3A_85 = arith.constant 0 : index
      %get3A_86 = vector.load %arg8[%get3A_84, %get3A_85] : memref<64x7xf32, #tpu.memory_space<vmem>>, vector<64x7xf32>
      %get3A_87 = arith.constant 0 : index
      %get3A_88 = arith.constant 0 : index
      %get3A_89 = vector.load %arg9[%get3A_87, %get3A_88] : memref<7x64xf32, #tpu.memory_space<vmem>>, vector<7x64xf32>
      %dot_general3A_90 = arith.constant dense<0.000000e+00> : vector<64x64xf32>
      %dot_general3A_91 = tpu.matmul %get3A_86, %get3A_89, %dot_general3A_90 {dimension_numbers = #tpu.dot_dimension_numbers<[1], [0], [0], [1], [0, 0, 1, 1], [], []>, transpose_lhs_hint = false} : vector<64x7xf32>, vector<7x64xf32>, vector<64x64xf32> -> vector<64x64xf32>
      %get3A_92 = arith.constant 0 : index
      %get3A_93 = arith.constant 0 : index
      %get3A_94 = vector.load %arg10[%get3A_92, %get3A_93] : memref<1x64xf32, #tpu.memory_space<vmem>>, vector<1x64xf32>
      %add3A_95 = vector.broadcast %get3A_94 : vector<1x64xf32> to vector<64x64xf32>
      %add3A_96 = arith.addf %dot_general3A_91, %add3A_95 : vector<64x64xf32>
      %max3A_97 = arith.constant 0.000000e+00 : f32
      %max3A_98 = vector.broadcast %max3A_97 : f32 to vector<64x64xf32>
      %max3A_99 = arith.maximumf %add3A_96, %max3A_98 : vector<64x64xf32>
      %get3A_100 = arith.constant 0 : index
      %get3A_101 = arith.constant 0 : index
      %get3A_102 = vector.load %arg11[%get3A_100, %get3A_101] : memref<64x32xf32, #tpu.memory_space<vmem>>, vector<64x32xf32>
      %dot_general3A_103 = arith.constant dense<0.000000e+00> : vector<64x32xf32>
      %dot_general3A_104 = tpu.matmul %max3A_99, %get3A_102, %dot_general3A_103 {dimension_numbers = #tpu.dot_dimension_numbers<[1], [0], [0], [1], [0, 0, 1, 1], [], []>, transpose_lhs_hint = false} : vector<64x64xf32>, vector<64x32xf32>, vector<64x32xf32> -> vector<64x32xf32>
      %get3A_105 = arith.constant 0 : index
      %get3A_106 = arith.constant 0 : index
      %get3A_107 = vector.load %arg12[%get3A_105, %get3A_106] : memref<1x32xf32, #tpu.memory_space<vmem>>, vector<1x32xf32>
      %add3A_108 = vector.broadcast %get3A_107 : vector<1x32xf32> to vector<64x32xf32>
      %add3A_109 = arith.addf %dot_general3A_104, %add3A_108 : vector<64x32xf32>
      %get3A_110 = arith.constant 0 : index
      %get3A_111 = arith.constant 0 : index
      %get3A_112 = vector.load %arg13[%get3A_110, %get3A_111] : memref<128x64xf32, #tpu.memory_space<vmem>>, vector<128x64xf32>
      %dot_general3A_113 = arith.constant dense<0.000000e+00> : vector<64x64xf32>
      %dot_general3A_114 = tpu.matmul %div3A, %get3A_112, %dot_general3A_113 {dimension_numbers = #tpu.dot_dimension_numbers<[1], [0], [0], [1], [0, 0, 1, 1], [], []>, transpose_lhs_hint = false} : vector<64x128xf32>, vector<128x64xf32>, vector<64x64xf32> -> vector<64x64xf32>
      %get3A_115 = arith.constant 0 : index
      %get3A_116 = arith.constant 0 : index
      %get3A_117 = vector.load %arg14[%get3A_115, %get3A_116] : memref<32x64xf32, #tpu.memory_space<vmem>>, vector<32x64xf32>
      %dot_general3A_118 = arith.constant dense<0.000000e+00> : vector<64x64xf32>
      %dot_general3A_119 = tpu.matmul %add3A_109, %get3A_117, %dot_general3A_118 {dimension_numbers = #tpu.dot_dimension_numbers<[1], [0], [0], [1], [0, 0, 1, 1], [], []>, transpose_lhs_hint = false} : vector<64x32xf32>, vector<32x64xf32>, vector<64x64xf32> -> vector<64x64xf32>
      %add3A_120 = arith.addf %dot_general3A_114, %dot_general3A_119 : vector<64x64xf32>
      %get3A_121 = arith.constant 0 : index
      %get3A_122 = arith.constant 0 : index
      %get3A_123 = vector.load %arg15[%get3A_121, %get3A_122] : memref<1x64xf32, #tpu.memory_space<vmem>>, vector<1x64xf32>
      %add3A_124 = vector.broadcast %get3A_123 : vector<1x64xf32> to vector<64x64xf32>
      %add3A_125 = arith.addf %add3A_120, %add3A_124 : vector<64x64xf32>
      %max3A_126 = arith.constant 0.000000e+00 : f32
      %max3A_127 = vector.broadcast %max3A_126 : f32 to vector<64x64xf32>
      %max3A_128 = arith.maximumf %add3A_125, %max3A_127 : vector<64x64xf32>
      %get3A_129 = arith.constant 0 : index
      %get3A_130 = arith.constant 0 : index
      %get3A_131 = vector.load %arg16[%get3A_129, %get3A_130] : memref<64x32xf32, #tpu.memory_space<vmem>>, vector<64x32xf32>
      %dot_general3A_132 = arith.constant dense<0.000000e+00> : vector<64x32xf32>
      %dot_general3A_133 = tpu.matmul %max3A_128, %get3A_131, %dot_general3A_132 {dimension_numbers = #tpu.dot_dimension_numbers<[1], [0], [0], [1], [0, 0, 1, 1], [], []>, transpose_lhs_hint = false} : vector<64x64xf32>, vector<64x32xf32>, vector<64x32xf32> -> vector<64x32xf32>
      %get3A_134 = arith.constant 0 : index
      %get3A_135 = arith.constant 0 : index
      %get3A_136 = vector.load %arg17[%get3A_134, %get3A_135] : memref<1x32xf32, #tpu.memory_space<vmem>>, vector<1x32xf32>
      %add3A_137 = vector.broadcast %get3A_136 : vector<1x32xf32> to vector<64x32xf32>
      %add3A_138 = arith.addf %dot_general3A_133, %add3A_137 : vector<64x32xf32>
      %max3A_139 = arith.constant 0.000000e+00 : f32
      %max3A_140 = vector.broadcast %max3A_139 : f32 to vector<64x32xf32>
      %max3A_141 = arith.maximumf %add3A_138, %max3A_140 : vector<64x32xf32>
      %get3A_142 = arith.constant 0 : index
      %get3A_143 = arith.constant 0 : index
      %get3A_144 = vector.load %arg18[%get3A_142, %get3A_143] : memref<32x1xf32, #tpu.memory_space<vmem>>, vector<32x1xf32>
      %dot_general3A_145 = arith.constant dense<0.000000e+00> : vector<64x1xf32>
      %dot_general3A_146 = tpu.matmul %max3A_141, %get3A_144, %dot_general3A_145 {dimension_numbers = #tpu.dot_dimension_numbers<[1], [0], [0], [1], [0, 0, 1, 1], [], []>, transpose_lhs_hint = false} : vector<64x32xf32>, vector<32x1xf32>, vector<64x1xf32> -> vector<64x1xf32>
      %get3A_147 = arith.constant 0 : index
      %get3A_148 = arith.constant 0 : index
      %get3A_149 = vector.load %arg19[%get3A_147, %get3A_148] : memref<1x1xf32, #tpu.memory_space<vmem>>, vector<1x1xf32>
      %add3A_150 = vector.broadcast %get3A_149 : vector<1x1xf32> to vector<64x1xf32>
      %add3A_151 = arith.addf %dot_general3A_146, %add3A_150 : vector<64x1xf32>
      %swap3A_152 = arith.constant 0 : index
      %swap3A_153 = arith.constant 0 : index
      %swap3A_154 = vector.load %arg22[%swap3A_152, %swap3A_153] : memref<64x1xf32, #tpu.memory_space<vmem>>, vector<64x1xf32>
      tpu.vector_store %arg22[%swap3A_152, %swap3A_153], %add3A_151 {strides = array<i32>} : memref<64x1xf32, #tpu.memory_space<vmem>>, vector<64x1xf32>,
    } else {
    }
    return
  }
  func.func @transform_0(%arg0: i32) -> (i32, i32, i32) {
    %c0_i32 = arith.constant 0 : i32
    %c0_i32_0 = arith.constant 0 : i32
    %c0_i32_1 = arith.constant 0 : i32
    return %c0_i32, %arg0, %c0_i32_0 : i32, i32, i32
  }
  func.func @transform_1(%arg0: i32) -> (i32, i32) {
    %c0_i32 = arith.constant 0 : i32
    %c0_i32_0 = arith.constant 0 : i32
    return %arg0, %c0_i32 : i32, i32
  }
  func.func @transform_2(%arg0: i32) -> (i32, i32) {
    %c0_i32 = arith.constant 0 : i32
    %c0_i32_0 = arith.constant 0 : i32
    return %arg0, %c0_i32 : i32, i32
  }
  func.func @transform_3(%arg0: i32) -> (i32, i32, i32) {
    %c0_i32 = arith.constant 0 : i32
    %c0_i32_0 = arith.constant 0 : i32
    %c0_i32_1 = arith.constant 0 : i32
    return %c0_i32, %arg0, %c0_i32_0 : i32, i32, i32
  }
  func.func @transform_4(%arg0: i32) -> (i32, i32) {
    %c0_i32 = arith.constant 0 : i32
    %c0_i32_0 = arith.constant 0 : i32
    %c0_i32_1 = arith.constant 0 : i32
    return %c0_i32, %c0_i32_0 : i32, i32
  }
  func.func @transform_5(%arg0: i32) -> (i32, i32) {
    %c0_i32 = arith.constant 0 : i32
    %c0_i32_0 = arith.constant 0 : i32
    %c0_i32_1 = arith.constant 0 : i32
    return %c0_i32, %c0_i32_0 : i32, i32
  }
  func.func @transform_6(%arg0: i32) -> (i32, i32) {
    %c0_i32 = arith.constant 0 : i32
    %c0_i32_0 = arith.constant 0 : i32
    return %arg0, %c0_i32 : i32, i32
  }
  func.func @transform_7(%arg0: i32) -> (i32, i32) {
    %c0_i32 = arith.constant 0 : i32
    %c0_i32_0 = arith.constant 0 : i32
    %c0_i32_1 = arith.constant 0 : i32
    return %c0_i32, %c0_i32_0 : i32, i32
  }
  func.func @transform_8(%arg0: i32) -> (i32, i32) {
    %c0_i32 = arith.constant 0 : i32
    %c0_i32_0 = arith.constant 0 : i32
    %c0_i32_1 = arith.constant 0 : i32
    return %c0_i32, %c0_i32_0 : i32, i32
  }
  func.func @transform_9(%arg0: i32) -> (i32, i32) {
    %c0_i32 = arith.constant 0 : i32
    %c0_i32_0 = arith.constant 0 : i32
    %c0_i32_1 = arith.constant 0 : i32
    return %c0_i32, %c0_i32_0 : i32, i32
  }
  func.func @transform_10(%arg0: i32) -> (i32, i32) {
    %c0_i32 = arith.constant 0 : i32
    %c0_i32_0 = arith.constant 0 : i32
    %c0_i32_1 = arith.constant 0 : i32
    return %c0_i32, %c0_i32_0 : i32, i32
  }
  func.func @transform_11(%arg0: i32) -> (i32, i32) {
    %c0_i32 = arith.constant 0 : i32
    %c0_i32_0 = arith.constant 0 : i32
    %c0_i32_1 = arith.constant 0 : i32
    return %c0_i32, %c0_i32_0 : i32, i32
  }
  func.func @transform_12(%arg0: i32) -> (i32, i32) {
    %c0_i32 = arith.constant 0 : i32
    %c0_i32_0 = arith.constant 0 : i32
    %c0_i32_1 = arith.constant 0 : i32
    return %c0_i32, %c0_i32_0 : i32, i32
  }
  func.func @transform_13(%arg0: i32) -> (i32, i32) {
    %c0_i32 = arith.constant 0 : i32
    %c0_i32_0 = arith.constant 0 : i32
    %c0_i32_1 = arith.constant 0 : i32
    return %c0_i32, %c0_i32_0 : i32, i32
  }
  func.func @transform_14(%arg0: i32) -> (i32, i32) {
    %c0_i32 = arith.constant 0 : i32
    %c0_i32_0 = arith.constant 0 : i32
    %c0_i32_1 = arith.constant 0 : i32
    return %c0_i32, %c0_i32_0 : i32, i32
  }
  func.func @transform_15(%arg0: i32) -> (i32, i32) {
    %c0_i32 = arith.constant 0 : i32
    %c0_i32_0 = arith.constant 0 : i32
    %c0_i32_1 = arith.constant 0 : i32
    return %c0_i32, %c0_i32_0 : i32, i32
  }
  func.func @transform_16(%arg0: i32) -> (i32, i32) {
    %c0_i32 = arith.constant 0 : i32
    %c0_i32_0 = arith.constant 0 : i32
    %c0_i32_1 = arith.constant 0 : i32
    return %c0_i32, %c0_i32_0 : i32, i32
  }
  func.func @transform_17(%arg0: i32) -> (i32, i32) {
    %c0_i32 = arith.constant 0 : i32
    %c0_i32_0 = arith.constant 0 : i32
    %c0_i32_1 = arith.constant 0 : i32
    return %c0_i32, %c0_i32_0 : i32, i32
  }
  func.func @transform_18(%arg0: i32) -> (i32, i32) {
    %c0_i32 = arith.constant 0 : i32
    %c0_i32_0 = arith.constant 0 : i32
    %c0_i32_1 = arith.constant 0 : i32
    return %c0_i32, %c0_i32_0 : i32, i32
  }
  func.func @transform_19(%arg0: i32) -> (i32, i32) {
    %c0_i32 = arith.constant 0 : i32
    %c0_i32_0 = arith.constant 0 : i32
    %c0_i32_1 = arith.constant 0 : i32
    return %c0_i32, %c0_i32_0 : i32, i32
  }
  func.func @transform_20(%arg0: i32) -> (i32, i32) {
    %c0_i32 = arith.constant 0 : i32
    %c0_i32_0 = arith.constant 0 : i32
    %c0_i32_1 = arith.constant 0 : i32
    return %c0_i32, %c0_i32_0 : i32, i32
  }
  func.func @transform_21(%arg0: i32) -> (i32, i32) {
    %c0_i32 = arith.constant 0 : i32
    %c0_i32_0 = arith.constant 0 : i32
    %c0_i32_1 = arith.constant 0 : i32
    return %c0_i32, %c0_i32_0 : i32, i32
  }
}

</mosaic_0001>

<sc_bundles>
// kernel: kernel.11.cloned.1.call-start
scs
__scs_entry_jumppad:
0x0: {  	(pc) =	sbr.rel $0x88, $3  }
0x1: {  	(tag) =	ssettag $0x0;
	lr =	simm.s32 $0x1  }
0x2: {  	[smem:$0x3F8D] =	sst lr;
	_ =	strace $0xD0000000  }
0x3: {  	_ = 	snop  }
0x4: {  	_ = 	snop  }
0x5: {  	_ = 	snop  }
0x6: {  	_ = 	snop  }
0x7: {  	_ = 	snop  }
__scs_overlays_trampoline_lowered:
0x8: {  	[smem:$0x3F9C] =	sst s0  }
0x9: {  	[smem:$0x3F9D] =	sst s1  }
0xa: {  	[smem:$0x3F9E] =	sst s2  }
0xb: {  	[smem:$0x3F9F] =	sst s3  }
0xc: {  	[smem:$0x3FA0] =	sst s4  }
0xd: {  	[smem:$0x3FA1] =	sst s5  }
0xe: {  	[smem:$0x3FA2] =	sst s6  }
0xf: {  	[smem:$0x3FA3] =	sst s7  }
0x10: {  	[smem:$0x3FA4] =	sst s8  }
0x11: {  	[smem:$0x3FA5] =	sst s9;
	s0 =	simm.s32 @!p0 $0x0  }
0x12: {  	s1 =	sld [smem:$0x3F8B];
	s0 =	simm.s32 @p0 $0x1  }
0x13: {  	[smem:$0x3FA6] =	sst s0;
	s0 =	simm.s32 @!p1 $0x0  }
0x14: {  	s2 =	sld [smem:$0x3F8A];
	s0 =	simm.s32 @p1 $0x1  }
0x15: {  	[smem:$0x3FA7] =	sst s0;
	s0 =	simm.s32 @!p2 $0x0  }
0x16: {  	s3 =	sld [smem:$0x3FDB];
	s0 =	simm.s32 @p2 $0x1  }
0x17: {  	s4 =	simm.s32 $0x1BF5;
	[smem:$0x3FA9] =	sst s0  }
0x18: {  	s0 =	sld [smem:$0x3F8C];
	_ =	swait.ge [sflag:s4], $0x0  }
0x19: {  	s7 =	sld [smem:$0x3F8D]  }
0x1a: {  	s8 =	sadd.s32 $0xFFFFE003, lr  }
0x1b: {  	s9 =	sadd.s32 $0xFFFFFEF7, lr;
	s5 =	simm.s32 $0xFFFFFFFF;
	p2 =	slt.u32 s8, $0xFFFFF086  }
0x1c: {  	p1 =	slt.u32 s9, $0xF7A;
	s5 =	simm.s32 @!p2 $0x0  }
0x1d: {  	s5 =	simm.s32 @p1 $0x1;
	p0 =	seq.s32 s7, s2  }
0x1e: {  	s7 =	smul.u32 @!p0 $0xF7A, s2;
	p2 =	seq.s32 @!p0 s5, $0x0  }
0x1f: {  	s9 =	smul.u32 $0xF7A, s1;
	s8 =	simm.s32 @!p0 $0x1BF5;
	p2 =	por !p2, p0  }
0x20: {  	[sflag:s8] =	ssyncset.s32 @!p0 $0xFFFFF086;
	s6 =	sadd.s32 @!p0 s3, s7;
	s7 =	simm.s32 @!p0 $0x108  }
0x21: {  	s3 =	sadd.s32 s3, s9;
	s6 =	sadd.s32 @!p0 $0x88, s6;
	s7 =	simm.s32 @p2 $0x1082  }
0x22: {  	[simem:s7], [sflag:s8] =	dma.local @!p0 [hbm:s6], $0xF7A  }
0x23: {  	s9 =	sor.u32 $0xD0000000, s2;
	s6 =	simm.s32 $0x108;
	_ =	swait.ge @!p0 [sflag:s8], $0x0  }
0x24: {  	s3 =	sadd.s32 $0x88, s3;
	s6 =	simm.s32 @!p1 $0x1082;
	[sflag:s4] =	ssyncset.s32 $0xFFFFF086  }
0x25: {  	[simem:s6], [sflag:s4] =	dma.local [hbm:s3], $0xF7A  }
0x26: {  	[smem:$0x3F8D] =	sst s1;
	(tag) =	ssettag s2;
	_ =	strace s9  }
0x27: {  	s1 =	sld [smem:$0x3F9D]  }
0x28: {  	s2 =	sld [smem:$0x3F9E]  }
0x29: {  	s4 =	sld [smem:$0x3FA0]  }
0x2a: {  	p0 =	seq.s32 s5, $0x0;
	s5 =	sld [smem:$0x3FA1]  }
0x2b: {  	s6 =	sld [smem:$0x3FA2]  }
0x2c: {  	s7 =	sld [smem:$0x3FA3]  }
0x2d: {  	s3 =	simm.s32 $0x108;
	s8 =	sld [smem:$0x3FA4]  }
0x2e: {  	s3 =	simm.s32 @!p0 $0x1082;
	s9 =	sld [smem:$0x3FA5]  }
0x2f: {  	lr =	sadd.s32 s0, s3;
	s0 =	sld [smem:$0x3F9C]  }
0x30: {  	s3 =	sld [smem:$0x3F9F]  }
0x31: {  	[smem:$0x3FA8] =	sst s10  }
0x32: {  	s10 =	sld [smem:$0x3FA6];
	_ =	sdelay $0x3  }
0x33: {  	p0 =	seq.s32 s10, $0x1;
	s10 =	sld [smem:$0x3FA8];
	_ =	sdelay $0x3  }
0x34: {  	[smem:$0x3FA8] =	sst s10  }
0x35: {  	s10 =	sld [smem:$0x3FA7];
	_ =	sdelay $0x3  }
0x36: {  	p1 =	seq.s32 s10, $0x1;
	s10 =	sld [smem:$0x3FA8];
	_ =	sdelay $0x3  }
0x37: {  	[smem:$0x3FA8] =	sst s10  }
0x38: {  	s10 =	sld [smem:$0x3FA9]  }
0x39: {  	_ = 	snop;
	(pc) =	sbr.ind lr, $3  }
0x3a: {  	_ = 	snop  }
0x3b: {  	_ = 	snop  }
0x3c: {  	p2 =	seq.s32 s10, $0x1;
	s10 =	sld [smem:$0x3FA8]  }
0x3d: {  	_ =	shalt  }
0x3e: {  	_ =	shalt  }
0x3f: {  	_ =	shalt  }
0x40: {  	_ =	shalt  }
0x41: {  	_ =	shalt  }
0x42: {  	_ =	shalt  }
0x43: {  	_ =	shalt  }
0x44: {  	_ =	shalt  }
0x45: {  	_ =	shalt  }
0x46: {  	_ =	shalt  }
0x47: {  	_ =	shalt  }
0x48: {  	_ =	shalt  }
0x49: {  	_ =	shalt  }
0x4a: {  	_ =	shalt  }
0x4b: {  	_ =	shalt  }
0x4c: {  	_ =	shalt  }
0x4d: {  	_ =	shalt  }
0x4e: {  	_ =	shalt  }
0x4f: {  	_ =	shalt  }
0x50: {  	_ =	shalt  }
0x51: {  	_ =	shalt  }
0x52: {  	_ =	shalt  }
0x53: {  	_ =	shalt  }
0x54: {  	_ =	shalt  }
0x55: {  	_ =	shalt  }
0x56: {  	_ =	shalt  }
0x57: {  	_ =	shalt  }
0x58: {  	_ =	shalt  }
0x59: {  	_ =	shalt  }
0x5a: {  	_ =	shalt  }
0x5b: {  	_ =	shalt  }
0x5c: {  	_ =	shalt  }
0x5d: {  	_ =	shalt  }
0x5e: {  	_ =	shalt  }
0x5f: {  	_ =	shalt  }
0x60: {  	_ =	shalt  }
0x61: {  	_ =	shalt  }
0x62: {  	_ =	shalt  }
0x63: {  	_ =	shalt  }
0x64: {  	_ =	shalt  }
0x65: {  	_ =	shalt  }
0x66: {  	_ =	shalt  }
0x67: {  	_ =	shalt  }
0x68: {  	_ =	shalt  }
0x69: {  	_ =	shalt  }
0x6a: {  	_ =	shalt  }
0x6b: {  	_ =	shalt  }
0x6c: {  	_ =	shalt  }
0x6d: {  	_ =	shalt  }
0x6e: {  	_ =	shalt  }
0x6f: {  	_ =	shalt  }
0x70: {  	_ =	shalt  }
0x71: {  	_ =	shalt  }
0x72: {  	_ =	shalt  }
0x73: {  	_ =	shalt  }
0x74: {  	_ =	shalt  }
0x75: {  	_ =	shalt  }
0x76: {  	_ =	shalt  }
0x77: {  	_ =	shalt  }
0x78: {  	_ =	shalt  }
0x79: {  	_ =	shalt  }
0x7a: {  	_ =	shalt  }
0x7b: {  	_ =	shalt  }
0x7c: {  	_ =	shalt  }
0x7d: {  	_ =	shalt  }
0x7e: {  	_ =	shalt  }
0x7f: {  	_ =	shalt  }
0x80: {  	_ =	shalt  }
0x81: {  	_ =	shalt  }
0x82: {  	_ =	shalt  }
0x83: {  	_ =	shalt  }
0x84: {  	_ =	shalt  }
0x85: {  	_ =	shalt  }
0x86: {  	_ =	shalt  }
0x87: {  	_ =	shalt  }
.Lfunc_end0:
.L_simem_size_0:
called_computation_lowered:
.L_overlay_start_0:
0x88: {  	s2 =	sld [smem:$0x3FD9]  }
0x89: {  	s3 =	sld [smem:$0x3FFE];
	_ =	sdelay $0x1  }
0x8a: {  	s1 =	srdreg.scid  }
0x8b: {  	s0 =	sand.u32 $0x1, s1  }
0x8c: {  	s16 =	sshll.u32 s0, $0xA;
	s2 =	sadd.s32 s3, s2  }
0x8d: {  	s2 =	sadd.s32 s2, s16  }
0x8e: {  	[smem:$0x3FB4] =	sst s2  }
0x8f: {  	_ = 	snop  }
0x90: {  	(tm) =	ssettm $0x1  }
0x91: {  	s17 =	sld [smem:$0x3FFB];
	_ =	sdelay $0x3  }
0x92: {  	_ =	strace s17  }
0x93: {  	s2 =	sld [smem:$0x3FFC];
	_ =	sdelay $0x3  }
0x94: {  	_ =	strace s2  }
0x95: {  	s2 =	sld [smem:$0x3FFD];
	_ =	sdelay $0x3  }
0x96: {  	_ =	strace s2  }
0x97: {  	_ =	strace $0x8FFFFFFF  }
0x98: {  	s18 =	sld [smem:$0x3FDB];
	_ =	sdelay $0x1  }
0x99: {  	s19 =	simm.s32 $_scs_section_size  }
0x9a: {  	s4 =	simm.s32 $_size__tile_overlayer_lowered;
	s5 =	simm.s32 $_tile_overlayer_lowered  }
0x9b: {  	s22 =	simm.s32 $0x1BFF;
	s21 =	sshll.u32 s5, $0x1;
	s2 =	sadd.s32 s19, s18  }
0x9c: {  	s6 =	simm.s32 $0x0;
	s20 =	sshll.u32 s4, $0x1;
	s4 =	sadd.s32 s21, s2  }
0x9d: {  	[timem:s6], [sflag:s22] =	dma.local [hbm:s4], s20  }
0x9e: {  	_ =	swait.ge [sflag:s22], s20  }
0x9f: {  	s3 =	ssub.s32 $0x0, s20;
	[sflag:s22] =	ssyncset.done $0x0  }
0xa0: {  	[sflag:s22] =	ssyncadd.s32 s3;
	_ =	sdelay $0x1  }
0xa1: {  	s23 =	simm.s32 $0x1B8B  }
0xa2: {  	_ =	swait.ge [sflag:s23], $0x1  }
0xa3: {  	[sflag:s23] =	ssyncset.done $0x0  }
0xa4: {  	s25 =	simm.s32 $0x1B8E;
	s24 =	sld [smem:$0x3FFE];
	[sflag:s23] =	ssyncadd.s32 $0xFFFFFFFF  }
0xa5: {  	s26 =	simm.s32 $execute0_lowered;
	[smem:$0x3FD2] =	sst s25  }
0xa6: {  	s4 =	sshll.u32 s26, $0x1;
	_ =	strace $0x80000046;
	[dreg:$0x1] =	wrdreg $0xFFFFFFFF  }
0xa7: {  	s28 =	simm.s32 $_size_execute0_lowered;
	s2 =	sadd.s32 s2, s4;
	[dreg:$0x0] =	wrdreg $0x0  }
0xa8: {  	s4 =	sshll.u32 s28, $0x1;
	[dreg:$0x2] =	wrdreg s2  }
0xa9: {  	[dreg:$0x3] =	wrdreg s4  }
0xaa: {  	[dreg:$0x4] =	wrdreg $0xC0  }
0xab: {  	_ =	task [dreg:s6], $0x5FFFF  }
0xac: {  	[dreg:$0x1] =	wrdreg $0xFFFFFFFF  }
0xad: {  	[dreg:$0x0] =	wrdreg $0x60  }
0xae: {  	[dreg:$0x2] =	wrdreg s24  }
0xaf: {  	[dreg:$0x3] =	wrdreg $0x29000  }
0xb0: {  	[dreg:$0x4] =	wrdreg $0x9  }
0xb1: {  	_ =	task.clear_ibuf [dreg:s6], $0x5FFFF;
	_ =	strace $0x90000046  }
0xb2: {  	s29 =	simm.s32 $0x9;
	_ =	strace $0x80000048  }
0xb3: {  	_ =	swait.ge [sflag:s29], $0x1  }
0xb4: {  	[sflag:s29] =	ssyncadd.s32 $0xFFFFFFFF  }
0xb5: {  	_ =	strace $0x90000048  }
0xb6: {  	_ =	sfence  }
0xb7: {  	s30 =	sld [smem:$0x0];
	_ =	sdelay $0x2  }
0xb8: {  	s31 =	sshll.u32 s1, $0xD;
	s1 =	sshrl.u32 s1, $0x2  }
0xb9: {  	s3 =	sand.u32 $0x4000, s31;
	s1 =	sadd.s32 s1, s30  }
0xba: {  	s0 =	sor.u32 s3, s0;
	s1 =	sshll.u32 s1, $0x11  }
0xbb: {  	s0 =	sor.u32 s1, s0  }
0xbc: {  	s0 =	sadd.s32 $0x8F2B, s0  }
0xbd: {  	[sflag:s0] =	ssyncadd.remote.s32 $0x1  }
0xbe: {  	_ =	sfence.sel $0xFFFF  }
0xbf: {  	[dreg:$0x0] =	wrdreg $0xFFFFFFFF;
	(pc) =	sbr.abs _section_cstart, $3  }
0xc0: {  	[dreg:$0x1] =	wrdreg $0xFFFFFFFF  }
0xc1: {  	_ =	task.clear_ibuf [dreg:s6], $0x2FFFF;
	_ =	strace $0x9FFFFFFF  }
0xc2: {  	(tm) =	ssettm $0x7FFFFFFF  }
0xc3: {  	_ =	shalt  }
tec
execute0_lowered:
.L_overlay_start_1:
0x0: {  	(tag) =	ssettag $0x1  }
0x1: {  	s0 =	rddreg [dreg:$0x0]  }
0x2: {  	s2 =	rddreg [dreg:$0x1]  }
0x3: {  	s1 =	srdreg.scid;
	s14 =	stileid.u32;
	s3 =	simm.s32 $0x0  }
0x4: {  	s28 =	simm.s32 $0x100;
	s29 =	simm.s32 $0x3;
	s30 =	simm.s32 $0x80  }
0x5: {  	s31 =	simm.s32 $0x1;
	s1 =	sand.u32 $0x1, s1;
	s5 =	smul.u32 $0x280, s14  }
0x6: {  	[smem:$0x7FF] =	sst s3;
	s17 =	smul.u32 $0x50000, s14;
	s7 =	sadd.s32 $0x19A00, s0  }
0x7: {  	s18 =	sadd.s32 $0x19400, s0;
	_ =	strace $0x80000047;
	[dreg:$0x3] =	wrdreg s7  }
0x8: {  	s4 =	sadd.s32 $0xF600, s0;
	s6 =	smul.u32 $0x2800, s1;
	[dreg:$0x4] =	wrdreg s18  }
0x9: {  	s19 =	ssub.s32 $0x2, s1;
	s9 =	sshll.u32 s1, $0x4;
	s1 =	smul.u32 $0x27100, s1  }
0xa: {  	s20 =	sor.u32 s14, s9;
	s14 =	smul.u32 $0x2710, s14;
	s5 =	sadd.s32 s5, s6  }
0xb: {  	s8 =	sshrl.u32 s19, $0x1;
	s6 =	sshrl.u32 s17, $0x2;
	s5 =	sshll.u32 s5, $0x4  }
0xc: {  	s7 =	sadd.s32 s6, s2;
	s6 =	smul.u32 $0x2710, s20;
	s1 =	sadd.s32 s14, s1  }
0xd: {  	s0 =	sadd.s32 s5, s0;
	s5 =	ssub.s32 s19, s8;
	s8 =	sadd.s32 $0x2800, s7  }
0xe: {  	s9 =	sadd.s32 $0x5000, s7;
	s10 =	sadd.s32 $0x7800, s7;
	s11 =	sadd.s32 $0xA000, s7  }
0xf: {  	s12 =	sadd.s32 $0xC800, s7;
	s13 =	sadd.s32 $0xF000, s7;
	s25 =	sadd.s32 $0x50, s1  }
0x10: {  	s6 =	sshrl.u32 s6, $0x3;
	s21 =	sadd.s32 $0x1A000, s0;
	s22 =	sadd.s32 $0x1A500, s0  }
0x11: {  	s23 =	sadd.s32 $0x1AA00, s0;
	s24 =	sadd.s32 $0x1AF00, s0;
	[dreg:$0x6] =	wrdreg s21  }
0x12: {  	s19 =	sadd.s32 $0x1B400, s0;
	s20 =	sadd.s32 $0x1B900, s0;
	[dreg:$0x7] =	wrdreg s22  }
0x13: {  	s26 =	sshrl.u32 s25, $0x3;
	s6 =	sadd.s32 s4, s6;
	[dreg:$0x8] =	wrdreg s23  }
0x14: {  	[dreg:$0x9] =	wrdreg s24;
	s21 =	sadd.s32 $0x1BE00, s0;
	s22 =	sadd.s32 $0x1C300, s0  }
0x15: {  	s23 =	smax.u32 s5, $0x1;
	s24 =	sadd.s32 $0xA0, s1;
	s25 =	sadd.s32 s26, s4  }
0x16: {  	s26 =	sadd.s32 $0x11800, s7;
	s0 =	simm.s32 $0x50;
	s1 =	simm.s32 $0x4  }
0x17: {  	s5 =	simm.s32 $0x2;
	[dreg:$0x5] =	wrdreg s6;
	s6 =	simm.s32 $0x0  }
.LBB2_1:
0x18: {  	s14 =	rddreg [dreg:$0x4]  }
0x19: {  	[tilespmem:s28], [sflag:$0x3] =	stream.linear.gather [hbm4b:s14+s3], $0x2800, $0x38;
	[tilespmem:$0x16900] =	vst v63  }
0x1a: {  	_ =	swait.ge [sflag:s29], $0x2800  }
0x1b: {  	[sflag:s29] =	ssyncset.done $0x0  }
0x1c: {  	[sflag:s29] =	ssyncadd.s32 $0xFFFFD800  }
0x1d: {  	[spmem:s7] =	stream.linear.scatter [tilespmem:s28], [sflag:$0x3], $0x2800, $0x38;
	[tilespmem:$0x16900] =	vst v63  }
0x1e: {  	_ =	swait.ge [sflag:s29], $0x2800  }
0x1f: {  	[sflag:s29] =	ssyncset.done $0x0  }
0x20: {  	[sflag:s29] =	ssyncadd.s32 $0xFFFFD800  }
0x21: {  	[spmem:s8] =	stream.linear.scatter [tilespmem:s28], [sflag:$0x3], $0x2800, $0x38;
	[tilespmem:$0x16900] =	vst v63  }
0x22: {  	_ =	swait.ge [sflag:s29], $0x2800  }
0x23: {  	[sflag:s29] =	ssyncset.done $0x0  }
0x24: {  	[sflag:s29] =	ssyncadd.s32 $0xFFFFD800  }
0x25: {  	[spmem:s9] =	stream.linear.scatter [tilespmem:s28], [sflag:$0x3], $0x2800, $0x38;
	[tilespmem:$0x16900] =	vst v63  }
0x26: {  	_ =	swait.ge [sflag:s29], $0x2800  }
0x27: {  	[sflag:s29] =	ssyncset.done $0x0  }
0x28: {  	[sflag:s29] =	ssyncadd.s32 $0xFFFFD800  }
0x29: {  	[spmem:s10] =	stream.linear.scatter [tilespmem:s28], [sflag:$0x3], $0x2800, $0x38;
	[tilespmem:$0x16900] =	vst v63  }
0x2a: {  	_ =	swait.ge [sflag:s29], $0x2800  }
0x2b: {  	[sflag:s29] =	ssyncset.done $0x0  }
0x2c: {  	[sflag:s29] =	ssyncadd.s32 $0xFFFFD800  }
0x2d: {  	[spmem:s11] =	stream.linear.scatter [tilespmem:s28], [sflag:$0x3], $0x2800, $0x38;
	[tilespmem:$0x16900] =	vst v63  }
0x2e: {  	_ =	swait.ge [sflag:s29], $0x2800  }
0x2f: {  	[sflag:s29] =	ssyncset.done $0x0  }
0x30: {  	[sflag:s29] =	ssyncadd.s32 $0xFFFFD800  }
0x31: {  	[spmem:s12] =	stream.linear.scatter [tilespmem:s28], [sflag:$0x3], $0x2800, $0x38;
	[tilespmem:$0x16900] =	vst v63  }
0x32: {  	_ =	swait.ge [sflag:s29], $0x2800  }
0x33: {  	[sflag:s29] =	ssyncset.done $0x0  }
0x34: {  	[sflag:s29] =	ssyncadd.s32 $0xFFFFD800  }
0x35: {  	[spmem:s13] =	stream.linear.scatter [tilespmem:s28], [sflag:$0x3], $0x2800, $0x38;
	[tilespmem:$0x16900] =	vst v63  }
0x36: {  	_ =	swait.ge [sflag:s29], $0x2800  }
0x37: {  	[sflag:s29] =	ssyncset.done $0x0  }
0x38: {  	[sflag:s29] =	ssyncadd.s32 $0xFFFFD800  }
0x39: {  	[spmem:s26] =	stream.linear.scatter [tilespmem:s28], [sflag:$0x3], $0x2800, $0x38;
	[tilespmem:$0x16900] =	vst v63  }
0x3a: {  	_ =	swait.ge [sflag:s29], $0x2800  }
0x3b: {  	[sflag:s29] =	ssyncset.done $0x0  }
0x3c: {  	s15 =	rddreg [dreg:$0x3];
	[sflag:s29] =	ssyncadd.s32 $0xFFFFD800  }
0x3d: {  	[tilespmem:s28], [sflag:$0x3] =	stream.linear.gather [hbm4b:s15+s3], $0x2800, $0x38;
	[tilespmem:$0x16900] =	vst v63  }
0x3e: {  	_ =	swait.ge [sflag:s29], $0x2800  }
0x3f: {  	[sflag:s29] =	ssyncset.done $0x0  }
0x40: {  	[sflag:s29] =	ssyncadd.s32 $0xFFFFD800  }
0x41: {  	[bflag:$0x0] =	sbarrier.arrive $0xFFFF  }
0x42: {  	s16 =	rddreg [dreg:$0x5]  }
0x43: {  	[tilespmem:s3], [sflag:$0x1] =	stream.linear.gather [hbm4b:s16+s3], $0x50, $0x38;
	[tilespmem:$0x16900] =	vst v63  }
0x44: {  	s17 =	sadd.s32 $0x0, s25  }
0x45: {  	[tilespmem:s30], [sflag:$0x2] =	stream.linear.gather [hbm4b:s17+s3], $0x50, $0x38;
	[tilespmem:$0x16900] =	vst v63  }
0x46: {  	_ =	swait.ge [sflag:s31], $0x50  }
0x47: {  	[sflag:s31] =	ssyncset.done $0x0  }
0x48: {  	[sflag:s31] =	ssyncadd.s32 $0xFFFFFFB0  }
0x49: {  	[spmem:s2] =	stream.indirect.scatter.add.f32 [tilespmem:s28], [sflag:$0x4], $0x80, s3, s0, $0xb8;
	[tilespmem:$0x16900] =	vst v63  }
0x4a: {  	_ =	swait.ge [sflag:s1], $0x2800  }
0x4b: {  	s18 =	sshrl.u32 s24, $0x3;
	[sflag:s1] =	ssyncset.done $0x0  }
0x4c: {  	s14 =	sadd.s32 s4, s18;
	[sflag:s1] =	ssyncadd.s32 $0xFFFFD800  }
0x4d: {  	[tilespmem:s3], [sflag:$0x1] =	stream.linear.gather [hbm4b:s14+s3], $0x50, $0x38;
	[tilespmem:$0x16900] =	vst v63  }
0x4e: {  	_ =	swait.ge [sflag:s5], $0x50  }
0x4f: {  	[sflag:s5] =	ssyncset.done $0x0  }
0x50: {  	[sflag:s5] =	ssyncadd.s32 $0xFFFFFFB0  }
0x51: {  	[spmem:s2] =	stream.indirect.scatter.add.f32 [tilespmem:s28], [sflag:$0x3], $0x80, s30, s0, $0xb8;
	[tilespmem:$0x16900] =	vst v63  }
0x52: {  	s15 =	simm.s32 $0x14;
	_ =	swait.ge [sflag:s29], $0x2800  }
0x53: {  	s16 =	simm.s32 $0x28;
	s14 =	sadd.s32 $0xA0, s24;
	[sflag:s29] =	ssyncset.done $0x0  }
.LBB2_2:
0x54: {  	s17 =	sadd.s32 s15, s25  }
0x55: {  	[sflag:s29] =	ssyncadd.s32 $0xFFFFD800;
	s15 =	smov.u32 s16;
	s18 =	sadd.s32 $0x14, s16  }
0x56: {  	[tilespmem:s30], [sflag:$0x2] =	stream.linear.gather [hbm4b:s17+s3], $0x50, $0x38;
	[tilespmem:$0x16900] =	vst v63  }
0x57: {  	p0 =	sne.s32 s16, $0x4C4;
	_ =	swait.ge [sflag:s31], $0x50  }
0x58: {  	[sflag:s31] =	ssyncset.done $0x0  }
0x59: {  	[sflag:s31] =	ssyncadd.s32 $0xFFFFFFB0  }
0x5a: {  	[spmem:s2] =	stream.indirect.scatter.add.f32 [tilespmem:s28], [sflag:$0x4], $0x80, s3, s0, $0xb8;
	[tilespmem:$0x16900] =	vst v63  }
0x5b: {  	_ =	swait.ge [sflag:s1], $0x2800  }
0x5c: {  	s16 =	sshrl.u32 s14, $0x3;
	[sflag:s1] =	ssyncset.done $0x0  }
0x5d: {  	s16 =	sadd.s32 s4, s16;
	[sflag:s1] =	ssyncadd.s32 $0xFFFFD800  }
0x5e: {  	[tilespmem:s3], [sflag:$0x1] =	stream.linear.gather [hbm4b:s16+s3], $0x50, $0x38;
	[tilespmem:$0x16900] =	vst v63  }
0x5f: {  	_ =	swait.ge [sflag:s5], $0x50  }
.Ltmp0:
0x60: {  	[sflag:s5] =	ssyncset.done $0x0;
	(pc) =	sbr.rel @p0 .LBB2_2-.Ltmp0, $4  }
0x61: {  	[sflag:s5] =	ssyncadd.s32 $0xFFFFFFB0  }
0x62: {  	[spmem:s2] =	stream.indirect.scatter.add.f32 [tilespmem:s28], [sflag:$0x3], $0x80, s30, s0, $0xb8;
	[tilespmem:$0x16900] =	vst v63  }
0x63: {  	_ =	swait.ge [sflag:s29], $0x2800  }
0x64: {  	s14 =	sadd.s32 $0xA0, s14;
	s16 =	smov.u32 s18;
	[sflag:s29] =	ssyncset.done $0x0  }
0x65: {  	s15 =	sadd.s32 s15, s25;
	[sflag:s29] =	ssyncadd.s32 $0xFFFFD800  }
0x66: {  	[tilespmem:s30], [sflag:$0x2] =	stream.linear.gather [hbm4b:s15+s3], $0x50, $0x38;
	[tilespmem:$0x16900] =	vst v63  }
0x67: {  	_ =	swait.ge [sflag:s31], $0x50  }
0x68: {  	[sflag:s31] =	ssyncset.done $0x0  }
0x69: {  	[sflag:s31] =	ssyncadd.s32 $0xFFFFFFB0  }
0x6a: {  	[spmem:s2] =	stream.indirect.scatter.add.f32 [tilespmem:s28], [sflag:$0x4], $0x80, s3, s0, $0xb8;
	[tilespmem:$0x16900] =	vst v63  }
0x6b: {  	_ =	swait.ge [sflag:s1], $0x2800  }
0x6c: {  	s14 =	sshrl.u32 s14, $0x3;
	[sflag:s1] =	ssyncset.done $0x0  }
0x6d: {  	s14 =	sadd.s32 s4, s14;
	[sflag:s1] =	ssyncadd.s32 $0xFFFFD800  }
0x6e: {  	[tilespmem:s3], [sflag:$0x1] =	stream.linear.gather [hbm4b:s14+s3], $0x50, $0x38;
	[tilespmem:$0x16900] =	vst v63  }
0x6f: {  	_ =	swait.ge [sflag:s5], $0x50  }
0x70: {  	[sflag:s5] =	ssyncset.done $0x0  }
0x71: {  	[sflag:s5] =	ssyncadd.s32 $0xFFFFFFB0  }
0x72: {  	[spmem:s2] =	stream.indirect.scatter.add.f32 [tilespmem:s28], [sflag:$0x3], $0x80, s30, s0, $0xb8;
	[tilespmem:$0x16900] =	vst v63  }
0x73: {  	_ =	swait.ge [sflag:s29], $0x2800  }
0x74: {  	[sflag:s29] =	ssyncset.done $0x0  }
0x75: {  	[sflag:s29] =	ssyncadd.s32 $0xFFFFD800  }
0x76: {  	_ =	swait.ge [sflag:s31], $0x50  }
0x77: {  	[sflag:s31] =	ssyncset.done $0x0  }
0x78: {  	[sflag:s31] =	ssyncadd.s32 $0xFFFFFFB0  }
0x79: {  	[spmem:s2] =	stream.indirect.scatter.add.f32 [tilespmem:s28], [sflag:$0x4], $0x80, s3, s0, $0xb8;
	[tilespmem:$0x16900] =	vst v63  }
0x7a: {  	_ =	swait.ge [sflag:s1], $0x2800  }
0x7b: {  	[sflag:s1] =	ssyncset.done $0x0  }
0x7c: {  	s17 =	stileid.u32;
	[sflag:s1] =	ssyncadd.s32 $0xFFFFD800  }
0x7d: {  	s14 =	sshll.u32 s17, $0x6;
	[bflag:$0x0] =	sbarrier.arrive $0xFFFF  }
0x7e: {  	s18 =	sshrl.u32 s7, $0x3;
	s14 =	sor.u32 $0x1C03, s14;
	s16 =	rddreg [dreg:$0x6]  }
0x7f: {  	[hbm:s16], [sflag:s14] =	dma.local [spmem:s18], $0x500  }
0x80: {  	_ =	swait.ge [sflag:s29], $0x500  }
0x81: {  	[sflag:s29] =	ssyncset.done $0x0  }
0x82: {  	s17 =	sshrl.u32 s8, $0x3;
	s18 =	rddreg [dreg:$0x7];
	[sflag:s29] =	ssyncadd.s32 $0xFFFFFB00  }
0x83: {  	[hbm:s18], [sflag:s14] =	dma.local [spmem:s17], $0x500  }
0x84: {  	_ =	swait.ge [sflag:s29], $0x500  }
0x85: {  	[sflag:s29] =	ssyncset.done $0x0  }
0x86: {  	s17 =	sshrl.u32 s9, $0x3;
	s18 =	rddreg [dreg:$0x8];
	[sflag:s29] =	ssyncadd.s32 $0xFFFFFB00  }
0x87: {  	[hbm:s18], [sflag:s14] =	dma.local [spmem:s17], $0x500  }
0x88: {  	_ =	swait.ge [sflag:s29], $0x500  }
0x89: {  	[sflag:s29] =	ssyncset.done $0x0  }
0x8a: {  	s16 =	sshrl.u32 s10, $0x3;
	s17 =	rddreg [dreg:$0x9];
	[sflag:s29] =	ssyncadd.s32 $0xFFFFFB00  }
0x8b: {  	[hbm:s17], [sflag:s14] =	dma.local [spmem:s16], $0x500  }
0x8c: {  	_ =	swait.ge [sflag:s29], $0x500  }
0x8d: {  	[sflag:s29] =	ssyncset.done $0x0  }
0x8e: {  	s18 =	sshrl.u32 s11, $0x3;
	[sflag:s29] =	ssyncadd.s32 $0xFFFFFB00  }
0x8f: {  	[hbm:s19], [sflag:s14] =	dma.local [spmem:s18], $0x500  }
0x90: {  	_ =	swait.ge [sflag:s29], $0x500  }
0x91: {  	[sflag:s29] =	ssyncset.done $0x0  }
0x92: {  	s16 =	sshrl.u32 s12, $0x3;
	[sflag:s29] =	ssyncadd.s32 $0xFFFFFB00  }
0x93: {  	[hbm:s20], [sflag:s14] =	dma.local [spmem:s16], $0x500  }
0x94: {  	_ =	swait.ge [sflag:s29], $0x500  }
0x95: {  	[sflag:s29] =	ssyncset.done $0x0  }
0x96: {  	s17 =	sshrl.u32 s13, $0x3;
	[sflag:s29] =	ssyncadd.s32 $0xFFFFFB00  }
0x97: {  	[hbm:s21], [sflag:s14] =	dma.local [spmem:s17], $0x500  }
0x98: {  	s6 =	sadd.s32 $0x1, s6;
	_ =	swait.ge [sflag:s29], $0x500  }
0x99: {  	p0 =	sne.s32 s6, s23;
	[sflag:s29] =	ssyncset.done $0x0  }
.Ltmp1:
0x9a: {  	s18 =	sshrl.u32 s26, $0x3;
	[sflag:s29] =	ssyncadd.s32 $0xFFFFFB00;
	(pc) =	sbr.rel @p0 .LBB2_1-.Ltmp1, $4  }
0x9b: {  	[hbm:s22], [sflag:s14] =	dma.local [spmem:s18], $0x500  }
0x9c: {  	_ =	swait.ge [sflag:s29], $0x500  }
0x9d: {  	[sflag:s29] =	ssyncset.done $0x0  }
0x9e: {  	[sflag:s29] =	ssyncadd.s32 $0xFFFFFB00  }
0x9f: {  	_ =	sfence.sel $0x180000  }
0xa0: {  	[bflag:$0x0] =	sbarrier.arrive $0xFFFF  }
0xa1: {  	_ =	strace $0x90000047  }
0xa2: {  	s0 =	stileid.u32;
	[bflag:$0x2] =	sbarrier.arrive $0xFFFF  }
0xa3: {  	p0 =	sne.s32 s0, $0x0;
	s0 =	rddreg [dreg:$0x2]  }
0xa4: {  	s0 =	sadd.s32 @!p0 $0x100000, s0  }
0xa5: {  	[sflag:s0] =	ssyncadd.tile.s32 @!p0 $0x1;
	_ =	shalt  }
.Lfunc_end2:
_tile_overlayer_lowered:
.L_overlay_start_2:
0xa6: {  	(tag) =	ssettag $0x2  }
0xa7: {  	s0 =	rddreg [dreg:$0x0];
	s2 =	stileid.u32  }
0xa8: {  	s1 =	rddreg [dreg:$0x1];
	p0 =	sne.s32 s2, $0x0  }
0xa9: {  	s3 =	rddreg [dreg:$0x2];
	[bflag:$0x3] =	sbarrier.arrive $0xFFFF;
	s2 =	simm.s32 @!p0 $0x1C03  }
0xaa: {  	[timem:s3], [sflag:s2] =	dma.local @!p0 [hbm:s0], s1  }
0xab: {  	s0 =	simm.s32 @!p0 $0x3  }
0xac: {  	_ =	swait.ge @!p0 [sflag:s0], s1  }
0xad: {  	s1 =	ssub.s32 @!p0 $0x0, s1;
	[sflag:s0] =	ssyncset.done @!p0 $0x0  }
0xae: {  	[sflag:s0] =	ssyncadd.s32 @!p0 s1  }
0xaf: {  	[bflag:$0x3] =	sbarrier.arrive $0xFFFF  }
0xb0: {  	_ =	shalt  }

// kernel: kernel.14.cloned.1.call-start
scs
__scs_entry_jumppad:
0x0: {  	(pc) =	sbr.rel $0x88, $3  }
0x1: {  	(tag) =	ssettag $0x0;
	lr =	simm.s32 $0x1  }
0x2: {  	[smem:$0x3F8D] =	sst lr;
	_ =	strace $0xD0000000  }
0x3: {  	_ = 	snop  }
0x4: {  	_ = 	snop  }
0x5: {  	_ = 	snop  }
0x6: {  	_ = 	snop  }
0x7: {  	_ = 	snop  }
__scs_overlays_trampoline_lowered:
0x8: {  	[smem:$0x3F9C] =	sst s0  }
0x9: {  	[smem:$0x3F9D] =	sst s1  }
0xa: {  	[smem:$0x3F9E] =	sst s2  }
0xb: {  	[smem:$0x3F9F] =	sst s3  }
0xc: {  	[smem:$0x3FA0] =	sst s4  }
0xd: {  	[smem:$0x3FA1] =	sst s5  }
0xe: {  	[smem:$0x3FA2] =	sst s6  }
0xf: {  	[smem:$0x3FA3] =	sst s7  }
0x10: {  	[smem:$0x3FA4] =	sst s8  }
0x11: {  	[smem:$0x3FA5] =	sst s9;
	s0 =	simm.s32 @!p0 $0x0  }
0x12: {  	s1 =	sld [smem:$0x3F8B];
	s0 =	simm.s32 @p0 $0x1  }
0x13: {  	[smem:$0x3FA6] =	sst s0;
	s0 =	simm.s32 @!p1 $0x0  }
0x14: {  	s2 =	sld [smem:$0x3F8A];
	s0 =	simm.s32 @p1 $0x1  }
0x15: {  	[smem:$0x3FA7] =	sst s0;
	s0 =	simm.s32 @!p2 $0x0  }
0x16: {  	s3 =	sld [smem:$0x3FDB];
	s0 =	simm.s32 @p2 $0x1  }
0x17: {  	s4 =	simm.s32 $0x1BF5;
	[smem:$0x3FA9] =	sst s0  }
0x18: {  	s0 =	sld [smem:$0x3F8C];
	_ =	swait.ge [sflag:s4], $0x0  }
0x19: {  	s7 =	sld [smem:$0x3F8D]  }
0x1a: {  	s8 =	sadd.s32 $0xFFFFE003, lr  }
0x1b: {  	s9 =	sadd.s32 $0xFFFFFEF7, lr;
	s5 =	simm.s32 $0xFFFFFFFF;
	p2 =	slt.u32 s8, $0xFFFFF086  }
0x1c: {  	p1 =	slt.u32 s9, $0xF7A;
	s5 =	simm.s32 @!p2 $0x0  }
0x1d: {  	s5 =	simm.s32 @p1 $0x1;
	p0 =	seq.s32 s7, s2  }
0x1e: {  	s7 =	smul.u32 @!p0 $0xF7A, s2;
	p2 =	seq.s32 @!p0 s5, $0x0  }
0x1f: {  	s9 =	smul.u32 $0xF7A, s1;
	s8 =	simm.s32 @!p0 $0x1BF5;
	p2 =	por !p2, p0  }
0x20: {  	[sflag:s8] =	ssyncset.s32 @!p0 $0xFFFFF086;
	s6 =	sadd.s32 @!p0 s3, s7;
	s7 =	simm.s32 @!p0 $0x108  }
0x21: {  	s3 =	sadd.s32 s3, s9;
	s6 =	sadd.s32 @!p0 $0x88, s6;
	s7 =	simm.s32 @p2 $0x1082  }
0x22: {  	[simem:s7], [sflag:s8] =	dma.local @!p0 [hbm:s6], $0xF7A  }
0x23: {  	s9 =	sor.u32 $0xD0000000, s2;
	s6 =	simm.s32 $0x108;
	_ =	swait.ge @!p0 [sflag:s8], $0x0  }
0x24: {  	s3 =	sadd.s32 $0x88, s3;
	s6 =	simm.s32 @!p1 $0x1082;
	[sflag:s4] =	ssyncset.s32 $0xFFFFF086  }
0x25: {  	[simem:s6], [sflag:s4] =	dma.local [hbm:s3], $0xF7A  }
0x26: {  	[smem:$0x3F8D] =	sst s1;
	(tag) =	ssettag s2;
	_ =	strace s9  }
0x27: {  	s1 =	sld [smem:$0x3F9D]  }
0x28: {  	s2 =	sld [smem:$0x3F9E]  }
0x29: {  	s4 =	sld [smem:$0x3FA0]  }
0x2a: {  	p0 =	seq.s32 s5, $0x0;
	s5 =	sld [smem:$0x3FA1]  }
0x2b: {  	s6 =	sld [smem:$0x3FA2]  }
0x2c: {  	s7 =	sld [smem:$0x3FA3]  }
0x2d: {  	s3 =	simm.s32 $0x108;
	s8 =	sld [smem:$0x3FA4]  }
0x2e: {  	s3 =	simm.s32 @!p0 $0x1082;
	s9 =	sld [smem:$0x3FA5]  }
0x2f: {  	lr =	sadd.s32 s0, s3;
	s0 =	sld [smem:$0x3F9C]  }
0x30: {  	s3 =	sld [smem:$0x3F9F]  }
0x31: {  	[smem:$0x3FA8] =	sst s10  }
0x32: {  	s10 =	sld [smem:$0x3FA6];
	_ =	sdelay $0x3  }
0x33: {  	p0 =	seq.s32 s10, $0x1;
	s10 =	sld [smem:$0x3FA8];
	_ =	sdelay $0x3  }
0x34: {  	[smem:$0x3FA8] =	sst s10  }
0x35: {  	s10 =	sld [smem:$0x3FA7];
	_ =	sdelay $0x3  }
0x36: {  	p1 =	seq.s32 s10, $0x1;
	s10 =	sld [smem:$0x3FA8];
	_ =	sdelay $0x3  }
0x37: {  	[smem:$0x3FA8] =	sst s10  }
0x38: {  	s10 =	sld [smem:$0x3FA9]  }
0x39: {  	_ = 	snop;
	(pc) =	sbr.ind lr, $3  }
0x3a: {  	_ = 	snop  }
0x3b: {  	_ = 	snop  }
0x3c: {  	p2 =	seq.s32 s10, $0x1;
	s10 =	sld [smem:$0x3FA8]  }
0x3d: {  	_ =	shalt  }
0x3e: {  	_ =	shalt  }
0x3f: {  	_ =	shalt  }
0x40: {  	_ =	shalt  }
0x41: {  	_ =	shalt  }
0x42: {  	_ =	shalt  }
0x43: {  	_ =	shalt  }
0x44: {  	_ =	shalt  }
0x45: {  	_ =	shalt  }
0x46: {  	_ =	shalt  }
0x47: {  	_ =	shalt  }
0x48: {  	_ =	shalt  }
0x49: {  	_ =	shalt  }
0x4a: {  	_ =	shalt  }
0x4b: {  	_ =	shalt  }
0x4c: {  	_ =	shalt  }
0x4d: {  	_ =	shalt  }
0x4e: {  	_ =	shalt  }
0x4f: {  	_ =	shalt  }
0x50: {  	_ =	shalt  }
0x51: {  	_ =	shalt  }
0x52: {  	_ =	shalt  }
0x53: {  	_ =	shalt  }
0x54: {  	_ =	shalt  }
0x55: {  	_ =	shalt  }
0x56: {  	_ =	shalt  }
0x57: {  	_ =	shalt  }
0x58: {  	_ =	shalt  }
0x59: {  	_ =	shalt  }
0x5a: {  	_ =	shalt  }
0x5b: {  	_ =	shalt  }
0x5c: {  	_ =	shalt  }
0x5d: {  	_ =	shalt  }
0x5e: {  	_ =	shalt  }
0x5f: {  	_ =	shalt  }
0x60: {  	_ =	shalt  }
0x61: {  	_ =	shalt  }
0x62: {  	_ =	shalt  }
0x63: {  	_ =	shalt  }
0x64: {  	_ =	shalt  }
0x65: {  	_ =	shalt  }
0x66: {  	_ =	shalt  }
0x67: {  	_ =	shalt  }
0x68: {  	_ =	shalt  }
0x69: {  	_ =	shalt  }
0x6a: {  	_ =	shalt  }
0x6b: {  	_ =	shalt  }
0x6c: {  	_ =	shalt  }
0x6d: {  	_ =	shalt  }
0x6e: {  	_ =	shalt  }
0x6f: {  	_ =	shalt  }
0x70: {  	_ =	shalt  }
0x71: {  	_ =	shalt  }
0x72: {  	_ =	shalt  }
0x73: {  	_ =	shalt  }
0x74: {  	_ =	shalt  }
0x75: {  	_ =	shalt  }
0x76: {  	_ =	shalt  }
0x77: {  	_ =	shalt  }
0x78: {  	_ =	shalt  }
0x79: {  	_ =	shalt  }
0x7a: {  	_ =	shalt  }
0x7b: {  	_ =	shalt  }
0x7c: {  	_ =	shalt  }
0x7d: {  	_ =	shalt  }
0x7e: {  	_ =	shalt  }
0x7f: {  	_ =	shalt  }
0x80: {  	_ =	shalt  }
0x81: {  	_ =	shalt  }
0x82: {  	_ =	shalt  }
0x83: {  	_ =	shalt  }
0x84: {  	_ =	shalt  }
0x85: {  	_ =	shalt  }
0x86: {  	_ =	shalt  }
0x87: {  	_ =	shalt  }
.Lfunc_end0:
.L_simem_size_0:
called_computation.1_lowered:
.L_overlay_start_0:
0x88: {  	s2 =	sld [smem:$0x3FD9]  }
0x89: {  	s3 =	sld [smem:$0x3FFE];
	_ =	sdelay $0x1  }
0x8a: {  	s1 =	srdreg.scid  }
0x8b: {  	s0 =	sand.u32 $0x1, s1  }
0x8c: {  	s16 =	sshll.u32 s0, $0xA;
	s2 =	sadd.s32 s3, s2  }
0x8d: {  	s2 =	sadd.s32 s2, s16  }
0x8e: {  	[smem:$0x3FB4] =	sst s2  }
0x8f: {  	_ = 	snop  }
0x90: {  	(tm) =	ssettm $0x1  }
0x91: {  	s17 =	sld [smem:$0x3FFB];
	_ =	sdelay $0x3  }
0x92: {  	_ =	strace s17  }
0x93: {  	s2 =	sld [smem:$0x3FFC];
	_ =	sdelay $0x3  }
0x94: {  	_ =	strace s2  }
0x95: {  	s2 =	sld [smem:$0x3FFD];
	_ =	sdelay $0x3  }
0x96: {  	_ =	strace s2  }
0x97: {  	_ =	strace $0x8FFFFFFF  }
0x98: {  	s18 =	sld [smem:$0x3FDB];
	_ =	sdelay $0x1  }
0x99: {  	s19 =	simm.s32 $_scs_section_size  }
0x9a: {  	s4 =	simm.s32 $_size__tile_overlayer_lowered;
	s5 =	simm.s32 $_tile_overlayer_lowered  }
0x9b: {  	s22 =	simm.s32 $0x1BFF;
	s21 =	sshll.u32 s5, $0x1;
	s2 =	sadd.s32 s19, s18  }
0x9c: {  	s6 =	simm.s32 $0x0;
	s20 =	sshll.u32 s4, $0x1;
	s4 =	sadd.s32 s21, s2  }
0x9d: {  	[timem:s6], [sflag:s22] =	dma.local [hbm:s4], s20  }
0x9e: {  	_ =	swait.ge [sflag:s22], s20  }
0x9f: {  	s3 =	ssub.s32 $0x0, s20;
	[sflag:s22] =	ssyncset.done $0x0  }
0xa0: {  	[sflag:s22] =	ssyncadd.s32 s3;
	_ =	sdelay $0x1  }
0xa1: {  	s23 =	simm.s32 $0x1B8B  }
0xa2: {  	_ =	swait.ge [sflag:s23], $0x1  }
0xa3: {  	[sflag:s23] =	ssyncset.done $0x0  }
0xa4: {  	s25 =	simm.s32 $0x1B8E;
	s24 =	sld [smem:$0x3FFE];
	[sflag:s23] =	ssyncadd.s32 $0xFFFFFFFF  }
0xa5: {  	s26 =	simm.s32 $execute0_lowered;
	[smem:$0x3FD2] =	sst s25  }
0xa6: {  	s4 =	sshll.u32 s26, $0x1;
	_ =	strace $0x80000049;
	[dreg:$0x1] =	wrdreg $0xFFFFFFFF  }
0xa7: {  	s28 =	simm.s32 $_size_execute0_lowered;
	s2 =	sadd.s32 s2, s4;
	[dreg:$0x0] =	wrdreg $0x0  }
0xa8: {  	s4 =	sshll.u32 s28, $0x1;
	[dreg:$0x2] =	wrdreg s2  }
0xa9: {  	[dreg:$0x3] =	wrdreg s4  }
0xaa: {  	[dreg:$0x4] =	wrdreg $0xC0  }
0xab: {  	_ =	task [dreg:s6], $0x5FFFF  }
0xac: {  	[dreg:$0x1] =	wrdreg $0xFFFFFFFF  }
0xad: {  	[dreg:$0x0] =	wrdreg $0x60  }
0xae: {  	[dreg:$0x2] =	wrdreg s24  }
0xaf: {  	[dreg:$0x3] =	wrdreg $0x52000  }
0xb0: {  	[dreg:$0x4] =	wrdreg $0x9  }
0xb1: {  	_ =	task.clear_ibuf [dreg:s6], $0x5FFFF;
	_ =	strace $0x90000049  }
0xb2: {  	s29 =	simm.s32 $0x9;
	_ =	strace $0x8000004B  }
0xb3: {  	_ =	swait.ge [sflag:s29], $0x1  }
0xb4: {  	[sflag:s29] =	ssyncadd.s32 $0xFFFFFFFF  }
0xb5: {  	_ =	strace $0x9000004B  }
0xb6: {  	_ =	sfence  }
0xb7: {  	s30 =	sld [smem:$0x0];
	_ =	sdelay $0x2  }
0xb8: {  	s31 =	sshll.u32 s1, $0xD;
	s1 =	sshrl.u32 s1, $0x2  }
0xb9: {  	s3 =	sand.u32 $0x4000, s31;
	s1 =	sadd.s32 s1, s30  }
0xba: {  	s0 =	sor.u32 s3, s0;
	s1 =	sshll.u32 s1, $0x11  }
0xbb: {  	s0 =	sor.u32 s1, s0  }
0xbc: {  	s0 =	sadd.s32 $0x8F2B, s0  }
0xbd: {  	[sflag:s0] =	ssyncadd.remote.s32 $0x1  }
0xbe: {  	_ =	sfence.sel $0xFFFF  }
0xbf: {  	[dreg:$0x0] =	wrdreg $0xFFFFFFFF;
	(pc) =	sbr.abs _section_cstart, $3  }
0xc0: {  	[dreg:$0x1] =	wrdreg $0xFFFFFFFF  }
0xc1: {  	_ =	task.clear_ibuf [dreg:s6], $0x2FFFF;
	_ =	strace $0x9FFFFFFF  }
0xc2: {  	(tm) =	ssettm $0x7FFFFFFF  }
0xc3: {  	_ =	shalt  }
tec
execute0_lowered:
.L_overlay_start_1:
0x0: {  	(tag) =	ssettag $0x1  }
0x1: {  	s0 =	rddreg [dreg:$0x0]  }
0x2: {  	s2 =	rddreg [dreg:$0x1];
	s3 =	simm.s32 $0x0;
	s1 =	srdreg.scid  }
0x3: {  	s11 =	stileid.u32;
	[smem:$0x7FF] =	sst s3  }
0x4: {  	s1 =	sand.u32 $0x1, s1;
	s7 =	smul.u32 $0x280, s11;
	s4 =	sadd.s32 $0x6A000, s0  }
0x5: {  	s5 =	sadd.s32 $0x5800, s0;
	s6 =	sadd.s32 $0xF600, s0;
	s24 =	smul.u32 $0x50000, s11  }
0x6: {  	s10 =	sadd.s32 $0x19400, s0;
	s15 =	smul.u32 $0x2710, s11;
	_ =	strace $0x8000004A  }
0x7: {  	s8 =	smul.u32 $0x2800, s1;
	s9 =	sshll.u32 s1, $0x4;
	[dreg:$0x3] =	wrdreg s10  }
0x8: {  	s26 =	ssub.s32 $0x2, s1;
	s1 =	smul.u32 $0x27100, s1;
	s23 =	sor.u32 s11, s9  }
0x9: {  	s9 =	sshrl.u32 s24, $0x2;
	s12 =	sshrl.u32 s26, $0x1;
	s11 =	simm.s32 $0x80  }
0xa: {  	s7 =	sadd.s32 s7, s8;
	s25 =	smul.u32 $0x2710, s23;
	s8 =	sadd.s32 s9, s2  }
0xb: {  	s1 =	sadd.s32 s15, s1;
	s15 =	simm.s32 $0x4;
	s7 =	sshll.u32 s7, $0x4  }
0xc: {  	s9 =	sadd.s32 $0x2800, s8;
	s23 =	sadd.s32 $0xF0, s1;
	s0 =	sadd.s32 s7, s0  }
0xd: {  	s10 =	sshrl.u32 s25, $0x3;
	s7 =	ssub.s32 s26, s12;
	s26 =	sadd.s32 $0xA0, s1  }
0xe: {  	s28 =	sadd.s32 $0x7800, s8;
	s12 =	sadd.s32 s5, s10;
	[dreg:$0x11] =	wrdreg s26  }
0xf: {  	s29 =	sadd.s32 $0xA000, s8;
	s13 =	sadd.s32 s6, s10;
	[dreg:$0x4] =	wrdreg s12  }
0x10: {  	s30 =	sadd.s32 $0xC800, s8;
	s16 =	sadd.s32 $0x91200, s0;
	[dreg:$0x5] =	wrdreg s13  }
0x11: {  	s31 =	sadd.s32 $0xF000, s8;
	s17 =	sadd.s32 $0x91700, s0;
	[dreg:$0x8] =	wrdreg s16  }
0x12: {  	s25 =	sshrl.u32 s23, $0x3;
	s18 =	sadd.s32 $0x91C00, s0;
	[dreg:$0x9] =	wrdreg s17  }
0x13: {  	s1 =	simm.s32 $0x200;
	s19 =	sadd.s32 $0x92100, s0;
	[dreg:$0xa] =	wrdreg s18  }
0x14: {  	s10 =	sadd.s32 $0xA, s10;
	s20 =	sadd.s32 $0x92600, s0;
	[dreg:$0xb] =	wrdreg s19  }
0x15: {  	s21 =	sadd.s32 $0x92B00, s0;
	s22 =	sadd.s32 $0x93000, s0;
	[dreg:$0xc] =	wrdreg s20  }
0x16: {  	s0 =	sadd.s32 $0x93500, s0;
	s24 =	smax.u32 s7, $0x1;
	[dreg:$0xd] =	wrdreg s21  }
0x17: {  	s23 =	sadd.s32 s25, s6;
	s26 =	sadd.s32 $0x5000, s8;
	[dreg:$0xe] =	wrdreg s22  }
0x18: {  	s7 =	simm.s32 $0x5;
	s14 =	sadd.s32 s5, s10;
	[dreg:$0xf] =	wrdreg s0  }
.Ltmp0:
0x19: {  	s10 =	sadd.s32 s6, s10;
	[dreg:$0x10] =	wrdreg s24;
	(pc) =	sbr.rel .LBB2_1-.Ltmp0, $4  }
0x1a: {  	s24 =	sadd.s32 s25, s5;
	s0 =	sadd.s32 $0x11800, s8;
	s12 =	simm.s32 $0x180  }
0x1b: {  	s13 =	simm.s32 $0x3;
	s16 =	simm.s32 $0x2A00;
	s17 =	simm.s32 $0x1  }
0x1c: {  	s18 =	simm.s32 $0x2;
	s19 =	simm.s32 $0x0;
	[dreg:$0x6] =	wrdreg s14  }
0x1d: {  	[dreg:$0x7] =	wrdreg s10;
	s10 =	simm.s32 $0x100;
	s14 =	simm.s32 $0x50  }
.LBB2_4:
0x1e: {  	_ =	swait.ge [sflag:s17], $0x2800  }
0x1f: {  	[sflag:s17] =	ssyncset.done $0x0  }
0x20: {  	[sflag:s17] =	ssyncadd.s32 $0xFFFFD800  }
0x21: {  	[spmem:s2] =	stream.indirect.scatter.add.f32 [tilespmem:s1], [sflag:$0x5], $0x80, s10, s14, $0xb8;
	[tilespmem:$0x19200] =	vst v63  }
0x22: {  	_ =	swait.ge [sflag:s7], $0x2800  }
0x23: {  	[sflag:s7] =	ssyncset.done $0x0  }
0x24: {  	s20 =	stileid.u32;
	[sflag:s7] =	ssyncadd.s32 $0xFFFFD800  }
0x25: {  	s20 =	sshll.u32 s20, $0x6;
	[bflag:$0x0] =	sbarrier.arrive $0xFFFF  }
0x26: {  	s21 =	sshrl.u32 s8, $0x3;
	s20 =	sor.u32 $0x1C05, s20;
	s22 =	rddreg [dreg:$0x8]  }
0x27: {  	[hbm:s22], [sflag:s20] =	dma.local [spmem:s21], $0x500  }
0x28: {  	_ =	swait.ge [sflag:s7], $0x500  }
0x29: {  	[sflag:s7] =	ssyncset.done $0x0  }
0x2a: {  	s22 =	sshrl.u32 s9, $0x3;
	s25 =	rddreg [dreg:$0x9];
	[sflag:s7] =	ssyncadd.s32 $0xFFFFFB00  }
0x2b: {  	[hbm:s25], [sflag:s20] =	dma.local [spmem:s22], $0x500  }
0x2c: {  	_ =	swait.ge [sflag:s7], $0x500  }
0x2d: {  	[sflag:s7] =	ssyncset.done $0x0  }
0x2e: {  	s22 =	sshrl.u32 s26, $0x3;
	s25 =	rddreg [dreg:$0xa];
	[sflag:s7] =	ssyncadd.s32 $0xFFFFFB00  }
0x2f: {  	[hbm:s25], [sflag:s20] =	dma.local [spmem:s22], $0x500  }
0x30: {  	_ =	swait.ge [sflag:s7], $0x500  }
0x31: {  	[sflag:s7] =	ssyncset.done $0x0  }
0x32: {  	s22 =	sshrl.u32 s28, $0x3;
	s25 =	rddreg [dreg:$0xb];
	[sflag:s7] =	ssyncadd.s32 $0xFFFFFB00  }
0x33: {  	[hbm:s25], [sflag:s20] =	dma.local [spmem:s22], $0x500  }
0x34: {  	_ =	swait.ge [sflag:s7], $0x500  }
0x35: {  	[sflag:s7] =	ssyncset.done $0x0  }
0x36: {  	s22 =	sshrl.u32 s29, $0x3;
	s25 =	rddreg [dreg:$0xc];
	[sflag:s7] =	ssyncadd.s32 $0xFFFFFB00  }
0x37: {  	[hbm:s25], [sflag:s20] =	dma.local [spmem:s22], $0x500  }
0x38: {  	_ =	swait.ge [sflag:s7], $0x500  }
0x39: {  	[sflag:s7] =	ssyncset.done $0x0  }
0x3a: {  	s22 =	sshrl.u32 s30, $0x3;
	s25 =	rddreg [dreg:$0xd];
	[sflag:s7] =	ssyncadd.s32 $0xFFFFFB00  }
0x3b: {  	[hbm:s25], [sflag:s20] =	dma.local [spmem:s22], $0x500  }
0x3c: {  	_ =	swait.ge [sflag:s7], $0x500  }
0x3d: {  	[sflag:s7] =	ssyncset.done $0x0  }
0x3e: {  	s22 =	sshrl.u32 s31, $0x3;
	s25 =	rddreg [dreg:$0xe];
	[sflag:s7] =	ssyncadd.s32 $0xFFFFFB00  }
0x3f: {  	[hbm:s25], [sflag:s20] =	dma.local [spmem:s22], $0x500  }
0x40: {  	_ =	swait.ge [sflag:s7], $0x500  }
0x41: {  	[sflag:s7] =	ssyncset.done $0x0  }
0x42: {  	s22 =	sshrl.u32 s0, $0x3;
	s25 =	rddreg [dreg:$0xf];
	[sflag:s7] =	ssyncadd.s32 $0xFFFFFB00  }
0x43: {  	[hbm:s25], [sflag:s20] =	dma.local [spmem:s22], $0x500  }
0x44: {  	_ =	swait.ge [sflag:s7], $0x500  }
0x45: {  	s19 =	sadd.s32 $0x1, s19;
	s25 =	rddreg [dreg:$0x10]  }
0x46: {  	p0 =	sne.s32 s19, s25  }
.Ltmp1:
0x47: {  	_ = 	snop;
	(pc) =	sbr.rel @!p0 .LBB2_5-.Ltmp1, $3  }
0x48: {  	_ =	sdelay $0x1  }
0x49: {  	[sflag:s7] =	ssyncset.done $0x0  }
0x4a: {  	[sflag:s7] =	ssyncadd.s32 $0xFFFFFB00  }
.LBB2_1:
0x4b: {  	s20 =	rddreg [dreg:$0x3]  }
0x4c: {  	[tilespmem:s1], [sflag:$0x5] =	stream.linear.gather [hbm4b:s20+s3], $0x2800, $0x38;
	[tilespmem:$0x19200] =	vst v63  }
0x4d: {  	_ =	swait.ge [sflag:s7], $0x2800  }
0x4e: {  	[sflag:s7] =	ssyncset.done $0x0  }
0x4f: {  	[sflag:s7] =	ssyncadd.s32 $0xFFFFD800  }
0x50: {  	[spmem:s8] =	stream.linear.scatter [tilespmem:s1], [sflag:$0x5], $0x2800, $0x38;
	[tilespmem:$0x19200] =	vst v63  }
0x51: {  	_ =	swait.ge [sflag:s7], $0x2800  }
0x52: {  	[sflag:s7] =	ssyncset.done $0x0  }
0x53: {  	[sflag:s7] =	ssyncadd.s32 $0xFFFFD800  }
0x54: {  	[spmem:s9] =	stream.linear.scatter [tilespmem:s1], [sflag:$0x5], $0x2800, $0x38;
	[tilespmem:$0x19200] =	vst v63  }
0x55: {  	_ =	swait.ge [sflag:s7], $0x2800  }
0x56: {  	[sflag:s7] =	ssyncset.done $0x0  }
0x57: {  	[sflag:s7] =	ssyncadd.s32 $0xFFFFD800  }
0x58: {  	[spmem:s26] =	stream.linear.scatter [tilespmem:s1], [sflag:$0x5], $0x2800, $0x38;
	[tilespmem:$0x19200] =	vst v63  }
0x59: {  	_ =	swait.ge [sflag:s7], $0x2800  }
0x5a: {  	[sflag:s7] =	ssyncset.done $0x0  }
0x5b: {  	[sflag:s7] =	ssyncadd.s32 $0xFFFFD800  }
0x5c: {  	[spmem:s28] =	stream.linear.scatter [tilespmem:s1], [sflag:$0x5], $0x2800, $0x38;
	[tilespmem:$0x19200] =	vst v63  }
0x5d: {  	_ =	swait.ge [sflag:s7], $0x2800  }
0x5e: {  	[sflag:s7] =	ssyncset.done $0x0  }
0x5f: {  	[sflag:s7] =	ssyncadd.s32 $0xFFFFD800  }
0x60: {  	[spmem:s29] =	stream.linear.scatter [tilespmem:s1], [sflag:$0x5], $0x2800, $0x38;
	[tilespmem:$0x19200] =	vst v63  }
0x61: {  	_ =	swait.ge [sflag:s7], $0x2800  }
0x62: {  	[sflag:s7] =	ssyncset.done $0x0  }
0x63: {  	[sflag:s7] =	ssyncadd.s32 $0xFFFFD800  }
0x64: {  	[spmem:s30] =	stream.linear.scatter [tilespmem:s1], [sflag:$0x5], $0x2800, $0x38;
	[tilespmem:$0x19200] =	vst v63  }
0x65: {  	_ =	swait.ge [sflag:s7], $0x2800  }
0x66: {  	[sflag:s7] =	ssyncset.done $0x0  }
0x67: {  	[sflag:s7] =	ssyncadd.s32 $0xFFFFD800  }
0x68: {  	[spmem:s31] =	stream.linear.scatter [tilespmem:s1], [sflag:$0x5], $0x2800, $0x38;
	[tilespmem:$0x19200] =	vst v63  }
0x69: {  	_ =	swait.ge [sflag:s7], $0x2800  }
0x6a: {  	[sflag:s7] =	ssyncset.done $0x0  }
0x6b: {  	[sflag:s7] =	ssyncadd.s32 $0xFFFFD800  }
0x6c: {  	[spmem:s0] =	stream.linear.scatter [tilespmem:s1], [sflag:$0x5], $0x2800, $0x38;
	[tilespmem:$0x19200] =	vst v63  }
0x6d: {  	_ =	swait.ge [sflag:s7], $0x2800  }
0x6e: {  	[sflag:s7] =	ssyncset.done $0x0  }
0x6f: {  	[sflag:s7] =	ssyncadd.s32 $0xFFFFD800  }
0x70: {  	[bflag:$0x0] =	sbarrier.arrive $0xFFFF  }
0x71: {  	s25 =	rddreg [dreg:$0x4]  }
0x72: {  	[tilespmem:s3], [sflag:$0x3] =	stream.linear.gather [hbm4b:s25+s3], $0x50, $0x38;
	[tilespmem:$0x19200] =	vst v63  }
0x73: {  	s21 =	rddreg [dreg:$0x5]  }
0x74: {  	[tilespmem:s10], [sflag:$0x3] =	stream.linear.gather [hbm4b:s21+s3], $0x50, $0x38;
	[tilespmem:$0x19200] =	vst v63  }
0x75: {  	s22 =	rddreg [dreg:$0x6]  }
0x76: {  	[tilespmem:s11], [sflag:$0x4] =	stream.linear.gather [hbm4b:s22+s3], $0x50, $0x38;
	[tilespmem:$0x19200] =	vst v63  }
0x77: {  	s25 =	rddreg [dreg:$0x7]  }
0x78: {  	[tilespmem:s12], [sflag:$0x4] =	stream.linear.gather [hbm4b:s25+s3], $0x50, $0x38;
	[tilespmem:$0x19200] =	vst v63  }
0x79: {  	_ =	swait.ge [sflag:s13], $0x50  }
0x7a: {  	[sflag:s13] =	ssyncset.done $0x0  }
0x7b: {  	[sflag:s13] =	ssyncadd.s32 $0xFFFFFFB0  }
0x7c: {  	_ =	swait.ge [sflag:s13], $0x50  }
0x7d: {  	[sflag:s13] =	ssyncset.done $0x0  }
0x7e: {  	s21 =	simm.s32 $0x0;
	s25 =	rddreg [dreg:$0x11];
	[sflag:s13] =	ssyncadd.s32 $0xFFFFFFB0  }
0x7f: {  	[tilespmem:s1], [sflag:$0x1] =	stream.indirect.gather [hbm4b:s4+s14], $0x80, s3, s14, $0xb8;
	[tilespmem:$0x19200] =	vst v63  }
.LBB2_2:
0x80: {  	_ =	swait.ge [sflag:s15], $0x50  }
0x81: {  	[sflag:s15] =	ssyncset.done $0x0  }
0x82: {  	[sflag:s15] =	ssyncadd.s32 $0xFFFFFFB0  }
0x83: {  	_ =	swait.ge [sflag:s15], $0x50  }
0x84: {  	[sflag:s15] =	ssyncset.done $0x0  }
0x85: {  	[sflag:s15] =	ssyncadd.s32 $0xFFFFFFB0  }
0x86: {  	[tilespmem:s16], [sflag:$0x2] =	stream.indirect.gather [hbm4b:s4+s14], $0x80, s11, s14, $0xb8;
	[tilespmem:$0x19200] =	vst v63  }
0x87: {  	_ =	swait.ge [sflag:s17], $0x2800  }
0x88: {  	[sflag:s17] =	ssyncset.done $0x0  }
0x89: {  	[sflag:s17] =	ssyncadd.s32 $0xFFFFD800  }
0x8a: {  	[spmem:s2] =	stream.indirect.scatter.add.f32 [tilespmem:s1], [sflag:$0x5], $0x80, s10, s14, $0xb8;
	[tilespmem:$0x19200] =	vst v63  }
0x8b: {  	_ =	swait.ge [sflag:s7], $0x2800  }
0x8c: {  	s22 =	sshrl.u32 s25, $0x3;
	[sflag:s7] =	ssyncset.done $0x0  }
0x8d: {  	s20 =	sadd.s32 s5, s22;
	[sflag:s7] =	ssyncadd.s32 $0xFFFFD800  }
0x8e: {  	[tilespmem:s3], [sflag:$0x3] =	stream.linear.gather [hbm4b:s20+s3], $0x50, $0x38;
	[tilespmem:$0x19200] =	vst v63  }
0x8f: {  	s22 =	sadd.s32 s6, s22  }
0x90: {  	[tilespmem:s10], [sflag:$0x3] =	stream.linear.gather [hbm4b:s22+s3], $0x50, $0x38;
	[tilespmem:$0x19200] =	vst v63  }
0x91: {  	_ =	swait.ge [sflag:s13], $0x50  }
0x92: {  	[sflag:s13] =	ssyncset.done $0x0  }
0x93: {  	[sflag:s13] =	ssyncadd.s32 $0xFFFFFFB0  }
0x94: {  	_ =	swait.ge [sflag:s13], $0x50  }
0x95: {  	[sflag:s13] =	ssyncset.done $0x0  }
0x96: {  	[sflag:s13] =	ssyncadd.s32 $0xFFFFFFB0  }
0x97: {  	[tilespmem:s1], [sflag:$0x1] =	stream.indirect.gather [hbm4b:s4+s14], $0x80, s3, s14, $0xb8;
	[tilespmem:$0x19200] =	vst v63  }
0x98: {  	_ =	swait.ge [sflag:s18], $0x2800  }
0x99: {  	p0 =	seq.s32 s21, $0x4C4;
	[sflag:s18] =	ssyncset.done $0x0  }
.Ltmp2:
0x9a: {  	[sflag:s18] =	ssyncadd.s32 $0xFFFFD800;
	(pc) =	sbr.rel @p0 .LBB2_4-.Ltmp2, $4  }
0x9b: {  	[spmem:s2] =	stream.indirect.scatter.add.f32 [tilespmem:s16], [sflag:$0x5], $0x80, s12, s14, $0xb8;
	[tilespmem:$0x19200] =	vst v63  }
0x9c: {  	_ =	swait.ge [sflag:s7], $0x2800  }
0x9d: {  	[sflag:s7] =	ssyncset.done $0x0  }
0x9e: {  	[sflag:s7] =	ssyncadd.s32 $0xFFFFD800  }
.Ltmp3:
0x9f: {  	(pc) =	sbr.rel .LBB2_2-.Ltmp3, $4  }
0xa0: {  	s20 =	sadd.s32 s21, s24  }
0xa1: {  	[tilespmem:s11], [sflag:$0x4] =	stream.linear.gather [hbm4b:s20+s3], $0x50, $0x38;
	[tilespmem:$0x19200] =	vst v63  }
0xa2: {  	s22 =	sadd.s32 s21, s23;
	s21 =	sadd.s32 $0x14, s21;
	s25 =	sadd.s32 $0xA0, s25  }
0xa3: {  	[tilespmem:s12], [sflag:$0x4] =	stream.linear.gather [hbm4b:s22+s3], $0x50, $0x38;
	[tilespmem:$0x19200] =	vst v63  }
.LBB2_5:
0xa4: {  	_ =	sfence.sel $0x180000  }
0xa5: {  	[bflag:$0x0] =	sbarrier.arrive $0xFFFF  }
0xa6: {  	_ =	strace $0x9000004A  }
0xa7: {  	s0 =	stileid.u32;
	[bflag:$0x2] =	sbarrier.arrive $0xFFFF  }
0xa8: {  	p0 =	sne.s32 s0, $0x0;
	s0 =	rddreg [dreg:$0x2]  }
0xa9: {  	s0 =	sadd.s32 @!p0 $0x100000, s0  }
0xaa: {  	[sflag:s0] =	ssyncadd.tile.s32 @!p0 $0x1;
	_ =	shalt  }
.Lfunc_end2:
_tile_overlayer_lowered:
.L_overlay_start_2:
0xab: {  	(tag) =	ssettag $0x2  }
0xac: {  	s0 =	rddreg [dreg:$0x0];
	s2 =	stileid.u32  }
0xad: {  	s1 =	rddreg [dreg:$0x1];
	p0 =	sne.s32 s2, $0x0  }
0xae: {  	s3 =	rddreg [dreg:$0x2];
	[bflag:$0x3] =	sbarrier.arrive $0xFFFF;
	s2 =	simm.s32 @!p0 $0x1C05  }
0xaf: {  	[timem:s3], [sflag:s2] =	dma.local @!p0 [hbm:s0], s1  }
0xb0: {  	s0 =	simm.s32 @!p0 $0x5  }
0xb1: {  	_ =	swait.ge @!p0 [sflag:s0], s1  }
0xb2: {  	s1 =	ssub.s32 @!p0 $0x0, s1;
	[sflag:s0] =	ssyncset.done @!p0 $0x0  }
0xb3: {  	[sflag:s0] =	ssyncadd.s32 @!p0 s1  }
0xb4: {  	[bflag:$0x3] =	sbarrier.arrive $0xFFFF  }
0xb5: {  	_ =	shalt  }

// kernel: kernel.17.cloned.1.call-start
scs
__scs_entry_jumppad:
0x0: {  	(pc) =	sbr.rel $0x88, $3  }
0x1: {  	(tag) =	ssettag $0x0;
	lr =	simm.s32 $0x1  }
0x2: {  	[smem:$0x3F8D] =	sst lr;
	_ =	strace $0xD0000000  }
0x3: {  	_ = 	snop  }
0x4: {  	_ = 	snop  }
0x5: {  	_ = 	snop  }
0x6: {  	_ = 	snop  }
0x7: {  	_ = 	snop  }
__scs_overlays_trampoline_lowered:
0x8: {  	[smem:$0x3F9C] =	sst s0  }
0x9: {  	[smem:$0x3F9D] =	sst s1  }
0xa: {  	[smem:$0x3F9E] =	sst s2  }
0xb: {  	[smem:$0x3F9F] =	sst s3  }
0xc: {  	[smem:$0x3FA0] =	sst s4  }
0xd: {  	[smem:$0x3FA1] =	sst s5  }
0xe: {  	[smem:$0x3FA2] =	sst s6  }
0xf: {  	[smem:$0x3FA3] =	sst s7  }
0x10: {  	[smem:$0x3FA4] =	sst s8  }
0x11: {  	[smem:$0x3FA5] =	sst s9;
	s0 =	simm.s32 @!p0 $0x0  }
0x12: {  	s1 =	sld [smem:$0x3F8B];
	s0 =	simm.s32 @p0 $0x1  }
0x13: {  	[smem:$0x3FA6] =	sst s0;
	s0 =	simm.s32 @!p1 $0x0  }
0x14: {  	s2 =	sld [smem:$0x3F8A];
	s0 =	simm.s32 @p1 $0x1  }
0x15: {  	[smem:$0x3FA7] =	sst s0;
	s0 =	simm.s32 @!p2 $0x0  }
0x16: {  	s3 =	sld [smem:$0x3FDB];
	s0 =	simm.s32 @p2 $0x1  }
0x17: {  	s4 =	simm.s32 $0x1BF5;
	[smem:$0x3FA9] =	sst s0  }
0x18: {  	s0 =	sld [smem:$0x3F8C];
	_ =	swait.ge [sflag:s4], $0x0  }
0x19: {  	s7 =	sld [smem:$0x3F8D]  }
0x1a: {  	s8 =	sadd.s32 $0xFFFFE003, lr  }
0x1b: {  	s9 =	sadd.s32 $0xFFFFFEF7, lr;
	s5 =	simm.s32 $0xFFFFFFFF;
	p2 =	slt.u32 s8, $0xFFFFF086  }
0x1c: {  	p1 =	slt.u32 s9, $0xF7A;
	s5 =	simm.s32 @!p2 $0x0  }
0x1d: {  	s5 =	simm.s32 @p1 $0x1;
	p0 =	seq.s32 s7, s2  }
0x1e: {  	s7 =	smul.u32 @!p0 $0xF7A, s2;
	p2 =	seq.s32 @!p0 s5, $0x0  }
0x1f: {  	s9 =	smul.u32 $0xF7A, s1;
	s8 =	simm.s32 @!p0 $0x1BF5;
	p2 =	por !p2, p0  }
0x20: {  	[sflag:s8] =	ssyncset.s32 @!p0 $0xFFFFF086;
	s6 =	sadd.s32 @!p0 s3, s7;
	s7 =	simm.s32 @!p0 $0x108  }
0x21: {  	s3 =	sadd.s32 s3, s9;
	s6 =	sadd.s32 @!p0 $0x88, s6;
	s7 =	simm.s32 @p2 $0x1082  }
0x22: {  	[simem:s7], [sflag:s8] =	dma.local @!p0 [hbm:s6], $0xF7A  }
0x23: {  	s9 =	sor.u32 $0xD0000000, s2;
	s6 =	simm.s32 $0x108;
	_ =	swait.ge @!p0 [sflag:s8], $0x0  }
0x24: {  	s3 =	sadd.s32 $0x88, s3;
	s6 =	simm.s32 @!p1 $0x1082;
	[sflag:s4] =	ssyncset.s32 $0xFFFFF086  }
0x25: {  	[simem:s6], [sflag:s4] =	dma.local [hbm:s3], $0xF7A  }
0x26: {  	[smem:$0x3F8D] =	sst s1;
	(tag) =	ssettag s2;
	_ =	strace s9  }
0x27: {  	s1 =	sld [smem:$0x3F9D]  }
0x28: {  	s2 =	sld [smem:$0x3F9E]  }
0x29: {  	s4 =	sld [smem:$0x3FA0]  }
0x2a: {  	p0 =	seq.s32 s5, $0x0;
	s5 =	sld [smem:$0x3FA1]  }
0x2b: {  	s6 =	sld [smem:$0x3FA2]  }
0x2c: {  	s7 =	sld [smem:$0x3FA3]  }
0x2d: {  	s3 =	simm.s32 $0x108;
	s8 =	sld [smem:$0x3FA4]  }
0x2e: {  	s3 =	simm.s32 @!p0 $0x1082;
	s9 =	sld [smem:$0x3FA5]  }
0x2f: {  	lr =	sadd.s32 s0, s3;
	s0 =	sld [smem:$0x3F9C]  }
0x30: {  	s3 =	sld [smem:$0x3F9F]  }
0x31: {  	[smem:$0x3FA8] =	sst s10  }
0x32: {  	s10 =	sld [smem:$0x3FA6];
	_ =	sdelay $0x3  }
0x33: {  	p0 =	seq.s32 s10, $0x1;
	s10 =	sld [smem:$0x3FA8];
	_ =	sdelay $0x3  }
0x34: {  	[smem:$0x3FA8] =	sst s10  }
0x35: {  	s10 =	sld [smem:$0x3FA7];
	_ =	sdelay $0x3  }
0x36: {  	p1 =	seq.s32 s10, $0x1;
	s10 =	sld [smem:$0x3FA8];
	_ =	sdelay $0x3  }
0x37: {  	[smem:$0x3FA8] =	sst s10  }
0x38: {  	s10 =	sld [smem:$0x3FA9]  }
0x39: {  	_ = 	snop;
	(pc) =	sbr.ind lr, $3  }
0x3a: {  	_ = 	snop  }
0x3b: {  	_ = 	snop  }
0x3c: {  	p2 =	seq.s32 s10, $0x1;
	s10 =	sld [smem:$0x3FA8]  }
0x3d: {  	_ =	shalt  }
0x3e: {  	_ =	shalt  }
0x3f: {  	_ =	shalt  }
0x40: {  	_ =	shalt  }
0x41: {  	_ =	shalt  }
0x42: {  	_ =	shalt  }
0x43: {  	_ =	shalt  }
0x44: {  	_ =	shalt  }
0x45: {  	_ =	shalt  }
0x46: {  	_ =	shalt  }
0x47: {  	_ =	shalt  }
0x48: {  	_ =	shalt  }
0x49: {  	_ =	shalt  }
0x4a: {  	_ =	shalt  }
0x4b: {  	_ =	shalt  }
0x4c: {  	_ =	shalt  }
0x4d: {  	_ =	shalt  }
0x4e: {  	_ =	shalt  }
0x4f: {  	_ =	shalt  }
0x50: {  	_ =	shalt  }
0x51: {  	_ =	shalt  }
0x52: {  	_ =	shalt  }
0x53: {  	_ =	shalt  }
0x54: {  	_ =	shalt  }
0x55: {  	_ =	shalt  }
0x56: {  	_ =	shalt  }
0x57: {  	_ =	shalt  }
0x58: {  	_ =	shalt  }
0x59: {  	_ =	shalt  }
0x5a: {  	_ =	shalt  }
0x5b: {  	_ =	shalt  }
0x5c: {  	_ =	shalt  }
0x5d: {  	_ =	shalt  }
0x5e: {  	_ =	shalt  }
0x5f: {  	_ =	shalt  }
0x60: {  	_ =	shalt  }
0x61: {  	_ =	shalt  }
0x62: {  	_ =	shalt  }
0x63: {  	_ =	shalt  }
0x64: {  	_ =	shalt  }
0x65: {  	_ =	shalt  }
0x66: {  	_ =	shalt  }
0x67: {  	_ =	shalt  }
0x68: {  	_ =	shalt  }
0x69: {  	_ =	shalt  }
0x6a: {  	_ =	shalt  }
0x6b: {  	_ =	shalt  }
0x6c: {  	_ =	shalt  }
0x6d: {  	_ =	shalt  }
0x6e: {  	_ =	shalt  }
0x6f: {  	_ =	shalt  }
0x70: {  	_ =	shalt  }
0x71: {  	_ =	shalt  }
0x72: {  	_ =	shalt  }
0x73: {  	_ =	shalt  }
0x74: {  	_ =	shalt  }
0x75: {  	_ =	shalt  }
0x76: {  	_ =	shalt  }
0x77: {  	_ =	shalt  }
0x78: {  	_ =	shalt  }
0x79: {  	_ =	shalt  }
0x7a: {  	_ =	shalt  }
0x7b: {  	_ =	shalt  }
0x7c: {  	_ =	shalt  }
0x7d: {  	_ =	shalt  }
0x7e: {  	_ =	shalt  }
0x7f: {  	_ =	shalt  }
0x80: {  	_ =	shalt  }
0x81: {  	_ =	shalt  }
0x82: {  	_ =	shalt  }
0x83: {  	_ =	shalt  }
0x84: {  	_ =	shalt  }
0x85: {  	_ =	shalt  }
0x86: {  	_ =	shalt  }
0x87: {  	_ =	shalt  }
.Lfunc_end0:
.L_simem_size_0:
called_computation.2_lowered:
.L_overlay_start_0:
0x88: {  	s2 =	sld [smem:$0x3FD9]  }
0x89: {  	s3 =	sld [smem:$0x3FFE];
	_ =	sdelay $0x1  }
0x8a: {  	s1 =	srdreg.scid  }
0x8b: {  	s0 =	sand.u32 $0x1, s1  }
0x8c: {  	s16 =	sshll.u32 s0, $0xA;
	s2 =	sadd.s32 s3, s2  }
0x8d: {  	s2 =	sadd.s32 s2, s16  }
0x8e: {  	[smem:$0x3FB4] =	sst s2  }
0x8f: {  	_ = 	snop  }
0x90: {  	(tm) =	ssettm $0x1  }
0x91: {  	s17 =	sld [smem:$0x3FFB];
	_ =	sdelay $0x3  }
0x92: {  	_ =	strace s17  }
0x93: {  	s2 =	sld [smem:$0x3FFC];
	_ =	sdelay $0x3  }
0x94: {  	_ =	strace s2  }
0x95: {  	s2 =	sld [smem:$0x3FFD];
	_ =	sdelay $0x3  }
0x96: {  	_ =	strace s2  }
0x97: {  	_ =	strace $0x8FFFFFFF  }
0x98: {  	s18 =	sld [smem:$0x3FDB];
	_ =	sdelay $0x1  }
0x99: {  	s19 =	simm.s32 $_scs_section_size  }
0x9a: {  	s4 =	simm.s32 $_size__tile_overlayer_lowered;
	s5 =	simm.s32 $_tile_overlayer_lowered  }
0x9b: {  	s22 =	simm.s32 $0x1BFF;
	s21 =	sshll.u32 s5, $0x1;
	s2 =	sadd.s32 s19, s18  }
0x9c: {  	s6 =	simm.s32 $0x0;
	s20 =	sshll.u32 s4, $0x1;
	s4 =	sadd.s32 s21, s2  }
0x9d: {  	[timem:s6], [sflag:s22] =	dma.local [hbm:s4], s20  }
0x9e: {  	_ =	swait.ge [sflag:s22], s20  }
0x9f: {  	s3 =	ssub.s32 $0x0, s20;
	[sflag:s22] =	ssyncset.done $0x0  }
0xa0: {  	[sflag:s22] =	ssyncadd.s32 s3;
	_ =	sdelay $0x1  }
0xa1: {  	s23 =	simm.s32 $0x1B8B  }
0xa2: {  	_ =	swait.ge [sflag:s23], $0x1  }
0xa3: {  	[sflag:s23] =	ssyncset.done $0x0  }
0xa4: {  	s25 =	simm.s32 $0x1B8E;
	s24 =	sld [smem:$0x3FFE];
	[sflag:s23] =	ssyncadd.s32 $0xFFFFFFFF  }
0xa5: {  	s26 =	simm.s32 $execute0_lowered;
	[smem:$0x3FD2] =	sst s25  }
0xa6: {  	s4 =	sshll.u32 s26, $0x1;
	_ =	strace $0x8000004C;
	[dreg:$0x1] =	wrdreg $0xFFFFFFFF  }
0xa7: {  	s28 =	simm.s32 $_size_execute0_lowered;
	s2 =	sadd.s32 s2, s4;
	[dreg:$0x0] =	wrdreg $0x0  }
0xa8: {  	s4 =	sshll.u32 s28, $0x1;
	[dreg:$0x2] =	wrdreg s2  }
0xa9: {  	[dreg:$0x3] =	wrdreg s4  }
0xaa: {  	[dreg:$0x4] =	wrdreg $0xC0  }
0xab: {  	_ =	task [dreg:s6], $0x5FFFF  }
0xac: {  	[dreg:$0x1] =	wrdreg $0xFFFFFFFF  }
0xad: {  	[dreg:$0x0] =	wrdreg $0x60  }
0xae: {  	[dreg:$0x2] =	wrdreg s24  }
0xaf: {  	[dreg:$0x3] =	wrdreg $0x52000  }
0xb0: {  	[dreg:$0x4] =	wrdreg $0x9  }
0xb1: {  	_ =	task.clear_ibuf [dreg:s6], $0x5FFFF;
	_ =	strace $0x9000004C  }
0xb2: {  	s29 =	simm.s32 $0x9;
	_ =	strace $0x8000004E  }
0xb3: {  	_ =	swait.ge [sflag:s29], $0x1  }
0xb4: {  	[sflag:s29] =	ssyncadd.s32 $0xFFFFFFFF  }
0xb5: {  	_ =	strace $0x9000004E  }
0xb6: {  	_ =	sfence  }
0xb7: {  	s30 =	sld [smem:$0x0];
	_ =	sdelay $0x2  }
0xb8: {  	s31 =	sshll.u32 s1, $0xD;
	s1 =	sshrl.u32 s1, $0x2  }
0xb9: {  	s3 =	sand.u32 $0x4000, s31;
	s1 =	sadd.s32 s1, s30  }
0xba: {  	s0 =	sor.u32 s3, s0;
	s1 =	sshll.u32 s1, $0x11  }
0xbb: {  	s0 =	sor.u32 s1, s0  }
0xbc: {  	s0 =	sadd.s32 $0x8F2B, s0  }
0xbd: {  	[sflag:s0] =	ssyncadd.remote.s32 $0x1  }
0xbe: {  	_ =	sfence.sel $0xFFFF  }
0xbf: {  	[dreg:$0x0] =	wrdreg $0xFFFFFFFF;
	(pc) =	sbr.abs _section_cstart, $3  }
0xc0: {  	[dreg:$0x1] =	wrdreg $0xFFFFFFFF  }
0xc1: {  	_ =	task.clear_ibuf [dreg:s6], $0x2FFFF;
	_ =	strace $0x9FFFFFFF  }
0xc2: {  	(tm) =	ssettm $0x7FFFFFFF  }
0xc3: {  	_ =	shalt  }
tec
execute0_lowered:
.L_overlay_start_1:
0x0: {  	(tag) =	ssettag $0x1  }
0x1: {  	s0 =	rddreg [dreg:$0x0]  }
0x2: {  	s2 =	rddreg [dreg:$0x1];
	s3 =	simm.s32 $0x0;
	s1 =	srdreg.scid  }
0x3: {  	s11 =	stileid.u32;
	[smem:$0x7FF] =	sst s3  }
0x4: {  	s1 =	sand.u32 $0x1, s1;
	s7 =	smul.u32 $0x280, s11;
	s4 =	sadd.s32 $0x6A000, s0  }
0x5: {  	s5 =	sadd.s32 $0x5800, s0;
	s6 =	sadd.s32 $0xF600, s0;
	s24 =	smul.u32 $0x50000, s11  }
0x6: {  	s10 =	sadd.s32 $0x19400, s0;
	s15 =	smul.u32 $0x2710, s11;
	_ =	strace $0x8000004D  }
0x7: {  	s8 =	smul.u32 $0x2800, s1;
	s9 =	sshll.u32 s1, $0x4;
	[dreg:$0x3] =	wrdreg s10  }
0x8: {  	s26 =	ssub.s32 $0x2, s1;
	s1 =	smul.u32 $0x27100, s1;
	s23 =	sor.u32 s11, s9  }
0x9: {  	s9 =	sshrl.u32 s24, $0x2;
	s12 =	sshrl.u32 s26, $0x1;
	s11 =	simm.s32 $0x80  }
0xa: {  	s7 =	sadd.s32 s7, s8;
	s25 =	smul.u32 $0x2710, s23;
	s8 =	sadd.s32 s9, s2  }
0xb: {  	s1 =	sadd.s32 s15, s1;
	s15 =	simm.s32 $0x4;
	s7 =	sshll.u32 s7, $0x4  }
0xc: {  	s9 =	sadd.s32 $0x2800, s8;
	s23 =	sadd.s32 $0xF0, s1;
	s0 =	sadd.s32 s7, s0  }
0xd: {  	s10 =	sshrl.u32 s25, $0x3;
	s7 =	ssub.s32 s26, s12;
	s26 =	sadd.s32 $0xA0, s1  }
0xe: {  	s28 =	sadd.s32 $0x7800, s8;
	s12 =	sadd.s32 s5, s10;
	[dreg:$0x11] =	wrdreg s26  }
0xf: {  	s29 =	sadd.s32 $0xA000, s8;
	s13 =	sadd.s32 s6, s10;
	[dreg:$0x4] =	wrdreg s12  }
0x10: {  	s30 =	sadd.s32 $0xC800, s8;
	s16 =	sadd.s32 $0x91200, s0;
	[dreg:$0x5] =	wrdreg s13  }
0x11: {  	s31 =	sadd.s32 $0xF000, s8;
	s17 =	sadd.s32 $0x91700, s0;
	[dreg:$0x8] =	wrdreg s16  }
0x12: {  	s25 =	sshrl.u32 s23, $0x3;
	s18 =	sadd.s32 $0x91C00, s0;
	[dreg:$0x9] =	wrdreg s17  }
0x13: {  	s1 =	simm.s32 $0x200;
	s19 =	sadd.s32 $0x92100, s0;
	[dreg:$0xa] =	wrdreg s18  }
0x14: {  	s10 =	sadd.s32 $0xA, s10;
	s20 =	sadd.s32 $0x92600, s0;
	[dreg:$0xb] =	wrdreg s19  }
0x15: {  	s21 =	sadd.s32 $0x92B00, s0;
	s22 =	sadd.s32 $0x93000, s0;
	[dreg:$0xc] =	wrdreg s20  }
0x16: {  	s0 =	sadd.s32 $0x93500, s0;
	s24 =	smax.u32 s7, $0x1;
	[dreg:$0xd] =	wrdreg s21  }
0x17: {  	s23 =	sadd.s32 s25, s6;
	s26 =	sadd.s32 $0x5000, s8;
	[dreg:$0xe] =	wrdreg s22  }
0x18: {  	s7 =	simm.s32 $0x5;
	s14 =	sadd.s32 s5, s10;
	[dreg:$0xf] =	wrdreg s0  }
.Ltmp0:
0x19: {  	s10 =	sadd.s32 s6, s10;
	[dreg:$0x10] =	wrdreg s24;
	(pc) =	sbr.rel .LBB2_1-.Ltmp0, $4  }
0x1a: {  	s24 =	sadd.s32 s25, s5;
	s0 =	sadd.s32 $0x11800, s8;
	s12 =	simm.s32 $0x180  }
0x1b: {  	s13 =	simm.s32 $0x3;
	s16 =	simm.s32 $0x2A00;
	s17 =	simm.s32 $0x1  }
0x1c: {  	s18 =	simm.s32 $0x2;
	s19 =	simm.s32 $0x0;
	[dreg:$0x6] =	wrdreg s14  }
0x1d: {  	[dreg:$0x7] =	wrdreg s10;
	s10 =	simm.s32 $0x100;
	s14 =	simm.s32 $0x50  }
.LBB2_4:
0x1e: {  	_ =	swait.ge [sflag:s17], $0x2800  }
0x1f: {  	[sflag:s17] =	ssyncset.done $0x0  }
0x20: {  	[sflag:s17] =	ssyncadd.s32 $0xFFFFD800  }
0x21: {  	[spmem:s2] =	stream.indirect.scatter.add.f32 [tilespmem:s1], [sflag:$0x5], $0x80, s10, s14, $0xb8;
	[tilespmem:$0x19200] =	vst v63  }
0x22: {  	_ =	swait.ge [sflag:s7], $0x2800  }
0x23: {  	[sflag:s7] =	ssyncset.done $0x0  }
0x24: {  	s20 =	stileid.u32;
	[sflag:s7] =	ssyncadd.s32 $0xFFFFD800  }
0x25: {  	s20 =	sshll.u32 s20, $0x6;
	[bflag:$0x0] =	sbarrier.arrive $0xFFFF  }
0x26: {  	s21 =	sshrl.u32 s8, $0x3;
	s20 =	sor.u32 $0x1C05, s20;
	s22 =	rddreg [dreg:$0x8]  }
0x27: {  	[hbm:s22], [sflag:s20] =	dma.local [spmem:s21], $0x500  }
0x28: {  	_ =	swait.ge [sflag:s7], $0x500  }
0x29: {  	[sflag:s7] =	ssyncset.done $0x0  }
0x2a: {  	s22 =	sshrl.u32 s9, $0x3;
	s25 =	rddreg [dreg:$0x9];
	[sflag:s7] =	ssyncadd.s32 $0xFFFFFB00  }
0x2b: {  	[hbm:s25], [sflag:s20] =	dma.local [spmem:s22], $0x500  }
0x2c: {  	_ =	swait.ge [sflag:s7], $0x500  }
0x2d: {  	[sflag:s7] =	ssyncset.done $0x0  }
0x2e: {  	s22 =	sshrl.u32 s26, $0x3;
	s25 =	rddreg [dreg:$0xa];
	[sflag:s7] =	ssyncadd.s32 $0xFFFFFB00  }
0x2f: {  	[hbm:s25], [sflag:s20] =	dma.local [spmem:s22], $0x500  }
0x30: {  	_ =	swait.ge [sflag:s7], $0x500  }
0x31: {  	[sflag:s7] =	ssyncset.done $0x0  }
0x32: {  	s22 =	sshrl.u32 s28, $0x3;
	s25 =	rddreg [dreg:$0xb];
	[sflag:s7] =	ssyncadd.s32 $0xFFFFFB00  }
0x33: {  	[hbm:s25], [sflag:s20] =	dma.local [spmem:s22], $0x500  }
0x34: {  	_ =	swait.ge [sflag:s7], $0x500  }
0x35: {  	[sflag:s7] =	ssyncset.done $0x0  }
0x36: {  	s22 =	sshrl.u32 s29, $0x3;
	s25 =	rddreg [dreg:$0xc];
	[sflag:s7] =	ssyncadd.s32 $0xFFFFFB00  }
0x37: {  	[hbm:s25], [sflag:s20] =	dma.local [spmem:s22], $0x500  }
0x38: {  	_ =	swait.ge [sflag:s7], $0x500  }
0x39: {  	[sflag:s7] =	ssyncset.done $0x0  }
0x3a: {  	s22 =	sshrl.u32 s30, $0x3;
	s25 =	rddreg [dreg:$0xd];
	[sflag:s7] =	ssyncadd.s32 $0xFFFFFB00  }
0x3b: {  	[hbm:s25], [sflag:s20] =	dma.local [spmem:s22], $0x500  }
0x3c: {  	_ =	swait.ge [sflag:s7], $0x500  }
0x3d: {  	[sflag:s7] =	ssyncset.done $0x0  }
0x3e: {  	s22 =	sshrl.u32 s31, $0x3;
	s25 =	rddreg [dreg:$0xe];
	[sflag:s7] =	ssyncadd.s32 $0xFFFFFB00  }
0x3f: {  	[hbm:s25], [sflag:s20] =	dma.local [spmem:s22], $0x500  }
0x40: {  	_ =	swait.ge [sflag:s7], $0x500  }
0x41: {  	[sflag:s7] =	ssyncset.done $0x0  }
0x42: {  	s22 =	sshrl.u32 s0, $0x3;
	s25 =	rddreg [dreg:$0xf];
	[sflag:s7] =	ssyncadd.s32 $0xFFFFFB00  }
0x43: {  	[hbm:s25], [sflag:s20] =	dma.local [spmem:s22], $0x500  }
0x44: {  	_ =	swait.ge [sflag:s7], $0x500  }
0x45: {  	s19 =	sadd.s32 $0x1, s19;
	s25 =	rddreg [dreg:$0x10]  }
0x46: {  	p0 =	sne.s32 s19, s25  }
.Ltmp1:
0x47: {  	_ = 	snop;
	(pc) =	sbr.rel @!p0 .LBB2_5-.Ltmp1, $3  }
0x48: {  	_ =	sdelay $0x1  }
0x49: {  	[sflag:s7] =	ssyncset.done $0x0  }
0x4a: {  	[sflag:s7] =	ssyncadd.s32 $0xFFFFFB00  }
.LBB2_1:
0x4b: {  	s20 =	rddreg [dreg:$0x3]  }
0x4c: {  	[tilespmem:s1], [sflag:$0x5] =	stream.linear.gather [hbm4b:s20+s3], $0x2800, $0x38;
	[tilespmem:$0x19200] =	vst v63  }
0x4d: {  	_ =	swait.ge [sflag:s7], $0x2800  }
0x4e: {  	[sflag:s7] =	ssyncset.done $0x0  }
0x4f: {  	[sflag:s7] =	ssyncadd.s32 $0xFFFFD800  }
0x50: {  	[spmem:s8] =	stream.linear.scatter [tilespmem:s1], [sflag:$0x5], $0x2800, $0x38;
	[tilespmem:$0x19200] =	vst v63  }
0x51: {  	_ =	swait.ge [sflag:s7], $0x2800  }
0x52: {  	[sflag:s7] =	ssyncset.done $0x0  }
0x53: {  	[sflag:s7] =	ssyncadd.s32 $0xFFFFD800  }
0x54: {  	[spmem:s9] =	stream.linear.scatter [tilespmem:s1], [sflag:$0x5], $0x2800, $0x38;
	[tilespmem:$0x19200] =	vst v63  }
0x55: {  	_ =	swait.ge [sflag:s7], $0x2800  }
0x56: {  	[sflag:s7] =	ssyncset.done $0x0  }
0x57: {  	[sflag:s7] =	ssyncadd.s32 $0xFFFFD800  }
0x58: {  	[spmem:s26] =	stream.linear.scatter [tilespmem:s1], [sflag:$0x5], $0x2800, $0x38;
	[tilespmem:$0x19200] =	vst v63  }
0x59: {  	_ =	swait.ge [sflag:s7], $0x2800  }
0x5a: {  	[sflag:s7] =	ssyncset.done $0x0  }
0x5b: {  	[sflag:s7] =	ssyncadd.s32 $0xFFFFD800  }
0x5c: {  	[spmem:s28] =	stream.linear.scatter [tilespmem:s1], [sflag:$0x5], $0x2800, $0x38;
	[tilespmem:$0x19200] =	vst v63  }
0x5d: {  	_ =	swait.ge [sflag:s7], $0x2800  }
0x5e: {  	[sflag:s7] =	ssyncset.done $0x0  }
0x5f: {  	[sflag:s7] =	ssyncadd.s32 $0xFFFFD800  }
0x60: {  	[spmem:s29] =	stream.linear.scatter [tilespmem:s1], [sflag:$0x5], $0x2800, $0x38;
	[tilespmem:$0x19200] =	vst v63  }
0x61: {  	_ =	swait.ge [sflag:s7], $0x2800  }
0x62: {  	[sflag:s7] =	ssyncset.done $0x0  }
0x63: {  	[sflag:s7] =	ssyncadd.s32 $0xFFFFD800  }
0x64: {  	[spmem:s30] =	stream.linear.scatter [tilespmem:s1], [sflag:$0x5], $0x2800, $0x38;
	[tilespmem:$0x19200] =	vst v63  }
0x65: {  	_ =	swait.ge [sflag:s7], $0x2800  }
0x66: {  	[sflag:s7] =	ssyncset.done $0x0  }
0x67: {  	[sflag:s7] =	ssyncadd.s32 $0xFFFFD800  }
0x68: {  	[spmem:s31] =	stream.linear.scatter [tilespmem:s1], [sflag:$0x5], $0x2800, $0x38;
	[tilespmem:$0x19200] =	vst v63  }
0x69: {  	_ =	swait.ge [sflag:s7], $0x2800  }
0x6a: {  	[sflag:s7] =	ssyncset.done $0x0  }
0x6b: {  	[sflag:s7] =	ssyncadd.s32 $0xFFFFD800  }
0x6c: {  	[spmem:s0] =	stream.linear.scatter [tilespmem:s1], [sflag:$0x5], $0x2800, $0x38;
	[tilespmem:$0x19200] =	vst v63  }
0x6d: {  	_ =	swait.ge [sflag:s7], $0x2800  }
0x6e: {  	[sflag:s7] =	ssyncset.done $0x0  }
0x6f: {  	[sflag:s7] =	ssyncadd.s32 $0xFFFFD800  }
0x70: {  	[bflag:$0x0] =	sbarrier.arrive $0xFFFF  }
0x71: {  	s25 =	rddreg [dreg:$0x4]  }
0x72: {  	[tilespmem:s3], [sflag:$0x3] =	stream.linear.gather [hbm4b:s25+s3], $0x50, $0x38;
	[tilespmem:$0x19200] =	vst v63  }
0x73: {  	s21 =	rddreg [dreg:$0x5]  }
0x74: {  	[tilespmem:s10], [sflag:$0x3] =	stream.linear.gather [hbm4b:s21+s3], $0x50, $0x38;
	[tilespmem:$0x19200] =	vst v63  }
0x75: {  	s22 =	rddreg [dreg:$0x6]  }
0x76: {  	[tilespmem:s11], [sflag:$0x4] =	stream.linear.gather [hbm4b:s22+s3], $0x50, $0x38;
	[tilespmem:$0x19200] =	vst v63  }
0x77: {  	s25 =	rddreg [dreg:$0x7]  }
0x78: {  	[tilespmem:s12], [sflag:$0x4] =	stream.linear.gather [hbm4b:s25+s3], $0x50, $0x38;
	[tilespmem:$0x19200] =	vst v63  }
0x79: {  	_ =	swait.ge [sflag:s13], $0x50  }
0x7a: {  	[sflag:s13] =	ssyncset.done $0x0  }
0x7b: {  	[sflag:s13] =	ssyncadd.s32 $0xFFFFFFB0  }
0x7c: {  	_ =	swait.ge [sflag:s13], $0x50  }
0x7d: {  	[sflag:s13] =	ssyncset.done $0x0  }
0x7e: {  	s21 =	simm.s32 $0x0;
	s25 =	rddreg [dreg:$0x11];
	[sflag:s13] =	ssyncadd.s32 $0xFFFFFFB0  }
0x7f: {  	[tilespmem:s1], [sflag:$0x1] =	stream.indirect.gather [hbm4b:s4+s14], $0x80, s3, s14, $0xb8;
	[tilespmem:$0x19200] =	vst v63  }
.LBB2_2:
0x80: {  	_ =	swait.ge [sflag:s15], $0x50  }
0x81: {  	[sflag:s15] =	ssyncset.done $0x0  }
0x82: {  	[sflag:s15] =	ssyncadd.s32 $0xFFFFFFB0  }
0x83: {  	_ =	swait.ge [sflag:s15], $0x50  }
0x84: {  	[sflag:s15] =	ssyncset.done $0x0  }
0x85: {  	[sflag:s15] =	ssyncadd.s32 $0xFFFFFFB0  }
0x86: {  	[tilespmem:s16], [sflag:$0x2] =	stream.indirect.gather [hbm4b:s4+s14], $0x80, s11, s14, $0xb8;
	[tilespmem:$0x19200] =	vst v63  }
0x87: {  	_ =	swait.ge [sflag:s17], $0x2800  }
0x88: {  	[sflag:s17] =	ssyncset.done $0x0  }
0x89: {  	[sflag:s17] =	ssyncadd.s32 $0xFFFFD800  }
0x8a: {  	[spmem:s2] =	stream.indirect.scatter.add.f32 [tilespmem:s1], [sflag:$0x5], $0x80, s10, s14, $0xb8;
	[tilespmem:$0x19200] =	vst v63  }
0x8b: {  	_ =	swait.ge [sflag:s7], $0x2800  }
0x8c: {  	s22 =	sshrl.u32 s25, $0x3;
	[sflag:s7] =	ssyncset.done $0x0  }
0x8d: {  	s20 =	sadd.s32 s5, s22;
	[sflag:s7] =	ssyncadd.s32 $0xFFFFD800  }
0x8e: {  	[tilespmem:s3], [sflag:$0x3] =	stream.linear.gather [hbm4b:s20+s3], $0x50, $0x38;
	[tilespmem:$0x19200] =	vst v63  }
0x8f: {  	s22 =	sadd.s32 s6, s22  }
0x90: {  	[tilespmem:s10], [sflag:$0x3] =	stream.linear.gather [hbm4b:s22+s3], $0x50, $0x38;
	[tilespmem:$0x19200] =	vst v63  }
0x91: {  	_ =	swait.ge [sflag:s13], $0x50  }
0x92: {  	[sflag:s13] =	ssyncset.done $0x0  }
0x93: {  	[sflag:s13] =	ssyncadd.s32 $0xFFFFFFB0  }
0x94: {  	_ =	swait.ge [sflag:s13], $0x50  }
0x95: {  	[sflag:s13] =	ssyncset.done $0x0  }
0x96: {  	[sflag:s13] =	ssyncadd.s32 $0xFFFFFFB0  }
0x97: {  	[tilespmem:s1], [sflag:$0x1] =	stream.indirect.gather [hbm4b:s4+s14], $0x80, s3, s14, $0xb8;
	[tilespmem:$0x19200] =	vst v63  }
0x98: {  	_ =	swait.ge [sflag:s18], $0x2800  }
0x99: {  	p0 =	seq.s32 s21, $0x4C4;
	[sflag:s18] =	ssyncset.done $0x0  }
.Ltmp2:
0x9a: {  	[sflag:s18] =	ssyncadd.s32 $0xFFFFD800;
	(pc) =	sbr.rel @p0 .LBB2_4-.Ltmp2, $4  }
0x9b: {  	[spmem:s2] =	stream.indirect.scatter.add.f32 [tilespmem:s16], [sflag:$0x5], $0x80, s12, s14, $0xb8;
	[tilespmem:$0x19200] =	vst v63  }
0x9c: {  	_ =	swait.ge [sflag:s7], $0x2800  }
0x9d: {  	[sflag:s7] =	ssyncset.done $0x0  }
0x9e: {  	[sflag:s7] =	ssyncadd.s32 $0xFFFFD800  }
.Ltmp3:
0x9f: {  	(pc) =	sbr.rel .LBB2_2-.Ltmp3, $4  }
0xa0: {  	s20 =	sadd.s32 s21, s24  }
0xa1: {  	[tilespmem:s11], [sflag:$0x4] =	stream.linear.gather [hbm4b:s20+s3], $0x50, $0x38;
	[tilespmem:$0x19200] =	vst v63  }
0xa2: {  	s22 =	sadd.s32 s21, s23;
	s21 =	sadd.s32 $0x14, s21;
	s25 =	sadd.s32 $0xA0, s25  }
0xa3: {  	[tilespmem:s12], [sflag:$0x4] =	stream.linear.gather [hbm4b:s22+s3], $0x50, $0x38;
	[tilespmem:$0x19200] =	vst v63  }
.LBB2_5:
0xa4: {  	_ =	sfence.sel $0x180000  }
0xa5: {  	[bflag:$0x0] =	sbarrier.arrive $0xFFFF  }
0xa6: {  	_ =	strace $0x9000004D  }
0xa7: {  	s0 =	stileid.u32;
	[bflag:$0x2] =	sbarrier.arrive $0xFFFF  }
0xa8: {  	p0 =	sne.s32 s0, $0x0;
	s0 =	rddreg [dreg:$0x2]  }
0xa9: {  	s0 =	sadd.s32 @!p0 $0x100000, s0  }
0xaa: {  	[sflag:s0] =	ssyncadd.tile.s32 @!p0 $0x1;
	_ =	shalt  }
.Lfunc_end2:
_tile_overlayer_lowered:
.L_overlay_start_2:
0xab: {  	(tag) =	ssettag $0x2  }
0xac: {  	s0 =	rddreg [dreg:$0x0];
	s2 =	stileid.u32  }
0xad: {  	s1 =	rddreg [dreg:$0x1];
	p0 =	sne.s32 s2, $0x0  }
0xae: {  	s3 =	rddreg [dreg:$0x2];
	[bflag:$0x3] =	sbarrier.arrive $0xFFFF;
	s2 =	simm.s32 @!p0 $0x1C05  }
0xaf: {  	[timem:s3], [sflag:s2] =	dma.local @!p0 [hbm:s0], s1  }
0xb0: {  	s0 =	simm.s32 @!p0 $0x5  }
0xb1: {  	_ =	swait.ge @!p0 [sflag:s0], s1  }
0xb2: {  	s1 =	ssub.s32 @!p0 $0x0, s1;
	[sflag:s0] =	ssyncset.done @!p0 $0x0  }
0xb3: {  	[sflag:s0] =	ssyncadd.s32 @!p0 s1  }
0xb4: {  	[bflag:$0x3] =	sbarrier.arrive $0xFFFF  }
0xb5: {  	_ =	shalt  }

// kernel: kernel.20.cloned.1.call-start
scs
__scs_entry_jumppad:
0x0: {  	(pc) =	sbr.rel $0x88, $3  }
0x1: {  	(tag) =	ssettag $0x0;
	lr =	simm.s32 $0x1  }
0x2: {  	[smem:$0x3F8D] =	sst lr;
	_ =	strace $0xD0000000  }
0x3: {  	_ = 	snop  }
0x4: {  	_ = 	snop  }
0x5: {  	_ = 	snop  }
0x6: {  	_ = 	snop  }
0x7: {  	_ = 	snop  }
__scs_overlays_trampoline_lowered:
0x8: {  	[smem:$0x3F9C] =	sst s0  }
0x9: {  	[smem:$0x3F9D] =	sst s1  }
0xa: {  	[smem:$0x3F9E] =	sst s2  }
0xb: {  	[smem:$0x3F9F] =	sst s3  }
0xc: {  	[smem:$0x3FA0] =	sst s4  }
0xd: {  	[smem:$0x3FA1] =	sst s5  }
0xe: {  	[smem:$0x3FA2] =	sst s6  }
0xf: {  	[smem:$0x3FA3] =	sst s7  }
0x10: {  	[smem:$0x3FA4] =	sst s8  }
0x11: {  	[smem:$0x3FA5] =	sst s9;
	s0 =	simm.s32 @!p0 $0x0  }
0x12: {  	s1 =	sld [smem:$0x3F8B];
	s0 =	simm.s32 @p0 $0x1  }
0x13: {  	[smem:$0x3FA6] =	sst s0;
	s0 =	simm.s32 @!p1 $0x0  }
0x14: {  	s2 =	sld [smem:$0x3F8A];
	s0 =	simm.s32 @p1 $0x1  }
0x15: {  	[smem:$0x3FA7] =	sst s0;
	s0 =	simm.s32 @!p2 $0x0  }
0x16: {  	s3 =	sld [smem:$0x3FDB];
	s0 =	simm.s32 @p2 $0x1  }
0x17: {  	s4 =	simm.s32 $0x1BF5;
	[smem:$0x3FA9] =	sst s0  }
0x18: {  	s0 =	sld [smem:$0x3F8C];
	_ =	swait.ge [sflag:s4], $0x0  }
0x19: {  	s7 =	sld [smem:$0x3F8D]  }
0x1a: {  	s8 =	sadd.s32 $0xFFFFE003, lr  }
0x1b: {  	s9 =	sadd.s32 $0xFFFFFEF7, lr;
	s5 =	simm.s32 $0xFFFFFFFF;
	p2 =	slt.u32 s8, $0xFFFFF086  }
0x1c: {  	p1 =	slt.u32 s9, $0xF7A;
	s5 =	simm.s32 @!p2 $0x0  }
0x1d: {  	s5 =	simm.s32 @p1 $0x1;
	p0 =	seq.s32 s7, s2  }
0x1e: {  	s7 =	smul.u32 @!p0 $0xF7A, s2;
	p2 =	seq.s32 @!p0 s5, $0x0  }
0x1f: {  	s9 =	smul.u32 $0xF7A, s1;
	s8 =	simm.s32 @!p0 $0x1BF5;
	p2 =	por !p2, p0  }
0x20: {  	[sflag:s8] =	ssyncset.s32 @!p0 $0xFFFFF086;
	s6 =	sadd.s32 @!p0 s3, s7;
	s7 =	simm.s32 @!p0 $0x108  }
0x21: {  	s3 =	sadd.s32 s3, s9;
	s6 =	sadd.s32 @!p0 $0x88, s6;
	s7 =	simm.s32 @p2 $0x1082  }
0x22: {  	[simem:s7], [sflag:s8] =	dma.local @!p0 [hbm:s6], $0xF7A  }
0x23: {  	s9 =	sor.u32 $0xD0000000, s2;
	s6 =	simm.s32 $0x108;
	_ =	swait.ge @!p0 [sflag:s8], $0x0  }
0x24: {  	s3 =	sadd.s32 $0x88, s3;
	s6 =	simm.s32 @!p1 $0x1082;
	[sflag:s4] =	ssyncset.s32 $0xFFFFF086  }
0x25: {  	[simem:s6], [sflag:s4] =	dma.local [hbm:s3], $0xF7A  }
0x26: {  	[smem:$0x3F8D] =	sst s1;
	(tag) =	ssettag s2;
	_ =	strace s9  }
0x27: {  	s1 =	sld [smem:$0x3F9D]  }
0x28: {  	s2 =	sld [smem:$0x3F9E]  }
0x29: {  	s4 =	sld [smem:$0x3FA0]  }
0x2a: {  	p0 =	seq.s32 s5, $0x0;
	s5 =	sld [smem:$0x3FA1]  }
0x2b: {  	s6 =	sld [smem:$0x3FA2]  }
0x2c: {  	s7 =	sld [smem:$0x3FA3]  }
0x2d: {  	s3 =	simm.s32 $0x108;
	s8 =	sld [smem:$0x3FA4]  }
0x2e: {  	s3 =	simm.s32 @!p0 $0x1082;
	s9 =	sld [smem:$0x3FA5]  }
0x2f: {  	lr =	sadd.s32 s0, s3;
	s0 =	sld [smem:$0x3F9C]  }
0x30: {  	s3 =	sld [smem:$0x3F9F]  }
0x31: {  	[smem:$0x3FA8] =	sst s10  }
0x32: {  	s10 =	sld [smem:$0x3FA6];
	_ =	sdelay $0x3  }
0x33: {  	p0 =	seq.s32 s10, $0x1;
	s10 =	sld [smem:$0x3FA8];
	_ =	sdelay $0x3  }
0x34: {  	[smem:$0x3FA8] =	sst s10  }
0x35: {  	s10 =	sld [smem:$0x3FA7];
	_ =	sdelay $0x3  }
0x36: {  	p1 =	seq.s32 s10, $0x1;
	s10 =	sld [smem:$0x3FA8];
	_ =	sdelay $0x3  }
0x37: {  	[smem:$0x3FA8] =	sst s10  }
0x38: {  	s10 =	sld [smem:$0x3FA9]  }
0x39: {  	_ = 	snop;
	(pc) =	sbr.ind lr, $3  }
0x3a: {  	_ = 	snop  }
0x3b: {  	_ = 	snop  }
0x3c: {  	p2 =	seq.s32 s10, $0x1;
	s10 =	sld [smem:$0x3FA8]  }
0x3d: {  	_ =	shalt  }
0x3e: {  	_ =	shalt  }
0x3f: {  	_ =	shalt  }
0x40: {  	_ =	shalt  }
0x41: {  	_ =	shalt  }
0x42: {  	_ =	shalt  }
0x43: {  	_ =	shalt  }
0x44: {  	_ =	shalt  }
0x45: {  	_ =	shalt  }
0x46: {  	_ =	shalt  }
0x47: {  	_ =	shalt  }
0x48: {  	_ =	shalt  }
0x49: {  	_ =	shalt  }
0x4a: {  	_ =	shalt  }
0x4b: {  	_ =	shalt  }
0x4c: {  	_ =	shalt  }
0x4d: {  	_ =	shalt  }
0x4e: {  	_ =	shalt  }
0x4f: {  	_ =	shalt  }
0x50: {  	_ =	shalt  }
0x51: {  	_ =	shalt  }
0x52: {  	_ =	shalt  }
0x53: {  	_ =	shalt  }
0x54: {  	_ =	shalt  }
0x55: {  	_ =	shalt  }
0x56: {  	_ =	shalt  }
0x57: {  	_ =	shalt  }
0x58: {  	_ =	shalt  }
0x59: {  	_ =	shalt  }
0x5a: {  	_ =	shalt  }
0x5b: {  	_ =	shalt  }
0x5c: {  	_ =	shalt  }
0x5d: {  	_ =	shalt  }
0x5e: {  	_ =	shalt  }
0x5f: {  	_ =	shalt  }
0x60: {  	_ =	shalt  }
0x61: {  	_ =	shalt  }
0x62: {  	_ =	shalt  }
0x63: {  	_ =	shalt  }
0x64: {  	_ =	shalt  }
0x65: {  	_ =	shalt  }
0x66: {  	_ =	shalt  }
0x67: {  	_ =	shalt  }
0x68: {  	_ =	shalt  }
0x69: {  	_ =	shalt  }
0x6a: {  	_ =	shalt  }
0x6b: {  	_ =	shalt  }
0x6c: {  	_ =	shalt  }
0x6d: {  	_ =	shalt  }
0x6e: {  	_ =	shalt  }
0x6f: {  	_ =	shalt  }
0x70: {  	_ =	shalt  }
0x71: {  	_ =	shalt  }
0x72: {  	_ =	shalt  }
0x73: {  	_ =	shalt  }
0x74: {  	_ =	shalt  }
0x75: {  	_ =	shalt  }
0x76: {  	_ =	shalt  }
0x77: {  	_ =	shalt  }
0x78: {  	_ =	shalt  }
0x79: {  	_ =	shalt  }
0x7a: {  	_ =	shalt  }
0x7b: {  	_ =	shalt  }
0x7c: {  	_ =	shalt  }
0x7d: {  	_ =	shalt  }
0x7e: {  	_ =	shalt  }
0x7f: {  	_ =	shalt  }
0x80: {  	_ =	shalt  }
0x81: {  	_ =	shalt  }
0x82: {  	_ =	shalt  }
0x83: {  	_ =	shalt  }
0x84: {  	_ =	shalt  }
0x85: {  	_ =	shalt  }
0x86: {  	_ =	shalt  }
0x87: {  	_ =	shalt  }
.Lfunc_end0:
.L_simem_size_0:
called_computation.3_lowered:
.L_overlay_start_0:
0x88: {  	s2 =	sld [smem:$0x3FD9]  }
0x89: {  	s3 =	sld [smem:$0x3FFE];
	_ =	sdelay $0x1  }
0x8a: {  	s1 =	srdreg.scid  }
0x8b: {  	s0 =	sand.u32 $0x1, s1  }
0x8c: {  	s16 =	sshll.u32 s0, $0xA;
	s2 =	sadd.s32 s3, s2  }
0x8d: {  	s2 =	sadd.s32 s2, s16  }
0x8e: {  	[smem:$0x3FB4] =	sst s2  }
0x8f: {  	_ = 	snop  }
0x90: {  	(tm) =	ssettm $0x1  }
0x91: {  	s17 =	sld [smem:$0x3FFB];
	_ =	sdelay $0x3  }
0x92: {  	_ =	strace s17  }
0x93: {  	s2 =	sld [smem:$0x3FFC];
	_ =	sdelay $0x3  }
0x94: {  	_ =	strace s2  }
0x95: {  	s2 =	sld [smem:$0x3FFD];
	_ =	sdelay $0x3  }
0x96: {  	_ =	strace s2  }
0x97: {  	_ =	strace $0x8FFFFFFF  }
0x98: {  	s18 =	sld [smem:$0x3FDB];
	_ =	sdelay $0x1  }
0x99: {  	s19 =	simm.s32 $_scs_section_size  }
0x9a: {  	s4 =	simm.s32 $_size__tile_overlayer_lowered;
	s5 =	simm.s32 $_tile_overlayer_lowered  }
0x9b: {  	s22 =	simm.s32 $0x1BFF;
	s21 =	sshll.u32 s5, $0x1;
	s2 =	sadd.s32 s19, s18  }
0x9c: {  	s6 =	simm.s32 $0x0;
	s20 =	sshll.u32 s4, $0x1;
	s4 =	sadd.s32 s21, s2  }
0x9d: {  	[timem:s6], [sflag:s22] =	dma.local [hbm:s4], s20  }
0x9e: {  	_ =	swait.ge [sflag:s22], s20  }
0x9f: {  	s3 =	ssub.s32 $0x0, s20;
	[sflag:s22] =	ssyncset.done $0x0  }
0xa0: {  	[sflag:s22] =	ssyncadd.s32 s3;
	_ =	sdelay $0x1  }
0xa1: {  	s23 =	simm.s32 $0x1B8B  }
0xa2: {  	_ =	swait.ge [sflag:s23], $0x1  }
0xa3: {  	[sflag:s23] =	ssyncset.done $0x0  }
0xa4: {  	s25 =	simm.s32 $0x1B8E;
	s24 =	sld [smem:$0x3FFE];
	[sflag:s23] =	ssyncadd.s32 $0xFFFFFFFF  }
0xa5: {  	s26 =	simm.s32 $execute0_lowered;
	[smem:$0x3FD2] =	sst s25  }
0xa6: {  	s4 =	sshll.u32 s26, $0x1;
	_ =	strace $0x8000004F;
	[dreg:$0x1] =	wrdreg $0xFFFFFFFF  }
0xa7: {  	s28 =	simm.s32 $_size_execute0_lowered;
	s2 =	sadd.s32 s2, s4;
	[dreg:$0x0] =	wrdreg $0x0  }
0xa8: {  	s4 =	sshll.u32 s28, $0x1;
	[dreg:$0x2] =	wrdreg s2  }
0xa9: {  	[dreg:$0x3] =	wrdreg s4  }
0xaa: {  	[dreg:$0x4] =	wrdreg $0xC0  }
0xab: {  	_ =	task [dreg:s6], $0x5FFFF  }
0xac: {  	[dreg:$0x1] =	wrdreg $0xFFFFFFFF  }
0xad: {  	[dreg:$0x0] =	wrdreg $0x60  }
0xae: {  	[dreg:$0x2] =	wrdreg s24  }
0xaf: {  	[dreg:$0x3] =	wrdreg $0x52000  }
0xb0: {  	[dreg:$0x4] =	wrdreg $0x9  }
0xb1: {  	_ =	task.clear_ibuf [dreg:s6], $0x5FFFF;
	_ =	strace $0x9000004F  }
0xb2: {  	s29 =	simm.s32 $0x9;
	_ =	strace $0x80000051  }
0xb3: {  	_ =	swait.ge [sflag:s29], $0x1  }
0xb4: {  	[sflag:s29] =	ssyncadd.s32 $0xFFFFFFFF  }
0xb5: {  	_ =	strace $0x90000051  }
0xb6: {  	_ =	sfence  }
0xb7: {  	s30 =	sld [smem:$0x0];
	_ =	sdelay $0x2  }
0xb8: {  	s31 =	sshll.u32 s1, $0xD;
	s1 =	sshrl.u32 s1, $0x2  }
0xb9: {  	s3 =	sand.u32 $0x4000, s31;
	s1 =	sadd.s32 s1, s30  }
0xba: {  	s0 =	sor.u32 s3, s0;
	s1 =	sshll.u32 s1, $0x11  }
0xbb: {  	s0 =	sor.u32 s1, s0  }
0xbc: {  	s0 =	sadd.s32 $0x8F2B, s0  }
0xbd: {  	[sflag:s0] =	ssyncadd.remote.s32 $0x1  }
0xbe: {  	_ =	sfence.sel $0xFFFF  }
0xbf: {  	[dreg:$0x0] =	wrdreg $0xFFFFFFFF;
	(pc) =	sbr.abs _section_cstart, $3  }
0xc0: {  	[dreg:$0x1] =	wrdreg $0xFFFFFFFF  }
0xc1: {  	_ =	task.clear_ibuf [dreg:s6], $0x2FFFF;
	_ =	strace $0x9FFFFFFF  }
0xc2: {  	(tm) =	ssettm $0x7FFFFFFF  }
0xc3: {  	_ =	shalt  }
tec
execute0_lowered:
.L_overlay_start_1:
0x0: {  	(tag) =	ssettag $0x1  }
0x1: {  	s0 =	rddreg [dreg:$0x0]  }
0x2: {  	s2 =	rddreg [dreg:$0x1];
	s3 =	simm.s32 $0x0;
	s1 =	srdreg.scid  }
0x3: {  	s11 =	stileid.u32;
	[smem:$0x7FF] =	sst s3  }
0x4: {  	s1 =	sand.u32 $0x1, s1;
	s7 =	smul.u32 $0x280, s11;
	s4 =	sadd.s32 $0x6A000, s0  }
0x5: {  	s5 =	sadd.s32 $0x5800, s0;
	s6 =	sadd.s32 $0xF600, s0;
	s24 =	smul.u32 $0x50000, s11  }
0x6: {  	s10 =	sadd.s32 $0x19400, s0;
	s15 =	smul.u32 $0x2710, s11;
	_ =	strace $0x80000050  }
0x7: {  	s8 =	smul.u32 $0x2800, s1;
	s9 =	sshll.u32 s1, $0x4;
	[dreg:$0x3] =	wrdreg s10  }
0x8: {  	s26 =	ssub.s32 $0x2, s1;
	s1 =	smul.u32 $0x27100, s1;
	s23 =	sor.u32 s11, s9  }
0x9: {  	s9 =	sshrl.u32 s24, $0x2;
	s12 =	sshrl.u32 s26, $0x1;
	s11 =	simm.s32 $0x80  }
0xa: {  	s7 =	sadd.s32 s7, s8;
	s25 =	smul.u32 $0x2710, s23;
	s8 =	sadd.s32 s9, s2  }
0xb: {  	s1 =	sadd.s32 s15, s1;
	s15 =	simm.s32 $0x4;
	s7 =	sshll.u32 s7, $0x4  }
0xc: {  	s9 =	sadd.s32 $0x2800, s8;
	s23 =	sadd.s32 $0xF0, s1;
	s0 =	sadd.s32 s7, s0  }
0xd: {  	s10 =	sshrl.u32 s25, $0x3;
	s7 =	ssub.s32 s26, s12;
	s26 =	sadd.s32 $0xA0, s1  }
0xe: {  	s28 =	sadd.s32 $0x7800, s8;
	s12 =	sadd.s32 s5, s10;
	[dreg:$0x11] =	wrdreg s26  }
0xf: {  	s29 =	sadd.s32 $0xA000, s8;
	s13 =	sadd.s32 s6, s10;
	[dreg:$0x4] =	wrdreg s12  }
0x10: {  	s30 =	sadd.s32 $0xC800, s8;
	s16 =	sadd.s32 $0x91200, s0;
	[dreg:$0x5] =	wrdreg s13  }
0x11: {  	s31 =	sadd.s32 $0xF000, s8;
	s17 =	sadd.s32 $0x91700, s0;
	[dreg:$0x8] =	wrdreg s16  }
0x12: {  	s25 =	sshrl.u32 s23, $0x3;
	s18 =	sadd.s32 $0x91C00, s0;
	[dreg:$0x9] =	wrdreg s17  }
0x13: {  	s1 =	simm.s32 $0x200;
	s19 =	sadd.s32 $0x92100, s0;
	[dreg:$0xa] =	wrdreg s18  }
0x14: {  	s10 =	sadd.s32 $0xA, s10;
	s20 =	sadd.s32 $0x92600, s0;
	[dreg:$0xb] =	wrdreg s19  }
0x15: {  	s21 =	sadd.s32 $0x92B00, s0;
	s22 =	sadd.s32 $0x93000, s0;
	[dreg:$0xc] =	wrdreg s20  }
0x16: {  	s0 =	sadd.s32 $0x93500, s0;
	s24 =	smax.u32 s7, $0x1;
	[dreg:$0xd] =	wrdreg s21  }
0x17: {  	s23 =	sadd.s32 s25, s6;
	s26 =	sadd.s32 $0x5000, s8;
	[dreg:$0xe] =	wrdreg s22  }
0x18: {  	s7 =	simm.s32 $0x5;
	s14 =	sadd.s32 s5, s10;
	[dreg:$0xf] =	wrdreg s0  }
.Ltmp0:
0x19: {  	s10 =	sadd.s32 s6, s10;
	[dreg:$0x10] =	wrdreg s24;
	(pc) =	sbr.rel .LBB2_1-.Ltmp0, $4  }
0x1a: {  	s24 =	sadd.s32 s25, s5;
	s0 =	sadd.s32 $0x11800, s8;
	s12 =	simm.s32 $0x180  }
0x1b: {  	s13 =	simm.s32 $0x3;
	s16 =	simm.s32 $0x2A00;
	s17 =	simm.s32 $0x1  }
0x1c: {  	s18 =	simm.s32 $0x2;
	s19 =	simm.s32 $0x0;
	[dreg:$0x6] =	wrdreg s14  }
0x1d: {  	[dreg:$0x7] =	wrdreg s10;
	s10 =	simm.s32 $0x100;
	s14 =	simm.s32 $0x50  }
.LBB2_4:
0x1e: {  	_ =	swait.ge [sflag:s17], $0x2800  }
0x1f: {  	[sflag:s17] =	ssyncset.done $0x0  }
0x20: {  	[sflag:s17] =	ssyncadd.s32 $0xFFFFD800  }
0x21: {  	[spmem:s2] =	stream.indirect.scatter.add.f32 [tilespmem:s1], [sflag:$0x5], $0x80, s10, s14, $0xb8;
	[tilespmem:$0x19200] =	vst v63  }
0x22: {  	_ =	swait.ge [sflag:s7], $0x2800  }
0x23: {  	[sflag:s7] =	ssyncset.done $0x0  }
0x24: {  	s20 =	stileid.u32;
	[sflag:s7] =	ssyncadd.s32 $0xFFFFD800  }
0x25: {  	s20 =	sshll.u32 s20, $0x6;
	[bflag:$0x0] =	sbarrier.arrive $0xFFFF  }
0x26: {  	s21 =	sshrl.u32 s8, $0x3;
	s20 =	sor.u32 $0x1C05, s20;
	s22 =	rddreg [dreg:$0x8]  }
0x27: {  	[hbm:s22], [sflag:s20] =	dma.local [spmem:s21], $0x500  }
0x28: {  	_ =	swait.ge [sflag:s7], $0x500  }
0x29: {  	[sflag:s7] =	ssyncset.done $0x0  }
0x2a: {  	s22 =	sshrl.u32 s9, $0x3;
	s25 =	rddreg [dreg:$0x9];
	[sflag:s7] =	ssyncadd.s32 $0xFFFFFB00  }
0x2b: {  	[hbm:s25], [sflag:s20] =	dma.local [spmem:s22], $0x500  }
0x2c: {  	_ =	swait.ge [sflag:s7], $0x500  }
0x2d: {  	[sflag:s7] =	ssyncset.done $0x0  }
0x2e: {  	s22 =	sshrl.u32 s26, $0x3;
	s25 =	rddreg [dreg:$0xa];
	[sflag:s7] =	ssyncadd.s32 $0xFFFFFB00  }
0x2f: {  	[hbm:s25], [sflag:s20] =	dma.local [spmem:s22], $0x500  }
0x30: {  	_ =	swait.ge [sflag:s7], $0x500  }
0x31: {  	[sflag:s7] =	ssyncset.done $0x0  }
0x32: {  	s22 =	sshrl.u32 s28, $0x3;
	s25 =	rddreg [dreg:$0xb];
	[sflag:s7] =	ssyncadd.s32 $0xFFFFFB00  }
0x33: {  	[hbm:s25], [sflag:s20] =	dma.local [spmem:s22], $0x500  }
0x34: {  	_ =	swait.ge [sflag:s7], $0x500  }
0x35: {  	[sflag:s7] =	ssyncset.done $0x0  }
0x36: {  	s22 =	sshrl.u32 s29, $0x3;
	s25 =	rddreg [dreg:$0xc];
	[sflag:s7] =	ssyncadd.s32 $0xFFFFFB00  }
0x37: {  	[hbm:s25], [sflag:s20] =	dma.local [spmem:s22], $0x500  }
0x38: {  	_ =	swait.ge [sflag:s7], $0x500  }
0x39: {  	[sflag:s7] =	ssyncset.done $0x0  }
0x3a: {  	s22 =	sshrl.u32 s30, $0x3;
	s25 =	rddreg [dreg:$0xd];
	[sflag:s7] =	ssyncadd.s32 $0xFFFFFB00  }
0x3b: {  	[hbm:s25], [sflag:s20] =	dma.local [spmem:s22], $0x500  }
0x3c: {  	_ =	swait.ge [sflag:s7], $0x500  }
0x3d: {  	[sflag:s7] =	ssyncset.done $0x0  }
0x3e: {  	s22 =	sshrl.u32 s31, $0x3;
	s25 =	rddreg [dreg:$0xe];
	[sflag:s7] =	ssyncadd.s32 $0xFFFFFB00  }
0x3f: {  	[hbm:s25], [sflag:s20] =	dma.local [spmem:s22], $0x500  }
0x40: {  	_ =	swait.ge [sflag:s7], $0x500  }
0x41: {  	[sflag:s7] =	ssyncset.done $0x0  }
0x42: {  	s22 =	sshrl.u32 s0, $0x3;
	s25 =	rddreg [dreg:$0xf];
	[sflag:s7] =	ssyncadd.s32 $0xFFFFFB00  }
0x43: {  	[hbm:s25], [sflag:s20] =	dma.local [spmem:s22], $0x500  }
0x44: {  	_ =	swait.ge [sflag:s7], $0x500  }
0x45: {  	s19 =	sadd.s32 $0x1, s19;
	s25 =	rddreg [dreg:$0x10]  }
0x46: {  	p0 =	sne.s32 s19, s25  }
.Ltmp1:
0x47: {  	_ = 	snop;
	(pc) =	sbr.rel @!p0 .LBB2_5-.Ltmp1, $3  }
0x48: {  	_ =	sdelay $0x1  }
0x49: {  	[sflag:s7] =	ssyncset.done $0x0  }
0x4a: {  	[sflag:s7] =	ssyncadd.s32 $0xFFFFFB00  }
.LBB2_1:
0x4b: {  	s20 =	rddreg [dreg:$0x3]  }
0x4c: {  	[tilespmem:s1], [sflag:$0x5] =	stream.linear.gather [hbm4b:s20+s3], $0x2800, $0x38;
	[tilespmem:$0x19200] =	vst v63  }
0x4d: {  	_ =	swait.ge [sflag:s7], $0x2800  }
0x4e: {  	[sflag:s7] =	ssyncset.done $0x0  }
0x4f: {  	[sflag:s7] =	ssyncadd.s32 $0xFFFFD800  }
0x50: {  	[spmem:s8] =	stream.linear.scatter [tilespmem:s1], [sflag:$0x5], $0x2800, $0x38;
	[tilespmem:$0x19200] =	vst v63  }
0x51: {  	_ =	swait.ge [sflag:s7], $0x2800  }
0x52: {  	[sflag:s7] =	ssyncset.done $0x0  }
0x53: {  	[sflag:s7] =	ssyncadd.s32 $0xFFFFD800  }
0x54: {  	[spmem:s9] =	stream.linear.scatter [tilespmem:s1], [sflag:$0x5], $0x2800, $0x38;
	[tilespmem:$0x19200] =	vst v63  }
0x55: {  	_ =	swait.ge [sflag:s7], $0x2800  }
0x56: {  	[sflag:s7] =	ssyncset.done $0x0  }
0x57: {  	[sflag:s7] =	ssyncadd.s32 $0xFFFFD800  }
0x58: {  	[spmem:s26] =	stream.linear.scatter [tilespmem:s1], [sflag:$0x5], $0x2800, $0x38;
	[tilespmem:$0x19200] =	vst v63  }
0x59: {  	_ =	swait.ge [sflag:s7], $0x2800  }
0x5a: {  	[sflag:s7] =	ssyncset.done $0x0  }
0x5b: {  	[sflag:s7] =	ssyncadd.s32 $0xFFFFD800  }
0x5c: {  	[spmem:s28] =	stream.linear.scatter [tilespmem:s1], [sflag:$0x5], $0x2800, $0x38;
	[tilespmem:$0x19200] =	vst v63  }
0x5d: {  	_ =	swait.ge [sflag:s7], $0x2800  }
0x5e: {  	[sflag:s7] =	ssyncset.done $0x0  }
0x5f: {  	[sflag:s7] =	ssyncadd.s32 $0xFFFFD800  }
0x60: {  	[spmem:s29] =	stream.linear.scatter [tilespmem:s1], [sflag:$0x5], $0x2800, $0x38;
	[tilespmem:$0x19200] =	vst v63  }
0x61: {  	_ =	swait.ge [sflag:s7], $0x2800  }
0x62: {  	[sflag:s7] =	ssyncset.done $0x0  }
0x63: {  	[sflag:s7] =	ssyncadd.s32 $0xFFFFD800  }
0x64: {  	[spmem:s30] =	stream.linear.scatter [tilespmem:s1], [sflag:$0x5], $0x2800, $0x38;
	[tilespmem:$0x19200] =	vst v63  }
0x65: {  	_ =	swait.ge [sflag:s7], $0x2800  }
0x66: {  	[sflag:s7] =	ssyncset.done $0x0  }
0x67: {  	[sflag:s7] =	ssyncadd.s32 $0xFFFFD800  }
0x68: {  	[spmem:s31] =	stream.linear.scatter [tilespmem:s1], [sflag:$0x5], $0x2800, $0x38;
	[tilespmem:$0x19200] =	vst v63  }
0x69: {  	_ =	swait.ge [sflag:s7], $0x2800  }
0x6a: {  	[sflag:s7] =	ssyncset.done $0x0  }
0x6b: {  	[sflag:s7] =	ssyncadd.s32 $0xFFFFD800  }
0x6c: {  	[spmem:s0] =	stream.linear.scatter [tilespmem:s1], [sflag:$0x5], $0x2800, $0x38;
	[tilespmem:$0x19200] =	vst v63  }
0x6d: {  	_ =	swait.ge [sflag:s7], $0x2800  }
0x6e: {  	[sflag:s7] =	ssyncset.done $0x0  }
0x6f: {  	[sflag:s7] =	ssyncadd.s32 $0xFFFFD800  }
0x70: {  	[bflag:$0x0] =	sbarrier.arrive $0xFFFF  }
0x71: {  	s25 =	rddreg [dreg:$0x4]  }
0x72: {  	[tilespmem:s3], [sflag:$0x3] =	stream.linear.gather [hbm4b:s25+s3], $0x50, $0x38;
	[tilespmem:$0x19200] =	vst v63  }
0x73: {  	s21 =	rddreg [dreg:$0x5]  }
0x74: {  	[tilespmem:s10], [sflag:$0x3] =	stream.linear.gather [hbm4b:s21+s3], $0x50, $0x38;
	[tilespmem:$0x19200] =	vst v63  }
0x75: {  	s22 =	rddreg [dreg:$0x6]  }
0x76: {  	[tilespmem:s11], [sflag:$0x4] =	stream.linear.gather [hbm4b:s22+s3], $0x50, $0x38;
	[tilespmem:$0x19200] =	vst v63  }
0x77: {  	s25 =	rddreg [dreg:$0x7]  }
0x78: {  	[tilespmem:s12], [sflag:$0x4] =	stream.linear.gather [hbm4b:s25+s3], $0x50, $0x38;
	[tilespmem:$0x19200] =	vst v63  }
0x79: {  	_ =	swait.ge [sflag:s13], $0x50  }
0x7a: {  	[sflag:s13] =	ssyncset.done $0x0  }
0x7b: {  	[sflag:s13] =	ssyncadd.s32 $0xFFFFFFB0  }
0x7c: {  	_ =	swait.ge [sflag:s13], $0x50  }
0x7d: {  	[sflag:s13] =	ssyncset.done $0x0  }
0x7e: {  	s21 =	simm.s32 $0x0;
	s25 =	rddreg [dreg:$0x11];
	[sflag:s13] =	ssyncadd.s32 $0xFFFFFFB0  }
0x7f: {  	[tilespmem:s1], [sflag:$0x1] =	stream.indirect.gather [hbm4b:s4+s14], $0x80, s3, s14, $0xb8;
	[tilespmem:$0x19200] =	vst v63  }
.LBB2_2:
0x80: {  	_ =	swait.ge [sflag:s15], $0x50  }
0x81: {  	[sflag:s15] =	ssyncset.done $0x0  }
0x82: {  	[sflag:s15] =	ssyncadd.s32 $0xFFFFFFB0  }
0x83: {  	_ =	swait.ge [sflag:s15], $0x50  }
0x84: {  	[sflag:s15] =	ssyncset.done $0x0  }
0x85: {  	[sflag:s15] =	ssyncadd.s32 $0xFFFFFFB0  }
0x86: {  	[tilespmem:s16], [sflag:$0x2] =	stream.indirect.gather [hbm4b:s4+s14], $0x80, s11, s14, $0xb8;
	[tilespmem:$0x19200] =	vst v63  }
0x87: {  	_ =	swait.ge [sflag:s17], $0x2800  }
0x88: {  	[sflag:s17] =	ssyncset.done $0x0  }
0x89: {  	[sflag:s17] =	ssyncadd.s32 $0xFFFFD800  }
0x8a: {  	[spmem:s2] =	stream.indirect.scatter.add.f32 [tilespmem:s1], [sflag:$0x5], $0x80, s10, s14, $0xb8;
	[tilespmem:$0x19200] =	vst v63  }
0x8b: {  	_ =	swait.ge [sflag:s7], $0x2800  }
0x8c: {  	s22 =	sshrl.u32 s25, $0x3;
	[sflag:s7] =	ssyncset.done $0x0  }
0x8d: {  	s20 =	sadd.s32 s5, s22;
	[sflag:s7] =	ssyncadd.s32 $0xFFFFD800  }
0x8e: {  	[tilespmem:s3], [sflag:$0x3] =	stream.linear.gather [hbm4b:s20+s3], $0x50, $0x38;
	[tilespmem:$0x19200] =	vst v63  }
0x8f: {  	s22 =	sadd.s32 s6, s22  }
0x90: {  	[tilespmem:s10], [sflag:$0x3] =	stream.linear.gather [hbm4b:s22+s3], $0x50, $0x38;
	[tilespmem:$0x19200] =	vst v63  }
0x91: {  	_ =	swait.ge [sflag:s13], $0x50  }
0x92: {  	[sflag:s13] =	ssyncset.done $0x0  }
0x93: {  	[sflag:s13] =	ssyncadd.s32 $0xFFFFFFB0  }
0x94: {  	_ =	swait.ge [sflag:s13], $0x50  }
0x95: {  	[sflag:s13] =	ssyncset.done $0x0  }
0x96: {  	[sflag:s13] =	ssyncadd.s32 $0xFFFFFFB0  }
0x97: {  	[tilespmem:s1], [sflag:$0x1] =	stream.indirect.gather [hbm4b:s4+s14], $0x80, s3, s14, $0xb8;
	[tilespmem:$0x19200] =	vst v63  }
0x98: {  	_ =	swait.ge [sflag:s18], $0x2800  }
0x99: {  	p0 =	seq.s32 s21, $0x4C4;
	[sflag:s18] =	ssyncset.done $0x0  }
.Ltmp2:
0x9a: {  	[sflag:s18] =	ssyncadd.s32 $0xFFFFD800;
	(pc) =	sbr.rel @p0 .LBB2_4-.Ltmp2, $4  }
0x9b: {  	[spmem:s2] =	stream.indirect.scatter.add.f32 [tilespmem:s16], [sflag:$0x5], $0x80, s12, s14, $0xb8;
	[tilespmem:$0x19200] =	vst v63  }
0x9c: {  	_ =	swait.ge [sflag:s7], $0x2800  }
0x9d: {  	[sflag:s7] =	ssyncset.done $0x0  }
0x9e: {  	[sflag:s7] =	ssyncadd.s32 $0xFFFFD800  }
.Ltmp3:
0x9f: {  	(pc) =	sbr.rel .LBB2_2-.Ltmp3, $4  }
0xa0: {  	s20 =	sadd.s32 s21, s24  }
0xa1: {  	[tilespmem:s11], [sflag:$0x4] =	stream.linear.gather [hbm4b:s20+s3], $0x50, $0x38;
	[tilespmem:$0x19200] =	vst v63  }
0xa2: {  	s22 =	sadd.s32 s21, s23;
	s21 =	sadd.s32 $0x14, s21;
	s25 =	sadd.s32 $0xA0, s25  }
0xa3: {  	[tilespmem:s12], [sflag:$0x4] =	stream.linear.gather [hbm4b:s22+s3], $0x50, $0x38;
	[tilespmem:$0x19200] =	vst v63  }
.LBB2_5:
0xa4: {  	_ =	sfence.sel $0x180000  }
0xa5: {  	[bflag:$0x0] =	sbarrier.arrive $0xFFFF  }
0xa6: {  	_ =	strace $0x90000050  }
0xa7: {  	s0 =	stileid.u32;
	[bflag:$0x2] =	sbarrier.arrive $0xFFFF  }
0xa8: {  	p0 =	sne.s32 s0, $0x0;
	s0 =	rddreg [dreg:$0x2]  }
0xa9: {  	s0 =	sadd.s32 @!p0 $0x100000, s0  }
0xaa: {  	[sflag:s0] =	ssyncadd.tile.s32 @!p0 $0x1;
	_ =	shalt  }
.Lfunc_end2:
_tile_overlayer_lowered:
.L_overlay_start_2:
0xab: {  	(tag) =	ssettag $0x2  }
0xac: {  	s0 =	rddreg [dreg:$0x0];
	s2 =	stileid.u32  }
0xad: {  	s1 =	rddreg [dreg:$0x1];
	p0 =	sne.s32 s2, $0x0  }
0xae: {  	s3 =	rddreg [dreg:$0x2];
	[bflag:$0x3] =	sbarrier.arrive $0xFFFF;
	s2 =	simm.s32 @!p0 $0x1C05  }
0xaf: {  	[timem:s3], [sflag:s2] =	dma.local @!p0 [hbm:s0], s1  }
0xb0: {  	s0 =	simm.s32 @!p0 $0x5  }
0xb1: {  	_ =	swait.ge @!p0 [sflag:s0], s1  }
0xb2: {  	s1 =	ssub.s32 @!p0 $0x0, s1;
	[sflag:s0] =	ssyncset.done @!p0 $0x0  }
0xb3: {  	[sflag:s0] =	ssyncadd.s32 @!p0 s1  }
0xb4: {  	[bflag:$0x3] =	sbarrier.arrive $0xFFFF  }
0xb5: {  	_ =	shalt  }

</sc_bundles>
